<compile_context>
chip_gen: v7x
topology: tpu7x:2x2x1
jax: 0.10.2.dev20260603
libtpu: 0.0.44.dev20260713+nightly
codegen_flags: <defaults>
</compile_context>

<pallas_src>
import functools

import jax
import jax.numpy as jnp
from jax import lax
from jax.experimental import pallas as pl
from jax.experimental.pallas import tpu as pltpu
from jax.experimental.pallas import tpu_sc as plsc

_NC = 2
_NS = 16
_L = 16
_NW = _NC * _NS

_SUB = 40
_NBUF = 4


def _spmm_sc(src2, dst2, w, feat):
    n_nodes, nfeat = feat.shape
    n_edges = w.shape[0]
    epw = n_edges // _NW
    nsub = epw // _SUB
    rows_per_tile = n_nodes // _NS

    mesh = plsc.VectorSubcoreMesh(core_axis_name="c", subcore_axis_name="s")

    @functools.partial(
        pl.kernel,
        out_type=jax.ShapeDtypeStruct((_NC * n_nodes, nfeat), jnp.float32),
        mesh=mesh,
        scratch_types=[
            pltpu.VMEM_SHARED((n_nodes, nfeat), jnp.float32),
            pltpu.VMEM((nsub, _SUB), jnp.int32),
            pltpu.VMEM((nsub, _SUB), jnp.int32),
            pltpu.VMEM((epw,), jnp.float32),
        ] + [pltpu.VMEM((_SUB, nfeat), jnp.float32) for _ in range(_NBUF)]
          + [pltpu.SemaphoreType.DMA for _ in range(2 * _NBUF)],
        compiler_params=pltpu.CompilerParams(use_tc_tiling_on_sc=False,
                                             needs_layout_passes=False),
    )
    def spmm_kernel(src_h, dst_h, w_h, feat_h, out_h,
                    acc, sidx, didx, wv, *bufs_and_sems):
        bufs = bufs_and_sems[:_NBUF]
        gsems = bufs_and_sems[_NBUF:2 * _NBUF]
        ssems = bufs_and_sems[2 * _NBUF:]
        buf0 = bufs[0]
        cid = lax.axis_index("c")
        sid = lax.axis_index("s")
        wid = sid * _NC + cid

        pltpu.sync_copy(src_h.at[pl.ds(wid * nsub, nsub)], sidx)
        pltpu.sync_copy(dst_h.at[pl.ds(wid * nsub, nsub)], didx)
        pltpu.sync_copy(w_h.at[pl.ds(wid * epw, epw)], wv)

        r0 = sid * rows_per_tile

        def gissue(t, b):
            pltpu.async_copy(feat_h.at[sidx.at[t]], bufs[b], gsems[b])

        def swait(b):
            pltpu.make_async_copy(bufs[b], acc.at[didx.at[0]],
                                  ssems[b]).wait()

        def consume(t, b):
            pltpu.make_async_copy(feat_h.at[sidx.at[t]], bufs[b],
                                  gsems[b]).wait()
            buf = bufs[b]

            @plsc.parallel_loop(0, _SUB, unroll=4)
            def _(j):
                wb = plsc.load_gather(
                    wv, [jnp.full((_L,), t * _SUB + j, jnp.int32)])
                for k in range(nfeat // _L):
                    sl = pl.ds(k * _L, _L)
                    buf[j, sl] = buf[j, sl] * wb

            pltpu.async_copy(buf, acc.at[didx.at[t]], ssems[b], add=True)

        zero = jnp.zeros((_L,), jnp.float32)
        buf0 = bufs[0]

        def zrow(i, carry):
            for j in range(nfeat // _L):
                buf0[i, pl.ds(j * _L, _L)] = zero
            return carry

        lax.fori_loop(0, _SUB, zrow, 0)
        zcopies = []
        left = rows_per_tile
        off = 0
        while left > 0:
            step = min(left, _SUB)
            pltpu.async_copy(buf0.at[pl.ds(0, step)],
                             acc.at[pl.ds(r0 + off, step)],
                             ssems[len(zcopies) % _NBUF])
            zcopies.append((step, off))
            off += step
            left -= step
        for zi, (step, off) in enumerate(zcopies):
            pltpu.make_async_copy(buf0.at[pl.ds(0, step)],
                                  acc.at[pl.ds(r0 + off, step)],
                                  ssems[zi % _NBUF]).wait()
        plsc.subcore_barrier()

        gissue(0, 0)
        gissue(1, 1)
        gissue(2, 2)
        consume(0, 0)
        gissue(3, 3)
        consume(1, 1)

        def group(i, carry):
            for k in range(4):
                t = 2 + 4 * i + k
                bp = k
                b = (2 + k) % 4
                swait(bp)

                @pl.when(t + 2 < nsub)
                def _():
                    gissue(t + 2, bp)

                consume(t, b)
            return carry

        lax.fori_loop(0, (nsub - 2) // 4, group, 0)
        swait((nsub - 2) % _NBUF)
        swait((nsub - 1) % _NBUF)
        plsc.subcore_barrier()

        pltpu.sync_copy(acc.at[pl.ds(r0, rows_per_tile)],
                        out_h.at[pl.ds(cid * n_nodes + r0, rows_per_tile)])

    return spmm_kernel


def _mm_fused(ax, W1, b1, W2, block_rows=1000):
    n2, nfeat = ax.shape
    n_nodes = n2 // 2
    nhid2 = W1.shape[1]
    nout = W2.shape[1]

    def body(ax_ref, w1_ref, b1_ref, w2_ref, out_ref):
        s = ax_ref[0] + ax_ref[1]
        h = jnp.dot(s, w1_ref[...], preferred_element_type=jnp.float32)
        h = jnp.maximum(h + b1_ref[...], 0.0)
        out_ref[...] = jnp.dot(h, w2_ref[...], preferred_element_type=jnp.float32)

    grid = (n_nodes // block_rows,)
    return pl.pallas_call(
        body,
        grid=grid,
        in_specs=[
            pl.BlockSpec((2, block_rows, nfeat), lambda i: (0, i, 0)),
            pl.BlockSpec((nfeat, nhid2), lambda i: (0, 0)),
            pl.BlockSpec((1, nhid2), lambda i: (0, 0)),
            pl.BlockSpec((nhid2, nout), lambda i: (0, 0)),
        ],
        out_specs=pl.BlockSpec((block_rows, nout), lambda i: (i, 0)),
        out_shape=jax.ShapeDtypeStruct((n_nodes, nout), jnp.float32),
    )(ax.reshape(2, n_nodes, nfeat), W1, b1.reshape(1, nhid2), W2)


def _combine(o, b2, block_rows=1000):
    n2, nfeat = o.shape
    n_nodes = n2 // 2

    def body(o_ref, b2_ref, out_ref):
        out_ref[...] = o_ref[0] + o_ref[1] + b2_ref[...]

    return pl.pallas_call(
        body,
        grid=(n_nodes // block_rows,),
        in_specs=[
            pl.BlockSpec((2, block_rows, nfeat), lambda i: (0, i, 0)),
            pl.BlockSpec((1, nfeat), lambda i: (0, 0)),
        ],
        out_specs=pl.BlockSpec((block_rows, nfeat), lambda i: (i, 0)),
        out_shape=jax.ShapeDtypeStruct((n_nodes, nfeat), jnp.float32),
    )(o.reshape(2, n_nodes, nfeat), b2.reshape(1, nfeat))


def kernel(x, edge_index, adj_weight, W1, b1, W2, b2):
    src = edge_index[0].astype(jnp.int32).reshape(-1, _SUB)
    dst = edge_index[1].astype(jnp.int32).reshape(-1, _SUB)
    w = adj_weight.astype(jnp.float32)

    spmm = _spmm_sc(src, dst, w, x)
    ax = spmm(src, dst, w, x)
    t = _mm_fused(ax, W1, b1, W2)
    ot = spmm(src, dst, w, t)
    return _combine(ot, b2)

# --- scband reference (transcript-rebuilt; emitter-appended) ---
"""Pipeline reference for scband-gcn-encoder-48979807043733 (READ-ONLY COPY).

The authoritative reference and input builder live on the scoring server;
editing this copy changes nothing except your own understanding.
"""

import jax, jax.numpy as jnp
import numpy as np

N = 10000
E = 320000
NFEAT = 128
NHID = 128


def spmm(edge_index, edge_weight, h, n):
    # sparse adj (as COO edges with weights) @ dense h, via gather + scatter-add
    src = edge_index[0]
    dst = edge_index[1]
    msgs = h[src] * edge_weight[:, None]
    return jax.ops.segment_sum(msgs, dst, num_segments=n)


def setup_inputs(seed: int = 0) -> dict:
    key = jax.random.key(seed)
    ks = jax.random.split(key, 6)
    x = jax.random.normal(ks[0], (N, NFEAT), dtype=jnp.float32)
    edge_index = jax.random.randint(ks[1], (2, E), 0, N)
    adj_weight = jax.random.uniform(ks[2], (E,), dtype=jnp.float32)
    # GraphConvolution params: gc1 (nfeat -> 2*nhid), gc2 (2*nhid -> nhid)
    W1 = jax.random.normal(ks[3], (NFEAT, 2 * NHID), dtype=jnp.float32) * (1.0 / np.sqrt(NFEAT))
    b1 = jnp.zeros((2 * NHID,), dtype=jnp.float32)
    W2 = jax.random.normal(ks[4], (2 * NHID, NHID), dtype=jnp.float32) * (1.0 / np.sqrt(2 * NHID))
    b2 = jnp.zeros((NHID,), dtype=jnp.float32)
    return {"x": x, "edge_index": edge_index, "adj_weight": adj_weight, "W1": W1, "b1": b1, "W2": W2, "b2": b2}


def reference(x, edge_index, adj_weight, W1, b1, W2, b2):
    # gc1: support = x @ W1; out = adj @ support + b1; relu
    h = spmm(edge_index, adj_weight, x @ W1, N) + b1
    h = jax.nn.relu(h)
    # dropout is identity in eval mode (training=False)
    # gc2: support = h @ W2; out = adj @ support + b2
    out = spmm(edge_index, adj_weight, h @ W2, N) + b2
    return out

if __name__ == "__main__":
    import jax
    _d = setup_inputs()
    print(jax.jit(kernel)(*tuple(_d.values())))

</pallas_src>

<mosaic_0001>
#map = affine_map<(d0, d1) -> (0, 0)>
#map1 = affine_map<(d0, d1) -> (0)>
module attributes {stable_mosaic.version = 14 : i64} {
  func.func @spmm_kernel(%arg0: i32, %arg1: i32, %arg2: memref<8000x40xi32, #tpu.memory_space<hbm>>, %arg3: memref<8000x40xi32, #tpu.memory_space<hbm>>, %arg4: memref<320000xf32, #tpu.memory_space<hbm>>, %arg5: memref<10000x128xf32, #tpu.memory_space<hbm>>, %arg6: memref<20000x128xf32, #tpu.memory_space<hbm>>, %arg7: memref<10000x128xf32, #tpu.memory_space<vmem_shared>>, %arg8: memref<250x40xi32, #tpu.memory_space<vmem>>, %arg9: memref<250x40xi32, #tpu.memory_space<vmem>>, %arg10: memref<10000xf32, #tpu.memory_space<vmem>>, %arg11: memref<40x128xf32, #tpu.memory_space<vmem>>, %arg12: memref<40x128xf32, #tpu.memory_space<vmem>>, %arg13: memref<40x128xf32, #tpu.memory_space<vmem>>, %arg14: memref<40x128xf32, #tpu.memory_space<vmem>>, %arg15: memref<!tpu.dma_semaphore, #tpu.memory_space<semaphore_mem>>, %arg16: memref<!tpu.dma_semaphore, #tpu.memory_space<semaphore_mem>>, %arg17: memref<!tpu.dma_semaphore, #tpu.memory_space<semaphore_mem>>, %arg18: memref<!tpu.dma_semaphore, #tpu.memory_space<semaphore_mem>>, %arg19: memref<!tpu.dma_semaphore, #tpu.memory_space<semaphore_mem>>, %arg20: memref<!tpu.dma_semaphore, #tpu.memory_space<semaphore_mem>>, %arg21: memref<!tpu.dma_semaphore, #tpu.memory_space<semaphore_mem>>, %arg22: memref<!tpu.dma_semaphore, #tpu.memory_space<semaphore_mem>>) attributes {dimension_semantics = [#tpu.dimension_semantics<core_parallel>, #tpu.dimension_semantics<subcore_parallel>], iteration_bounds = array<i64: 2, 16>, scalar_prefetch = 0 : i64, scratch_operands = 16 : i64, tpu.core_type = #tpu.core_type<sc_vector_subcore>, window_params = [{transform_indices = #map}, {transform_indices = #map}, {transform_indices = #map1}, {transform_indices = #map}, {transform_indices = #map}]} {
    %mul3A = arith.constant 2 : i32
    %mul3A_0 = arith.muli %arg1, %mul3A : i32
    %add3A = arith.addi %mul3A_0, %arg0 : i32
    %mul3A_1 = arith.constant 250 : i32
    %mul3A_2 = arith.muli %add3A, %mul3A_1 : i32
    "tpu.region"() ({
      %run_scoped3A = tpu.sem_alloc : memref<!tpu.dma_semaphore, #tpu.memory_space<semaphore_mem>>
      %dma_start3A_482 = arith.constant 0 : i32
      %dma_start3A_483 = tpu.memref_slice %arg2[%mul3A_2, %dma_start3A_482] : memref<8000x40xi32, #tpu.memory_space<hbm>> -> memref<250x40xi32, #tpu.memory_space<hbm>>
      %dma_start3A_484 = arith.constant 0 : i32
      %dma_start3A_485 = tpu.memref_slice %arg2[%mul3A_2, %dma_start3A_484] : memref<8000x40xi32, #tpu.memory_space<hbm>> -> memref<250x40xi32, #tpu.memory_space<hbm>>
      tpu.enqueue_dma source(%dma_start3A_485 : memref<250x40xi32, #tpu.memory_space<hbm>>) target(%arg8 : memref<250x40xi32, #tpu.memory_space<vmem>>) target_semaphore(%run_scoped3A : memref<!tpu.dma_semaphore, #tpu.memory_space<semaphore_mem>>)
      %dma_wait3A_486 = arith.constant 0 : i32
      %dma_wait3A_487 = tpu.memref_slice %arg2[%mul3A_2, %dma_wait3A_486] : memref<8000x40xi32, #tpu.memory_space<hbm>> -> memref<250x40xi32, #tpu.memory_space<hbm>>
      %dma_wait3A_488 = arith.constant 0 : i32
      %dma_wait3A_489 = tpu.memref_slice %arg2[%mul3A_2, %dma_wait3A_488] : memref<8000x40xi32, #tpu.memory_space<hbm>> -> memref<250x40xi32, #tpu.memory_space<hbm>>
      tpu.wait_dma2 semaphore(%run_scoped3A : memref<!tpu.dma_semaphore, #tpu.memory_space<semaphore_mem>>) src(%dma_wait3A_489 : memref<250x40xi32, #tpu.memory_space<hbm>>) dst(%arg8 : memref<250x40xi32, #tpu.memory_space<vmem>>)
      tpu.yield
    }) : () -> ()
    %mul3A_3 = arith.constant 250 : i32
    %mul3A_4 = arith.muli %add3A, %mul3A_3 : i32
    "tpu.region"() ({
      %run_scoped3A = tpu.sem_alloc : memref<!tpu.dma_semaphore, #tpu.memory_space<semaphore_mem>>
      %dma_start3A_482 = arith.constant 0 : i32
      %dma_start3A_483 = tpu.memref_slice %arg3[%mul3A_4, %dma_start3A_482] : memref<8000x40xi32, #tpu.memory_space<hbm>> -> memref<250x40xi32, #tpu.memory_space<hbm>>
      %dma_start3A_484 = arith.constant 0 : i32
      %dma_start3A_485 = tpu.memref_slice %arg3[%mul3A_4, %dma_start3A_484] : memref<8000x40xi32, #tpu.memory_space<hbm>> -> memref<250x40xi32, #tpu.memory_space<hbm>>
      tpu.enqueue_dma source(%dma_start3A_485 : memref<250x40xi32, #tpu.memory_space<hbm>>) target(%arg9 : memref<250x40xi32, #tpu.memory_space<vmem>>) target_semaphore(%run_scoped3A : memref<!tpu.dma_semaphore, #tpu.memory_space<semaphore_mem>>)
      %dma_wait3A_486 = arith.constant 0 : i32
      %dma_wait3A_487 = tpu.memref_slice %arg3[%mul3A_4, %dma_wait3A_486] : memref<8000x40xi32, #tpu.memory_space<hbm>> -> memref<250x40xi32, #tpu.memory_space<hbm>>
      %dma_wait3A_488 = arith.constant 0 : i32
      %dma_wait3A_489 = tpu.memref_slice %arg3[%mul3A_4, %dma_wait3A_488] : memref<8000x40xi32, #tpu.memory_space<hbm>> -> memref<250x40xi32, #tpu.memory_space<hbm>>
      tpu.wait_dma2 semaphore(%run_scoped3A : memref<!tpu.dma_semaphore, #tpu.memory_space<semaphore_mem>>) src(%dma_wait3A_489 : memref<250x40xi32, #tpu.memory_space<hbm>>) dst(%arg9 : memref<250x40xi32, #tpu.memory_space<vmem>>)
      tpu.yield
    }) : () -> ()
    %mul3A_5 = arith.constant 10000 : i32
    %mul3A_6 = arith.muli %add3A, %mul3A_5 : i32
    "tpu.region"() ({
      %run_scoped3A = tpu.sem_alloc : memref<!tpu.dma_semaphore, #tpu.memory_space<semaphore_mem>>
      %dma_start3A_482 = tpu.memref_slice %arg4[%mul3A_6] : memref<320000xf32, #tpu.memory_space<hbm>> -> memref<10000xf32, #tpu.memory_space<hbm>>
      %dma_start3A_483 = tpu.memref_slice %arg4[%mul3A_6] : memref<320000xf32, #tpu.memory_space<hbm>> -> memref<10000xf32, #tpu.memory_space<hbm>>
      tpu.enqueue_dma source(%dma_start3A_483 : memref<10000xf32, #tpu.memory_space<hbm>>) target(%arg10 : memref<10000xf32, #tpu.memory_space<vmem>>) target_semaphore(%run_scoped3A : memref<!tpu.dma_semaphore, #tpu.memory_space<semaphore_mem>>)
      %dma_wait3A_484 = tpu.memref_slice %arg4[%mul3A_6] : memref<320000xf32, #tpu.memory_space<hbm>> -> memref<10000xf32, #tpu.memory_space<hbm>>
      %dma_wait3A_485 = tpu.memref_slice %arg4[%mul3A_6] : memref<320000xf32, #tpu.memory_space<hbm>> -> memref<10000xf32, #tpu.memory_space<hbm>>
      tpu.wait_dma2 semaphore(%run_scoped3A : memref<!tpu.dma_semaphore, #tpu.memory_space<semaphore_mem>>) src(%dma_wait3A_485 : memref<10000xf32, #tpu.memory_space<hbm>>) dst(%arg10 : memref<10000xf32, #tpu.memory_space<vmem>>)
      tpu.yield
    }) : () -> ()
    %mul3A_7 = arith.constant 625 : i32
    %mul3A_8 = arith.muli %arg1, %mul3A_7 : i32
    %broadcast_in_dim3A = arith.constant 0.000000e+00 : f32
    %broadcast_in_dim3A_9 = vector.broadcast %broadcast_in_dim3A : f32 to vector<16xf32>
    %scan3A = arith.constant 0 : i32
    %scan3A_10 = arith.constant 0 : i32
    %scan3A_11 = arith.constant 40 : i32
    %scan3A_12 = arith.addi %scan3A_10, %scan3A_11 : i32
    %scan3A_13 = arith.constant 1 : i32
    scf.for %scan3A_482 = %scan3A_10 to %scan3A_12 step %scan3A_13  : i32 {
      %swap3A = arith.index_cast %scan3A_482 : i32 to index
      %swap3A_483 = arith.constant 0 : index
      %swap3A_484 = tpu.vector_load %arg11[%swap3A, %swap3A_483] {strides = array<i32>} : memref<40x128xf32, #tpu.memory_space<vmem>>, vector<16xf32>,
      tpu.vector_store %arg11[%swap3A, %swap3A_483], %broadcast_in_dim3A_9 {strides = array<i32>} : memref<40x128xf32, #tpu.memory_space<vmem>>, vector<16xf32>,
      %swap3A_485 = arith.index_cast %scan3A_482 : i32 to index
      %swap3A_486 = arith.constant 16 : index
      %swap3A_487 = tpu.vector_load %arg11[%swap3A_485, %swap3A_486] {strides = array<i32>} : memref<40x128xf32, #tpu.memory_space<vmem>>, vector<16xf32>,
      tpu.vector_store %arg11[%swap3A_485, %swap3A_486], %broadcast_in_dim3A_9 {strides = array<i32>} : memref<40x128xf32, #tpu.memory_space<vmem>>, vector<16xf32>,
      %swap3A_488 = arith.index_cast %scan3A_482 : i32 to index
      %swap3A_489 = arith.constant 32 : index
      %swap3A_490 = tpu.vector_load %arg11[%swap3A_488, %swap3A_489] {strides = array<i32>} : memref<40x128xf32, #tpu.memory_space<vmem>>, vector<16xf32>,
      tpu.vector_store %arg11[%swap3A_488, %swap3A_489], %broadcast_in_dim3A_9 {strides = array<i32>} : memref<40x128xf32, #tpu.memory_space<vmem>>, vector<16xf32>,
      %swap3A_491 = arith.index_cast %scan3A_482 : i32 to index
      %swap3A_492 = arith.constant 48 : index
      %swap3A_493 = tpu.vector_load %arg11[%swap3A_491, %swap3A_492] {strides = array<i32>} : memref<40x128xf32, #tpu.memory_space<vmem>>, vector<16xf32>,
      tpu.vector_store %arg11[%swap3A_491, %swap3A_492], %broadcast_in_dim3A_9 {strides = array<i32>} : memref<40x128xf32, #tpu.memory_space<vmem>>, vector<16xf32>,
      %swap3A_494 = arith.index_cast %scan3A_482 : i32 to index
      %swap3A_495 = arith.constant 64 : index
      %swap3A_496 = tpu.vector_load %arg11[%swap3A_494, %swap3A_495] {strides = array<i32>} : memref<40x128xf32, #tpu.memory_space<vmem>>, vector<16xf32>,
      tpu.vector_store %arg11[%swap3A_494, %swap3A_495], %broadcast_in_dim3A_9 {strides = array<i32>} : memref<40x128xf32, #tpu.memory_space<vmem>>, vector<16xf32>,
      %swap3A_497 = arith.index_cast %scan3A_482 : i32 to index
      %swap3A_498 = arith.constant 80 : index
      %swap3A_499 = tpu.vector_load %arg11[%swap3A_497, %swap3A_498] {strides = array<i32>} : memref<40x128xf32, #tpu.memory_space<vmem>>, vector<16xf32>,
      tpu.vector_store %arg11[%swap3A_497, %swap3A_498], %broadcast_in_dim3A_9 {strides = array<i32>} : memref<40x128xf32, #tpu.memory_space<vmem>>, vector<16xf32>,
      %swap3A_500 = arith.index_cast %scan3A_482 : i32 to index
      %swap3A_501 = arith.constant 96 : index
      %swap3A_502 = tpu.vector_load %arg11[%swap3A_500, %swap3A_501] {strides = array<i32>} : memref<40x128xf32, #tpu.memory_space<vmem>>, vector<16xf32>,
      tpu.vector_store %arg11[%swap3A_500, %swap3A_501], %broadcast_in_dim3A_9 {strides = array<i32>} : memref<40x128xf32, #tpu.memory_space<vmem>>, vector<16xf32>,
      %swap3A_503 = arith.index_cast %scan3A_482 : i32 to index
      %swap3A_504 = arith.constant 112 : index
      %swap3A_505 = tpu.vector_load %arg11[%swap3A_503, %swap3A_504] {strides = array<i32>} : memref<40x128xf32, #tpu.memory_space<vmem>>, vector<16xf32>,
      tpu.vector_store %arg11[%swap3A_503, %swap3A_504], %broadcast_in_dim3A_9 {strides = array<i32>} : memref<40x128xf32, #tpu.memory_space<vmem>>, vector<16xf32>,
    }
    %scan3A_14 = arith.constant 40 : i32
    %add3A_15 = arith.constant 0 : i32
    %add3A_16 = arith.addi %mul3A_8, %add3A_15 : i32
    %dma_start3A = arith.constant 0 : i32
    %dma_start3A_17 = arith.constant 0 : i32
    %dma_start3A_18 = tpu.memref_slice %arg11[%dma_start3A, %dma_start3A_17] : memref<40x128xf32, #tpu.memory_space<vmem>> -> memref<40x128xf32, #tpu.memory_space<vmem>>
    %dma_start3A_19 = arith.constant 0 : i32
    %dma_start3A_20 = tpu.memref_slice %arg7[%add3A_16, %dma_start3A_19] : memref<10000x128xf32, #tpu.memory_space<vmem_shared>> -> memref<40x128xf32, #tpu.memory_space<vmem_shared>>
    %dma_start3A_21 = arith.constant 0 : i32
    %dma_start3A_22 = tpu.memref_slice %arg7[%add3A_16, %dma_start3A_21] : memref<10000x128xf32, #tpu.memory_space<vmem_shared>> -> memref<40x128xf32, #tpu.memory_space<vmem_shared>>
    %dma_start3A_23 = arith.constant 0 : i32
    %dma_start3A_24 = arith.constant 0 : i32
    %dma_start3A_25 = tpu.memref_slice %arg11[%dma_start3A_23, %dma_start3A_24] : memref<40x128xf32, #tpu.memory_space<vmem>> -> memref<40x128xf32, #tpu.memory_space<vmem>>
    tpu.enqueue_dma source(%dma_start3A_25 : memref<40x128xf32, #tpu.memory_space<vmem>>) target(%dma_start3A_22 : memref<40x128xf32, #tpu.memory_space<vmem_shared>>) target_semaphore(%arg19 : memref<!tpu.dma_semaphore, #tpu.memory_space<semaphore_mem>>)
    %add3A_26 = arith.constant 40 : i32
    %add3A_27 = arith.addi %mul3A_8, %add3A_26 : i32
    %dma_start3A_28 = arith.constant 0 : i32
    %dma_start3A_29 = arith.constant 0 : i32
    %dma_start3A_30 = tpu.memref_slice %arg11[%dma_start3A_28, %dma_start3A_29] : memref<40x128xf32, #tpu.memory_space<vmem>> -> memref<40x128xf32, #tpu.memory_space<vmem>>
    %dma_start3A_31 = arith.constant 0 : i32
    %dma_start3A_32 = tpu.memref_slice %arg7[%add3A_27, %dma_start3A_31] : memref<10000x128xf32, #tpu.memory_space<vmem_shared>> -> memref<40x128xf32, #tpu.memory_space<vmem_shared>>
    %dma_start3A_33 = arith.constant 0 : i32
    %dma_start3A_34 = tpu.memref_slice %arg7[%add3A_27, %dma_start3A_33] : memref<10000x128xf32, #tpu.memory_space<vmem_shared>> -> memref<40x128xf32, #tpu.memory_space<vmem_shared>>
    %dma_start3A_35 = arith.constant 0 : i32
    %dma_start3A_36 = arith.constant 0 : i32
    %dma_start3A_37 = tpu.memref_slice %arg11[%dma_start3A_35, %dma_start3A_36] : memref<40x128xf32, #tpu.memory_space<vmem>> -> memref<40x128xf32, #tpu.memory_space<vmem>>
    tpu.enqueue_dma source(%dma_start3A_37 : memref<40x128xf32, #tpu.memory_space<vmem>>) target(%dma_start3A_34 : memref<40x128xf32, #tpu.memory_space<vmem_shared>>) target_semaphore(%arg20 : memref<!tpu.dma_semaphore, #tpu.memory_space<semaphore_mem>>)
    %add3A_38 = arith.constant 80 : i32
    %add3A_39 = arith.addi %mul3A_8, %add3A_38 : i32
    %dma_start3A_40 = arith.constant 0 : i32
    %dma_start3A_41 = arith.constant 0 : i32
    %dma_start3A_42 = tpu.memref_slice %arg11[%dma_start3A_40, %dma_start3A_41] : memref<40x128xf32, #tpu.memory_space<vmem>> -> memref<40x128xf32, #tpu.memory_space<vmem>>
    %dma_start3A_43 = arith.constant 0 : i32
    %dma_start3A_44 = tpu.memref_slice %arg7[%add3A_39, %dma_start3A_43] : memref<10000x128xf32, #tpu.memory_space<vmem_shared>> -> memref<40x128xf32, #tpu.memory_space<vmem_shared>>
    %dma_start3A_45 = arith.constant 0 : i32
    %dma_start3A_46 = tpu.memref_slice %arg7[%add3A_39, %dma_start3A_45] : memref<10000x128xf32, #tpu.memory_space<vmem_shared>> -> memref<40x128xf32, #tpu.memory_space<vmem_shared>>
    %dma_start3A_47 = arith.constant 0 : i32
    %dma_start3A_48 = arith.constant 0 : i32
    %dma_start3A_49 = tpu.memref_slice %arg11[%dma_start3A_47, %dma_start3A_48] : memref<40x128xf32, #tpu.memory_space<vmem>> -> memref<40x128xf32, #tpu.memory_space<vmem>>
    tpu.enqueue_dma source(%dma_start3A_49 : memref<40x128xf32, #tpu.memory_space<vmem>>) target(%dma_start3A_46 : memref<40x128xf32, #tpu.memory_space<vmem_shared>>) target_semaphore(%arg21 : memref<!tpu.dma_semaphore, #tpu.memory_space<semaphore_mem>>)
    %add3A_50 = arith.constant 120 : i32
    %add3A_51 = arith.addi %mul3A_8, %add3A_50 : i32
    %dma_start3A_52 = arith.constant 0 : i32
    %dma_start3A_53 = arith.constant 0 : i32
    %dma_start3A_54 = tpu.memref_slice %arg11[%dma_start3A_52, %dma_start3A_53] : memref<40x128xf32, #tpu.memory_space<vmem>> -> memref<40x128xf32, #tpu.memory_space<vmem>>
    %dma_start3A_55 = arith.constant 0 : i32
    %dma_start3A_56 = tpu.memref_slice %arg7[%add3A_51, %dma_start3A_55] : memref<10000x128xf32, #tpu.memory_space<vmem_shared>> -> memref<40x128xf32, #tpu.memory_space<vmem_shared>>
    %dma_start3A_57 = arith.constant 0 : i32
    %dma_start3A_58 = tpu.memref_slice %arg7[%add3A_51, %dma_start3A_57] : memref<10000x128xf32, #tpu.memory_space<vmem_shared>> -> memref<40x128xf32, #tpu.memory_space<vmem_shared>>
    %dma_start3A_59 = arith.constant 0 : i32
    %dma_start3A_60 = arith.constant 0 : i32
    %dma_start3A_61 = tpu.memref_slice %arg11[%dma_start3A_59, %dma_start3A_60] : memref<40x128xf32, #tpu.memory_space<vmem>> -> memref<40x128xf32, #tpu.memory_space<vmem>>
    tpu.enqueue_dma source(%dma_start3A_61 : memref<40x128xf32, #tpu.memory_space<vmem>>) target(%dma_start3A_58 : memref<40x128xf32, #tpu.memory_space<vmem_shared>>) target_semaphore(%arg22 : memref<!tpu.dma_semaphore, #tpu.memory_space<semaphore_mem>>)
    %add3A_62 = arith.constant 160 : i32
    %add3A_63 = arith.addi %mul3A_8, %add3A_62 : i32
    %dma_start3A_64 = arith.constant 0 : i32
    %dma_start3A_65 = arith.constant 0 : i32
    %dma_start3A_66 = tpu.memref_slice %arg11[%dma_start3A_64, %dma_start3A_65] : memref<40x128xf32, #tpu.memory_space<vmem>> -> memref<40x128xf32, #tpu.memory_space<vmem>>
    %dma_start3A_67 = arith.constant 0 : i32
    %dma_start3A_68 = tpu.memref_slice %arg7[%add3A_63, %dma_start3A_67] : memref<10000x128xf32, #tpu.memory_space<vmem_shared>> -> memref<40x128xf32, #tpu.memory_space<vmem_shared>>
    %dma_start3A_69 = arith.constant 0 : i32
    %dma_start3A_70 = tpu.memref_slice %arg7[%add3A_63, %dma_start3A_69] : memref<10000x128xf32, #tpu.memory_space<vmem_shared>> -> memref<40x128xf32, #tpu.memory_space<vmem_shared>>
    %dma_start3A_71 = arith.constant 0 : i32
    %dma_start3A_72 = arith.constant 0 : i32
    %dma_start3A_73 = tpu.memref_slice %arg11[%dma_start3A_71, %dma_start3A_72] : memref<40x128xf32, #tpu.memory_space<vmem>> -> memref<40x128xf32, #tpu.memory_space<vmem>>
    tpu.enqueue_dma source(%dma_start3A_73 : memref<40x128xf32, #tpu.memory_space<vmem>>) target(%dma_start3A_70 : memref<40x128xf32, #tpu.memory_space<vmem_shared>>) target_semaphore(%arg19 : memref<!tpu.dma_semaphore, #tpu.memory_space<semaphore_mem>>)
    %add3A_74 = arith.constant 200 : i32
    %add3A_75 = arith.addi %mul3A_8, %add3A_74 : i32
    %dma_start3A_76 = arith.constant 0 : i32
    %dma_start3A_77 = arith.constant 0 : i32
    %dma_start3A_78 = tpu.memref_slice %arg11[%dma_start3A_76, %dma_start3A_77] : memref<40x128xf32, #tpu.memory_space<vmem>> -> memref<40x128xf32, #tpu.memory_space<vmem>>
    %dma_start3A_79 = arith.constant 0 : i32
    %dma_start3A_80 = tpu.memref_slice %arg7[%add3A_75, %dma_start3A_79] : memref<10000x128xf32, #tpu.memory_space<vmem_shared>> -> memref<40x128xf32, #tpu.memory_space<vmem_shared>>
    %dma_start3A_81 = arith.constant 0 : i32
    %dma_start3A_82 = tpu.memref_slice %arg7[%add3A_75, %dma_start3A_81] : memref<10000x128xf32, #tpu.memory_space<vmem_shared>> -> memref<40x128xf32, #tpu.memory_space<vmem_shared>>
    %dma_start3A_83 = arith.constant 0 : i32
    %dma_start3A_84 = arith.constant 0 : i32
    %dma_start3A_85 = tpu.memref_slice %arg11[%dma_start3A_83, %dma_start3A_84] : memref<40x128xf32, #tpu.memory_space<vmem>> -> memref<40x128xf32, #tpu.memory_space<vmem>>
    tpu.enqueue_dma source(%dma_start3A_85 : memref<40x128xf32, #tpu.memory_space<vmem>>) target(%dma_start3A_82 : memref<40x128xf32, #tpu.memory_space<vmem_shared>>) target_semaphore(%arg20 : memref<!tpu.dma_semaphore, #tpu.memory_space<semaphore_mem>>)
    %add3A_86 = arith.constant 240 : i32
    %add3A_87 = arith.addi %mul3A_8, %add3A_86 : i32
    %dma_start3A_88 = arith.constant 0 : i32
    %dma_start3A_89 = arith.constant 0 : i32
    %dma_start3A_90 = tpu.memref_slice %arg11[%dma_start3A_88, %dma_start3A_89] : memref<40x128xf32, #tpu.memory_space<vmem>> -> memref<40x128xf32, #tpu.memory_space<vmem>>
    %dma_start3A_91 = arith.constant 0 : i32
    %dma_start3A_92 = tpu.memref_slice %arg7[%add3A_87, %dma_start3A_91] : memref<10000x128xf32, #tpu.memory_space<vmem_shared>> -> memref<40x128xf32, #tpu.memory_space<vmem_shared>>
    %dma_start3A_93 = arith.constant 0 : i32
    %dma_start3A_94 = tpu.memref_slice %arg7[%add3A_87, %dma_start3A_93] : memref<10000x128xf32, #tpu.memory_space<vmem_shared>> -> memref<40x128xf32, #tpu.memory_space<vmem_shared>>
    %dma_start3A_95 = arith.constant 0 : i32
    %dma_start3A_96 = arith.constant 0 : i32
    %dma_start3A_97 = tpu.memref_slice %arg11[%dma_start3A_95, %dma_start3A_96] : memref<40x128xf32, #tpu.memory_space<vmem>> -> memref<40x128xf32, #tpu.memory_space<vmem>>
    tpu.enqueue_dma source(%dma_start3A_97 : memref<40x128xf32, #tpu.memory_space<vmem>>) target(%dma_start3A_94 : memref<40x128xf32, #tpu.memory_space<vmem_shared>>) target_semaphore(%arg21 : memref<!tpu.dma_semaphore, #tpu.memory_space<semaphore_mem>>)
    %add3A_98 = arith.constant 280 : i32
    %add3A_99 = arith.addi %mul3A_8, %add3A_98 : i32
    %dma_start3A_100 = arith.constant 0 : i32
    %dma_start3A_101 = arith.constant 0 : i32
    %dma_start3A_102 = tpu.memref_slice %arg11[%dma_start3A_100, %dma_start3A_101] : memref<40x128xf32, #tpu.memory_space<vmem>> -> memref<40x128xf32, #tpu.memory_space<vmem>>
    %dma_start3A_103 = arith.constant 0 : i32
    %dma_start3A_104 = tpu.memref_slice %arg7[%add3A_99, %dma_start3A_103] : memref<10000x128xf32, #tpu.memory_space<vmem_shared>> -> memref<40x128xf32, #tpu.memory_space<vmem_shared>>
    %dma_start3A_105 = arith.constant 0 : i32
    %dma_start3A_106 = tpu.memref_slice %arg7[%add3A_99, %dma_start3A_105] : memref<10000x128xf32, #tpu.memory_space<vmem_shared>> -> memref<40x128xf32, #tpu.memory_space<vmem_shared>>
    %dma_start3A_107 = arith.constant 0 : i32
    %dma_start3A_108 = arith.constant 0 : i32
    %dma_start3A_109 = tpu.memref_slice %arg11[%dma_start3A_107, %dma_start3A_108] : memref<40x128xf32, #tpu.memory_space<vmem>> -> memref<40x128xf32, #tpu.memory_space<vmem>>
    tpu.enqueue_dma source(%dma_start3A_109 : memref<40x128xf32, #tpu.memory_space<vmem>>) target(%dma_start3A_106 : memref<40x128xf32, #tpu.memory_space<vmem_shared>>) target_semaphore(%arg22 : memref<!tpu.dma_semaphore, #tpu.memory_space<semaphore_mem>>)
    %add3A_110 = arith.constant 320 : i32
    %add3A_111 = arith.addi %mul3A_8, %add3A_110 : i32
    %dma_start3A_112 = arith.constant 0 : i32
    %dma_start3A_113 = arith.constant 0 : i32
    %dma_start3A_114 = tpu.memref_slice %arg11[%dma_start3A_112, %dma_start3A_113] : memref<40x128xf32, #tpu.memory_space<vmem>> -> memref<40x128xf32, #tpu.memory_space<vmem>>
    %dma_start3A_115 = arith.constant 0 : i32
    %dma_start3A_116 = tpu.memref_slice %arg7[%add3A_111, %dma_start3A_115] : memref<10000x128xf32, #tpu.memory_space<vmem_shared>> -> memref<40x128xf32, #tpu.memory_space<vmem_shared>>
    %dma_start3A_117 = arith.constant 0 : i32
    %dma_start3A_118 = tpu.memref_slice %arg7[%add3A_111, %dma_start3A_117] : memref<10000x128xf32, #tpu.memory_space<vmem_shared>> -> memref<40x128xf32, #tpu.memory_space<vmem_shared>>
    %dma_start3A_119 = arith.constant 0 : i32
    %dma_start3A_120 = arith.constant 0 : i32
    %dma_start3A_121 = tpu.memref_slice %arg11[%dma_start3A_119, %dma_start3A_120] : memref<40x128xf32, #tpu.memory_space<vmem>> -> memref<40x128xf32, #tpu.memory_space<vmem>>
    tpu.enqueue_dma source(%dma_start3A_121 : memref<40x128xf32, #tpu.memory_space<vmem>>) target(%dma_start3A_118 : memref<40x128xf32, #tpu.memory_space<vmem_shared>>) target_semaphore(%arg19 : memref<!tpu.dma_semaphore, #tpu.memory_space<semaphore_mem>>)
    %add3A_122 = arith.constant 360 : i32
    %add3A_123 = arith.addi %mul3A_8, %add3A_122 : i32
    %dma_start3A_124 = arith.constant 0 : i32
    %dma_start3A_125 = arith.constant 0 : i32
    %dma_start3A_126 = tpu.memref_slice %arg11[%dma_start3A_124, %dma_start3A_125] : memref<40x128xf32, #tpu.memory_space<vmem>> -> memref<40x128xf32, #tpu.memory_space<vmem>>
    %dma_start3A_127 = arith.constant 0 : i32
    %dma_start3A_128 = tpu.memref_slice %arg7[%add3A_123, %dma_start3A_127] : memref<10000x128xf32, #tpu.memory_space<vmem_shared>> -> memref<40x128xf32, #tpu.memory_space<vmem_shared>>
    %dma_start3A_129 = arith.constant 0 : i32
    %dma_start3A_130 = tpu.memref_slice %arg7[%add3A_123, %dma_start3A_129] : memref<10000x128xf32, #tpu.memory_space<vmem_shared>> -> memref<40x128xf32, #tpu.memory_space<vmem_shared>>
    %dma_start3A_131 = arith.constant 0 : i32
    %dma_start3A_132 = arith.constant 0 : i32
    %dma_start3A_133 = tpu.memref_slice %arg11[%dma_start3A_131, %dma_start3A_132] : memref<40x128xf32, #tpu.memory_space<vmem>> -> memref<40x128xf32, #tpu.memory_space<vmem>>
    tpu.enqueue_dma source(%dma_start3A_133 : memref<40x128xf32, #tpu.memory_space<vmem>>) target(%dma_start3A_130 : memref<40x128xf32, #tpu.memory_space<vmem_shared>>) target_semaphore(%arg20 : memref<!tpu.dma_semaphore, #tpu.memory_space<semaphore_mem>>)
    %add3A_134 = arith.constant 400 : i32
    %add3A_135 = arith.addi %mul3A_8, %add3A_134 : i32
    %dma_start3A_136 = arith.constant 0 : i32
    %dma_start3A_137 = arith.constant 0 : i32
    %dma_start3A_138 = tpu.memref_slice %arg11[%dma_start3A_136, %dma_start3A_137] : memref<40x128xf32, #tpu.memory_space<vmem>> -> memref<40x128xf32, #tpu.memory_space<vmem>>
    %dma_start3A_139 = arith.constant 0 : i32
    %dma_start3A_140 = tpu.memref_slice %arg7[%add3A_135, %dma_start3A_139] : memref<10000x128xf32, #tpu.memory_space<vmem_shared>> -> memref<40x128xf32, #tpu.memory_space<vmem_shared>>
    %dma_start3A_141 = arith.constant 0 : i32
    %dma_start3A_142 = tpu.memref_slice %arg7[%add3A_135, %dma_start3A_141] : memref<10000x128xf32, #tpu.memory_space<vmem_shared>> -> memref<40x128xf32, #tpu.memory_space<vmem_shared>>
    %dma_start3A_143 = arith.constant 0 : i32
    %dma_start3A_144 = arith.constant 0 : i32
    %dma_start3A_145 = tpu.memref_slice %arg11[%dma_start3A_143, %dma_start3A_144] : memref<40x128xf32, #tpu.memory_space<vmem>> -> memref<40x128xf32, #tpu.memory_space<vmem>>
    tpu.enqueue_dma source(%dma_start3A_145 : memref<40x128xf32, #tpu.memory_space<vmem>>) target(%dma_start3A_142 : memref<40x128xf32, #tpu.memory_space<vmem_shared>>) target_semaphore(%arg21 : memref<!tpu.dma_semaphore, #tpu.memory_space<semaphore_mem>>)
    %add3A_146 = arith.constant 440 : i32
    %add3A_147 = arith.addi %mul3A_8, %add3A_146 : i32
    %dma_start3A_148 = arith.constant 0 : i32
    %dma_start3A_149 = arith.constant 0 : i32
    %dma_start3A_150 = tpu.memref_slice %arg11[%dma_start3A_148, %dma_start3A_149] : memref<40x128xf32, #tpu.memory_space<vmem>> -> memref<40x128xf32, #tpu.memory_space<vmem>>
    %dma_start3A_151 = arith.constant 0 : i32
    %dma_start3A_152 = tpu.memref_slice %arg7[%add3A_147, %dma_start3A_151] : memref<10000x128xf32, #tpu.memory_space<vmem_shared>> -> memref<40x128xf32, #tpu.memory_space<vmem_shared>>
    %dma_start3A_153 = arith.constant 0 : i32
    %dma_start3A_154 = tpu.memref_slice %arg7[%add3A_147, %dma_start3A_153] : memref<10000x128xf32, #tpu.memory_space<vmem_shared>> -> memref<40x128xf32, #tpu.memory_space<vmem_shared>>
    %dma_start3A_155 = arith.constant 0 : i32
    %dma_start3A_156 = arith.constant 0 : i32
    %dma_start3A_157 = tpu.memref_slice %arg11[%dma_start3A_155, %dma_start3A_156] : memref<40x128xf32, #tpu.memory_space<vmem>> -> memref<40x128xf32, #tpu.memory_space<vmem>>
    tpu.enqueue_dma source(%dma_start3A_157 : memref<40x128xf32, #tpu.memory_space<vmem>>) target(%dma_start3A_154 : memref<40x128xf32, #tpu.memory_space<vmem_shared>>) target_semaphore(%arg22 : memref<!tpu.dma_semaphore, #tpu.memory_space<semaphore_mem>>)
    %add3A_158 = arith.constant 480 : i32
    %add3A_159 = arith.addi %mul3A_8, %add3A_158 : i32
    %dma_start3A_160 = arith.constant 0 : i32
    %dma_start3A_161 = arith.constant 0 : i32
    %dma_start3A_162 = tpu.memref_slice %arg11[%dma_start3A_160, %dma_start3A_161] : memref<40x128xf32, #tpu.memory_space<vmem>> -> memref<40x128xf32, #tpu.memory_space<vmem>>
    %dma_start3A_163 = arith.constant 0 : i32
    %dma_start3A_164 = tpu.memref_slice %arg7[%add3A_159, %dma_start3A_163] : memref<10000x128xf32, #tpu.memory_space<vmem_shared>> -> memref<40x128xf32, #tpu.memory_space<vmem_shared>>
    %dma_start3A_165 = arith.constant 0 : i32
    %dma_start3A_166 = tpu.memref_slice %arg7[%add3A_159, %dma_start3A_165] : memref<10000x128xf32, #tpu.memory_space<vmem_shared>> -> memref<40x128xf32, #tpu.memory_space<vmem_shared>>
    %dma_start3A_167 = arith.constant 0 : i32
    %dma_start3A_168 = arith.constant 0 : i32
    %dma_start3A_169 = tpu.memref_slice %arg11[%dma_start3A_167, %dma_start3A_168] : memref<40x128xf32, #tpu.memory_space<vmem>> -> memref<40x128xf32, #tpu.memory_space<vmem>>
    tpu.enqueue_dma source(%dma_start3A_169 : memref<40x128xf32, #tpu.memory_space<vmem>>) target(%dma_start3A_166 : memref<40x128xf32, #tpu.memory_space<vmem_shared>>) target_semaphore(%arg19 : memref<!tpu.dma_semaphore, #tpu.memory_space<semaphore_mem>>)
    %add3A_170 = arith.constant 520 : i32
    %add3A_171 = arith.addi %mul3A_8, %add3A_170 : i32
    %dma_start3A_172 = arith.constant 0 : i32
    %dma_start3A_173 = arith.constant 0 : i32
    %dma_start3A_174 = tpu.memref_slice %arg11[%dma_start3A_172, %dma_start3A_173] : memref<40x128xf32, #tpu.memory_space<vmem>> -> memref<40x128xf32, #tpu.memory_space<vmem>>
    %dma_start3A_175 = arith.constant 0 : i32
    %dma_start3A_176 = tpu.memref_slice %arg7[%add3A_171, %dma_start3A_175] : memref<10000x128xf32, #tpu.memory_space<vmem_shared>> -> memref<40x128xf32, #tpu.memory_space<vmem_shared>>
    %dma_start3A_177 = arith.constant 0 : i32
    %dma_start3A_178 = tpu.memref_slice %arg7[%add3A_171, %dma_start3A_177] : memref<10000x128xf32, #tpu.memory_space<vmem_shared>> -> memref<40x128xf32, #tpu.memory_space<vmem_shared>>
    %dma_start3A_179 = arith.constant 0 : i32
    %dma_start3A_180 = arith.constant 0 : i32
    %dma_start3A_181 = tpu.memref_slice %arg11[%dma_start3A_179, %dma_start3A_180] : memref<40x128xf32, #tpu.memory_space<vmem>> -> memref<40x128xf32, #tpu.memory_space<vmem>>
    tpu.enqueue_dma source(%dma_start3A_181 : memref<40x128xf32, #tpu.memory_space<vmem>>) target(%dma_start3A_178 : memref<40x128xf32, #tpu.memory_space<vmem_shared>>) target_semaphore(%arg20 : memref<!tpu.dma_semaphore, #tpu.memory_space<semaphore_mem>>)
    %add3A_182 = arith.constant 560 : i32
    %add3A_183 = arith.addi %mul3A_8, %add3A_182 : i32
    %dma_start3A_184 = arith.constant 0 : i32
    %dma_start3A_185 = arith.constant 0 : i32
    %dma_start3A_186 = tpu.memref_slice %arg11[%dma_start3A_184, %dma_start3A_185] : memref<40x128xf32, #tpu.memory_space<vmem>> -> memref<40x128xf32, #tpu.memory_space<vmem>>
    %dma_start3A_187 = arith.constant 0 : i32
    %dma_start3A_188 = tpu.memref_slice %arg7[%add3A_183, %dma_start3A_187] : memref<10000x128xf32, #tpu.memory_space<vmem_shared>> -> memref<40x128xf32, #tpu.memory_space<vmem_shared>>
    %dma_start3A_189 = arith.constant 0 : i32
    %dma_start3A_190 = tpu.memref_slice %arg7[%add3A_183, %dma_start3A_189] : memref<10000x128xf32, #tpu.memory_space<vmem_shared>> -> memref<40x128xf32, #tpu.memory_space<vmem_shared>>
    %dma_start3A_191 = arith.constant 0 : i32
    %dma_start3A_192 = arith.constant 0 : i32
    %dma_start3A_193 = tpu.memref_slice %arg11[%dma_start3A_191, %dma_start3A_192] : memref<40x128xf32, #tpu.memory_space<vmem>> -> memref<40x128xf32, #tpu.memory_space<vmem>>
    tpu.enqueue_dma source(%dma_start3A_193 : memref<40x128xf32, #tpu.memory_space<vmem>>) target(%dma_start3A_190 : memref<40x128xf32, #tpu.memory_space<vmem_shared>>) target_semaphore(%arg21 : memref<!tpu.dma_semaphore, #tpu.memory_space<semaphore_mem>>)
    %add3A_194 = arith.constant 600 : i32
    %add3A_195 = arith.addi %mul3A_8, %add3A_194 : i32
    %dma_start3A_196 = arith.constant 0 : i32
    %dma_start3A_197 = arith.constant 0 : i32
    %dma_start3A_198 = tpu.memref_slice %arg11[%dma_start3A_196, %dma_start3A_197] : memref<40x128xf32, #tpu.memory_space<vmem>> -> memref<25x128xf32, #tpu.memory_space<vmem>>
    %dma_start3A_199 = arith.constant 0 : i32
    %dma_start3A_200 = tpu.memref_slice %arg7[%add3A_195, %dma_start3A_199] : memref<10000x128xf32, #tpu.memory_space<vmem_shared>> -> memref<25x128xf32, #tpu.memory_space<vmem_shared>>
    %dma_start3A_201 = arith.constant 0 : i32
    %dma_start3A_202 = tpu.memref_slice %arg7[%add3A_195, %dma_start3A_201] : memref<10000x128xf32, #tpu.memory_space<vmem_shared>> -> memref<25x128xf32, #tpu.memory_space<vmem_shared>>
    %dma_start3A_203 = arith.constant 0 : i32
    %dma_start3A_204 = arith.constant 0 : i32
    %dma_start3A_205 = tpu.memref_slice %arg11[%dma_start3A_203, %dma_start3A_204] : memref<40x128xf32, #tpu.memory_space<vmem>> -> memref<25x128xf32, #tpu.memory_space<vmem>>
    tpu.enqueue_dma source(%dma_start3A_205 : memref<25x128xf32, #tpu.memory_space<vmem>>) target(%dma_start3A_202 : memref<25x128xf32, #tpu.memory_space<vmem_shared>>) target_semaphore(%arg22 : memref<!tpu.dma_semaphore, #tpu.memory_space<semaphore_mem>>)
    %add3A_206 = arith.constant 0 : i32
    %add3A_207 = arith.addi %mul3A_8, %add3A_206 : i32
    %dma_wait3A = arith.constant 0 : i32
    %dma_wait3A_208 = arith.constant 0 : i32
    %dma_wait3A_209 = tpu.memref_slice %arg11[%dma_wait3A, %dma_wait3A_208] : memref<40x128xf32, #tpu.memory_space<vmem>> -> memref<40x128xf32, #tpu.memory_space<vmem>>
    %dma_wait3A_210 = arith.constant 0 : i32
    %dma_wait3A_211 = tpu.memref_slice %arg7[%add3A_207, %dma_wait3A_210] : memref<10000x128xf32, #tpu.memory_space<vmem_shared>> -> memref<40x128xf32, #tpu.memory_space<vmem_shared>>
    %dma_wait3A_212 = arith.constant 0 : i32
    %dma_wait3A_213 = tpu.memref_slice %arg7[%add3A_207, %dma_wait3A_212] : memref<10000x128xf32, #tpu.memory_space<vmem_shared>> -> memref<40x128xf32, #tpu.memory_space<vmem_shared>>
    %dma_wait3A_214 = arith.constant 0 : i32
    %dma_wait3A_215 = arith.constant 0 : i32
    %dma_wait3A_216 = tpu.memref_slice %arg11[%dma_wait3A_214, %dma_wait3A_215] : memref<40x128xf32, #tpu.memory_space<vmem>> -> memref<40x128xf32, #tpu.memory_space<vmem>>
    tpu.wait_dma2 semaphore(%arg19 : memref<!tpu.dma_semaphore, #tpu.memory_space<semaphore_mem>>) src(%dma_wait3A_216 : memref<40x128xf32, #tpu.memory_space<vmem>>) dst(%dma_wait3A_213 : memref<40x128xf32, #tpu.memory_space<vmem_shared>>)
    %add3A_217 = arith.constant 40 : i32
    %add3A_218 = arith.addi %mul3A_8, %add3A_217 : i32
    %dma_wait3A_219 = arith.constant 0 : i32
    %dma_wait3A_220 = arith.constant 0 : i32
    %dma_wait3A_221 = tpu.memref_slice %arg11[%dma_wait3A_219, %dma_wait3A_220] : memref<40x128xf32, #tpu.memory_space<vmem>> -> memref<40x128xf32, #tpu.memory_space<vmem>>
    %dma_wait3A_222 = arith.constant 0 : i32
    %dma_wait3A_223 = tpu.memref_slice %arg7[%add3A_218, %dma_wait3A_222] : memref<10000x128xf32, #tpu.memory_space<vmem_shared>> -> memref<40x128xf32, #tpu.memory_space<vmem_shared>>
    %dma_wait3A_224 = arith.constant 0 : i32
    %dma_wait3A_225 = tpu.memref_slice %arg7[%add3A_218, %dma_wait3A_224] : memref<10000x128xf32, #tpu.memory_space<vmem_shared>> -> memref<40x128xf32, #tpu.memory_space<vmem_shared>>
    %dma_wait3A_226 = arith.constant 0 : i32
    %dma_wait3A_227 = arith.constant 0 : i32
    %dma_wait3A_228 = tpu.memref_slice %arg11[%dma_wait3A_226, %dma_wait3A_227] : memref<40x128xf32, #tpu.memory_space<vmem>> -> memref<40x128xf32, #tpu.memory_space<vmem>>
    tpu.wait_dma2 semaphore(%arg20 : memref<!tpu.dma_semaphore, #tpu.memory_space<semaphore_mem>>) src(%dma_wait3A_228 : memref<40x128xf32, #tpu.memory_space<vmem>>) dst(%dma_wait3A_225 : memref<40x128xf32, #tpu.memory_space<vmem_shared>>)
    %add3A_229 = arith.constant 80 : i32
    %add3A_230 = arith.addi %mul3A_8, %add3A_229 : i32
    %dma_wait3A_231 = arith.constant 0 : i32
    %dma_wait3A_232 = arith.constant 0 : i32
    %dma_wait3A_233 = tpu.memref_slice %arg11[%dma_wait3A_231, %dma_wait3A_232] : memref<40x128xf32, #tpu.memory_space<vmem>> -> memref<40x128xf32, #tpu.memory_space<vmem>>
    %dma_wait3A_234 = arith.constant 0 : i32
    %dma_wait3A_235 = tpu.memref_slice %arg7[%add3A_230, %dma_wait3A_234] : memref<10000x128xf32, #tpu.memory_space<vmem_shared>> -> memref<40x128xf32, #tpu.memory_space<vmem_shared>>
    %dma_wait3A_236 = arith.constant 0 : i32
    %dma_wait3A_237 = tpu.memref_slice %arg7[%add3A_230, %dma_wait3A_236] : memref<10000x128xf32, #tpu.memory_space<vmem_shared>> -> memref<40x128xf32, #tpu.memory_space<vmem_shared>>
    %dma_wait3A_238 = arith.constant 0 : i32
    %dma_wait3A_239 = arith.constant 0 : i32
    %dma_wait3A_240 = tpu.memref_slice %arg11[%dma_wait3A_238, %dma_wait3A_239] : memref<40x128xf32, #tpu.memory_space<vmem>> -> memref<40x128xf32, #tpu.memory_space<vmem>>
    tpu.wait_dma2 semaphore(%arg21 : memref<!tpu.dma_semaphore, #tpu.memory_space<semaphore_mem>>) src(%dma_wait3A_240 : memref<40x128xf32, #tpu.memory_space<vmem>>) dst(%dma_wait3A_237 : memref<40x128xf32, #tpu.memory_space<vmem_shared>>)
    %add3A_241 = arith.constant 120 : i32
    %add3A_242 = arith.addi %mul3A_8, %add3A_241 : i32
    %dma_wait3A_243 = arith.constant 0 : i32
    %dma_wait3A_244 = arith.constant 0 : i32
    %dma_wait3A_245 = tpu.memref_slice %arg11[%dma_wait3A_243, %dma_wait3A_244] : memref<40x128xf32, #tpu.memory_space<vmem>> -> memref<40x128xf32, #tpu.memory_space<vmem>>
    %dma_wait3A_246 = arith.constant 0 : i32
    %dma_wait3A_247 = tpu.memref_slice %arg7[%add3A_242, %dma_wait3A_246] : memref<10000x128xf32, #tpu.memory_space<vmem_shared>> -> memref<40x128xf32, #tpu.memory_space<vmem_shared>>
    %dma_wait3A_248 = arith.constant 0 : i32
    %dma_wait3A_249 = tpu.memref_slice %arg7[%add3A_242, %dma_wait3A_248] : memref<10000x128xf32, #tpu.memory_space<vmem_shared>> -> memref<40x128xf32, #tpu.memory_space<vmem_shared>>
    %dma_wait3A_250 = arith.constant 0 : i32
    %dma_wait3A_251 = arith.constant 0 : i32
    %dma_wait3A_252 = tpu.memref_slice %arg11[%dma_wait3A_250, %dma_wait3A_251] : memref<40x128xf32, #tpu.memory_space<vmem>> -> memref<40x128xf32, #tpu.memory_space<vmem>>
    tpu.wait_dma2 semaphore(%arg22 : memref<!tpu.dma_semaphore, #tpu.memory_space<semaphore_mem>>) src(%dma_wait3A_252 : memref<40x128xf32, #tpu.memory_space<vmem>>) dst(%dma_wait3A_249 : memref<40x128xf32, #tpu.memory_space<vmem_shared>>)
    %add3A_253 = arith.constant 160 : i32
    %add3A_254 = arith.addi %mul3A_8, %add3A_253 : i32
    %dma_wait3A_255 = arith.constant 0 : i32
    %dma_wait3A_256 = arith.constant 0 : i32
    %dma_wait3A_257 = tpu.memref_slice %arg11[%dma_wait3A_255, %dma_wait3A_256] : memref<40x128xf32, #tpu.memory_space<vmem>> -> memref<40x128xf32, #tpu.memory_space<vmem>>
    %dma_wait3A_258 = arith.constant 0 : i32
    %dma_wait3A_259 = tpu.memref_slice %arg7[%add3A_254, %dma_wait3A_258] : memref<10000x128xf32, #tpu.memory_space<vmem_shared>> -> memref<40x128xf32, #tpu.memory_space<vmem_shared>>
    %dma_wait3A_260 = arith.constant 0 : i32
    %dma_wait3A_261 = tpu.memref_slice %arg7[%add3A_254, %dma_wait3A_260] : memref<10000x128xf32, #tpu.memory_space<vmem_shared>> -> memref<40x128xf32, #tpu.memory_space<vmem_shared>>
    %dma_wait3A_262 = arith.constant 0 : i32
    %dma_wait3A_263 = arith.constant 0 : i32
    %dma_wait3A_264 = tpu.memref_slice %arg11[%dma_wait3A_262, %dma_wait3A_263] : memref<40x128xf32, #tpu.memory_space<vmem>> -> memref<40x128xf32, #tpu.memory_space<vmem>>
    tpu.wait_dma2 semaphore(%arg19 : memref<!tpu.dma_semaphore, #tpu.memory_space<semaphore_mem>>) src(%dma_wait3A_264 : memref<40x128xf32, #tpu.memory_space<vmem>>) dst(%dma_wait3A_261 : memref<40x128xf32, #tpu.memory_space<vmem_shared>>)
    %add3A_265 = arith.constant 200 : i32
    %add3A_266 = arith.addi %mul3A_8, %add3A_265 : i32
    %dma_wait3A_267 = arith.constant 0 : i32
    %dma_wait3A_268 = arith.constant 0 : i32
    %dma_wait3A_269 = tpu.memref_slice %arg11[%dma_wait3A_267, %dma_wait3A_268] : memref<40x128xf32, #tpu.memory_space<vmem>> -> memref<40x128xf32, #tpu.memory_space<vmem>>
    %dma_wait3A_270 = arith.constant 0 : i32
    %dma_wait3A_271 = tpu.memref_slice %arg7[%add3A_266, %dma_wait3A_270] : memref<10000x128xf32, #tpu.memory_space<vmem_shared>> -> memref<40x128xf32, #tpu.memory_space<vmem_shared>>
    %dma_wait3A_272 = arith.constant 0 : i32
    %dma_wait3A_273 = tpu.memref_slice %arg7[%add3A_266, %dma_wait3A_272] : memref<10000x128xf32, #tpu.memory_space<vmem_shared>> -> memref<40x128xf32, #tpu.memory_space<vmem_shared>>
    %dma_wait3A_274 = arith.constant 0 : i32
    %dma_wait3A_275 = arith.constant 0 : i32
    %dma_wait3A_276 = tpu.memref_slice %arg11[%dma_wait3A_274, %dma_wait3A_275] : memref<40x128xf32, #tpu.memory_space<vmem>> -> memref<40x128xf32, #tpu.memory_space<vmem>>
    tpu.wait_dma2 semaphore(%arg20 : memref<!tpu.dma_semaphore, #tpu.memory_space<semaphore_mem>>) src(%dma_wait3A_276 : memref<40x128xf32, #tpu.memory_space<vmem>>) dst(%dma_wait3A_273 : memref<40x128xf32, #tpu.memory_space<vmem_shared>>)
    %add3A_277 = arith.constant 240 : i32
    %add3A_278 = arith.addi %mul3A_8, %add3A_277 : i32
    %dma_wait3A_279 = arith.constant 0 : i32
    %dma_wait3A_280 = arith.constant 0 : i32
    %dma_wait3A_281 = tpu.memref_slice %arg11[%dma_wait3A_279, %dma_wait3A_280] : memref<40x128xf32, #tpu.memory_space<vmem>> -> memref<40x128xf32, #tpu.memory_space<vmem>>
    %dma_wait3A_282 = arith.constant 0 : i32
    %dma_wait3A_283 = tpu.memref_slice %arg7[%add3A_278, %dma_wait3A_282] : memref<10000x128xf32, #tpu.memory_space<vmem_shared>> -> memref<40x128xf32, #tpu.memory_space<vmem_shared>>
    %dma_wait3A_284 = arith.constant 0 : i32
    %dma_wait3A_285 = tpu.memref_slice %arg7[%add3A_278, %dma_wait3A_284] : memref<10000x128xf32, #tpu.memory_space<vmem_shared>> -> memref<40x128xf32, #tpu.memory_space<vmem_shared>>
    %dma_wait3A_286 = arith.constant 0 : i32
    %dma_wait3A_287 = arith.constant 0 : i32
    %dma_wait3A_288 = tpu.memref_slice %arg11[%dma_wait3A_286, %dma_wait3A_287] : memref<40x128xf32, #tpu.memory_space<vmem>> -> memref<40x128xf32, #tpu.memory_space<vmem>>
    tpu.wait_dma2 semaphore(%arg21 : memref<!tpu.dma_semaphore, #tpu.memory_space<semaphore_mem>>) src(%dma_wait3A_288 : memref<40x128xf32, #tpu.memory_space<vmem>>) dst(%dma_wait3A_285 : memref<40x128xf32, #tpu.memory_space<vmem_shared>>)
    %add3A_289 = arith.constant 280 : i32
    %add3A_290 = arith.addi %mul3A_8, %add3A_289 : i32
    %dma_wait3A_291 = arith.constant 0 : i32
    %dma_wait3A_292 = arith.constant 0 : i32
    %dma_wait3A_293 = tpu.memref_slice %arg11[%dma_wait3A_291, %dma_wait3A_292] : memref<40x128xf32, #tpu.memory_space<vmem>> -> memref<40x128xf32, #tpu.memory_space<vmem>>
    %dma_wait3A_294 = arith.constant 0 : i32
    %dma_wait3A_295 = tpu.memref_slice %arg7[%add3A_290, %dma_wait3A_294] : memref<10000x128xf32, #tpu.memory_space<vmem_shared>> -> memref<40x128xf32, #tpu.memory_space<vmem_shared>>
    %dma_wait3A_296 = arith.constant 0 : i32
    %dma_wait3A_297 = tpu.memref_slice %arg7[%add3A_290, %dma_wait3A_296] : memref<10000x128xf32, #tpu.memory_space<vmem_shared>> -> memref<40x128xf32, #tpu.memory_space<vmem_shared>>
    %dma_wait3A_298 = arith.constant 0 : i32
    %dma_wait3A_299 = arith.constant 0 : i32
    %dma_wait3A_300 = tpu.memref_slice %arg11[%dma_wait3A_298, %dma_wait3A_299] : memref<40x128xf32, #tpu.memory_space<vmem>> -> memref<40x128xf32, #tpu.memory_space<vmem>>
    tpu.wait_dma2 semaphore(%arg22 : memref<!tpu.dma_semaphore, #tpu.memory_space<semaphore_mem>>) src(%dma_wait3A_300 : memref<40x128xf32, #tpu.memory_space<vmem>>) dst(%dma_wait3A_297 : memref<40x128xf32, #tpu.memory_space<vmem_shared>>)
    %add3A_301 = arith.constant 320 : i32
    %add3A_302 = arith.addi %mul3A_8, %add3A_301 : i32
    %dma_wait3A_303 = arith.constant 0 : i32
    %dma_wait3A_304 = arith.constant 0 : i32
    %dma_wait3A_305 = tpu.memref_slice %arg11[%dma_wait3A_303, %dma_wait3A_304] : memref<40x128xf32, #tpu.memory_space<vmem>> -> memref<40x128xf32, #tpu.memory_space<vmem>>
    %dma_wait3A_306 = arith.constant 0 : i32
    %dma_wait3A_307 = tpu.memref_slice %arg7[%add3A_302, %dma_wait3A_306] : memref<10000x128xf32, #tpu.memory_space<vmem_shared>> -> memref<40x128xf32, #tpu.memory_space<vmem_shared>>
    %dma_wait3A_308 = arith.constant 0 : i32
    %dma_wait3A_309 = tpu.memref_slice %arg7[%add3A_302, %dma_wait3A_308] : memref<10000x128xf32, #tpu.memory_space<vmem_shared>> -> memref<40x128xf32, #tpu.memory_space<vmem_shared>>
    %dma_wait3A_310 = arith.constant 0 : i32
    %dma_wait3A_311 = arith.constant 0 : i32
    %dma_wait3A_312 = tpu.memref_slice %arg11[%dma_wait3A_310, %dma_wait3A_311] : memref<40x128xf32, #tpu.memory_space<vmem>> -> memref<40x128xf32, #tpu.memory_space<vmem>>
    tpu.wait_dma2 semaphore(%arg19 : memref<!tpu.dma_semaphore, #tpu.memory_space<semaphore_mem>>) src(%dma_wait3A_312 : memref<40x128xf32, #tpu.memory_space<vmem>>) dst(%dma_wait3A_309 : memref<40x128xf32, #tpu.memory_space<vmem_shared>>)
    %add3A_313 = arith.constant 360 : i32
    %add3A_314 = arith.addi %mul3A_8, %add3A_313 : i32
    %dma_wait3A_315 = arith.constant 0 : i32
    %dma_wait3A_316 = arith.constant 0 : i32
    %dma_wait3A_317 = tpu.memref_slice %arg11[%dma_wait3A_315, %dma_wait3A_316] : memref<40x128xf32, #tpu.memory_space<vmem>> -> memref<40x128xf32, #tpu.memory_space<vmem>>
    %dma_wait3A_318 = arith.constant 0 : i32
    %dma_wait3A_319 = tpu.memref_slice %arg7[%add3A_314, %dma_wait3A_318] : memref<10000x128xf32, #tpu.memory_space<vmem_shared>> -> memref<40x128xf32, #tpu.memory_space<vmem_shared>>
    %dma_wait3A_320 = arith.constant 0 : i32
    %dma_wait3A_321 = tpu.memref_slice %arg7[%add3A_314, %dma_wait3A_320] : memref<10000x128xf32, #tpu.memory_space<vmem_shared>> -> memref<40x128xf32, #tpu.memory_space<vmem_shared>>
    %dma_wait3A_322 = arith.constant 0 : i32
    %dma_wait3A_323 = arith.constant 0 : i32
    %dma_wait3A_324 = tpu.memref_slice %arg11[%dma_wait3A_322, %dma_wait3A_323] : memref<40x128xf32, #tpu.memory_space<vmem>> -> memref<40x128xf32, #tpu.memory_space<vmem>>
    tpu.wait_dma2 semaphore(%arg20 : memref<!tpu.dma_semaphore, #tpu.memory_space<semaphore_mem>>) src(%dma_wait3A_324 : memref<40x128xf32, #tpu.memory_space<vmem>>) dst(%dma_wait3A_321 : memref<40x128xf32, #tpu.memory_space<vmem_shared>>)
    %add3A_325 = arith.constant 400 : i32
    %add3A_326 = arith.addi %mul3A_8, %add3A_325 : i32
    %dma_wait3A_327 = arith.constant 0 : i32
    %dma_wait3A_328 = arith.constant 0 : i32
    %dma_wait3A_329 = tpu.memref_slice %arg11[%dma_wait3A_327, %dma_wait3A_328] : memref<40x128xf32, #tpu.memory_space<vmem>> -> memref<40x128xf32, #tpu.memory_space<vmem>>
    %dma_wait3A_330 = arith.constant 0 : i32
    %dma_wait3A_331 = tpu.memref_slice %arg7[%add3A_326, %dma_wait3A_330] : memref<10000x128xf32, #tpu.memory_space<vmem_shared>> -> memref<40x128xf32, #tpu.memory_space<vmem_shared>>
    %dma_wait3A_332 = arith.constant 0 : i32
    %dma_wait3A_333 = tpu.memref_slice %arg7[%add3A_326, %dma_wait3A_332] : memref<10000x128xf32, #tpu.memory_space<vmem_shared>> -> memref<40x128xf32, #tpu.memory_space<vmem_shared>>
    %dma_wait3A_334 = arith.constant 0 : i32
    %dma_wait3A_335 = arith.constant 0 : i32
    %dma_wait3A_336 = tpu.memref_slice %arg11[%dma_wait3A_334, %dma_wait3A_335] : memref<40x128xf32, #tpu.memory_space<vmem>> -> memref<40x128xf32, #tpu.memory_space<vmem>>
    tpu.wait_dma2 semaphore(%arg21 : memref<!tpu.dma_semaphore, #tpu.memory_space<semaphore_mem>>) src(%dma_wait3A_336 : memref<40x128xf32, #tpu.memory_space<vmem>>) dst(%dma_wait3A_333 : memref<40x128xf32, #tpu.memory_space<vmem_shared>>)
    %add3A_337 = arith.constant 440 : i32
    %add3A_338 = arith.addi %mul3A_8, %add3A_337 : i32
    %dma_wait3A_339 = arith.constant 0 : i32
    %dma_wait3A_340 = arith.constant 0 : i32
    %dma_wait3A_341 = tpu.memref_slice %arg11[%dma_wait3A_339, %dma_wait3A_340] : memref<40x128xf32, #tpu.memory_space<vmem>> -> memref<40x128xf32, #tpu.memory_space<vmem>>
    %dma_wait3A_342 = arith.constant 0 : i32
    %dma_wait3A_343 = tpu.memref_slice %arg7[%add3A_338, %dma_wait3A_342] : memref<10000x128xf32, #tpu.memory_space<vmem_shared>> -> memref<40x128xf32, #tpu.memory_space<vmem_shared>>
    %dma_wait3A_344 = arith.constant 0 : i32
    %dma_wait3A_345 = tpu.memref_slice %arg7[%add3A_338, %dma_wait3A_344] : memref<10000x128xf32, #tpu.memory_space<vmem_shared>> -> memref<40x128xf32, #tpu.memory_space<vmem_shared>>
    %dma_wait3A_346 = arith.constant 0 : i32
    %dma_wait3A_347 = arith.constant 0 : i32
    %dma_wait3A_348 = tpu.memref_slice %arg11[%dma_wait3A_346, %dma_wait3A_347] : memref<40x128xf32, #tpu.memory_space<vmem>> -> memref<40x128xf32, #tpu.memory_space<vmem>>
    tpu.wait_dma2 semaphore(%arg22 : memref<!tpu.dma_semaphore, #tpu.memory_space<semaphore_mem>>) src(%dma_wait3A_348 : memref<40x128xf32, #tpu.memory_space<vmem>>) dst(%dma_wait3A_345 : memref<40x128xf32, #tpu.memory_space<vmem_shared>>)
    %add3A_349 = arith.constant 480 : i32
    %add3A_350 = arith.addi %mul3A_8, %add3A_349 : i32
    %dma_wait3A_351 = arith.constant 0 : i32
    %dma_wait3A_352 = arith.constant 0 : i32
    %dma_wait3A_353 = tpu.memref_slice %arg11[%dma_wait3A_351, %dma_wait3A_352] : memref<40x128xf32, #tpu.memory_space<vmem>> -> memref<40x128xf32, #tpu.memory_space<vmem>>
    %dma_wait3A_354 = arith.constant 0 : i32
    %dma_wait3A_355 = tpu.memref_slice %arg7[%add3A_350, %dma_wait3A_354] : memref<10000x128xf32, #tpu.memory_space<vmem_shared>> -> memref<40x128xf32, #tpu.memory_space<vmem_shared>>
    %dma_wait3A_356 = arith.constant 0 : i32
    %dma_wait3A_357 = tpu.memref_slice %arg7[%add3A_350, %dma_wait3A_356] : memref<10000x128xf32, #tpu.memory_space<vmem_shared>> -> memref<40x128xf32, #tpu.memory_space<vmem_shared>>
    %dma_wait3A_358 = arith.constant 0 : i32
    %dma_wait3A_359 = arith.constant 0 : i32
    %dma_wait3A_360 = tpu.memref_slice %arg11[%dma_wait3A_358, %dma_wait3A_359] : memref<40x128xf32, #tpu.memory_space<vmem>> -> memref<40x128xf32, #tpu.memory_space<vmem>>
    tpu.wait_dma2 semaphore(%arg19 : memref<!tpu.dma_semaphore, #tpu.memory_space<semaphore_mem>>) src(%dma_wait3A_360 : memref<40x128xf32, #tpu.memory_space<vmem>>) dst(%dma_wait3A_357 : memref<40x128xf32, #tpu.memory_space<vmem_shared>>)
    %add3A_361 = arith.constant 520 : i32
    %add3A_362 = arith.addi %mul3A_8, %add3A_361 : i32
    %dma_wait3A_363 = arith.constant 0 : i32
    %dma_wait3A_364 = arith.constant 0 : i32
    %dma_wait3A_365 = tpu.memref_slice %arg11[%dma_wait3A_363, %dma_wait3A_364] : memref<40x128xf32, #tpu.memory_space<vmem>> -> memref<40x128xf32, #tpu.memory_space<vmem>>
    %dma_wait3A_366 = arith.constant 0 : i32
    %dma_wait3A_367 = tpu.memref_slice %arg7[%add3A_362, %dma_wait3A_366] : memref<10000x128xf32, #tpu.memory_space<vmem_shared>> -> memref<40x128xf32, #tpu.memory_space<vmem_shared>>
    %dma_wait3A_368 = arith.constant 0 : i32
    %dma_wait3A_369 = tpu.memref_slice %arg7[%add3A_362, %dma_wait3A_368] : memref<10000x128xf32, #tpu.memory_space<vmem_shared>> -> memref<40x128xf32, #tpu.memory_space<vmem_shared>>
    %dma_wait3A_370 = arith.constant 0 : i32
    %dma_wait3A_371 = arith.constant 0 : i32
    %dma_wait3A_372 = tpu.memref_slice %arg11[%dma_wait3A_370, %dma_wait3A_371] : memref<40x128xf32, #tpu.memory_space<vmem>> -> memref<40x128xf32, #tpu.memory_space<vmem>>
    tpu.wait_dma2 semaphore(%arg20 : memref<!tpu.dma_semaphore, #tpu.memory_space<semaphore_mem>>) src(%dma_wait3A_372 : memref<40x128xf32, #tpu.memory_space<vmem>>) dst(%dma_wait3A_369 : memref<40x128xf32, #tpu.memory_space<vmem_shared>>)
    %add3A_373 = arith.constant 560 : i32
    %add3A_374 = arith.addi %mul3A_8, %add3A_373 : i32
    %dma_wait3A_375 = arith.constant 0 : i32
    %dma_wait3A_376 = arith.constant 0 : i32
    %dma_wait3A_377 = tpu.memref_slice %arg11[%dma_wait3A_375, %dma_wait3A_376] : memref<40x128xf32, #tpu.memory_space<vmem>> -> memref<40x128xf32, #tpu.memory_space<vmem>>
    %dma_wait3A_378 = arith.constant 0 : i32
    %dma_wait3A_379 = tpu.memref_slice %arg7[%add3A_374, %dma_wait3A_378] : memref<10000x128xf32, #tpu.memory_space<vmem_shared>> -> memref<40x128xf32, #tpu.memory_space<vmem_shared>>
    %dma_wait3A_380 = arith.constant 0 : i32
    %dma_wait3A_381 = tpu.memref_slice %arg7[%add3A_374, %dma_wait3A_380] : memref<10000x128xf32, #tpu.memory_space<vmem_shared>> -> memref<40x128xf32, #tpu.memory_space<vmem_shared>>
    %dma_wait3A_382 = arith.constant 0 : i32
    %dma_wait3A_383 = arith.constant 0 : i32
    %dma_wait3A_384 = tpu.memref_slice %arg11[%dma_wait3A_382, %dma_wait3A_383] : memref<40x128xf32, #tpu.memory_space<vmem>> -> memref<40x128xf32, #tpu.memory_space<vmem>>
    tpu.wait_dma2 semaphore(%arg21 : memref<!tpu.dma_semaphore, #tpu.memory_space<semaphore_mem>>) src(%dma_wait3A_384 : memref<40x128xf32, #tpu.memory_space<vmem>>) dst(%dma_wait3A_381 : memref<40x128xf32, #tpu.memory_space<vmem_shared>>)
    %add3A_385 = arith.constant 600 : i32
    %add3A_386 = arith.addi %mul3A_8, %add3A_385 : i32
    %dma_wait3A_387 = arith.constant 0 : i32
    %dma_wait3A_388 = arith.constant 0 : i32
    %dma_wait3A_389 = tpu.memref_slice %arg11[%dma_wait3A_387, %dma_wait3A_388] : memref<40x128xf32, #tpu.memory_space<vmem>> -> memref<25x128xf32, #tpu.memory_space<vmem>>
    %dma_wait3A_390 = arith.constant 0 : i32
    %dma_wait3A_391 = tpu.memref_slice %arg7[%add3A_386, %dma_wait3A_390] : memref<10000x128xf32, #tpu.memory_space<vmem_shared>> -> memref<25x128xf32, #tpu.memory_space<vmem_shared>>
    %dma_wait3A_392 = arith.constant 0 : i32
    %dma_wait3A_393 = tpu.memref_slice %arg7[%add3A_386, %dma_wait3A_392] : memref<10000x128xf32, #tpu.memory_space<vmem_shared>> -> memref<25x128xf32, #tpu.memory_space<vmem_shared>>
    %dma_wait3A_394 = arith.constant 0 : i32
    %dma_wait3A_395 = arith.constant 0 : i32
    %dma_wait3A_396 = tpu.memref_slice %arg11[%dma_wait3A_394, %dma_wait3A_395] : memref<40x128xf32, #tpu.memory_space<vmem>> -> memref<25x128xf32, #tpu.memory_space<vmem>>
    tpu.wait_dma2 semaphore(%arg22 : memref<!tpu.dma_semaphore, #tpu.memory_space<semaphore_mem>>) src(%dma_wait3A_396 : memref<25x128xf32, #tpu.memory_space<vmem>>) dst(%dma_wait3A_393 : memref<25x128xf32, #tpu.memory_space<vmem_shared>>)
    %barrier3A = arith.constant 0 : index
    tpu.barrier barrier_id(%barrier3A)
    %dma_start3A_397 = arith.constant 0 : i32
    %dma_start3A_398 = arith.constant 0 : i32
    %dma_start3A_399 = tpu.memref_slice %arg8[%dma_start3A_397, %dma_start3A_398] : memref<250x40xi32, #tpu.memory_space<vmem>> -> memref<1x40xi32, #tpu.memory_space<vmem>>
    %dma_start3A_400 = tpu.memref_squeeze %dma_start3A_399 : memref<1x40xi32, #tpu.memory_space<vmem>> -> memref<40xi32, #tpu.memory_space<vmem>>
    %dma_start3A_401 = arith.constant 0 : i32
    %dma_start3A_402 = arith.constant 0 : i32
    %dma_start3A_403 = tpu.memref_slice %arg5[%dma_start3A_401, %dma_start3A_402] : memref<10000x128xf32, #tpu.memory_space<hbm>> -> memref<10000x128xf32, #tpu.memory_space<hbm>>
    tpu.enqueue_indirect_dma source(%dma_start3A_403 : memref<10000x128xf32, #tpu.memory_space<hbm>>) target(%arg11 : memref<40x128xf32, #tpu.memory_space<vmem>>) offsets(%dma_start3A_400 : memref<40xi32, #tpu.memory_space<vmem>>) semaphore(%arg15 : memref<!tpu.dma_semaphore, #tpu.memory_space<semaphore_mem>>)
    %dma_start3A_404 = arith.constant 1 : i32
    %dma_start3A_405 = arith.constant 0 : i32
    %dma_start3A_406 = tpu.memref_slice %arg8[%dma_start3A_404, %dma_start3A_405] : memref<250x40xi32, #tpu.memory_space<vmem>> -> memref<1x40xi32, #tpu.memory_space<vmem>>
    %dma_start3A_407 = tpu.memref_squeeze %dma_start3A_406 : memref<1x40xi32, #tpu.memory_space<vmem>> -> memref<40xi32, #tpu.memory_space<vmem>>
    %dma_start3A_408 = arith.constant 0 : i32
    %dma_start3A_409 = arith.constant 0 : i32
    %dma_start3A_410 = tpu.memref_slice %arg5[%dma_start3A_408, %dma_start3A_409] : memref<10000x128xf32, #tpu.memory_space<hbm>> -> memref<10000x128xf32, #tpu.memory_space<hbm>>
    tpu.enqueue_indirect_dma source(%dma_start3A_410 : memref<10000x128xf32, #tpu.memory_space<hbm>>) target(%arg12 : memref<40x128xf32, #tpu.memory_space<vmem>>) offsets(%dma_start3A_407 : memref<40xi32, #tpu.memory_space<vmem>>) semaphore(%arg16 : memref<!tpu.dma_semaphore, #tpu.memory_space<semaphore_mem>>)
    %dma_start3A_411 = arith.constant 2 : i32
    %dma_start3A_412 = arith.constant 0 : i32
    %dma_start3A_413 = tpu.memref_slice %arg8[%dma_start3A_411, %dma_start3A_412] : memref<250x40xi32, #tpu.memory_space<vmem>> -> memref<1x40xi32, #tpu.memory_space<vmem>>
    %dma_start3A_414 = tpu.memref_squeeze %dma_start3A_413 : memref<1x40xi32, #tpu.memory_space<vmem>> -> memref<40xi32, #tpu.memory_space<vmem>>
    %dma_start3A_415 = arith.constant 0 : i32
    %dma_start3A_416 = arith.constant 0 : i32
    %dma_start3A_417 = tpu.memref_slice %arg5[%dma_start3A_415, %dma_start3A_416] : memref<10000x128xf32, #tpu.memory_space<hbm>> -> memref<10000x128xf32, #tpu.memory_space<hbm>>
    tpu.enqueue_indirect_dma source(%dma_start3A_417 : memref<10000x128xf32, #tpu.memory_space<hbm>>) target(%arg13 : memref<40x128xf32, #tpu.memory_space<vmem>>) offsets(%dma_start3A_414 : memref<40xi32, #tpu.memory_space<vmem>>) semaphore(%arg17 : memref<!tpu.dma_semaphore, #tpu.memory_space<semaphore_mem>>)
    %dma_wait3A_418 = arith.constant 0 : i32
    %dma_wait3A_419 = arith.constant 0 : i32
    %dma_wait3A_420 = tpu.memref_slice %arg8[%dma_wait3A_418, %dma_wait3A_419] : memref<250x40xi32, #tpu.memory_space<vmem>> -> memref<1x40xi32, #tpu.memory_space<vmem>>
    %dma_wait3A_421 = tpu.memref_squeeze %dma_wait3A_420 : memref<1x40xi32, #tpu.memory_space<vmem>> -> memref<40xi32, #tpu.memory_space<vmem>>
    %dma_wait3A_422 = arith.constant 0 : i32
    %dma_wait3A_423 = arith.constant 0 : i32
    %dma_wait3A_424 = tpu.memref_slice %arg5[%dma_wait3A_422, %dma_wait3A_423] : memref<10000x128xf32, #tpu.memory_space<hbm>> -> memref<10000x128xf32, #tpu.memory_space<hbm>>
    tpu.wait_indirect_dma semaphore(%arg15 : memref<!tpu.dma_semaphore, #tpu.memory_space<semaphore_mem>>) src(%dma_wait3A_424 : memref<10000x128xf32, #tpu.memory_space<hbm>>) dst(%arg11 : memref<40x128xf32, #tpu.memory_space<vmem>>)
    %parallel_loop3A = arith.constant 0 : i32
    %parallel_loop3A_425 = arith.constant 40 : i32
    %parallel_loop3A_426 = arith.constant 1 : i32
    scf.for %parallel_loop3A_482 = %parallel_loop3A to %parallel_loop3A_425 step %parallel_loop3A_426  : i32 {
      %parallel_loop3A_483 = arith.constant 0 : i32
      %parallel_loop3A_484 = arith.addi %parallel_loop3A_483, %parallel_loop3A_482 : i32
      %parallel_loop3A_485 = vector.broadcast %parallel_loop3A_484 : i32 to vector<16xi32>
      %parallel_loop3A_486 = tpu.vector_load_idx %arg10[%parallel_loop3A_485] : memref<10000xf32, #tpu.memory_space<vmem>>[vector<16xi32>], vector<16xf32>,
      %parallel_loop3A_487 = arith.index_cast %parallel_loop3A_482 : i32 to index
      %parallel_loop3A_488 = arith.constant 0 : index
      %parallel_loop3A_489 = tpu.vector_load %arg11[%parallel_loop3A_487, %parallel_loop3A_488] {strides = array<i32>} : memref<40x128xf32, #tpu.memory_space<vmem>>, vector<16xf32>,
      %parallel_loop3A_490 = arith.mulf %parallel_loop3A_489, %parallel_loop3A_486 : vector<16xf32>
      %parallel_loop3A_491 = arith.index_cast %parallel_loop3A_482 : i32 to index
      %parallel_loop3A_492 = arith.constant 0 : index
      %parallel_loop3A_493 = tpu.vector_load %arg11[%parallel_loop3A_491, %parallel_loop3A_492] {strides = array<i32>} : memref<40x128xf32, #tpu.memory_space<vmem>>, vector<16xf32>,
      tpu.vector_store %arg11[%parallel_loop3A_491, %parallel_loop3A_492], %parallel_loop3A_490 {strides = array<i32>} : memref<40x128xf32, #tpu.memory_space<vmem>>, vector<16xf32>,
      %parallel_loop3A_494 = arith.index_cast %parallel_loop3A_482 : i32 to index
      %parallel_loop3A_495 = arith.constant 16 : index
      %parallel_loop3A_496 = tpu.vector_load %arg11[%parallel_loop3A_494, %parallel_loop3A_495] {strides = array<i32>} : memref<40x128xf32, #tpu.memory_space<vmem>>, vector<16xf32>,
      %parallel_loop3A_497 = arith.mulf %parallel_loop3A_496, %parallel_loop3A_486 : vector<16xf32>
      %parallel_loop3A_498 = arith.index_cast %parallel_loop3A_482 : i32 to index
      %parallel_loop3A_499 = arith.constant 16 : index
      %parallel_loop3A_500 = tpu.vector_load %arg11[%parallel_loop3A_498, %parallel_loop3A_499] {strides = array<i32>} : memref<40x128xf32, #tpu.memory_space<vmem>>, vector<16xf32>,
      tpu.vector_store %arg11[%parallel_loop3A_498, %parallel_loop3A_499], %parallel_loop3A_497 {strides = array<i32>} : memref<40x128xf32, #tpu.memory_space<vmem>>, vector<16xf32>,
      %parallel_loop3A_501 = arith.index_cast %parallel_loop3A_482 : i32 to index
      %parallel_loop3A_502 = arith.constant 32 : index
      %parallel_loop3A_503 = tpu.vector_load %arg11[%parallel_loop3A_501, %parallel_loop3A_502] {strides = array<i32>} : memref<40x128xf32, #tpu.memory_space<vmem>>, vector<16xf32>,
      %parallel_loop3A_504 = arith.mulf %parallel_loop3A_503, %parallel_loop3A_486 : vector<16xf32>
      %parallel_loop3A_505 = arith.index_cast %parallel_loop3A_482 : i32 to index
      %parallel_loop3A_506 = arith.constant 32 : index
      %parallel_loop3A_507 = tpu.vector_load %arg11[%parallel_loop3A_505, %parallel_loop3A_506] {strides = array<i32>} : memref<40x128xf32, #tpu.memory_space<vmem>>, vector<16xf32>,
      tpu.vector_store %arg11[%parallel_loop3A_505, %parallel_loop3A_506], %parallel_loop3A_504 {strides = array<i32>} : memref<40x128xf32, #tpu.memory_space<vmem>>, vector<16xf32>,
      %parallel_loop3A_508 = arith.index_cast %parallel_loop3A_482 : i32 to index
      %parallel_loop3A_509 = arith.constant 48 : index
      %parallel_loop3A_510 = tpu.vector_load %arg11[%parallel_loop3A_508, %parallel_loop3A_509] {strides = array<i32>} : memref<40x128xf32, #tpu.memory_space<vmem>>, vector<16xf32>,
      %parallel_loop3A_511 = arith.mulf %parallel_loop3A_510, %parallel_loop3A_486 : vector<16xf32>
      %parallel_loop3A_512 = arith.index_cast %parallel_loop3A_482 : i32 to index
      %parallel_loop3A_513 = arith.constant 48 : index
      %parallel_loop3A_514 = tpu.vector_load %arg11[%parallel_loop3A_512, %parallel_loop3A_513] {strides = array<i32>} : memref<40x128xf32, #tpu.memory_space<vmem>>, vector<16xf32>,
      tpu.vector_store %arg11[%parallel_loop3A_512, %parallel_loop3A_513], %parallel_loop3A_511 {strides = array<i32>} : memref<40x128xf32, #tpu.memory_space<vmem>>, vector<16xf32>,
      %parallel_loop3A_515 = arith.index_cast %parallel_loop3A_482 : i32 to index
      %parallel_loop3A_516 = arith.constant 64 : index
      %parallel_loop3A_517 = tpu.vector_load %arg11[%parallel_loop3A_515, %parallel_loop3A_516] {strides = array<i32>} : memref<40x128xf32, #tpu.memory_space<vmem>>, vector<16xf32>,
      %parallel_loop3A_518 = arith.mulf %parallel_loop3A_517, %parallel_loop3A_486 : vector<16xf32>
      %parallel_loop3A_519 = arith.index_cast %parallel_loop3A_482 : i32 to index
      %parallel_loop3A_520 = arith.constant 64 : index
      %parallel_loop3A_521 = tpu.vector_load %arg11[%parallel_loop3A_519, %parallel_loop3A_520] {strides = array<i32>} : memref<40x128xf32, #tpu.memory_space<vmem>>, vector<16xf32>,
      tpu.vector_store %arg11[%parallel_loop3A_519, %parallel_loop3A_520], %parallel_loop3A_518 {strides = array<i32>} : memref<40x128xf32, #tpu.memory_space<vmem>>, vector<16xf32>,
      %parallel_loop3A_522 = arith.index_cast %parallel_loop3A_482 : i32 to index
      %parallel_loop3A_523 = arith.constant 80 : index
      %parallel_loop3A_524 = tpu.vector_load %arg11[%parallel_loop3A_522, %parallel_loop3A_523] {strides = array<i32>} : memref<40x128xf32, #tpu.memory_space<vmem>>, vector<16xf32>,
      %parallel_loop3A_525 = arith.mulf %parallel_loop3A_524, %parallel_loop3A_486 : vector<16xf32>
      %parallel_loop3A_526 = arith.index_cast %parallel_loop3A_482 : i32 to index
      %parallel_loop3A_527 = arith.constant 80 : index
      %parallel_loop3A_528 = tpu.vector_load %arg11[%parallel_loop3A_526, %parallel_loop3A_527] {strides = array<i32>} : memref<40x128xf32, #tpu.memory_space<vmem>>, vector<16xf32>,
      tpu.vector_store %arg11[%parallel_loop3A_526, %parallel_loop3A_527], %parallel_loop3A_525 {strides = array<i32>} : memref<40x128xf32, #tpu.memory_space<vmem>>, vector<16xf32>,
      %parallel_loop3A_529 = arith.index_cast %parallel_loop3A_482 : i32 to index
      %parallel_loop3A_530 = arith.constant 96 : index
      %parallel_loop3A_531 = tpu.vector_load %arg11[%parallel_loop3A_529, %parallel_loop3A_530] {strides = array<i32>} : memref<40x128xf32, #tpu.memory_space<vmem>>, vector<16xf32>,
      %parallel_loop3A_532 = arith.mulf %parallel_loop3A_531, %parallel_loop3A_486 : vector<16xf32>
      %parallel_loop3A_533 = arith.index_cast %parallel_loop3A_482 : i32 to index
      %parallel_loop3A_534 = arith.constant 96 : index
      %parallel_loop3A_535 = tpu.vector_load %arg11[%parallel_loop3A_533, %parallel_loop3A_534] {strides = array<i32>} : memref<40x128xf32, #tpu.memory_space<vmem>>, vector<16xf32>,
      tpu.vector_store %arg11[%parallel_loop3A_533, %parallel_loop3A_534], %parallel_loop3A_532 {strides = array<i32>} : memref<40x128xf32, #tpu.memory_space<vmem>>, vector<16xf32>,
      %parallel_loop3A_536 = arith.index_cast %parallel_loop3A_482 : i32 to index
      %parallel_loop3A_537 = arith.constant 112 : index
      %parallel_loop3A_538 = tpu.vector_load %arg11[%parallel_loop3A_536, %parallel_loop3A_537] {strides = array<i32>} : memref<40x128xf32, #tpu.memory_space<vmem>>, vector<16xf32>,
      %parallel_loop3A_539 = arith.mulf %parallel_loop3A_538, %parallel_loop3A_486 : vector<16xf32>
      %parallel_loop3A_540 = arith.index_cast %parallel_loop3A_482 : i32 to index
      %parallel_loop3A_541 = arith.constant 112 : index
      %parallel_loop3A_542 = tpu.vector_load %arg11[%parallel_loop3A_540, %parallel_loop3A_541] {strides = array<i32>} : memref<40x128xf32, #tpu.memory_space<vmem>>, vector<16xf32>,
      tpu.vector_store %arg11[%parallel_loop3A_540, %parallel_loop3A_541], %parallel_loop3A_539 {strides = array<i32>} : memref<40x128xf32, #tpu.memory_space<vmem>>, vector<16xf32>,
    } {sc.loop_unroll_factor = 4 : i64, sc.parallel_access}
    %dma_start3A_427 = arith.constant 0 : i32
    %dma_start3A_428 = arith.constant 0 : i32
    %dma_start3A_429 = tpu.memref_slice %arg9[%dma_start3A_427, %dma_start3A_428] : memref<250x40xi32, #tpu.memory_space<vmem>> -> memref<1x40xi32, #tpu.memory_space<vmem>>
    %dma_start3A_430 = tpu.memref_squeeze %dma_start3A_429 : memref<1x40xi32, #tpu.memory_space<vmem>> -> memref<40xi32, #tpu.memory_space<vmem>>
    %dma_start3A_431 = arith.constant 0 : i32
    %dma_start3A_432 = arith.constant 0 : i32
    %dma_start3A_433 = tpu.memref_slice %arg7[%dma_start3A_431, %dma_start3A_432] : memref<10000x128xf32, #tpu.memory_space<vmem_shared>> -> memref<10000x128xf32, #tpu.memory_space<vmem_shared>>
    tpu.enqueue_indirect_dma source(%arg11 : memref<40x128xf32, #tpu.memory_space<vmem>>) target(%dma_start3A_433 : memref<10000x128xf32, #tpu.memory_space<vmem_shared>>) offsets(%dma_start3A_430 : memref<40xi32, #tpu.memory_space<vmem>>) semaphore(%arg19 : memref<!tpu.dma_semaphore, #tpu.memory_space<semaphore_mem>>) {add = true}
    %dma_start3A_434 = arith.constant 3 : i32
    %dma_start3A_435 = arith.constant 0 : i32
    %dma_start3A_436 = tpu.memref_slice %arg8[%dma_start3A_434, %dma_start3A_435] : memref<250x40xi32, #tpu.memory_space<vmem>> -> memref<1x40xi32, #tpu.memory_space<vmem>>
    %dma_start3A_437 = tpu.memref_squeeze %dma_start3A_436 : memref<1x40xi32, #tpu.memory_space<vmem>> -> memref<40xi32, #tpu.memory_space<vmem>>
    %dma_start3A_438 = arith.constant 0 : i32
    %dma_start3A_439 = arith.constant 0 : i32
    %dma_start3A_440 = tpu.memref_slice %arg5[%dma_start3A_438, %dma_start3A_439] : memref<10000x128xf32, #tpu.memory_space<hbm>> -> memref<10000x128xf32, #tpu.memory_space<hbm>>
    tpu.enqueue_indirect_dma source(%dma_start3A_440 : memref<10000x128xf32, #tpu.memory_space<hbm>>) target(%arg14 : memref<40x128xf32, #tpu.memory_space<vmem>>) offsets(%dma_start3A_437 : memref<40xi32, #tpu.memory_space<vmem>>) semaphore(%arg18 : memref<!tpu.dma_semaphore, #tpu.memory_space<semaphore_mem>>)
    %dma_wait3A_441 = arith.constant 1 : i32
    %dma_wait3A_442 = arith.constant 0 : i32
    %dma_wait3A_443 = tpu.memref_slice %arg8[%dma_wait3A_441, %dma_wait3A_442] : memref<250x40xi32, #tpu.memory_space<vmem>> -> memref<1x40xi32, #tpu.memory_space<vmem>>
    %dma_wait3A_444 = tpu.memref_squeeze %dma_wait3A_443 : memref<1x40xi32, #tpu.memory_space<vmem>> -> memref<40xi32, #tpu.memory_space<vmem>>
    %dma_wait3A_445 = arith.constant 0 : i32
    %dma_wait3A_446 = arith.constant 0 : i32
    %dma_wait3A_447 = tpu.memref_slice %arg5[%dma_wait3A_445, %dma_wait3A_446] : memref<10000x128xf32, #tpu.memory_space<hbm>> -> memref<10000x128xf32, #tpu.memory_space<hbm>>
    tpu.wait_indirect_dma semaphore(%arg16 : memref<!tpu.dma_semaphore, #tpu.memory_space<semaphore_mem>>) src(%dma_wait3A_447 : memref<10000x128xf32, #tpu.memory_space<hbm>>) dst(%arg12 : memref<40x128xf32, #tpu.memory_space<vmem>>)
    %parallel_loop3A_448 = arith.constant 0 : i32
    %parallel_loop3A_449 = arith.constant 40 : i32
    %parallel_loop3A_450 = arith.constant 1 : i32
    scf.for %parallel_loop3A_482 = %parallel_loop3A_448 to %parallel_loop3A_449 step %parallel_loop3A_450  : i32 {
      %parallel_loop3A_483 = arith.constant 40 : i32
      %parallel_loop3A_484 = arith.addi %parallel_loop3A_483, %parallel_loop3A_482 : i32
      %parallel_loop3A_485 = vector.broadcast %parallel_loop3A_484 : i32 to vector<16xi32>
      %parallel_loop3A_486 = tpu.vector_load_idx %arg10[%parallel_loop3A_485] : memref<10000xf32, #tpu.memory_space<vmem>>[vector<16xi32>], vector<16xf32>,
      %parallel_loop3A_487 = arith.index_cast %parallel_loop3A_482 : i32 to index
      %parallel_loop3A_488 = arith.constant 0 : index
      %parallel_loop3A_489 = tpu.vector_load %arg12[%parallel_loop3A_487, %parallel_loop3A_488] {strides = array<i32>} : memref<40x128xf32, #tpu.memory_space<vmem>>, vector<16xf32>,
      %parallel_loop3A_490 = arith.mulf %parallel_loop3A_489, %parallel_loop3A_486 : vector<16xf32>
      %parallel_loop3A_491 = arith.index_cast %parallel_loop3A_482 : i32 to index
      %parallel_loop3A_492 = arith.constant 0 : index
      %parallel_loop3A_493 = tpu.vector_load %arg12[%parallel_loop3A_491, %parallel_loop3A_492] {strides = array<i32>} : memref<40x128xf32, #tpu.memory_space<vmem>>, vector<16xf32>,
      tpu.vector_store %arg12[%parallel_loop3A_491, %parallel_loop3A_492], %parallel_loop3A_490 {strides = array<i32>} : memref<40x128xf32, #tpu.memory_space<vmem>>, vector<16xf32>,
      %parallel_loop3A_494 = arith.index_cast %parallel_loop3A_482 : i32 to index
      %parallel_loop3A_495 = arith.constant 16 : index
      %parallel_loop3A_496 = tpu.vector_load %arg12[%parallel_loop3A_494, %parallel_loop3A_495] {strides = array<i32>} : memref<40x128xf32, #tpu.memory_space<vmem>>, vector<16xf32>,
      %parallel_loop3A_497 = arith.mulf %parallel_loop3A_496, %parallel_loop3A_486 : vector<16xf32>
      %parallel_loop3A_498 = arith.index_cast %parallel_loop3A_482 : i32 to index
      %parallel_loop3A_499 = arith.constant 16 : index
      %parallel_loop3A_500 = tpu.vector_load %arg12[%parallel_loop3A_498, %parallel_loop3A_499] {strides = array<i32>} : memref<40x128xf32, #tpu.memory_space<vmem>>, vector<16xf32>,
      tpu.vector_store %arg12[%parallel_loop3A_498, %parallel_loop3A_499], %parallel_loop3A_497 {strides = array<i32>} : memref<40x128xf32, #tpu.memory_space<vmem>>, vector<16xf32>,
      %parallel_loop3A_501 = arith.index_cast %parallel_loop3A_482 : i32 to index
      %parallel_loop3A_502 = arith.constant 32 : index
      %parallel_loop3A_503 = tpu.vector_load %arg12[%parallel_loop3A_501, %parallel_loop3A_502] {strides = array<i32>} : memref<40x128xf32, #tpu.memory_space<vmem>>, vector<16xf32>,
      %parallel_loop3A_504 = arith.mulf %parallel_loop3A_503, %parallel_loop3A_486 : vector<16xf32>
      %parallel_loop3A_505 = arith.index_cast %parallel_loop3A_482 : i32 to index
      %parallel_loop3A_506 = arith.constant 32 : index
      %parallel_loop3A_507 = tpu.vector_load %arg12[%parallel_loop3A_505, %parallel_loop3A_506] {strides = array<i32>} : memref<40x128xf32, #tpu.memory_space<vmem>>, vector<16xf32>,
      tpu.vector_store %arg12[%parallel_loop3A_505, %parallel_loop3A_506], %parallel_loop3A_504 {strides = array<i32>} : memref<40x128xf32, #tpu.memory_space<vmem>>, vector<16xf32>,
      %parallel_loop3A_508 = arith.index_cast %parallel_loop3A_482 : i32 to index
      %parallel_loop3A_509 = arith.constant 48 : index
      %parallel_loop3A_510 = tpu.vector_load %arg12[%parallel_loop3A_508, %parallel_loop3A_509] {strides = array<i32>} : memref<40x128xf32, #tpu.memory_space<vmem>>, vector<16xf32>,
      %parallel_loop3A_511 = arith.mulf %parallel_loop3A_510, %parallel_loop3A_486 : vector<16xf32>
      %parallel_loop3A_512 = arith.index_cast %parallel_loop3A_482 : i32 to index
      %parallel_loop3A_513 = arith.constant 48 : index
      %parallel_loop3A_514 = tpu.vector_load %arg12[%parallel_loop3A_512, %parallel_loop3A_513] {strides = array<i32>} : memref<40x128xf32, #tpu.memory_space<vmem>>, vector<16xf32>,
      tpu.vector_store %arg12[%parallel_loop3A_512, %parallel_loop3A_513], %parallel_loop3A_511 {strides = array<i32>} : memref<40x128xf32, #tpu.memory_space<vmem>>, vector<16xf32>,
      %parallel_loop3A_515 = arith.index_cast %parallel_loop3A_482 : i32 to index
      %parallel_loop3A_516 = arith.constant 64 : index
      %parallel_loop3A_517 = tpu.vector_load %arg12[%parallel_loop3A_515, %parallel_loop3A_516] {strides = array<i32>} : memref<40x128xf32, #tpu.memory_space<vmem>>, vector<16xf32>,
      %parallel_loop3A_518 = arith.mulf %parallel_loop3A_517, %parallel_loop3A_486 : vector<16xf32>
      %parallel_loop3A_519 = arith.index_cast %parallel_loop3A_482 : i32 to index
      %parallel_loop3A_520 = arith.constant 64 : index
      %parallel_loop3A_521 = tpu.vector_load %arg12[%parallel_loop3A_519, %parallel_loop3A_520] {strides = array<i32>} : memref<40x128xf32, #tpu.memory_space<vmem>>, vector<16xf32>,
      tpu.vector_store %arg12[%parallel_loop3A_519, %parallel_loop3A_520], %parallel_loop3A_518 {strides = array<i32>} : memref<40x128xf32, #tpu.memory_space<vmem>>, vector<16xf32>,
      %parallel_loop3A_522 = arith.index_cast %parallel_loop3A_482 : i32 to index
      %parallel_loop3A_523 = arith.constant 80 : index
      %parallel_loop3A_524 = tpu.vector_load %arg12[%parallel_loop3A_522, %parallel_loop3A_523] {strides = array<i32>} : memref<40x128xf32, #tpu.memory_space<vmem>>, vector<16xf32>,
      %parallel_loop3A_525 = arith.mulf %parallel_loop3A_524, %parallel_loop3A_486 : vector<16xf32>
      %parallel_loop3A_526 = arith.index_cast %parallel_loop3A_482 : i32 to index
      %parallel_loop3A_527 = arith.constant 80 : index
      %parallel_loop3A_528 = tpu.vector_load %arg12[%parallel_loop3A_526, %parallel_loop3A_527] {strides = array<i32>} : memref<40x128xf32, #tpu.memory_space<vmem>>, vector<16xf32>,
      tpu.vector_store %arg12[%parallel_loop3A_526, %parallel_loop3A_527], %parallel_loop3A_525 {strides = array<i32>} : memref<40x128xf32, #tpu.memory_space<vmem>>, vector<16xf32>,
      %parallel_loop3A_529 = arith.index_cast %parallel_loop3A_482 : i32 to index
      %parallel_loop3A_530 = arith.constant 96 : index
      %parallel_loop3A_531 = tpu.vector_load %arg12[%parallel_loop3A_529, %parallel_loop3A_530] {strides = array<i32>} : memref<40x128xf32, #tpu.memory_space<vmem>>, vector<16xf32>,
      %parallel_loop3A_532 = arith.mulf %parallel_loop3A_531, %parallel_loop3A_486 : vector<16xf32>
      %parallel_loop3A_533 = arith.index_cast %parallel_loop3A_482 : i32 to index
      %parallel_loop3A_534 = arith.constant 96 : index
      %parallel_loop3A_535 = tpu.vector_load %arg12[%parallel_loop3A_533, %parallel_loop3A_534] {strides = array<i32>} : memref<40x128xf32, #tpu.memory_space<vmem>>, vector<16xf32>,
      tpu.vector_store %arg12[%parallel_loop3A_533, %parallel_loop3A_534], %parallel_loop3A_532 {strides = array<i32>} : memref<40x128xf32, #tpu.memory_space<vmem>>, vector<16xf32>,
      %parallel_loop3A_536 = arith.index_cast %parallel_loop3A_482 : i32 to index
      %parallel_loop3A_537 = arith.constant 112 : index
      %parallel_loop3A_538 = tpu.vector_load %arg12[%parallel_loop3A_536, %parallel_loop3A_537] {strides = array<i32>} : memref<40x128xf32, #tpu.memory_space<vmem>>, vector<16xf32>,
      %parallel_loop3A_539 = arith.mulf %parallel_loop3A_538, %parallel_loop3A_486 : vector<16xf32>
      %parallel_loop3A_540 = arith.index_cast %parallel_loop3A_482 : i32 to index
      %parallel_loop3A_541 = arith.constant 112 : index
      %parallel_loop3A_542 = tpu.vector_load %arg12[%parallel_loop3A_540, %parallel_loop3A_541] {strides = array<i32>} : memref<40x128xf32, #tpu.memory_space<vmem>>, vector<16xf32>,
      tpu.vector_store %arg12[%parallel_loop3A_540, %parallel_loop3A_541], %parallel_loop3A_539 {strides = array<i32>} : memref<40x128xf32, #tpu.memory_space<vmem>>, vector<16xf32>,
    } {sc.loop_unroll_factor = 4 : i64, sc.parallel_access}
    %dma_start3A_451 = arith.constant 1 : i32
    %dma_start3A_452 = arith.constant 0 : i32
    %dma_start3A_453 = tpu.memref_slice %arg9[%dma_start3A_451, %dma_start3A_452] : memref<250x40xi32, #tpu.memory_space<vmem>> -> memref<1x40xi32, #tpu.memory_space<vmem>>
    %dma_start3A_454 = tpu.memref_squeeze %dma_start3A_453 : memref<1x40xi32, #tpu.memory_space<vmem>> -> memref<40xi32, #tpu.memory_space<vmem>>
    %dma_start3A_455 = arith.constant 0 : i32
    %dma_start3A_456 = arith.constant 0 : i32
    %dma_start3A_457 = tpu.memref_slice %arg7[%dma_start3A_455, %dma_start3A_456] : memref<10000x128xf32, #tpu.memory_space<vmem_shared>> -> memref<10000x128xf32, #tpu.memory_space<vmem_shared>>
    tpu.enqueue_indirect_dma source(%arg12 : memref<40x128xf32, #tpu.memory_space<vmem>>) target(%dma_start3A_457 : memref<10000x128xf32, #tpu.memory_space<vmem_shared>>) offsets(%dma_start3A_454 : memref<40xi32, #tpu.memory_space<vmem>>) semaphore(%arg20 : memref<!tpu.dma_semaphore, #tpu.memory_space<semaphore_mem>>) {add = true}
    %scan3A_458 = arith.constant 0 : i32
    %scan3A_459 = arith.constant 0 : i32
    %scan3A_460 = arith.constant 62 : i32
    %scan3A_461 = arith.addi %scan3A_459, %scan3A_460 : i32
    %scan3A_462 = arith.constant 1 : i32
    scf.for %scan3A_482 = %scan3A_459 to %scan3A_461 step %scan3A_462  : i32 {
      %mul3A_483 = arith.constant 4 : i32
      %mul3A_484 = arith.muli %mul3A_483, %scan3A_482 : i32
      %add3A_485 = arith.constant 2 : i32
      %add3A_486 = arith.addi %add3A_485, %mul3A_484 : i32
      %add3A_487 = arith.constant 0 : i32
      %add3A_488 = arith.addi %add3A_486, %add3A_487 : i32
      %dma_wait3A_489 = arith.constant 0 : i32
      %dma_wait3A_490 = arith.constant 0 : i32
      %dma_wait3A_491 = tpu.memref_slice %arg9[%dma_wait3A_489, %dma_wait3A_490] : memref<250x40xi32, #tpu.memory_space<vmem>> -> memref<1x40xi32, #tpu.memory_space<vmem>>
      %dma_wait3A_492 = tpu.memref_squeeze %dma_wait3A_491 : memref<1x40xi32, #tpu.memory_space<vmem>> -> memref<40xi32, #tpu.memory_space<vmem>>
      %dma_wait3A_493 = arith.constant 0 : i32
      %dma_wait3A_494 = arith.constant 0 : i32
      %dma_wait3A_495 = tpu.memref_slice %arg7[%dma_wait3A_493, %dma_wait3A_494] : memref<10000x128xf32, #tpu.memory_space<vmem_shared>> -> memref<10000x128xf32, #tpu.memory_space<vmem_shared>>
      tpu.wait_indirect_dma semaphore(%arg19 : memref<!tpu.dma_semaphore, #tpu.memory_space<semaphore_mem>>) src(%arg11 : memref<40x128xf32, #tpu.memory_space<vmem>>) dst(%dma_wait3A_495 : memref<10000x128xf32, #tpu.memory_space<vmem_shared>>)
      %add3A_496 = arith.constant 2 : i32
      %add3A_497 = arith.addi %add3A_488, %add3A_496 : i32
      %lt3A = arith.constant 250 : i32
      %lt3A_498 = arith.cmpi slt, %add3A_497, %lt3A : i32
      %convert_element_type3A = arith.extui %lt3A_498 : i1 to i32
      %cond3A = arith.constant 0 : i32
      %cond3A_499 = arith.cmpi ne, %convert_element_type3A, %cond3A : i32
      scf.if %cond3A_499 {
        %add3A_620 = arith.constant 2 : i32
        %add3A_621 = arith.addi %add3A_488, %add3A_620 : i32
        %dma_start3A_622 = arith.constant 0 : i32
        %dma_start3A_623 = tpu.memref_slice %arg8[%add3A_621, %dma_start3A_622] : memref<250x40xi32, #tpu.memory_space<vmem>> -> memref<1x40xi32, #tpu.memory_space<vmem>>
        %dma_start3A_624 = tpu.memref_squeeze %dma_start3A_623 : memref<1x40xi32, #tpu.memory_space<vmem>> -> memref<40xi32, #tpu.memory_space<vmem>>
        %dma_start3A_625 = arith.constant 0 : i32
        %dma_start3A_626 = arith.constant 0 : i32
        %dma_start3A_627 = tpu.memref_slice %arg5[%dma_start3A_625, %dma_start3A_626] : memref<10000x128xf32, #tpu.memory_space<hbm>> -> memref<10000x128xf32, #tpu.memory_space<hbm>>
        tpu.enqueue_indirect_dma source(%dma_start3A_627 : memref<10000x128xf32, #tpu.memory_space<hbm>>) target(%arg11 : memref<40x128xf32, #tpu.memory_space<vmem>>) offsets(%dma_start3A_624 : memref<40xi32, #tpu.memory_space<vmem>>) semaphore(%arg15 : memref<!tpu.dma_semaphore, #tpu.memory_space<semaphore_mem>>)
      } else {
      }
      %dma_wait3A_500 = arith.constant 0 : i32
      %dma_wait3A_501 = tpu.memref_slice %arg8[%add3A_488, %dma_wait3A_500] : memref<250x40xi32, #tpu.memory_space<vmem>> -> memref<1x40xi32, #tpu.memory_space<vmem>>
      %dma_wait3A_502 = tpu.memref_squeeze %dma_wait3A_501 : memref<1x40xi32, #tpu.memory_space<vmem>> -> memref<40xi32, #tpu.memory_space<vmem>>
      %dma_wait3A_503 = arith.constant 0 : i32
      %dma_wait3A_504 = arith.constant 0 : i32
      %dma_wait3A_505 = tpu.memref_slice %arg5[%dma_wait3A_503, %dma_wait3A_504] : memref<10000x128xf32, #tpu.memory_space<hbm>> -> memref<10000x128xf32, #tpu.memory_space<hbm>>
      tpu.wait_indirect_dma semaphore(%arg17 : memref<!tpu.dma_semaphore, #tpu.memory_space<semaphore_mem>>) src(%dma_wait3A_505 : memref<10000x128xf32, #tpu.memory_space<hbm>>) dst(%arg13 : memref<40x128xf32, #tpu.memory_space<vmem>>)
      %parallel_loop3A_506 = arith.constant 0 : i32
      %parallel_loop3A_507 = arith.constant 40 : i32
      %parallel_loop3A_508 = arith.constant 1 : i32
      scf.for %parallel_loop3A_620 = %parallel_loop3A_506 to %parallel_loop3A_507 step %parallel_loop3A_508  : i32 {
        %parallel_loop3A_621 = arith.constant 40 : i32
        %parallel_loop3A_622 = arith.muli %add3A_488, %parallel_loop3A_621 : i32
        %parallel_loop3A_623 = arith.addi %parallel_loop3A_622, %parallel_loop3A_620 : i32
        %parallel_loop3A_624 = vector.broadcast %parallel_loop3A_623 : i32 to vector<16xi32>
        %parallel_loop3A_625 = tpu.vector_load_idx %arg10[%parallel_loop3A_624] : memref<10000xf32, #tpu.memory_space<vmem>>[vector<16xi32>], vector<16xf32>,
        %parallel_loop3A_626 = arith.index_cast %parallel_loop3A_620 : i32 to index
        %parallel_loop3A_627 = arith.constant 0 : index
        %parallel_loop3A_628 = tpu.vector_load %arg13[%parallel_loop3A_626, %parallel_loop3A_627] {strides = array<i32>} : memref<40x128xf32, #tpu.memory_space<vmem>>, vector<16xf32>,
        %parallel_loop3A_629 = arith.mulf %parallel_loop3A_628, %parallel_loop3A_625 : vector<16xf32>
        %parallel_loop3A_630 = arith.index_cast %parallel_loop3A_620 : i32 to index
        %parallel_loop3A_631 = arith.constant 0 : index
        %parallel_loop3A_632 = tpu.vector_load %arg13[%parallel_loop3A_630, %parallel_loop3A_631] {strides = array<i32>} : memref<40x128xf32, #tpu.memory_space<vmem>>, vector<16xf32>,
        tpu.vector_store %arg13[%parallel_loop3A_630, %parallel_loop3A_631], %parallel_loop3A_629 {strides = array<i32>} : memref<40x128xf32, #tpu.memory_space<vmem>>, vector<16xf32>,
        %parallel_loop3A_633 = arith.index_cast %parallel_loop3A_620 : i32 to index
        %parallel_loop3A_634 = arith.constant 16 : index
        %parallel_loop3A_635 = tpu.vector_load %arg13[%parallel_loop3A_633, %parallel_loop3A_634] {strides = array<i32>} : memref<40x128xf32, #tpu.memory_space<vmem>>, vector<16xf32>,
        %parallel_loop3A_636 = arith.mulf %parallel_loop3A_635, %parallel_loop3A_625 : vector<16xf32>
        %parallel_loop3A_637 = arith.index_cast %parallel_loop3A_620 : i32 to index
        %parallel_loop3A_638 = arith.constant 16 : index
        %parallel_loop3A_639 = tpu.vector_load %arg13[%parallel_loop3A_637, %parallel_loop3A_638] {strides = array<i32>} : memref<40x128xf32, #tpu.memory_space<vmem>>, vector<16xf32>,
        tpu.vector_store %arg13[%parallel_loop3A_637, %parallel_loop3A_638], %parallel_loop3A_636 {strides = array<i32>} : memref<40x128xf32, #tpu.memory_space<vmem>>, vector<16xf32>,
        %parallel_loop3A_640 = arith.index_cast %parallel_loop3A_620 : i32 to index
        %parallel_loop3A_641 = arith.constant 32 : index
        %parallel_loop3A_642 = tpu.vector_load %arg13[%parallel_loop3A_640, %parallel_loop3A_641] {strides = array<i32>} : memref<40x128xf32, #tpu.memory_space<vmem>>, vector<16xf32>,
        %parallel_loop3A_643 = arith.mulf %parallel_loop3A_642, %parallel_loop3A_625 : vector<16xf32>
        %parallel_loop3A_644 = arith.index_cast %parallel_loop3A_620 : i32 to index
        %parallel_loop3A_645 = arith.constant 32 : index
        %parallel_loop3A_646 = tpu.vector_load %arg13[%parallel_loop3A_644, %parallel_loop3A_645] {strides = array<i32>} : memref<40x128xf32, #tpu.memory_space<vmem>>, vector<16xf32>,
        tpu.vector_store %arg13[%parallel_loop3A_644, %parallel_loop3A_645], %parallel_loop3A_643 {strides = array<i32>} : memref<40x128xf32, #tpu.memory_space<vmem>>, vector<16xf32>,
        %parallel_loop3A_647 = arith.index_cast %parallel_loop3A_620 : i32 to index
        %parallel_loop3A_648 = arith.constant 48 : index
        %parallel_loop3A_649 = tpu.vector_load %arg13[%parallel_loop3A_647, %parallel_loop3A_648] {strides = array<i32>} : memref<40x128xf32, #tpu.memory_space<vmem>>, vector<16xf32>,
        %parallel_loop3A_650 = arith.mulf %parallel_loop3A_649, %parallel_loop3A_625 : vector<16xf32>
        %parallel_loop3A_651 = arith.index_cast %parallel_loop3A_620 : i32 to index
        %parallel_loop3A_652 = arith.constant 48 : index
        %parallel_loop3A_653 = tpu.vector_load %arg13[%parallel_loop3A_651, %parallel_loop3A_652] {strides = array<i32>} : memref<40x128xf32, #tpu.memory_space<vmem>>, vector<16xf32>,
        tpu.vector_store %arg13[%parallel_loop3A_651, %parallel_loop3A_652], %parallel_loop3A_650 {strides = array<i32>} : memref<40x128xf32, #tpu.memory_space<vmem>>, vector<16xf32>,
        %parallel_loop3A_654 = arith.index_cast %parallel_loop3A_620 : i32 to index
        %parallel_loop3A_655 = arith.constant 64 : index
        %parallel_loop3A_656 = tpu.vector_load %arg13[%parallel_loop3A_654, %parallel_loop3A_655] {strides = array<i32>} : memref<40x128xf32, #tpu.memory_space<vmem>>, vector<16xf32>,
        %parallel_loop3A_657 = arith.mulf %parallel_loop3A_656, %parallel_loop3A_625 : vector<16xf32>
        %parallel_loop3A_658 = arith.index_cast %parallel_loop3A_620 : i32 to index
        %parallel_loop3A_659 = arith.constant 64 : index
        %parallel_loop3A_660 = tpu.vector_load %arg13[%parallel_loop3A_658, %parallel_loop3A_659] {strides = array<i32>} : memref<40x128xf32, #tpu.memory_space<vmem>>, vector<16xf32>,
        tpu.vector_store %arg13[%parallel_loop3A_658, %parallel_loop3A_659], %parallel_loop3A_657 {strides = array<i32>} : memref<40x128xf32, #tpu.memory_space<vmem>>, vector<16xf32>,
        %parallel_loop3A_661 = arith.index_cast %parallel_loop3A_620 : i32 to index
        %parallel_loop3A_662 = arith.constant 80 : index
        %parallel_loop3A_663 = tpu.vector_load %arg13[%parallel_loop3A_661, %parallel_loop3A_662] {strides = array<i32>} : memref<40x128xf32, #tpu.memory_space<vmem>>, vector<16xf32>,
        %parallel_loop3A_664 = arith.mulf %parallel_loop3A_663, %parallel_loop3A_625 : vector<16xf32>
        %parallel_loop3A_665 = arith.index_cast %parallel_loop3A_620 : i32 to index
        %parallel_loop3A_666 = arith.constant 80 : index
        %parallel_loop3A_667 = tpu.vector_load %arg13[%parallel_loop3A_665, %parallel_loop3A_666] {strides = array<i32>} : memref<40x128xf32, #tpu.memory_space<vmem>>, vector<16xf32>,
        tpu.vector_store %arg13[%parallel_loop3A_665, %parallel_loop3A_666], %parallel_loop3A_664 {strides = array<i32>} : memref<40x128xf32, #tpu.memory_space<vmem>>, vector<16xf32>,
        %parallel_loop3A_668 = arith.index_cast %parallel_loop3A_620 : i32 to index
        %parallel_loop3A_669 = arith.constant 96 : index
        %parallel_loop3A_670 = tpu.vector_load %arg13[%parallel_loop3A_668, %parallel_loop3A_669] {strides = array<i32>} : memref<40x128xf32, #tpu.memory_space<vmem>>, vector<16xf32>,
        %parallel_loop3A_671 = arith.mulf %parallel_loop3A_670, %parallel_loop3A_625 : vector<16xf32>
        %parallel_loop3A_672 = arith.index_cast %parallel_loop3A_620 : i32 to index
        %parallel_loop3A_673 = arith.constant 96 : index
        %parallel_loop3A_674 = tpu.vector_load %arg13[%parallel_loop3A_672, %parallel_loop3A_673] {strides = array<i32>} : memref<40x128xf32, #tpu.memory_space<vmem>>, vector<16xf32>,
        tpu.vector_store %arg13[%parallel_loop3A_672, %parallel_loop3A_673], %parallel_loop3A_671 {strides = array<i32>} : memref<40x128xf32, #tpu.memory_space<vmem>>, vector<16xf32>,
        %parallel_loop3A_675 = arith.index_cast %parallel_loop3A_620 : i32 to index
        %parallel_loop3A_676 = arith.constant 112 : index
        %parallel_loop3A_677 = tpu.vector_load %arg13[%parallel_loop3A_675, %parallel_loop3A_676] {strides = array<i32>} : memref<40x128xf32, #tpu.memory_space<vmem>>, vector<16xf32>,
        %parallel_loop3A_678 = arith.mulf %parallel_loop3A_677, %parallel_loop3A_625 : vector<16xf32>
        %parallel_loop3A_679 = arith.index_cast %parallel_loop3A_620 : i32 to index
        %parallel_loop3A_680 = arith.constant 112 : index
        %parallel_loop3A_681 = tpu.vector_load %arg13[%parallel_loop3A_679, %parallel_loop3A_680] {strides = array<i32>} : memref<40x128xf32, #tpu.memory_space<vmem>>, vector<16xf32>,
        tpu.vector_store %arg13[%parallel_loop3A_679, %parallel_loop3A_680], %parallel_loop3A_678 {strides = array<i32>} : memref<40x128xf32, #tpu.memory_space<vmem>>, vector<16xf32>,
      } {sc.loop_unroll_factor = 4 : i64, sc.parallel_access}
      %dma_start3A_509 = arith.constant 0 : i32
      %dma_start3A_510 = tpu.memref_slice %arg9[%add3A_488, %dma_start3A_509] : memref<250x40xi32, #tpu.memory_space<vmem>> -> memref<1x40xi32, #tpu.memory_space<vmem>>
      %dma_start3A_511 = tpu.memref_squeeze %dma_start3A_510 : memref<1x40xi32, #tpu.memory_space<vmem>> -> memref<40xi32, #tpu.memory_space<vmem>>
      %dma_start3A_512 = arith.constant 0 : i32
      %dma_start3A_513 = arith.constant 0 : i32
      %dma_start3A_514 = tpu.memref_slice %arg7[%dma_start3A_512, %dma_start3A_513] : memref<10000x128xf32, #tpu.memory_space<vmem_shared>> -> memref<10000x128xf32, #tpu.memory_space<vmem_shared>>
      tpu.enqueue_indirect_dma source(%arg13 : memref<40x128xf32, #tpu.memory_space<vmem>>) target(%dma_start3A_514 : memref<10000x128xf32, #tpu.memory_space<vmem_shared>>) offsets(%dma_start3A_511 : memref<40xi32, #tpu.memory_space<vmem>>) semaphore(%arg21 : memref<!tpu.dma_semaphore, #tpu.memory_space<semaphore_mem>>) {add = true}
      %mul3A_515 = arith.constant 4 : i32
      %mul3A_516 = arith.muli %mul3A_515, %scan3A_482 : i32
      %add3A_517 = arith.constant 2 : i32
      %add3A_518 = arith.addi %add3A_517, %mul3A_516 : i32
      %add3A_519 = arith.constant 1 : i32
      %add3A_520 = arith.addi %add3A_518, %add3A_519 : i32
      %dma_wait3A_521 = arith.constant 0 : i32
      %dma_wait3A_522 = arith.constant 0 : i32
      %dma_wait3A_523 = tpu.memref_slice %arg9[%dma_wait3A_521, %dma_wait3A_522] : memref<250x40xi32, #tpu.memory_space<vmem>> -> memref<1x40xi32, #tpu.memory_space<vmem>>
      %dma_wait3A_524 = tpu.memref_squeeze %dma_wait3A_523 : memref<1x40xi32, #tpu.memory_space<vmem>> -> memref<40xi32, #tpu.memory_space<vmem>>
      %dma_wait3A_525 = arith.constant 0 : i32
      %dma_wait3A_526 = arith.constant 0 : i32
      %dma_wait3A_527 = tpu.memref_slice %arg7[%dma_wait3A_525, %dma_wait3A_526] : memref<10000x128xf32, #tpu.memory_space<vmem_shared>> -> memref<10000x128xf32, #tpu.memory_space<vmem_shared>>
      tpu.wait_indirect_dma semaphore(%arg20 : memref<!tpu.dma_semaphore, #tpu.memory_space<semaphore_mem>>) src(%arg12 : memref<40x128xf32, #tpu.memory_space<vmem>>) dst(%dma_wait3A_527 : memref<10000x128xf32, #tpu.memory_space<vmem_shared>>)
      %add3A_528 = arith.constant 2 : i32
      %add3A_529 = arith.addi %add3A_520, %add3A_528 : i32
      %lt3A_530 = arith.constant 250 : i32
      %lt3A_531 = arith.cmpi slt, %add3A_529, %lt3A_530 : i32
      %convert_element_type3A_532 = arith.extui %lt3A_531 : i1 to i32
      %cond3A_533 = arith.constant 0 : i32
      %cond3A_534 = arith.cmpi ne, %convert_element_type3A_532, %cond3A_533 : i32
      scf.if %cond3A_534 {
        %add3A_620 = arith.constant 2 : i32
        %add3A_621 = arith.addi %add3A_520, %add3A_620 : i32
        %dma_start3A_622 = arith.constant 0 : i32
        %dma_start3A_623 = tpu.memref_slice %arg8[%add3A_621, %dma_start3A_622] : memref<250x40xi32, #tpu.memory_space<vmem>> -> memref<1x40xi32, #tpu.memory_space<vmem>>
        %dma_start3A_624 = tpu.memref_squeeze %dma_start3A_623 : memref<1x40xi32, #tpu.memory_space<vmem>> -> memref<40xi32, #tpu.memory_space<vmem>>
        %dma_start3A_625 = arith.constant 0 : i32
        %dma_start3A_626 = arith.constant 0 : i32
        %dma_start3A_627 = tpu.memref_slice %arg5[%dma_start3A_625, %dma_start3A_626] : memref<10000x128xf32, #tpu.memory_space<hbm>> -> memref<10000x128xf32, #tpu.memory_space<hbm>>
        tpu.enqueue_indirect_dma source(%dma_start3A_627 : memref<10000x128xf32, #tpu.memory_space<hbm>>) target(%arg12 : memref<40x128xf32, #tpu.memory_space<vmem>>) offsets(%dma_start3A_624 : memref<40xi32, #tpu.memory_space<vmem>>) semaphore(%arg16 : memref<!tpu.dma_semaphore, #tpu.memory_space<semaphore_mem>>)
      } else {
      }
      %dma_wait3A_535 = arith.constant 0 : i32
      %dma_wait3A_536 = tpu.memref_slice %arg8[%add3A_520, %dma_wait3A_535] : memref<250x40xi32, #tpu.memory_space<vmem>> -> memref<1x40xi32, #tpu.memory_space<vmem>>
      %dma_wait3A_537 = tpu.memref_squeeze %dma_wait3A_536 : memref<1x40xi32, #tpu.memory_space<vmem>> -> memref<40xi32, #tpu.memory_space<vmem>>
      %dma_wait3A_538 = arith.constant 0 : i32
      %dma_wait3A_539 = arith.constant 0 : i32
      %dma_wait3A_540 = tpu.memref_slice %arg5[%dma_wait3A_538, %dma_wait3A_539] : memref<10000x128xf32, #tpu.memory_space<hbm>> -> memref<10000x128xf32, #tpu.memory_space<hbm>>
      tpu.wait_indirect_dma semaphore(%arg18 : memref<!tpu.dma_semaphore, #tpu.memory_space<semaphore_mem>>) src(%dma_wait3A_540 : memref<10000x128xf32, #tpu.memory_space<hbm>>) dst(%arg14 : memref<40x128xf32, #tpu.memory_space<vmem>>)
      %parallel_loop3A_541 = arith.constant 0 : i32
      %parallel_loop3A_542 = arith.constant 40 : i32
      %parallel_loop3A_543 = arith.constant 1 : i32
      scf.for %parallel_loop3A_620 = %parallel_loop3A_541 to %parallel_loop3A_542 step %parallel_loop3A_543  : i32 {
        %parallel_loop3A_621 = arith.constant 40 : i32
        %parallel_loop3A_622 = arith.muli %add3A_520, %parallel_loop3A_621 : i32
        %parallel_loop3A_623 = arith.addi %parallel_loop3A_622, %parallel_loop3A_620 : i32
        %parallel_loop3A_624 = vector.broadcast %parallel_loop3A_623 : i32 to vector<16xi32>
        %parallel_loop3A_625 = tpu.vector_load_idx %arg10[%parallel_loop3A_624] : memref<10000xf32, #tpu.memory_space<vmem>>[vector<16xi32>], vector<16xf32>,
        %parallel_loop3A_626 = arith.index_cast %parallel_loop3A_620 : i32 to index
        %parallel_loop3A_627 = arith.constant 0 : index
        %parallel_loop3A_628 = tpu.vector_load %arg14[%parallel_loop3A_626, %parallel_loop3A_627] {strides = array<i32>} : memref<40x128xf32, #tpu.memory_space<vmem>>, vector<16xf32>,
        %parallel_loop3A_629 = arith.mulf %parallel_loop3A_628, %parallel_loop3A_625 : vector<16xf32>
        %parallel_loop3A_630 = arith.index_cast %parallel_loop3A_620 : i32 to index
        %parallel_loop3A_631 = arith.constant 0 : index
        %parallel_loop3A_632 = tpu.vector_load %arg14[%parallel_loop3A_630, %parallel_loop3A_631] {strides = array<i32>} : memref<40x128xf32, #tpu.memory_space<vmem>>, vector<16xf32>,
        tpu.vector_store %arg14[%parallel_loop3A_630, %parallel_loop3A_631], %parallel_loop3A_629 {strides = array<i32>} : memref<40x128xf32, #tpu.memory_space<vmem>>, vector<16xf32>,
        %parallel_loop3A_633 = arith.index_cast %parallel_loop3A_620 : i32 to index
        %parallel_loop3A_634 = arith.constant 16 : index
        %parallel_loop3A_635 = tpu.vector_load %arg14[%parallel_loop3A_633, %parallel_loop3A_634] {strides = array<i32>} : memref<40x128xf32, #tpu.memory_space<vmem>>, vector<16xf32>,
        %parallel_loop3A_636 = arith.mulf %parallel_loop3A_635, %parallel_loop3A_625 : vector<16xf32>
        %parallel_loop3A_637 = arith.index_cast %parallel_loop3A_620 : i32 to index
        %parallel_loop3A_638 = arith.constant 16 : index
        %parallel_loop3A_639 = tpu.vector_load %arg14[%parallel_loop3A_637, %parallel_loop3A_638] {strides = array<i32>} : memref<40x128xf32, #tpu.memory_space<vmem>>, vector<16xf32>,
        tpu.vector_store %arg14[%parallel_loop3A_637, %parallel_loop3A_638], %parallel_loop3A_636 {strides = array<i32>} : memref<40x128xf32, #tpu.memory_space<vmem>>, vector<16xf32>,
        %parallel_loop3A_640 = arith.index_cast %parallel_loop3A_620 : i32 to index
        %parallel_loop3A_641 = arith.constant 32 : index
        %parallel_loop3A_642 = tpu.vector_load %arg14[%parallel_loop3A_640, %parallel_loop3A_641] {strides = array<i32>} : memref<40x128xf32, #tpu.memory_space<vmem>>, vector<16xf32>,
        %parallel_loop3A_643 = arith.mulf %parallel_loop3A_642, %parallel_loop3A_625 : vector<16xf32>
        %parallel_loop3A_644 = arith.index_cast %parallel_loop3A_620 : i32 to index
        %parallel_loop3A_645 = arith.constant 32 : index
        %parallel_loop3A_646 = tpu.vector_load %arg14[%parallel_loop3A_644, %parallel_loop3A_645] {strides = array<i32>} : memref<40x128xf32, #tpu.memory_space<vmem>>, vector<16xf32>,
        tpu.vector_store %arg14[%parallel_loop3A_644, %parallel_loop3A_645], %parallel_loop3A_643 {strides = array<i32>} : memref<40x128xf32, #tpu.memory_space<vmem>>, vector<16xf32>,
        %parallel_loop3A_647 = arith.index_cast %parallel_loop3A_620 : i32 to index
        %parallel_loop3A_648 = arith.constant 48 : index
        %parallel_loop3A_649 = tpu.vector_load %arg14[%parallel_loop3A_647, %parallel_loop3A_648] {strides = array<i32>} : memref<40x128xf32, #tpu.memory_space<vmem>>, vector<16xf32>,
        %parallel_loop3A_650 = arith.mulf %parallel_loop3A_649, %parallel_loop3A_625 : vector<16xf32>
        %parallel_loop3A_651 = arith.index_cast %parallel_loop3A_620 : i32 to index
        %parallel_loop3A_652 = arith.constant 48 : index
        %parallel_loop3A_653 = tpu.vector_load %arg14[%parallel_loop3A_651, %parallel_loop3A_652] {strides = array<i32>} : memref<40x128xf32, #tpu.memory_space<vmem>>, vector<16xf32>,
        tpu.vector_store %arg14[%parallel_loop3A_651, %parallel_loop3A_652], %parallel_loop3A_650 {strides = array<i32>} : memref<40x128xf32, #tpu.memory_space<vmem>>, vector<16xf32>,
        %parallel_loop3A_654 = arith.index_cast %parallel_loop3A_620 : i32 to index
        %parallel_loop3A_655 = arith.constant 64 : index
        %parallel_loop3A_656 = tpu.vector_load %arg14[%parallel_loop3A_654, %parallel_loop3A_655] {strides = array<i32>} : memref<40x128xf32, #tpu.memory_space<vmem>>, vector<16xf32>,
        %parallel_loop3A_657 = arith.mulf %parallel_loop3A_656, %parallel_loop3A_625 : vector<16xf32>
        %parallel_loop3A_658 = arith.index_cast %parallel_loop3A_620 : i32 to index
        %parallel_loop3A_659 = arith.constant 64 : index
        %parallel_loop3A_660 = tpu.vector_load %arg14[%parallel_loop3A_658, %parallel_loop3A_659] {strides = array<i32>} : memref<40x128xf32, #tpu.memory_space<vmem>>, vector<16xf32>,
        tpu.vector_store %arg14[%parallel_loop3A_658, %parallel_loop3A_659], %parallel_loop3A_657 {strides = array<i32>} : memref<40x128xf32, #tpu.memory_space<vmem>>, vector<16xf32>,
        %parallel_loop3A_661 = arith.index_cast %parallel_loop3A_620 : i32 to index
        %parallel_loop3A_662 = arith.constant 80 : index
        %parallel_loop3A_663 = tpu.vector_load %arg14[%parallel_loop3A_661, %parallel_loop3A_662] {strides = array<i32>} : memref<40x128xf32, #tpu.memory_space<vmem>>, vector<16xf32>,
        %parallel_loop3A_664 = arith.mulf %parallel_loop3A_663, %parallel_loop3A_625 : vector<16xf32>
        %parallel_loop3A_665 = arith.index_cast %parallel_loop3A_620 : i32 to index
        %parallel_loop3A_666 = arith.constant 80 : index
        %parallel_loop3A_667 = tpu.vector_load %arg14[%parallel_loop3A_665, %parallel_loop3A_666] {strides = array<i32>} : memref<40x128xf32, #tpu.memory_space<vmem>>, vector<16xf32>,
        tpu.vector_store %arg14[%parallel_loop3A_665, %parallel_loop3A_666], %parallel_loop3A_664 {strides = array<i32>} : memref<40x128xf32, #tpu.memory_space<vmem>>, vector<16xf32>,
        %parallel_loop3A_668 = arith.index_cast %parallel_loop3A_620 : i32 to index
        %parallel_loop3A_669 = arith.constant 96 : index
        %parallel_loop3A_670 = tpu.vector_load %arg14[%parallel_loop3A_668, %parallel_loop3A_669] {strides = array<i32>} : memref<40x128xf32, #tpu.memory_space<vmem>>, vector<16xf32>,
        %parallel_loop3A_671 = arith.mulf %parallel_loop3A_670, %parallel_loop3A_625 : vector<16xf32>
        %parallel_loop3A_672 = arith.index_cast %parallel_loop3A_620 : i32 to index
        %parallel_loop3A_673 = arith.constant 96 : index
        %parallel_loop3A_674 = tpu.vector_load %arg14[%parallel_loop3A_672, %parallel_loop3A_673] {strides = array<i32>} : memref<40x128xf32, #tpu.memory_space<vmem>>, vector<16xf32>,
        tpu.vector_store %arg14[%parallel_loop3A_672, %parallel_loop3A_673], %parallel_loop3A_671 {strides = array<i32>} : memref<40x128xf32, #tpu.memory_space<vmem>>, vector<16xf32>,
        %parallel_loop3A_675 = arith.index_cast %parallel_loop3A_620 : i32 to index
        %parallel_loop3A_676 = arith.constant 112 : index
        %parallel_loop3A_677 = tpu.vector_load %arg14[%parallel_loop3A_675, %parallel_loop3A_676] {strides = array<i32>} : memref<40x128xf32, #tpu.memory_space<vmem>>, vector<16xf32>,
        %parallel_loop3A_678 = arith.mulf %parallel_loop3A_677, %parallel_loop3A_625 : vector<16xf32>
        %parallel_loop3A_679 = arith.index_cast %parallel_loop3A_620 : i32 to index
        %parallel_loop3A_680 = arith.constant 112 : index
        %parallel_loop3A_681 = tpu.vector_load %arg14[%parallel_loop3A_679, %parallel_loop3A_680] {strides = array<i32>} : memref<40x128xf32, #tpu.memory_space<vmem>>, vector<16xf32>,
        tpu.vector_store %arg14[%parallel_loop3A_679, %parallel_loop3A_680], %parallel_loop3A_678 {strides = array<i32>} : memref<40x128xf32, #tpu.memory_space<vmem>>, vector<16xf32>,
      } {sc.loop_unroll_factor = 4 : i64, sc.parallel_access}
      %dma_start3A_544 = arith.constant 0 : i32
      %dma_start3A_545 = tpu.memref_slice %arg9[%add3A_520, %dma_start3A_544] : memref<250x40xi32, #tpu.memory_space<vmem>> -> memref<1x40xi32, #tpu.memory_space<vmem>>
      %dma_start3A_546 = tpu.memref_squeeze %dma_start3A_545 : memref<1x40xi32, #tpu.memory_space<vmem>> -> memref<40xi32, #tpu.memory_space<vmem>>
      %dma_start3A_547 = arith.constant 0 : i32
      %dma_start3A_548 = arith.constant 0 : i32
      %dma_start3A_549 = tpu.memref_slice %arg7[%dma_start3A_547, %dma_start3A_548] : memref<10000x128xf32, #tpu.memory_space<vmem_shared>> -> memref<10000x128xf32, #tpu.memory_space<vmem_shared>>
      tpu.enqueue_indirect_dma source(%arg14 : memref<40x128xf32, #tpu.memory_space<vmem>>) target(%dma_start3A_549 : memref<10000x128xf32, #tpu.memory_space<vmem_shared>>) offsets(%dma_start3A_546 : memref<40xi32, #tpu.memory_space<vmem>>) semaphore(%arg22 : memref<!tpu.dma_semaphore, #tpu.memory_space<semaphore_mem>>) {add = true}
      %mul3A_550 = arith.constant 4 : i32
      %mul3A_551 = arith.muli %mul3A_550, %scan3A_482 : i32
      %add3A_552 = arith.constant 2 : i32
      %add3A_553 = arith.addi %add3A_552, %mul3A_551 : i32
      %add3A_554 = arith.constant 2 : i32
      %add3A_555 = arith.addi %add3A_553, %add3A_554 : i32
      %dma_wait3A_556 = arith.constant 0 : i32
      %dma_wait3A_557 = arith.constant 0 : i32
      %dma_wait3A_558 = tpu.memref_slice %arg9[%dma_wait3A_556, %dma_wait3A_557] : memref<250x40xi32, #tpu.memory_space<vmem>> -> memref<1x40xi32, #tpu.memory_space<vmem>>
      %dma_wait3A_559 = tpu.memref_squeeze %dma_wait3A_558 : memref<1x40xi32, #tpu.memory_space<vmem>> -> memref<40xi32, #tpu.memory_space<vmem>>
      %dma_wait3A_560 = arith.constant 0 : i32
      %dma_wait3A_561 = arith.constant 0 : i32
      %dma_wait3A_562 = tpu.memref_slice %arg7[%dma_wait3A_560, %dma_wait3A_561] : memref<10000x128xf32, #tpu.memory_space<vmem_shared>> -> memref<10000x128xf32, #tpu.memory_space<vmem_shared>>
      tpu.wait_indirect_dma semaphore(%arg21 : memref<!tpu.dma_semaphore, #tpu.memory_space<semaphore_mem>>) src(%arg13 : memref<40x128xf32, #tpu.memory_space<vmem>>) dst(%dma_wait3A_562 : memref<10000x128xf32, #tpu.memory_space<vmem_shared>>)
      %add3A_563 = arith.constant 2 : i32
      %add3A_564 = arith.addi %add3A_555, %add3A_563 : i32
      %lt3A_565 = arith.constant 250 : i32
      %lt3A_566 = arith.cmpi slt, %add3A_564, %lt3A_565 : i32
      %convert_element_type3A_567 = arith.extui %lt3A_566 : i1 to i32
      %cond3A_568 = arith.constant 0 : i32
      %cond3A_569 = arith.cmpi ne, %convert_element_type3A_567, %cond3A_568 : i32
      scf.if %cond3A_569 {
        %add3A_620 = arith.constant 2 : i32
        %add3A_621 = arith.addi %add3A_555, %add3A_620 : i32
        %dma_start3A_622 = arith.constant 0 : i32
        %dma_start3A_623 = tpu.memref_slice %arg8[%add3A_621, %dma_start3A_622] : memref<250x40xi32, #tpu.memory_space<vmem>> -> memref<1x40xi32, #tpu.memory_space<vmem>>
        %dma_start3A_624 = tpu.memref_squeeze %dma_start3A_623 : memref<1x40xi32, #tpu.memory_space<vmem>> -> memref<40xi32, #tpu.memory_space<vmem>>
        %dma_start3A_625 = arith.constant 0 : i32
        %dma_start3A_626 = arith.constant 0 : i32
        %dma_start3A_627 = tpu.memref_slice %arg5[%dma_start3A_625, %dma_start3A_626] : memref<10000x128xf32, #tpu.memory_space<hbm>> -> memref<10000x128xf32, #tpu.memory_space<hbm>>
        tpu.enqueue_indirect_dma source(%dma_start3A_627 : memref<10000x128xf32, #tpu.memory_space<hbm>>) target(%arg13 : memref<40x128xf32, #tpu.memory_space<vmem>>) offsets(%dma_start3A_624 : memref<40xi32, #tpu.memory_space<vmem>>) semaphore(%arg17 : memref<!tpu.dma_semaphore, #tpu.memory_space<semaphore_mem>>)
      } else {
      }
      %dma_wait3A_570 = arith.constant 0 : i32
      %dma_wait3A_571 = tpu.memref_slice %arg8[%add3A_555, %dma_wait3A_570] : memref<250x40xi32, #tpu.memory_space<vmem>> -> memref<1x40xi32, #tpu.memory_space<vmem>>
      %dma_wait3A_572 = tpu.memref_squeeze %dma_wait3A_571 : memref<1x40xi32, #tpu.memory_space<vmem>> -> memref<40xi32, #tpu.memory_space<vmem>>
      %dma_wait3A_573 = arith.constant 0 : i32
      %dma_wait3A_574 = arith.constant 0 : i32
      %dma_wait3A_575 = tpu.memref_slice %arg5[%dma_wait3A_573, %dma_wait3A_574] : memref<10000x128xf32, #tpu.memory_space<hbm>> -> memref<10000x128xf32, #tpu.memory_space<hbm>>
      tpu.wait_indirect_dma semaphore(%arg15 : memref<!tpu.dma_semaphore, #tpu.memory_space<semaphore_mem>>) src(%dma_wait3A_575 : memref<10000x128xf32, #tpu.memory_space<hbm>>) dst(%arg11 : memref<40x128xf32, #tpu.memory_space<vmem>>)
      %parallel_loop3A_576 = arith.constant 0 : i32
      %parallel_loop3A_577 = arith.constant 40 : i32
      %parallel_loop3A_578 = arith.constant 1 : i32
      scf.for %parallel_loop3A_620 = %parallel_loop3A_576 to %parallel_loop3A_577 step %parallel_loop3A_578  : i32 {
        %parallel_loop3A_621 = arith.constant 40 : i32
        %parallel_loop3A_622 = arith.muli %add3A_555, %parallel_loop3A_621 : i32
        %parallel_loop3A_623 = arith.addi %parallel_loop3A_622, %parallel_loop3A_620 : i32
        %parallel_loop3A_624 = vector.broadcast %parallel_loop3A_623 : i32 to vector<16xi32>
        %parallel_loop3A_625 = tpu.vector_load_idx %arg10[%parallel_loop3A_624] : memref<10000xf32, #tpu.memory_space<vmem>>[vector<16xi32>], vector<16xf32>,
        %parallel_loop3A_626 = arith.index_cast %parallel_loop3A_620 : i32 to index
        %parallel_loop3A_627 = arith.constant 0 : index
        %parallel_loop3A_628 = tpu.vector_load %arg11[%parallel_loop3A_626, %parallel_loop3A_627] {strides = array<i32>} : memref<40x128xf32, #tpu.memory_space<vmem>>, vector<16xf32>,
        %parallel_loop3A_629 = arith.mulf %parallel_loop3A_628, %parallel_loop3A_625 : vector<16xf32>
        %parallel_loop3A_630 = arith.index_cast %parallel_loop3A_620 : i32 to index
        %parallel_loop3A_631 = arith.constant 0 : index
        %parallel_loop3A_632 = tpu.vector_load %arg11[%parallel_loop3A_630, %parallel_loop3A_631] {strides = array<i32>} : memref<40x128xf32, #tpu.memory_space<vmem>>, vector<16xf32>,
        tpu.vector_store %arg11[%parallel_loop3A_630, %parallel_loop3A_631], %parallel_loop3A_629 {strides = array<i32>} : memref<40x128xf32, #tpu.memory_space<vmem>>, vector<16xf32>,
        %parallel_loop3A_633 = arith.index_cast %parallel_loop3A_620 : i32 to index
        %parallel_loop3A_634 = arith.constant 16 : index
        %parallel_loop3A_635 = tpu.vector_load %arg11[%parallel_loop3A_633, %parallel_loop3A_634] {strides = array<i32>} : memref<40x128xf32, #tpu.memory_space<vmem>>, vector<16xf32>,
        %parallel_loop3A_636 = arith.mulf %parallel_loop3A_635, %parallel_loop3A_625 : vector<16xf32>
        %parallel_loop3A_637 = arith.index_cast %parallel_loop3A_620 : i32 to index
        %parallel_loop3A_638 = arith.constant 16 : index
        %parallel_loop3A_639 = tpu.vector_load %arg11[%parallel_loop3A_637, %parallel_loop3A_638] {strides = array<i32>} : memref<40x128xf32, #tpu.memory_space<vmem>>, vector<16xf32>,
        tpu.vector_store %arg11[%parallel_loop3A_637, %parallel_loop3A_638], %parallel_loop3A_636 {strides = array<i32>} : memref<40x128xf32, #tpu.memory_space<vmem>>, vector<16xf32>,
        %parallel_loop3A_640 = arith.index_cast %parallel_loop3A_620 : i32 to index
        %parallel_loop3A_641 = arith.constant 32 : index
        %parallel_loop3A_642 = tpu.vector_load %arg11[%parallel_loop3A_640, %parallel_loop3A_641] {strides = array<i32>} : memref<40x128xf32, #tpu.memory_space<vmem>>, vector<16xf32>,
        %parallel_loop3A_643 = arith.mulf %parallel_loop3A_642, %parallel_loop3A_625 : vector<16xf32>
        %parallel_loop3A_644 = arith.index_cast %parallel_loop3A_620 : i32 to index
        %parallel_loop3A_645 = arith.constant 32 : index
        %parallel_loop3A_646 = tpu.vector_load %arg11[%parallel_loop3A_644, %parallel_loop3A_645] {strides = array<i32>} : memref<40x128xf32, #tpu.memory_space<vmem>>, vector<16xf32>,
        tpu.vector_store %arg11[%parallel_loop3A_644, %parallel_loop3A_645], %parallel_loop3A_643 {strides = array<i32>} : memref<40x128xf32, #tpu.memory_space<vmem>>, vector<16xf32>,
        %parallel_loop3A_647 = arith.index_cast %parallel_loop3A_620 : i32 to index
        %parallel_loop3A_648 = arith.constant 48 : index
        %parallel_loop3A_649 = tpu.vector_load %arg11[%parallel_loop3A_647, %parallel_loop3A_648] {strides = array<i32>} : memref<40x128xf32, #tpu.memory_space<vmem>>, vector<16xf32>,
        %parallel_loop3A_650 = arith.mulf %parallel_loop3A_649, %parallel_loop3A_625 : vector<16xf32>
        %parallel_loop3A_651 = arith.index_cast %parallel_loop3A_620 : i32 to index
        %parallel_loop3A_652 = arith.constant 48 : index
        %parallel_loop3A_653 = tpu.vector_load %arg11[%parallel_loop3A_651, %parallel_loop3A_652] {strides = array<i32>} : memref<40x128xf32, #tpu.memory_space<vmem>>, vector<16xf32>,
        tpu.vector_store %arg11[%parallel_loop3A_651, %parallel_loop3A_652], %parallel_loop3A_650 {strides = array<i32>} : memref<40x128xf32, #tpu.memory_space<vmem>>, vector<16xf32>,
        %parallel_loop3A_654 = arith.index_cast %parallel_loop3A_620 : i32 to index
        %parallel_loop3A_655 = arith.constant 64 : index
        %parallel_loop3A_656 = tpu.vector_load %arg11[%parallel_loop3A_654, %parallel_loop3A_655] {strides = array<i32>} : memref<40x128xf32, #tpu.memory_space<vmem>>, vector<16xf32>,
        %parallel_loop3A_657 = arith.mulf %parallel_loop3A_656, %parallel_loop3A_625 : vector<16xf32>
        %parallel_loop3A_658 = arith.index_cast %parallel_loop3A_620 : i32 to index
        %parallel_loop3A_659 = arith.constant 64 : index
        %parallel_loop3A_660 = tpu.vector_load %arg11[%parallel_loop3A_658, %parallel_loop3A_659] {strides = array<i32>} : memref<40x128xf32, #tpu.memory_space<vmem>>, vector<16xf32>,
        tpu.vector_store %arg11[%parallel_loop3A_658, %parallel_loop3A_659], %parallel_loop3A_657 {strides = array<i32>} : memref<40x128xf32, #tpu.memory_space<vmem>>, vector<16xf32>,
        %parallel_loop3A_661 = arith.index_cast %parallel_loop3A_620 : i32 to index
        %parallel_loop3A_662 = arith.constant 80 : index
        %parallel_loop3A_663 = tpu.vector_load %arg11[%parallel_loop3A_661, %parallel_loop3A_662] {strides = array<i32>} : memref<40x128xf32, #tpu.memory_space<vmem>>, vector<16xf32>,
        %parallel_loop3A_664 = arith.mulf %parallel_loop3A_663, %parallel_loop3A_625 : vector<16xf32>
        %parallel_loop3A_665 = arith.index_cast %parallel_loop3A_620 : i32 to index
        %parallel_loop3A_666 = arith.constant 80 : index
        %parallel_loop3A_667 = tpu.vector_load %arg11[%parallel_loop3A_665, %parallel_loop3A_666] {strides = array<i32>} : memref<40x128xf32, #tpu.memory_space<vmem>>, vector<16xf32>,
        tpu.vector_store %arg11[%parallel_loop3A_665, %parallel_loop3A_666], %parallel_loop3A_664 {strides = array<i32>} : memref<40x128xf32, #tpu.memory_space<vmem>>, vector<16xf32>,
        %parallel_loop3A_668 = arith.index_cast %parallel_loop3A_620 : i32 to index
        %parallel_loop3A_669 = arith.constant 96 : index
        %parallel_loop3A_670 = tpu.vector_load %arg11[%parallel_loop3A_668, %parallel_loop3A_669] {strides = array<i32>} : memref<40x128xf32, #tpu.memory_space<vmem>>, vector<16xf32>,
        %parallel_loop3A_671 = arith.mulf %parallel_loop3A_670, %parallel_loop3A_625 : vector<16xf32>
        %parallel_loop3A_672 = arith.index_cast %parallel_loop3A_620 : i32 to index
        %parallel_loop3A_673 = arith.constant 96 : index
        %parallel_loop3A_674 = tpu.vector_load %arg11[%parallel_loop3A_672, %parallel_loop3A_673] {strides = array<i32>} : memref<40x128xf32, #tpu.memory_space<vmem>>, vector<16xf32>,
        tpu.vector_store %arg11[%parallel_loop3A_672, %parallel_loop3A_673], %parallel_loop3A_671 {strides = array<i32>} : memref<40x128xf32, #tpu.memory_space<vmem>>, vector<16xf32>,
        %parallel_loop3A_675 = arith.index_cast %parallel_loop3A_620 : i32 to index
        %parallel_loop3A_676 = arith.constant 112 : index
        %parallel_loop3A_677 = tpu.vector_load %arg11[%parallel_loop3A_675, %parallel_loop3A_676] {strides = array<i32>} : memref<40x128xf32, #tpu.memory_space<vmem>>, vector<16xf32>,
        %parallel_loop3A_678 = arith.mulf %parallel_loop3A_677, %parallel_loop3A_625 : vector<16xf32>
        %parallel_loop3A_679 = arith.index_cast %parallel_loop3A_620 : i32 to index
        %parallel_loop3A_680 = arith.constant 112 : index
        %parallel_loop3A_681 = tpu.vector_load %arg11[%parallel_loop3A_679, %parallel_loop3A_680] {strides = array<i32>} : memref<40x128xf32, #tpu.memory_space<vmem>>, vector<16xf32>,
        tpu.vector_store %arg11[%parallel_loop3A_679, %parallel_loop3A_680], %parallel_loop3A_678 {strides = array<i32>} : memref<40x128xf32, #tpu.memory_space<vmem>>, vector<16xf32>,
      } {sc.loop_unroll_factor = 4 : i64, sc.parallel_access}
      %dma_start3A_579 = arith.constant 0 : i32
      %dma_start3A_580 = tpu.memref_slice %arg9[%add3A_555, %dma_start3A_579] : memref<250x40xi32, #tpu.memory_space<vmem>> -> memref<1x40xi32, #tpu.memory_space<vmem>>
      %dma_start3A_581 = tpu.memref_squeeze %dma_start3A_580 : memref<1x40xi32, #tpu.memory_space<vmem>> -> memref<40xi32, #tpu.memory_space<vmem>>
      %dma_start3A_582 = arith.constant 0 : i32
      %dma_start3A_583 = arith.constant 0 : i32
      %dma_start3A_584 = tpu.memref_slice %arg7[%dma_start3A_582, %dma_start3A_583] : memref<10000x128xf32, #tpu.memory_space<vmem_shared>> -> memref<10000x128xf32, #tpu.memory_space<vmem_shared>>
      tpu.enqueue_indirect_dma source(%arg11 : memref<40x128xf32, #tpu.memory_space<vmem>>) target(%dma_start3A_584 : memref<10000x128xf32, #tpu.memory_space<vmem_shared>>) offsets(%dma_start3A_581 : memref<40xi32, #tpu.memory_space<vmem>>) semaphore(%arg19 : memref<!tpu.dma_semaphore, #tpu.memory_space<semaphore_mem>>) {add = true}
      %mul3A_585 = arith.constant 4 : i32
      %mul3A_586 = arith.muli %mul3A_585, %scan3A_482 : i32
      %add3A_587 = arith.constant 2 : i32
      %add3A_588 = arith.addi %add3A_587, %mul3A_586 : i32
      %add3A_589 = arith.constant 3 : i32
      %add3A_590 = arith.addi %add3A_588, %add3A_589 : i32
      %dma_wait3A_591 = arith.constant 0 : i32
      %dma_wait3A_592 = arith.constant 0 : i32
      %dma_wait3A_593 = tpu.memref_slice %arg9[%dma_wait3A_591, %dma_wait3A_592] : memref<250x40xi32, #tpu.memory_space<vmem>> -> memref<1x40xi32, #tpu.memory_space<vmem>>
      %dma_wait3A_594 = tpu.memref_squeeze %dma_wait3A_593 : memref<1x40xi32, #tpu.memory_space<vmem>> -> memref<40xi32, #tpu.memory_space<vmem>>
      %dma_wait3A_595 = arith.constant 0 : i32
      %dma_wait3A_596 = arith.constant 0 : i32
      %dma_wait3A_597 = tpu.memref_slice %arg7[%dma_wait3A_595, %dma_wait3A_596] : memref<10000x128xf32, #tpu.memory_space<vmem_shared>> -> memref<10000x128xf32, #tpu.memory_space<vmem_shared>>
      tpu.wait_indirect_dma semaphore(%arg22 : memref<!tpu.dma_semaphore, #tpu.memory_space<semaphore_mem>>) src(%arg14 : memref<40x128xf32, #tpu.memory_space<vmem>>) dst(%dma_wait3A_597 : memref<10000x128xf32, #tpu.memory_space<vmem_shared>>)
      %add3A_598 = arith.constant 2 : i32
      %add3A_599 = arith.addi %add3A_590, %add3A_598 : i32
      %lt3A_600 = arith.constant 250 : i32
      %lt3A_601 = arith.cmpi slt, %add3A_599, %lt3A_600 : i32
      %convert_element_type3A_602 = arith.extui %lt3A_601 : i1 to i32
      %cond3A_603 = arith.constant 0 : i32
      %cond3A_604 = arith.cmpi ne, %convert_element_type3A_602, %cond3A_603 : i32
      scf.if %cond3A_604 {
        %add3A_620 = arith.constant 2 : i32
        %add3A_621 = arith.addi %add3A_590, %add3A_620 : i32
        %dma_start3A_622 = arith.constant 0 : i32
        %dma_start3A_623 = tpu.memref_slice %arg8[%add3A_621, %dma_start3A_622] : memref<250x40xi32, #tpu.memory_space<vmem>> -> memref<1x40xi32, #tpu.memory_space<vmem>>
        %dma_start3A_624 = tpu.memref_squeeze %dma_start3A_623 : memref<1x40xi32, #tpu.memory_space<vmem>> -> memref<40xi32, #tpu.memory_space<vmem>>
        %dma_start3A_625 = arith.constant 0 : i32
        %dma_start3A_626 = arith.constant 0 : i32
        %dma_start3A_627 = tpu.memref_slice %arg5[%dma_start3A_625, %dma_start3A_626] : memref<10000x128xf32, #tpu.memory_space<hbm>> -> memref<10000x128xf32, #tpu.memory_space<hbm>>
        tpu.enqueue_indirect_dma source(%dma_start3A_627 : memref<10000x128xf32, #tpu.memory_space<hbm>>) target(%arg14 : memref<40x128xf32, #tpu.memory_space<vmem>>) offsets(%dma_start3A_624 : memref<40xi32, #tpu.memory_space<vmem>>) semaphore(%arg18 : memref<!tpu.dma_semaphore, #tpu.memory_space<semaphore_mem>>)
      } else {
      }
      %dma_wait3A_605 = arith.constant 0 : i32
      %dma_wait3A_606 = tpu.memref_slice %arg8[%add3A_590, %dma_wait3A_605] : memref<250x40xi32, #tpu.memory_space<vmem>> -> memref<1x40xi32, #tpu.memory_space<vmem>>
      %dma_wait3A_607 = tpu.memref_squeeze %dma_wait3A_606 : memref<1x40xi32, #tpu.memory_space<vmem>> -> memref<40xi32, #tpu.memory_space<vmem>>
      %dma_wait3A_608 = arith.constant 0 : i32
      %dma_wait3A_609 = arith.constant 0 : i32
      %dma_wait3A_610 = tpu.memref_slice %arg5[%dma_wait3A_608, %dma_wait3A_609] : memref<10000x128xf32, #tpu.memory_space<hbm>> -> memref<10000x128xf32, #tpu.memory_space<hbm>>
      tpu.wait_indirect_dma semaphore(%arg16 : memref<!tpu.dma_semaphore, #tpu.memory_space<semaphore_mem>>) src(%dma_wait3A_610 : memref<10000x128xf32, #tpu.memory_space<hbm>>) dst(%arg12 : memref<40x128xf32, #tpu.memory_space<vmem>>)
      %parallel_loop3A_611 = arith.constant 0 : i32
      %parallel_loop3A_612 = arith.constant 40 : i32
      %parallel_loop3A_613 = arith.constant 1 : i32
      scf.for %parallel_loop3A_620 = %parallel_loop3A_611 to %parallel_loop3A_612 step %parallel_loop3A_613  : i32 {
        %parallel_loop3A_621 = arith.constant 40 : i32
        %parallel_loop3A_622 = arith.muli %add3A_590, %parallel_loop3A_621 : i32
        %parallel_loop3A_623 = arith.addi %parallel_loop3A_622, %parallel_loop3A_620 : i32
        %parallel_loop3A_624 = vector.broadcast %parallel_loop3A_623 : i32 to vector<16xi32>
        %parallel_loop3A_625 = tpu.vector_load_idx %arg10[%parallel_loop3A_624] : memref<10000xf32, #tpu.memory_space<vmem>>[vector<16xi32>], vector<16xf32>,
        %parallel_loop3A_626 = arith.index_cast %parallel_loop3A_620 : i32 to index
        %parallel_loop3A_627 = arith.constant 0 : index
        %parallel_loop3A_628 = tpu.vector_load %arg12[%parallel_loop3A_626, %parallel_loop3A_627] {strides = array<i32>} : memref<40x128xf32, #tpu.memory_space<vmem>>, vector<16xf32>,
        %parallel_loop3A_629 = arith.mulf %parallel_loop3A_628, %parallel_loop3A_625 : vector<16xf32>
        %parallel_loop3A_630 = arith.index_cast %parallel_loop3A_620 : i32 to index
        %parallel_loop3A_631 = arith.constant 0 : index
        %parallel_loop3A_632 = tpu.vector_load %arg12[%parallel_loop3A_630, %parallel_loop3A_631] {strides = array<i32>} : memref<40x128xf32, #tpu.memory_space<vmem>>, vector<16xf32>,
        tpu.vector_store %arg12[%parallel_loop3A_630, %parallel_loop3A_631], %parallel_loop3A_629 {strides = array<i32>} : memref<40x128xf32, #tpu.memory_space<vmem>>, vector<16xf32>,
        %parallel_loop3A_633 = arith.index_cast %parallel_loop3A_620 : i32 to index
        %parallel_loop3A_634 = arith.constant 16 : index
        %parallel_loop3A_635 = tpu.vector_load %arg12[%parallel_loop3A_633, %parallel_loop3A_634] {strides = array<i32>} : memref<40x128xf32, #tpu.memory_space<vmem>>, vector<16xf32>,
        %parallel_loop3A_636 = arith.mulf %parallel_loop3A_635, %parallel_loop3A_625 : vector<16xf32>
        %parallel_loop3A_637 = arith.index_cast %parallel_loop3A_620 : i32 to index
        %parallel_loop3A_638 = arith.constant 16 : index
        %parallel_loop3A_639 = tpu.vector_load %arg12[%parallel_loop3A_637, %parallel_loop3A_638] {strides = array<i32>} : memref<40x128xf32, #tpu.memory_space<vmem>>, vector<16xf32>,
        tpu.vector_store %arg12[%parallel_loop3A_637, %parallel_loop3A_638], %parallel_loop3A_636 {strides = array<i32>} : memref<40x128xf32, #tpu.memory_space<vmem>>, vector<16xf32>,
        %parallel_loop3A_640 = arith.index_cast %parallel_loop3A_620 : i32 to index
        %parallel_loop3A_641 = arith.constant 32 : index
        %parallel_loop3A_642 = tpu.vector_load %arg12[%parallel_loop3A_640, %parallel_loop3A_641] {strides = array<i32>} : memref<40x128xf32, #tpu.memory_space<vmem>>, vector<16xf32>,
        %parallel_loop3A_643 = arith.mulf %parallel_loop3A_642, %parallel_loop3A_625 : vector<16xf32>
        %parallel_loop3A_644 = arith.index_cast %parallel_loop3A_620 : i32 to index
        %parallel_loop3A_645 = arith.constant 32 : index
        %parallel_loop3A_646 = tpu.vector_load %arg12[%parallel_loop3A_644, %parallel_loop3A_645] {strides = array<i32>} : memref<40x128xf32, #tpu.memory_space<vmem>>, vector<16xf32>,
        tpu.vector_store %arg12[%parallel_loop3A_644, %parallel_loop3A_645], %parallel_loop3A_643 {strides = array<i32>} : memref<40x128xf32, #tpu.memory_space<vmem>>, vector<16xf32>,
        %parallel_loop3A_647 = arith.index_cast %parallel_loop3A_620 : i32 to index
        %parallel_loop3A_648 = arith.constant 48 : index
        %parallel_loop3A_649 = tpu.vector_load %arg12[%parallel_loop3A_647, %parallel_loop3A_648] {strides = array<i32>} : memref<40x128xf32, #tpu.memory_space<vmem>>, vector<16xf32>,
        %parallel_loop3A_650 = arith.mulf %parallel_loop3A_649, %parallel_loop3A_625 : vector<16xf32>
        %parallel_loop3A_651 = arith.index_cast %parallel_loop3A_620 : i32 to index
        %parallel_loop3A_652 = arith.constant 48 : index
        %parallel_loop3A_653 = tpu.vector_load %arg12[%parallel_loop3A_651, %parallel_loop3A_652] {strides = array<i32>} : memref<40x128xf32, #tpu.memory_space<vmem>>, vector<16xf32>,
        tpu.vector_store %arg12[%parallel_loop3A_651, %parallel_loop3A_652], %parallel_loop3A_650 {strides = array<i32>} : memref<40x128xf32, #tpu.memory_space<vmem>>, vector<16xf32>,
        %parallel_loop3A_654 = arith.index_cast %parallel_loop3A_620 : i32 to index
        %parallel_loop3A_655 = arith.constant 64 : index
        %parallel_loop3A_656 = tpu.vector_load %arg12[%parallel_loop3A_654, %parallel_loop3A_655] {strides = array<i32>} : memref<40x128xf32, #tpu.memory_space<vmem>>, vector<16xf32>,
        %parallel_loop3A_657 = arith.mulf %parallel_loop3A_656, %parallel_loop3A_625 : vector<16xf32>
        %parallel_loop3A_658 = arith.index_cast %parallel_loop3A_620 : i32 to index
        %parallel_loop3A_659 = arith.constant 64 : index
        %parallel_loop3A_660 = tpu.vector_load %arg12[%parallel_loop3A_658, %parallel_loop3A_659] {strides = array<i32>} : memref<40x128xf32, #tpu.memory_space<vmem>>, vector<16xf32>,
        tpu.vector_store %arg12[%parallel_loop3A_658, %parallel_loop3A_659], %parallel_loop3A_657 {strides = array<i32>} : memref<40x128xf32, #tpu.memory_space<vmem>>, vector<16xf32>,
        %parallel_loop3A_661 = arith.index_cast %parallel_loop3A_620 : i32 to index
        %parallel_loop3A_662 = arith.constant 80 : index
        %parallel_loop3A_663 = tpu.vector_load %arg12[%parallel_loop3A_661, %parallel_loop3A_662] {strides = array<i32>} : memref<40x128xf32, #tpu.memory_space<vmem>>, vector<16xf32>,
        %parallel_loop3A_664 = arith.mulf %parallel_loop3A_663, %parallel_loop3A_625 : vector<16xf32>
        %parallel_loop3A_665 = arith.index_cast %parallel_loop3A_620 : i32 to index
        %parallel_loop3A_666 = arith.constant 80 : index
        %parallel_loop3A_667 = tpu.vector_load %arg12[%parallel_loop3A_665, %parallel_loop3A_666] {strides = array<i32>} : memref<40x128xf32, #tpu.memory_space<vmem>>, vector<16xf32>,
        tpu.vector_store %arg12[%parallel_loop3A_665, %parallel_loop3A_666], %parallel_loop3A_664 {strides = array<i32>} : memref<40x128xf32, #tpu.memory_space<vmem>>, vector<16xf32>,
        %parallel_loop3A_668 = arith.index_cast %parallel_loop3A_620 : i32 to index
        %parallel_loop3A_669 = arith.constant 96 : index
        %parallel_loop3A_670 = tpu.vector_load %arg12[%parallel_loop3A_668, %parallel_loop3A_669] {strides = array<i32>} : memref<40x128xf32, #tpu.memory_space<vmem>>, vector<16xf32>,
        %parallel_loop3A_671 = arith.mulf %parallel_loop3A_670, %parallel_loop3A_625 : vector<16xf32>
        %parallel_loop3A_672 = arith.index_cast %parallel_loop3A_620 : i32 to index
        %parallel_loop3A_673 = arith.constant 96 : index
        %parallel_loop3A_674 = tpu.vector_load %arg12[%parallel_loop3A_672, %parallel_loop3A_673] {strides = array<i32>} : memref<40x128xf32, #tpu.memory_space<vmem>>, vector<16xf32>,
        tpu.vector_store %arg12[%parallel_loop3A_672, %parallel_loop3A_673], %parallel_loop3A_671 {strides = array<i32>} : memref<40x128xf32, #tpu.memory_space<vmem>>, vector<16xf32>,
        %parallel_loop3A_675 = arith.index_cast %parallel_loop3A_620 : i32 to index
        %parallel_loop3A_676 = arith.constant 112 : index
        %parallel_loop3A_677 = tpu.vector_load %arg12[%parallel_loop3A_675, %parallel_loop3A_676] {strides = array<i32>} : memref<40x128xf32, #tpu.memory_space<vmem>>, vector<16xf32>,
        %parallel_loop3A_678 = arith.mulf %parallel_loop3A_677, %parallel_loop3A_625 : vector<16xf32>
        %parallel_loop3A_679 = arith.index_cast %parallel_loop3A_620 : i32 to index
        %parallel_loop3A_680 = arith.constant 112 : index
        %parallel_loop3A_681 = tpu.vector_load %arg12[%parallel_loop3A_679, %parallel_loop3A_680] {strides = array<i32>} : memref<40x128xf32, #tpu.memory_space<vmem>>, vector<16xf32>,
        tpu.vector_store %arg12[%parallel_loop3A_679, %parallel_loop3A_680], %parallel_loop3A_678 {strides = array<i32>} : memref<40x128xf32, #tpu.memory_space<vmem>>, vector<16xf32>,
      } {sc.loop_unroll_factor = 4 : i64, sc.parallel_access}
      %dma_start3A_614 = arith.constant 0 : i32
      %dma_start3A_615 = tpu.memref_slice %arg9[%add3A_590, %dma_start3A_614] : memref<250x40xi32, #tpu.memory_space<vmem>> -> memref<1x40xi32, #tpu.memory_space<vmem>>
      %dma_start3A_616 = tpu.memref_squeeze %dma_start3A_615 : memref<1x40xi32, #tpu.memory_space<vmem>> -> memref<40xi32, #tpu.memory_space<vmem>>
      %dma_start3A_617 = arith.constant 0 : i32
      %dma_start3A_618 = arith.constant 0 : i32
      %dma_start3A_619 = tpu.memref_slice %arg7[%dma_start3A_617, %dma_start3A_618] : memref<10000x128xf32, #tpu.memory_space<vmem_shared>> -> memref<10000x128xf32, #tpu.memory_space<vmem_shared>>
      tpu.enqueue_indirect_dma source(%arg12 : memref<40x128xf32, #tpu.memory_space<vmem>>) target(%dma_start3A_619 : memref<10000x128xf32, #tpu.memory_space<vmem_shared>>) offsets(%dma_start3A_616 : memref<40xi32, #tpu.memory_space<vmem>>) semaphore(%arg20 : memref<!tpu.dma_semaphore, #tpu.memory_space<semaphore_mem>>) {add = true}
    }
    %scan3A_463 = arith.constant 62 : i32
    %dma_wait3A_464 = arith.constant 0 : i32
    %dma_wait3A_465 = arith.constant 0 : i32
    %dma_wait3A_466 = tpu.memref_slice %arg9[%dma_wait3A_464, %dma_wait3A_465] : memref<250x40xi32, #tpu.memory_space<vmem>> -> memref<1x40xi32, #tpu.memory_space<vmem>>
    %dma_wait3A_467 = tpu.memref_squeeze %dma_wait3A_466 : memref<1x40xi32, #tpu.memory_space<vmem>> -> memref<40xi32, #tpu.memory_space<vmem>>
    %dma_wait3A_468 = arith.constant 0 : i32
    %dma_wait3A_469 = arith.constant 0 : i32
    %dma_wait3A_470 = tpu.memref_slice %arg7[%dma_wait3A_468, %dma_wait3A_469] : memref<10000x128xf32, #tpu.memory_space<vmem_shared>> -> memref<10000x128xf32, #tpu.memory_space<vmem_shared>>
    tpu.wait_indirect_dma semaphore(%arg19 : memref<!tpu.dma_semaphore, #tpu.memory_space<semaphore_mem>>) src(%arg11 : memref<40x128xf32, #tpu.memory_space<vmem>>) dst(%dma_wait3A_470 : memref<10000x128xf32, #tpu.memory_space<vmem_shared>>)
    %dma_wait3A_471 = arith.constant 0 : i32
    %dma_wait3A_472 = arith.constant 0 : i32
    %dma_wait3A_473 = tpu.memref_slice %arg9[%dma_wait3A_471, %dma_wait3A_472] : memref<250x40xi32, #tpu.memory_space<vmem>> -> memref<1x40xi32, #tpu.memory_space<vmem>>
    %dma_wait3A_474 = tpu.memref_squeeze %dma_wait3A_473 : memref<1x40xi32, #tpu.memory_space<vmem>> -> memref<40xi32, #tpu.memory_space<vmem>>
    %dma_wait3A_475 = arith.constant 0 : i32
    %dma_wait3A_476 = arith.constant 0 : i32
    %dma_wait3A_477 = tpu.memref_slice %arg7[%dma_wait3A_475, %dma_wait3A_476] : memref<10000x128xf32, #tpu.memory_space<vmem_shared>> -> memref<10000x128xf32, #tpu.memory_space<vmem_shared>>
    tpu.wait_indirect_dma semaphore(%arg20 : memref<!tpu.dma_semaphore, #tpu.memory_space<semaphore_mem>>) src(%arg12 : memref<40x128xf32, #tpu.memory_space<vmem>>) dst(%dma_wait3A_477 : memref<10000x128xf32, #tpu.memory_space<vmem_shared>>)
    %barrier3A_478 = arith.constant 0 : index
    tpu.barrier barrier_id(%barrier3A_478)
    %mul3A_479 = arith.constant 10000 : i32
    %mul3A_480 = arith.muli %arg0, %mul3A_479 : i32
    %add3A_481 = arith.addi %mul3A_480, %mul3A_8 : i32
    "tpu.region"() ({
      %run_scoped3A = tpu.sem_alloc : memref<!tpu.dma_semaphore, #tpu.memory_space<semaphore_mem>>
      %dma_start3A_482 = arith.constant 0 : i32
      %dma_start3A_483 = tpu.memref_slice %arg6[%add3A_481, %dma_start3A_482] : memref<20000x128xf32, #tpu.memory_space<hbm>> -> memref<625x128xf32, #tpu.memory_space<hbm>>
      %dma_start3A_484 = arith.constant 0 : i32
      %dma_start3A_485 = tpu.memref_slice %arg7[%mul3A_8, %dma_start3A_484] : memref<10000x128xf32, #tpu.memory_space<vmem_shared>> -> memref<625x128xf32, #tpu.memory_space<vmem_shared>>
      tpu.enqueue_dma source(%dma_start3A_485 : memref<625x128xf32, #tpu.memory_space<vmem_shared>>) target(%dma_start3A_483 : memref<625x128xf32, #tpu.memory_space<hbm>>) target_semaphore(%run_scoped3A : memref<!tpu.dma_semaphore, #tpu.memory_space<semaphore_mem>>)
      %dma_wait3A_486 = arith.constant 0 : i32
      %dma_wait3A_487 = tpu.memref_slice %arg6[%add3A_481, %dma_wait3A_486] : memref<20000x128xf32, #tpu.memory_space<hbm>> -> memref<625x128xf32, #tpu.memory_space<hbm>>
      %dma_wait3A_488 = arith.constant 0 : i32
      %dma_wait3A_489 = tpu.memref_slice %arg7[%mul3A_8, %dma_wait3A_488] : memref<10000x128xf32, #tpu.memory_space<vmem_shared>> -> memref<625x128xf32, #tpu.memory_space<vmem_shared>>
      tpu.wait_dma2 semaphore(%run_scoped3A : memref<!tpu.dma_semaphore, #tpu.memory_space<semaphore_mem>>) src(%dma_wait3A_489 : memref<625x128xf32, #tpu.memory_space<vmem_shared>>) dst(%dma_wait3A_487 : memref<625x128xf32, #tpu.memory_space<hbm>>)
      tpu.yield
    }) : () -> ()
    return
  }
}

#map = affine_map<(d0, d1) -> (0, 0)>
#map1 = affine_map<(d0, d1) -> (0)>
module attributes {stable_mosaic.version = 14 : i64} {
  func.func @spmm_kernel(%arg0: i32, %arg1: i32, %arg2: memref<8000x40xi32, #tpu.memory_space<hbm>>, %arg3: memref<8000x40xi32, #tpu.memory_space<hbm>>, %arg4: memref<320000xf32, #tpu.memory_space<hbm>>, %arg5: memref<10000x128xf32, #tpu.memory_space<hbm>>, %arg6: memref<20000x128xf32, #tpu.memory_space<hbm>>, %arg7: memref<10000x128xf32, #tpu.memory_space<vmem_shared>>, %arg8: memref<250x40xi32, #tpu.memory_space<vmem>>, %arg9: memref<250x40xi32, #tpu.memory_space<vmem>>, %arg10: memref<10000xf32, #tpu.memory_space<vmem>>, %arg11: memref<40x128xf32, #tpu.memory_space<vmem>>, %arg12: memref<40x128xf32, #tpu.memory_space<vmem>>, %arg13: memref<40x128xf32, #tpu.memory_space<vmem>>, %arg14: memref<40x128xf32, #tpu.memory_space<vmem>>, %arg15: memref<!tpu.dma_semaphore, #tpu.memory_space<semaphore_mem>>, %arg16: memref<!tpu.dma_semaphore, #tpu.memory_space<semaphore_mem>>, %arg17: memref<!tpu.dma_semaphore, #tpu.memory_space<semaphore_mem>>, %arg18: memref<!tpu.dma_semaphore, #tpu.memory_space<semaphore_mem>>, %arg19: memref<!tpu.dma_semaphore, #tpu.memory_space<semaphore_mem>>, %arg20: memref<!tpu.dma_semaphore, #tpu.memory_space<semaphore_mem>>, %arg21: memref<!tpu.dma_semaphore, #tpu.memory_space<semaphore_mem>>, %arg22: memref<!tpu.dma_semaphore, #tpu.memory_space<semaphore_mem>>) attributes {dimension_semantics = [#tpu.dimension_semantics<core_parallel>, #tpu.dimension_semantics<subcore_parallel>], iteration_bounds = array<i64: 2, 16>, scalar_prefetch = 0 : i64, scratch_operands = 16 : i64, tpu.core_type = #tpu.core_type<sc_vector_subcore>, window_params = [{transform_indices = #map}, {transform_indices = #map}, {transform_indices = #map1}, {transform_indices = #map}, {transform_indices = #map}]} {
    %mul3A = arith.constant 2 : i32
    %mul3A_0 = arith.muli %arg1, %mul3A : i32
    %add3A = arith.addi %mul3A_0, %arg0 : i32
    %mul3A_1 = arith.constant 250 : i32
    %mul3A_2 = arith.muli %add3A, %mul3A_1 : i32
    "tpu.region"() ({
      %run_scoped3A = tpu.sem_alloc : memref<!tpu.dma_semaphore, #tpu.memory_space<semaphore_mem>>
      %dma_start3A_482 = arith.constant 0 : i32
      %dma_start3A_483 = tpu.memref_slice %arg2[%mul3A_2, %dma_start3A_482] : memref<8000x40xi32, #tpu.memory_space<hbm>> -> memref<250x40xi32, #tpu.memory_space<hbm>>
      %dma_start3A_484 = arith.constant 0 : i32
      %dma_start3A_485 = tpu.memref_slice %arg2[%mul3A_2, %dma_start3A_484] : memref<8000x40xi32, #tpu.memory_space<hbm>> -> memref<250x40xi32, #tpu.memory_space<hbm>>
      tpu.enqueue_dma source(%dma_start3A_485 : memref<250x40xi32, #tpu.memory_space<hbm>>) target(%arg8 : memref<250x40xi32, #tpu.memory_space<vmem>>) target_semaphore(%run_scoped3A : memref<!tpu.dma_semaphore, #tpu.memory_space<semaphore_mem>>)
      %dma_wait3A_486 = arith.constant 0 : i32
      %dma_wait3A_487 = tpu.memref_slice %arg2[%mul3A_2, %dma_wait3A_486] : memref<8000x40xi32, #tpu.memory_space<hbm>> -> memref<250x40xi32, #tpu.memory_space<hbm>>
      %dma_wait3A_488 = arith.constant 0 : i32
      %dma_wait3A_489 = tpu.memref_slice %arg2[%mul3A_2, %dma_wait3A_488] : memref<8000x40xi32, #tpu.memory_space<hbm>> -> memref<250x40xi32, #tpu.memory_space<hbm>>
      tpu.wait_dma2 semaphore(%run_scoped3A : memref<!tpu.dma_semaphore, #tpu.memory_space<semaphore_mem>>) src(%dma_wait3A_489 : memref<250x40xi32, #tpu.memory_space<hbm>>) dst(%arg8 : memref<250x40xi32, #tpu.memory_space<vmem>>)
      tpu.yield
    }) : () -> ()
    %mul3A_3 = arith.constant 250 : i32
    %mul3A_4 = arith.muli %add3A, %mul3A_3 : i32
    "tpu.region"() ({
      %run_scoped3A = tpu.sem_alloc : memref<!tpu.dma_semaphore, #tpu.memory_space<semaphore_mem>>
      %dma_start3A_482 = arith.constant 0 : i32
      %dma_start3A_483 = tpu.memref_slice %arg3[%mul3A_4, %dma_start3A_482] : memref<8000x40xi32, #tpu.memory_space<hbm>> -> memref<250x40xi32, #tpu.memory_space<hbm>>
      %dma_start3A_484 = arith.constant 0 : i32
      %dma_start3A_485 = tpu.memref_slice %arg3[%mul3A_4, %dma_start3A_484] : memref<8000x40xi32, #tpu.memory_space<hbm>> -> memref<250x40xi32, #tpu.memory_space<hbm>>
      tpu.enqueue_dma source(%dma_start3A_485 : memref<250x40xi32, #tpu.memory_space<hbm>>) target(%arg9 : memref<250x40xi32, #tpu.memory_space<vmem>>) target_semaphore(%run_scoped3A : memref<!tpu.dma_semaphore, #tpu.memory_space<semaphore_mem>>)
      %dma_wait3A_486 = arith.constant 0 : i32
      %dma_wait3A_487 = tpu.memref_slice %arg3[%mul3A_4, %dma_wait3A_486] : memref<8000x40xi32, #tpu.memory_space<hbm>> -> memref<250x40xi32, #tpu.memory_space<hbm>>
      %dma_wait3A_488 = arith.constant 0 : i32
      %dma_wait3A_489 = tpu.memref_slice %arg3[%mul3A_4, %dma_wait3A_488] : memref<8000x40xi32, #tpu.memory_space<hbm>> -> memref<250x40xi32, #tpu.memory_space<hbm>>
      tpu.wait_dma2 semaphore(%run_scoped3A : memref<!tpu.dma_semaphore, #tpu.memory_space<semaphore_mem>>) src(%dma_wait3A_489 : memref<250x40xi32, #tpu.memory_space<hbm>>) dst(%arg9 : memref<250x40xi32, #tpu.memory_space<vmem>>)
      tpu.yield
    }) : () -> ()
    %mul3A_5 = arith.constant 10000 : i32
    %mul3A_6 = arith.muli %add3A, %mul3A_5 : i32
    "tpu.region"() ({
      %run_scoped3A = tpu.sem_alloc : memref<!tpu.dma_semaphore, #tpu.memory_space<semaphore_mem>>
      %dma_start3A_482 = tpu.memref_slice %arg4[%mul3A_6] : memref<320000xf32, #tpu.memory_space<hbm>> -> memref<10000xf32, #tpu.memory_space<hbm>>
      %dma_start3A_483 = tpu.memref_slice %arg4[%mul3A_6] : memref<320000xf32, #tpu.memory_space<hbm>> -> memref<10000xf32, #tpu.memory_space<hbm>>
      tpu.enqueue_dma source(%dma_start3A_483 : memref<10000xf32, #tpu.memory_space<hbm>>) target(%arg10 : memref<10000xf32, #tpu.memory_space<vmem>>) target_semaphore(%run_scoped3A : memref<!tpu.dma_semaphore, #tpu.memory_space<semaphore_mem>>)
      %dma_wait3A_484 = tpu.memref_slice %arg4[%mul3A_6] : memref<320000xf32, #tpu.memory_space<hbm>> -> memref<10000xf32, #tpu.memory_space<hbm>>
      %dma_wait3A_485 = tpu.memref_slice %arg4[%mul3A_6] : memref<320000xf32, #tpu.memory_space<hbm>> -> memref<10000xf32, #tpu.memory_space<hbm>>
      tpu.wait_dma2 semaphore(%run_scoped3A : memref<!tpu.dma_semaphore, #tpu.memory_space<semaphore_mem>>) src(%dma_wait3A_485 : memref<10000xf32, #tpu.memory_space<hbm>>) dst(%arg10 : memref<10000xf32, #tpu.memory_space<vmem>>)
      tpu.yield
    }) : () -> ()
    %mul3A_7 = arith.constant 625 : i32
    %mul3A_8 = arith.muli %arg1, %mul3A_7 : i32
    %broadcast_in_dim3A = arith.constant 0.000000e+00 : f32
    %broadcast_in_dim3A_9 = vector.broadcast %broadcast_in_dim3A : f32 to vector<16xf32>
    %scan3A = arith.constant 0 : i32
    %scan3A_10 = arith.constant 0 : i32
    %scan3A_11 = arith.constant 40 : i32
    %scan3A_12 = arith.addi %scan3A_10, %scan3A_11 : i32
    %scan3A_13 = arith.constant 1 : i32
    scf.for %scan3A_482 = %scan3A_10 to %scan3A_12 step %scan3A_13  : i32 {
      %swap3A = arith.index_cast %scan3A_482 : i32 to index
      %swap3A_483 = arith.constant 0 : index
      %swap3A_484 = tpu.vector_load %arg11[%swap3A, %swap3A_483] {strides = array<i32>} : memref<40x128xf32, #tpu.memory_space<vmem>>, vector<16xf32>,
      tpu.vector_store %arg11[%swap3A, %swap3A_483], %broadcast_in_dim3A_9 {strides = array<i32>} : memref<40x128xf32, #tpu.memory_space<vmem>>, vector<16xf32>,
      %swap3A_485 = arith.index_cast %scan3A_482 : i32 to index
      %swap3A_486 = arith.constant 16 : index
      %swap3A_487 = tpu.vector_load %arg11[%swap3A_485, %swap3A_486] {strides = array<i32>} : memref<40x128xf32, #tpu.memory_space<vmem>>, vector<16xf32>,
      tpu.vector_store %arg11[%swap3A_485, %swap3A_486], %broadcast_in_dim3A_9 {strides = array<i32>} : memref<40x128xf32, #tpu.memory_space<vmem>>, vector<16xf32>,
      %swap3A_488 = arith.index_cast %scan3A_482 : i32 to index
      %swap3A_489 = arith.constant 32 : index
      %swap3A_490 = tpu.vector_load %arg11[%swap3A_488, %swap3A_489] {strides = array<i32>} : memref<40x128xf32, #tpu.memory_space<vmem>>, vector<16xf32>,
      tpu.vector_store %arg11[%swap3A_488, %swap3A_489], %broadcast_in_dim3A_9 {strides = array<i32>} : memref<40x128xf32, #tpu.memory_space<vmem>>, vector<16xf32>,
      %swap3A_491 = arith.index_cast %scan3A_482 : i32 to index
      %swap3A_492 = arith.constant 48 : index
      %swap3A_493 = tpu.vector_load %arg11[%swap3A_491, %swap3A_492] {strides = array<i32>} : memref<40x128xf32, #tpu.memory_space<vmem>>, vector<16xf32>,
      tpu.vector_store %arg11[%swap3A_491, %swap3A_492], %broadcast_in_dim3A_9 {strides = array<i32>} : memref<40x128xf32, #tpu.memory_space<vmem>>, vector<16xf32>,
      %swap3A_494 = arith.index_cast %scan3A_482 : i32 to index
      %swap3A_495 = arith.constant 64 : index
      %swap3A_496 = tpu.vector_load %arg11[%swap3A_494, %swap3A_495] {strides = array<i32>} : memref<40x128xf32, #tpu.memory_space<vmem>>, vector<16xf32>,
      tpu.vector_store %arg11[%swap3A_494, %swap3A_495], %broadcast_in_dim3A_9 {strides = array<i32>} : memref<40x128xf32, #tpu.memory_space<vmem>>, vector<16xf32>,
      %swap3A_497 = arith.index_cast %scan3A_482 : i32 to index
      %swap3A_498 = arith.constant 80 : index
      %swap3A_499 = tpu.vector_load %arg11[%swap3A_497, %swap3A_498] {strides = array<i32>} : memref<40x128xf32, #tpu.memory_space<vmem>>, vector<16xf32>,
      tpu.vector_store %arg11[%swap3A_497, %swap3A_498], %broadcast_in_dim3A_9 {strides = array<i32>} : memref<40x128xf32, #tpu.memory_space<vmem>>, vector<16xf32>,
      %swap3A_500 = arith.index_cast %scan3A_482 : i32 to index
      %swap3A_501 = arith.constant 96 : index
      %swap3A_502 = tpu.vector_load %arg11[%swap3A_500, %swap3A_501] {strides = array<i32>} : memref<40x128xf32, #tpu.memory_space<vmem>>, vector<16xf32>,
      tpu.vector_store %arg11[%swap3A_500, %swap3A_501], %broadcast_in_dim3A_9 {strides = array<i32>} : memref<40x128xf32, #tpu.memory_space<vmem>>, vector<16xf32>,
      %swap3A_503 = arith.index_cast %scan3A_482 : i32 to index
      %swap3A_504 = arith.constant 112 : index
      %swap3A_505 = tpu.vector_load %arg11[%swap3A_503, %swap3A_504] {strides = array<i32>} : memref<40x128xf32, #tpu.memory_space<vmem>>, vector<16xf32>,
      tpu.vector_store %arg11[%swap3A_503, %swap3A_504], %broadcast_in_dim3A_9 {strides = array<i32>} : memref<40x128xf32, #tpu.memory_space<vmem>>, vector<16xf32>,
    }
    %scan3A_14 = arith.constant 40 : i32
    %add3A_15 = arith.constant 0 : i32
    %add3A_16 = arith.addi %mul3A_8, %add3A_15 : i32
    %dma_start3A = arith.constant 0 : i32
    %dma_start3A_17 = arith.constant 0 : i32
    %dma_start3A_18 = tpu.memref_slice %arg11[%dma_start3A, %dma_start3A_17] : memref<40x128xf32, #tpu.memory_space<vmem>> -> memref<40x128xf32, #tpu.memory_space<vmem>>
    %dma_start3A_19 = arith.constant 0 : i32
    %dma_start3A_20 = tpu.memref_slice %arg7[%add3A_16, %dma_start3A_19] : memref<10000x128xf32, #tpu.memory_space<vmem_shared>> -> memref<40x128xf32, #tpu.memory_space<vmem_shared>>
    %dma_start3A_21 = arith.constant 0 : i32
    %dma_start3A_22 = tpu.memref_slice %arg7[%add3A_16, %dma_start3A_21] : memref<10000x128xf32, #tpu.memory_space<vmem_shared>> -> memref<40x128xf32, #tpu.memory_space<vmem_shared>>
    %dma_start3A_23 = arith.constant 0 : i32
    %dma_start3A_24 = arith.constant 0 : i32
    %dma_start3A_25 = tpu.memref_slice %arg11[%dma_start3A_23, %dma_start3A_24] : memref<40x128xf32, #tpu.memory_space<vmem>> -> memref<40x128xf32, #tpu.memory_space<vmem>>
    tpu.enqueue_dma source(%dma_start3A_25 : memref<40x128xf32, #tpu.memory_space<vmem>>) target(%dma_start3A_22 : memref<40x128xf32, #tpu.memory_space<vmem_shared>>) target_semaphore(%arg19 : memref<!tpu.dma_semaphore, #tpu.memory_space<semaphore_mem>>)
    %add3A_26 = arith.constant 40 : i32
    %add3A_27 = arith.addi %mul3A_8, %add3A_26 : i32
    %dma_start3A_28 = arith.constant 0 : i32
    %dma_start3A_29 = arith.constant 0 : i32
    %dma_start3A_30 = tpu.memref_slice %arg11[%dma_start3A_28, %dma_start3A_29] : memref<40x128xf32, #tpu.memory_space<vmem>> -> memref<40x128xf32, #tpu.memory_space<vmem>>
    %dma_start3A_31 = arith.constant 0 : i32
    %dma_start3A_32 = tpu.memref_slice %arg7[%add3A_27, %dma_start3A_31] : memref<10000x128xf32, #tpu.memory_space<vmem_shared>> -> memref<40x128xf32, #tpu.memory_space<vmem_shared>>
    %dma_start3A_33 = arith.constant 0 : i32
    %dma_start3A_34 = tpu.memref_slice %arg7[%add3A_27, %dma_start3A_33] : memref<10000x128xf32, #tpu.memory_space<vmem_shared>> -> memref<40x128xf32, #tpu.memory_space<vmem_shared>>
    %dma_start3A_35 = arith.constant 0 : i32
    %dma_start3A_36 = arith.constant 0 : i32
    %dma_start3A_37 = tpu.memref_slice %arg11[%dma_start3A_35, %dma_start3A_36] : memref<40x128xf32, #tpu.memory_space<vmem>> -> memref<40x128xf32, #tpu.memory_space<vmem>>
    tpu.enqueue_dma source(%dma_start3A_37 : memref<40x128xf32, #tpu.memory_space<vmem>>) target(%dma_start3A_34 : memref<40x128xf32, #tpu.memory_space<vmem_shared>>) target_semaphore(%arg20 : memref<!tpu.dma_semaphore, #tpu.memory_space<semaphore_mem>>)
    %add3A_38 = arith.constant 80 : i32
    %add3A_39 = arith.addi %mul3A_8, %add3A_38 : i32
    %dma_start3A_40 = arith.constant 0 : i32
    %dma_start3A_41 = arith.constant 0 : i32
    %dma_start3A_42 = tpu.memref_slice %arg11[%dma_start3A_40, %dma_start3A_41] : memref<40x128xf32, #tpu.memory_space<vmem>> -> memref<40x128xf32, #tpu.memory_space<vmem>>
    %dma_start3A_43 = arith.constant 0 : i32
    %dma_start3A_44 = tpu.memref_slice %arg7[%add3A_39, %dma_start3A_43] : memref<10000x128xf32, #tpu.memory_space<vmem_shared>> -> memref<40x128xf32, #tpu.memory_space<vmem_shared>>
    %dma_start3A_45 = arith.constant 0 : i32
    %dma_start3A_46 = tpu.memref_slice %arg7[%add3A_39, %dma_start3A_45] : memref<10000x128xf32, #tpu.memory_space<vmem_shared>> -> memref<40x128xf32, #tpu.memory_space<vmem_shared>>
    %dma_start3A_47 = arith.constant 0 : i32
    %dma_start3A_48 = arith.constant 0 : i32
    %dma_start3A_49 = tpu.memref_slice %arg11[%dma_start3A_47, %dma_start3A_48] : memref<40x128xf32, #tpu.memory_space<vmem>> -> memref<40x128xf32, #tpu.memory_space<vmem>>
    tpu.enqueue_dma source(%dma_start3A_49 : memref<40x128xf32, #tpu.memory_space<vmem>>) target(%dma_start3A_46 : memref<40x128xf32, #tpu.memory_space<vmem_shared>>) target_semaphore(%arg21 : memref<!tpu.dma_semaphore, #tpu.memory_space<semaphore_mem>>)
    %add3A_50 = arith.constant 120 : i32
    %add3A_51 = arith.addi %mul3A_8, %add3A_50 : i32
    %dma_start3A_52 = arith.constant 0 : i32
    %dma_start3A_53 = arith.constant 0 : i32
    %dma_start3A_54 = tpu.memref_slice %arg11[%dma_start3A_52, %dma_start3A_53] : memref<40x128xf32, #tpu.memory_space<vmem>> -> memref<40x128xf32, #tpu.memory_space<vmem>>
    %dma_start3A_55 = arith.constant 0 : i32
    %dma_start3A_56 = tpu.memref_slice %arg7[%add3A_51, %dma_start3A_55] : memref<10000x128xf32, #tpu.memory_space<vmem_shared>> -> memref<40x128xf32, #tpu.memory_space<vmem_shared>>
    %dma_start3A_57 = arith.constant 0 : i32
    %dma_start3A_58 = tpu.memref_slice %arg7[%add3A_51, %dma_start3A_57] : memref<10000x128xf32, #tpu.memory_space<vmem_shared>> -> memref<40x128xf32, #tpu.memory_space<vmem_shared>>
    %dma_start3A_59 = arith.constant 0 : i32
    %dma_start3A_60 = arith.constant 0 : i32
    %dma_start3A_61 = tpu.memref_slice %arg11[%dma_start3A_59, %dma_start3A_60] : memref<40x128xf32, #tpu.memory_space<vmem>> -> memref<40x128xf32, #tpu.memory_space<vmem>>
    tpu.enqueue_dma source(%dma_start3A_61 : memref<40x128xf32, #tpu.memory_space<vmem>>) target(%dma_start3A_58 : memref<40x128xf32, #tpu.memory_space<vmem_shared>>) target_semaphore(%arg22 : memref<!tpu.dma_semaphore, #tpu.memory_space<semaphore_mem>>)
    %add3A_62 = arith.constant 160 : i32
    %add3A_63 = arith.addi %mul3A_8, %add3A_62 : i32
    %dma_start3A_64 = arith.constant 0 : i32
    %dma_start3A_65 = arith.constant 0 : i32
    %dma_start3A_66 = tpu.memref_slice %arg11[%dma_start3A_64, %dma_start3A_65] : memref<40x128xf32, #tpu.memory_space<vmem>> -> memref<40x128xf32, #tpu.memory_space<vmem>>
    %dma_start3A_67 = arith.constant 0 : i32
    %dma_start3A_68 = tpu.memref_slice %arg7[%add3A_63, %dma_start3A_67] : memref<10000x128xf32, #tpu.memory_space<vmem_shared>> -> memref<40x128xf32, #tpu.memory_space<vmem_shared>>
    %dma_start3A_69 = arith.constant 0 : i32
    %dma_start3A_70 = tpu.memref_slice %arg7[%add3A_63, %dma_start3A_69] : memref<10000x128xf32, #tpu.memory_space<vmem_shared>> -> memref<40x128xf32, #tpu.memory_space<vmem_shared>>
    %dma_start3A_71 = arith.constant 0 : i32
    %dma_start3A_72 = arith.constant 0 : i32
    %dma_start3A_73 = tpu.memref_slice %arg11[%dma_start3A_71, %dma_start3A_72] : memref<40x128xf32, #tpu.memory_space<vmem>> -> memref<40x128xf32, #tpu.memory_space<vmem>>
    tpu.enqueue_dma source(%dma_start3A_73 : memref<40x128xf32, #tpu.memory_space<vmem>>) target(%dma_start3A_70 : memref<40x128xf32, #tpu.memory_space<vmem_shared>>) target_semaphore(%arg19 : memref<!tpu.dma_semaphore, #tpu.memory_space<semaphore_mem>>)
    %add3A_74 = arith.constant 200 : i32
    %add3A_75 = arith.addi %mul3A_8, %add3A_74 : i32
    %dma_start3A_76 = arith.constant 0 : i32
    %dma_start3A_77 = arith.constant 0 : i32
    %dma_start3A_78 = tpu.memref_slice %arg11[%dma_start3A_76, %dma_start3A_77] : memref<40x128xf32, #tpu.memory_space<vmem>> -> memref<40x128xf32, #tpu.memory_space<vmem>>
    %dma_start3A_79 = arith.constant 0 : i32
    %dma_start3A_80 = tpu.memref_slice %arg7[%add3A_75, %dma_start3A_79] : memref<10000x128xf32, #tpu.memory_space<vmem_shared>> -> memref<40x128xf32, #tpu.memory_space<vmem_shared>>
    %dma_start3A_81 = arith.constant 0 : i32
    %dma_start3A_82 = tpu.memref_slice %arg7[%add3A_75, %dma_start3A_81] : memref<10000x128xf32, #tpu.memory_space<vmem_shared>> -> memref<40x128xf32, #tpu.memory_space<vmem_shared>>
    %dma_start3A_83 = arith.constant 0 : i32
    %dma_start3A_84 = arith.constant 0 : i32
    %dma_start3A_85 = tpu.memref_slice %arg11[%dma_start3A_83, %dma_start3A_84] : memref<40x128xf32, #tpu.memory_space<vmem>> -> memref<40x128xf32, #tpu.memory_space<vmem>>
    tpu.enqueue_dma source(%dma_start3A_85 : memref<40x128xf32, #tpu.memory_space<vmem>>) target(%dma_start3A_82 : memref<40x128xf32, #tpu.memory_space<vmem_shared>>) target_semaphore(%arg20 : memref<!tpu.dma_semaphore, #tpu.memory_space<semaphore_mem>>)
    %add3A_86 = arith.constant 240 : i32
    %add3A_87 = arith.addi %mul3A_8, %add3A_86 : i32
    %dma_start3A_88 = arith.constant 0 : i32
    %dma_start3A_89 = arith.constant 0 : i32
    %dma_start3A_90 = tpu.memref_slice %arg11[%dma_start3A_88, %dma_start3A_89] : memref<40x128xf32, #tpu.memory_space<vmem>> -> memref<40x128xf32, #tpu.memory_space<vmem>>
    %dma_start3A_91 = arith.constant 0 : i32
    %dma_start3A_92 = tpu.memref_slice %arg7[%add3A_87, %dma_start3A_91] : memref<10000x128xf32, #tpu.memory_space<vmem_shared>> -> memref<40x128xf32, #tpu.memory_space<vmem_shared>>
    %dma_start3A_93 = arith.constant 0 : i32
    %dma_start3A_94 = tpu.memref_slice %arg7[%add3A_87, %dma_start3A_93] : memref<10000x128xf32, #tpu.memory_space<vmem_shared>> -> memref<40x128xf32, #tpu.memory_space<vmem_shared>>
    %dma_start3A_95 = arith.constant 0 : i32
    %dma_start3A_96 = arith.constant 0 : i32
    %dma_start3A_97 = tpu.memref_slice %arg11[%dma_start3A_95, %dma_start3A_96] : memref<40x128xf32, #tpu.memory_space<vmem>> -> memref<40x128xf32, #tpu.memory_space<vmem>>
    tpu.enqueue_dma source(%dma_start3A_97 : memref<40x128xf32, #tpu.memory_space<vmem>>) target(%dma_start3A_94 : memref<40x128xf32, #tpu.memory_space<vmem_shared>>) target_semaphore(%arg21 : memref<!tpu.dma_semaphore, #tpu.memory_space<semaphore_mem>>)
    %add3A_98 = arith.constant 280 : i32
    %add3A_99 = arith.addi %mul3A_8, %add3A_98 : i32
    %dma_start3A_100 = arith.constant 0 : i32
    %dma_start3A_101 = arith.constant 0 : i32
    %dma_start3A_102 = tpu.memref_slice %arg11[%dma_start3A_100, %dma_start3A_101] : memref<40x128xf32, #tpu.memory_space<vmem>> -> memref<40x128xf32, #tpu.memory_space<vmem>>
    %dma_start3A_103 = arith.constant 0 : i32
    %dma_start3A_104 = tpu.memref_slice %arg7[%add3A_99, %dma_start3A_103] : memref<10000x128xf32, #tpu.memory_space<vmem_shared>> -> memref<40x128xf32, #tpu.memory_space<vmem_shared>>
    %dma_start3A_105 = arith.constant 0 : i32
    %dma_start3A_106 = tpu.memref_slice %arg7[%add3A_99, %dma_start3A_105] : memref<10000x128xf32, #tpu.memory_space<vmem_shared>> -> memref<40x128xf32, #tpu.memory_space<vmem_shared>>
    %dma_start3A_107 = arith.constant 0 : i32
    %dma_start3A_108 = arith.constant 0 : i32
    %dma_start3A_109 = tpu.memref_slice %arg11[%dma_start3A_107, %dma_start3A_108] : memref<40x128xf32, #tpu.memory_space<vmem>> -> memref<40x128xf32, #tpu.memory_space<vmem>>
    tpu.enqueue_dma source(%dma_start3A_109 : memref<40x128xf32, #tpu.memory_space<vmem>>) target(%dma_start3A_106 : memref<40x128xf32, #tpu.memory_space<vmem_shared>>) target_semaphore(%arg22 : memref<!tpu.dma_semaphore, #tpu.memory_space<semaphore_mem>>)
    %add3A_110 = arith.constant 320 : i32
    %add3A_111 = arith.addi %mul3A_8, %add3A_110 : i32
    %dma_start3A_112 = arith.constant 0 : i32
    %dma_start3A_113 = arith.constant 0 : i32
    %dma_start3A_114 = tpu.memref_slice %arg11[%dma_start3A_112, %dma_start3A_113] : memref<40x128xf32, #tpu.memory_space<vmem>> -> memref<40x128xf32, #tpu.memory_space<vmem>>
    %dma_start3A_115 = arith.constant 0 : i32
    %dma_start3A_116 = tpu.memref_slice %arg7[%add3A_111, %dma_start3A_115] : memref<10000x128xf32, #tpu.memory_space<vmem_shared>> -> memref<40x128xf32, #tpu.memory_space<vmem_shared>>
    %dma_start3A_117 = arith.constant 0 : i32
    %dma_start3A_118 = tpu.memref_slice %arg7[%add3A_111, %dma_start3A_117] : memref<10000x128xf32, #tpu.memory_space<vmem_shared>> -> memref<40x128xf32, #tpu.memory_space<vmem_shared>>
    %dma_start3A_119 = arith.constant 0 : i32
    %dma_start3A_120 = arith.constant 0 : i32
    %dma_start3A_121 = tpu.memref_slice %arg11[%dma_start3A_119, %dma_start3A_120] : memref<40x128xf32, #tpu.memory_space<vmem>> -> memref<40x128xf32, #tpu.memory_space<vmem>>
    tpu.enqueue_dma source(%dma_start3A_121 : memref<40x128xf32, #tpu.memory_space<vmem>>) target(%dma_start3A_118 : memref<40x128xf32, #tpu.memory_space<vmem_shared>>) target_semaphore(%arg19 : memref<!tpu.dma_semaphore, #tpu.memory_space<semaphore_mem>>)
    %add3A_122 = arith.constant 360 : i32
    %add3A_123 = arith.addi %mul3A_8, %add3A_122 : i32
    %dma_start3A_124 = arith.constant 0 : i32
    %dma_start3A_125 = arith.constant 0 : i32
    %dma_start3A_126 = tpu.memref_slice %arg11[%dma_start3A_124, %dma_start3A_125] : memref<40x128xf32, #tpu.memory_space<vmem>> -> memref<40x128xf32, #tpu.memory_space<vmem>>
    %dma_start3A_127 = arith.constant 0 : i32
    %dma_start3A_128 = tpu.memref_slice %arg7[%add3A_123, %dma_start3A_127] : memref<10000x128xf32, #tpu.memory_space<vmem_shared>> -> memref<40x128xf32, #tpu.memory_space<vmem_shared>>
    %dma_start3A_129 = arith.constant 0 : i32
    %dma_start3A_130 = tpu.memref_slice %arg7[%add3A_123, %dma_start3A_129] : memref<10000x128xf32, #tpu.memory_space<vmem_shared>> -> memref<40x128xf32, #tpu.memory_space<vmem_shared>>
    %dma_start3A_131 = arith.constant 0 : i32
    %dma_start3A_132 = arith.constant 0 : i32
    %dma_start3A_133 = tpu.memref_slice %arg11[%dma_start3A_131, %dma_start3A_132] : memref<40x128xf32, #tpu.memory_space<vmem>> -> memref<40x128xf32, #tpu.memory_space<vmem>>
    tpu.enqueue_dma source(%dma_start3A_133 : memref<40x128xf32, #tpu.memory_space<vmem>>) target(%dma_start3A_130 : memref<40x128xf32, #tpu.memory_space<vmem_shared>>) target_semaphore(%arg20 : memref<!tpu.dma_semaphore, #tpu.memory_space<semaphore_mem>>)
    %add3A_134 = arith.constant 400 : i32
    %add3A_135 = arith.addi %mul3A_8, %add3A_134 : i32
    %dma_start3A_136 = arith.constant 0 : i32
    %dma_start3A_137 = arith.constant 0 : i32
    %dma_start3A_138 = tpu.memref_slice %arg11[%dma_start3A_136, %dma_start3A_137] : memref<40x128xf32, #tpu.memory_space<vmem>> -> memref<40x128xf32, #tpu.memory_space<vmem>>
    %dma_start3A_139 = arith.constant 0 : i32
    %dma_start3A_140 = tpu.memref_slice %arg7[%add3A_135, %dma_start3A_139] : memref<10000x128xf32, #tpu.memory_space<vmem_shared>> -> memref<40x128xf32, #tpu.memory_space<vmem_shared>>
    %dma_start3A_141 = arith.constant 0 : i32
    %dma_start3A_142 = tpu.memref_slice %arg7[%add3A_135, %dma_start3A_141] : memref<10000x128xf32, #tpu.memory_space<vmem_shared>> -> memref<40x128xf32, #tpu.memory_space<vmem_shared>>
    %dma_start3A_143 = arith.constant 0 : i32
    %dma_start3A_144 = arith.constant 0 : i32
    %dma_start3A_145 = tpu.memref_slice %arg11[%dma_start3A_143, %dma_start3A_144] : memref<40x128xf32, #tpu.memory_space<vmem>> -> memref<40x128xf32, #tpu.memory_space<vmem>>
    tpu.enqueue_dma source(%dma_start3A_145 : memref<40x128xf32, #tpu.memory_space<vmem>>) target(%dma_start3A_142 : memref<40x128xf32, #tpu.memory_space<vmem_shared>>) target_semaphore(%arg21 : memref<!tpu.dma_semaphore, #tpu.memory_space<semaphore_mem>>)
    %add3A_146 = arith.constant 440 : i32
    %add3A_147 = arith.addi %mul3A_8, %add3A_146 : i32
    %dma_start3A_148 = arith.constant 0 : i32
    %dma_start3A_149 = arith.constant 0 : i32
    %dma_start3A_150 = tpu.memref_slice %arg11[%dma_start3A_148, %dma_start3A_149] : memref<40x128xf32, #tpu.memory_space<vmem>> -> memref<40x128xf32, #tpu.memory_space<vmem>>
    %dma_start3A_151 = arith.constant 0 : i32
    %dma_start3A_152 = tpu.memref_slice %arg7[%add3A_147, %dma_start3A_151] : memref<10000x128xf32, #tpu.memory_space<vmem_shared>> -> memref<40x128xf32, #tpu.memory_space<vmem_shared>>
    %dma_start3A_153 = arith.constant 0 : i32
    %dma_start3A_154 = tpu.memref_slice %arg7[%add3A_147, %dma_start3A_153] : memref<10000x128xf32, #tpu.memory_space<vmem_shared>> -> memref<40x128xf32, #tpu.memory_space<vmem_shared>>
    %dma_start3A_155 = arith.constant 0 : i32
    %dma_start3A_156 = arith.constant 0 : i32
    %dma_start3A_157 = tpu.memref_slice %arg11[%dma_start3A_155, %dma_start3A_156] : memref<40x128xf32, #tpu.memory_space<vmem>> -> memref<40x128xf32, #tpu.memory_space<vmem>>
    tpu.enqueue_dma source(%dma_start3A_157 : memref<40x128xf32, #tpu.memory_space<vmem>>) target(%dma_start3A_154 : memref<40x128xf32, #tpu.memory_space<vmem_shared>>) target_semaphore(%arg22 : memref<!tpu.dma_semaphore, #tpu.memory_space<semaphore_mem>>)
    %add3A_158 = arith.constant 480 : i32
    %add3A_159 = arith.addi %mul3A_8, %add3A_158 : i32
    %dma_start3A_160 = arith.constant 0 : i32
    %dma_start3A_161 = arith.constant 0 : i32
    %dma_start3A_162 = tpu.memref_slice %arg11[%dma_start3A_160, %dma_start3A_161] : memref<40x128xf32, #tpu.memory_space<vmem>> -> memref<40x128xf32, #tpu.memory_space<vmem>>
    %dma_start3A_163 = arith.constant 0 : i32
    %dma_start3A_164 = tpu.memref_slice %arg7[%add3A_159, %dma_start3A_163] : memref<10000x128xf32, #tpu.memory_space<vmem_shared>> -> memref<40x128xf32, #tpu.memory_space<vmem_shared>>
    %dma_start3A_165 = arith.constant 0 : i32
    %dma_start3A_166 = tpu.memref_slice %arg7[%add3A_159, %dma_start3A_165] : memref<10000x128xf32, #tpu.memory_space<vmem_shared>> -> memref<40x128xf32, #tpu.memory_space<vmem_shared>>
    %dma_start3A_167 = arith.constant 0 : i32
    %dma_start3A_168 = arith.constant 0 : i32
    %dma_start3A_169 = tpu.memref_slice %arg11[%dma_start3A_167, %dma_start3A_168] : memref<40x128xf32, #tpu.memory_space<vmem>> -> memref<40x128xf32, #tpu.memory_space<vmem>>
    tpu.enqueue_dma source(%dma_start3A_169 : memref<40x128xf32, #tpu.memory_space<vmem>>) target(%dma_start3A_166 : memref<40x128xf32, #tpu.memory_space<vmem_shared>>) target_semaphore(%arg19 : memref<!tpu.dma_semaphore, #tpu.memory_space<semaphore_mem>>)
    %add3A_170 = arith.constant 520 : i32
    %add3A_171 = arith.addi %mul3A_8, %add3A_170 : i32
    %dma_start3A_172 = arith.constant 0 : i32
    %dma_start3A_173 = arith.constant 0 : i32
    %dma_start3A_174 = tpu.memref_slice %arg11[%dma_start3A_172, %dma_start3A_173] : memref<40x128xf32, #tpu.memory_space<vmem>> -> memref<40x128xf32, #tpu.memory_space<vmem>>
    %dma_start3A_175 = arith.constant 0 : i32
    %dma_start3A_176 = tpu.memref_slice %arg7[%add3A_171, %dma_start3A_175] : memref<10000x128xf32, #tpu.memory_space<vmem_shared>> -> memref<40x128xf32, #tpu.memory_space<vmem_shared>>
    %dma_start3A_177 = arith.constant 0 : i32
    %dma_start3A_178 = tpu.memref_slice %arg7[%add3A_171, %dma_start3A_177] : memref<10000x128xf32, #tpu.memory_space<vmem_shared>> -> memref<40x128xf32, #tpu.memory_space<vmem_shared>>
    %dma_start3A_179 = arith.constant 0 : i32
    %dma_start3A_180 = arith.constant 0 : i32
    %dma_start3A_181 = tpu.memref_slice %arg11[%dma_start3A_179, %dma_start3A_180] : memref<40x128xf32, #tpu.memory_space<vmem>> -> memref<40x128xf32, #tpu.memory_space<vmem>>
    tpu.enqueue_dma source(%dma_start3A_181 : memref<40x128xf32, #tpu.memory_space<vmem>>) target(%dma_start3A_178 : memref<40x128xf32, #tpu.memory_space<vmem_shared>>) target_semaphore(%arg20 : memref<!tpu.dma_semaphore, #tpu.memory_space<semaphore_mem>>)
    %add3A_182 = arith.constant 560 : i32
    %add3A_183 = arith.addi %mul3A_8, %add3A_182 : i32
    %dma_start3A_184 = arith.constant 0 : i32
    %dma_start3A_185 = arith.constant 0 : i32
    %dma_start3A_186 = tpu.memref_slice %arg11[%dma_start3A_184, %dma_start3A_185] : memref<40x128xf32, #tpu.memory_space<vmem>> -> memref<40x128xf32, #tpu.memory_space<vmem>>
    %dma_start3A_187 = arith.constant 0 : i32
    %dma_start3A_188 = tpu.memref_slice %arg7[%add3A_183, %dma_start3A_187] : memref<10000x128xf32, #tpu.memory_space<vmem_shared>> -> memref<40x128xf32, #tpu.memory_space<vmem_shared>>
    %dma_start3A_189 = arith.constant 0 : i32
    %dma_start3A_190 = tpu.memref_slice %arg7[%add3A_183, %dma_start3A_189] : memref<10000x128xf32, #tpu.memory_space<vmem_shared>> -> memref<40x128xf32, #tpu.memory_space<vmem_shared>>
    %dma_start3A_191 = arith.constant 0 : i32
    %dma_start3A_192 = arith.constant 0 : i32
    %dma_start3A_193 = tpu.memref_slice %arg11[%dma_start3A_191, %dma_start3A_192] : memref<40x128xf32, #tpu.memory_space<vmem>> -> memref<40x128xf32, #tpu.memory_space<vmem>>
    tpu.enqueue_dma source(%dma_start3A_193 : memref<40x128xf32, #tpu.memory_space<vmem>>) target(%dma_start3A_190 : memref<40x128xf32, #tpu.memory_space<vmem_shared>>) target_semaphore(%arg21 : memref<!tpu.dma_semaphore, #tpu.memory_space<semaphore_mem>>)
    %add3A_194 = arith.constant 600 : i32
    %add3A_195 = arith.addi %mul3A_8, %add3A_194 : i32
    %dma_start3A_196 = arith.constant 0 : i32
    %dma_start3A_197 = arith.constant 0 : i32
    %dma_start3A_198 = tpu.memref_slice %arg11[%dma_start3A_196, %dma_start3A_197] : memref<40x128xf32, #tpu.memory_space<vmem>> -> memref<25x128xf32, #tpu.memory_space<vmem>>
    %dma_start3A_199 = arith.constant 0 : i32
    %dma_start3A_200 = tpu.memref_slice %arg7[%add3A_195, %dma_start3A_199] : memref<10000x128xf32, #tpu.memory_space<vmem_shared>> -> memref<25x128xf32, #tpu.memory_space<vmem_shared>>
    %dma_start3A_201 = arith.constant 0 : i32
    %dma_start3A_202 = tpu.memref_slice %arg7[%add3A_195, %dma_start3A_201] : memref<10000x128xf32, #tpu.memory_space<vmem_shared>> -> memref<25x128xf32, #tpu.memory_space<vmem_shared>>
    %dma_start3A_203 = arith.constant 0 : i32
    %dma_start3A_204 = arith.constant 0 : i32
    %dma_start3A_205 = tpu.memref_slice %arg11[%dma_start3A_203, %dma_start3A_204] : memref<40x128xf32, #tpu.memory_space<vmem>> -> memref<25x128xf32, #tpu.memory_space<vmem>>
    tpu.enqueue_dma source(%dma_start3A_205 : memref<25x128xf32, #tpu.memory_space<vmem>>) target(%dma_start3A_202 : memref<25x128xf32, #tpu.memory_space<vmem_shared>>) target_semaphore(%arg22 : memref<!tpu.dma_semaphore, #tpu.memory_space<semaphore_mem>>)
    %add3A_206 = arith.constant 0 : i32
    %add3A_207 = arith.addi %mul3A_8, %add3A_206 : i32
    %dma_wait3A = arith.constant 0 : i32
    %dma_wait3A_208 = arith.constant 0 : i32
    %dma_wait3A_209 = tpu.memref_slice %arg11[%dma_wait3A, %dma_wait3A_208] : memref<40x128xf32, #tpu.memory_space<vmem>> -> memref<40x128xf32, #tpu.memory_space<vmem>>
    %dma_wait3A_210 = arith.constant 0 : i32
    %dma_wait3A_211 = tpu.memref_slice %arg7[%add3A_207, %dma_wait3A_210] : memref<10000x128xf32, #tpu.memory_space<vmem_shared>> -> memref<40x128xf32, #tpu.memory_space<vmem_shared>>
    %dma_wait3A_212 = arith.constant 0 : i32
    %dma_wait3A_213 = tpu.memref_slice %arg7[%add3A_207, %dma_wait3A_212] : memref<10000x128xf32, #tpu.memory_space<vmem_shared>> -> memref<40x128xf32, #tpu.memory_space<vmem_shared>>
    %dma_wait3A_214 = arith.constant 0 : i32
    %dma_wait3A_215 = arith.constant 0 : i32
    %dma_wait3A_216 = tpu.memref_slice %arg11[%dma_wait3A_214, %dma_wait3A_215] : memref<40x128xf32, #tpu.memory_space<vmem>> -> memref<40x128xf32, #tpu.memory_space<vmem>>
    tpu.wait_dma2 semaphore(%arg19 : memref<!tpu.dma_semaphore, #tpu.memory_space<semaphore_mem>>) src(%dma_wait3A_216 : memref<40x128xf32, #tpu.memory_space<vmem>>) dst(%dma_wait3A_213 : memref<40x128xf32, #tpu.memory_space<vmem_shared>>)
    %add3A_217 = arith.constant 40 : i32
    %add3A_218 = arith.addi %mul3A_8, %add3A_217 : i32
    %dma_wait3A_219 = arith.constant 0 : i32
    %dma_wait3A_220 = arith.constant 0 : i32
    %dma_wait3A_221 = tpu.memref_slice %arg11[%dma_wait3A_219, %dma_wait3A_220] : memref<40x128xf32, #tpu.memory_space<vmem>> -> memref<40x128xf32, #tpu.memory_space<vmem>>
    %dma_wait3A_222 = arith.constant 0 : i32
    %dma_wait3A_223 = tpu.memref_slice %arg7[%add3A_218, %dma_wait3A_222] : memref<10000x128xf32, #tpu.memory_space<vmem_shared>> -> memref<40x128xf32, #tpu.memory_space<vmem_shared>>
    %dma_wait3A_224 = arith.constant 0 : i32
    %dma_wait3A_225 = tpu.memref_slice %arg7[%add3A_218, %dma_wait3A_224] : memref<10000x128xf32, #tpu.memory_space<vmem_shared>> -> memref<40x128xf32, #tpu.memory_space<vmem_shared>>
    %dma_wait3A_226 = arith.constant 0 : i32
    %dma_wait3A_227 = arith.constant 0 : i32
    %dma_wait3A_228 = tpu.memref_slice %arg11[%dma_wait3A_226, %dma_wait3A_227] : memref<40x128xf32, #tpu.memory_space<vmem>> -> memref<40x128xf32, #tpu.memory_space<vmem>>
    tpu.wait_dma2 semaphore(%arg20 : memref<!tpu.dma_semaphore, #tpu.memory_space<semaphore_mem>>) src(%dma_wait3A_228 : memref<40x128xf32, #tpu.memory_space<vmem>>) dst(%dma_wait3A_225 : memref<40x128xf32, #tpu.memory_space<vmem_shared>>)
    %add3A_229 = arith.constant 80 : i32
    %add3A_230 = arith.addi %mul3A_8, %add3A_229 : i32
    %dma_wait3A_231 = arith.constant 0 : i32
    %dma_wait3A_232 = arith.constant 0 : i32
    %dma_wait3A_233 = tpu.memref_slice %arg11[%dma_wait3A_231, %dma_wait3A_232] : memref<40x128xf32, #tpu.memory_space<vmem>> -> memref<40x128xf32, #tpu.memory_space<vmem>>
    %dma_wait3A_234 = arith.constant 0 : i32
    %dma_wait3A_235 = tpu.memref_slice %arg7[%add3A_230, %dma_wait3A_234] : memref<10000x128xf32, #tpu.memory_space<vmem_shared>> -> memref<40x128xf32, #tpu.memory_space<vmem_shared>>
    %dma_wait3A_236 = arith.constant 0 : i32
    %dma_wait3A_237 = tpu.memref_slice %arg7[%add3A_230, %dma_wait3A_236] : memref<10000x128xf32, #tpu.memory_space<vmem_shared>> -> memref<40x128xf32, #tpu.memory_space<vmem_shared>>
    %dma_wait3A_238 = arith.constant 0 : i32
    %dma_wait3A_239 = arith.constant 0 : i32
    %dma_wait3A_240 = tpu.memref_slice %arg11[%dma_wait3A_238, %dma_wait3A_239] : memref<40x128xf32, #tpu.memory_space<vmem>> -> memref<40x128xf32, #tpu.memory_space<vmem>>
    tpu.wait_dma2 semaphore(%arg21 : memref<!tpu.dma_semaphore, #tpu.memory_space<semaphore_mem>>) src(%dma_wait3A_240 : memref<40x128xf32, #tpu.memory_space<vmem>>) dst(%dma_wait3A_237 : memref<40x128xf32, #tpu.memory_space<vmem_shared>>)
    %add3A_241 = arith.constant 120 : i32
    %add3A_242 = arith.addi %mul3A_8, %add3A_241 : i32
    %dma_wait3A_243 = arith.constant 0 : i32
    %dma_wait3A_244 = arith.constant 0 : i32
    %dma_wait3A_245 = tpu.memref_slice %arg11[%dma_wait3A_243, %dma_wait3A_244] : memref<40x128xf32, #tpu.memory_space<vmem>> -> memref<40x128xf32, #tpu.memory_space<vmem>>
    %dma_wait3A_246 = arith.constant 0 : i32
    %dma_wait3A_247 = tpu.memref_slice %arg7[%add3A_242, %dma_wait3A_246] : memref<10000x128xf32, #tpu.memory_space<vmem_shared>> -> memref<40x128xf32, #tpu.memory_space<vmem_shared>>
    %dma_wait3A_248 = arith.constant 0 : i32
    %dma_wait3A_249 = tpu.memref_slice %arg7[%add3A_242, %dma_wait3A_248] : memref<10000x128xf32, #tpu.memory_space<vmem_shared>> -> memref<40x128xf32, #tpu.memory_space<vmem_shared>>
    %dma_wait3A_250 = arith.constant 0 : i32
    %dma_wait3A_251 = arith.constant 0 : i32
    %dma_wait3A_252 = tpu.memref_slice %arg11[%dma_wait3A_250, %dma_wait3A_251] : memref<40x128xf32, #tpu.memory_space<vmem>> -> memref<40x128xf32, #tpu.memory_space<vmem>>
    tpu.wait_dma2 semaphore(%arg22 : memref<!tpu.dma_semaphore, #tpu.memory_space<semaphore_mem>>) src(%dma_wait3A_252 : memref<40x128xf32, #tpu.memory_space<vmem>>) dst(%dma_wait3A_249 : memref<40x128xf32, #tpu.memory_space<vmem_shared>>)
    %add3A_253 = arith.constant 160 : i32
    %add3A_254 = arith.addi %mul3A_8, %add3A_253 : i32
    %dma_wait3A_255 = arith.constant 0 : i32
    %dma_wait3A_256 = arith.constant 0 : i32
    %dma_wait3A_257 = tpu.memref_slice %arg11[%dma_wait3A_255, %dma_wait3A_256] : memref<40x128xf32, #tpu.memory_space<vmem>> -> memref<40x128xf32, #tpu.memory_space<vmem>>
    %dma_wait3A_258 = arith.constant 0 : i32
    %dma_wait3A_259 = tpu.memref_slice %arg7[%add3A_254, %dma_wait3A_258] : memref<10000x128xf32, #tpu.memory_space<vmem_shared>> -> memref<40x128xf32, #tpu.memory_space<vmem_shared>>
    %dma_wait3A_260 = arith.constant 0 : i32
    %dma_wait3A_261 = tpu.memref_slice %arg7[%add3A_254, %dma_wait3A_260] : memref<10000x128xf32, #tpu.memory_space<vmem_shared>> -> memref<40x128xf32, #tpu.memory_space<vmem_shared>>
    %dma_wait3A_262 = arith.constant 0 : i32
    %dma_wait3A_263 = arith.constant 0 : i32
    %dma_wait3A_264 = tpu.memref_slice %arg11[%dma_wait3A_262, %dma_wait3A_263] : memref<40x128xf32, #tpu.memory_space<vmem>> -> memref<40x128xf32, #tpu.memory_space<vmem>>
    tpu.wait_dma2 semaphore(%arg19 : memref<!tpu.dma_semaphore, #tpu.memory_space<semaphore_mem>>) src(%dma_wait3A_264 : memref<40x128xf32, #tpu.memory_space<vmem>>) dst(%dma_wait3A_261 : memref<40x128xf32, #tpu.memory_space<vmem_shared>>)
    %add3A_265 = arith.constant 200 : i32
    %add3A_266 = arith.addi %mul3A_8, %add3A_265 : i32
    %dma_wait3A_267 = arith.constant 0 : i32
    %dma_wait3A_268 = arith.constant 0 : i32
    %dma_wait3A_269 = tpu.memref_slice %arg11[%dma_wait3A_267, %dma_wait3A_268] : memref<40x128xf32, #tpu.memory_space<vmem>> -> memref<40x128xf32, #tpu.memory_space<vmem>>
    %dma_wait3A_270 = arith.constant 0 : i32
    %dma_wait3A_271 = tpu.memref_slice %arg7[%add3A_266, %dma_wait3A_270] : memref<10000x128xf32, #tpu.memory_space<vmem_shared>> -> memref<40x128xf32, #tpu.memory_space<vmem_shared>>
    %dma_wait3A_272 = arith.constant 0 : i32
    %dma_wait3A_273 = tpu.memref_slice %arg7[%add3A_266, %dma_wait3A_272] : memref<10000x128xf32, #tpu.memory_space<vmem_shared>> -> memref<40x128xf32, #tpu.memory_space<vmem_shared>>
    %dma_wait3A_274 = arith.constant 0 : i32
    %dma_wait3A_275 = arith.constant 0 : i32
    %dma_wait3A_276 = tpu.memref_slice %arg11[%dma_wait3A_274, %dma_wait3A_275] : memref<40x128xf32, #tpu.memory_space<vmem>> -> memref<40x128xf32, #tpu.memory_space<vmem>>
    tpu.wait_dma2 semaphore(%arg20 : memref<!tpu.dma_semaphore, #tpu.memory_space<semaphore_mem>>) src(%dma_wait3A_276 : memref<40x128xf32, #tpu.memory_space<vmem>>) dst(%dma_wait3A_273 : memref<40x128xf32, #tpu.memory_space<vmem_shared>>)
    %add3A_277 = arith.constant 240 : i32
    %add3A_278 = arith.addi %mul3A_8, %add3A_277 : i32
    %dma_wait3A_279 = arith.constant 0 : i32
    %dma_wait3A_280 = arith.constant 0 : i32
    %dma_wait3A_281 = tpu.memref_slice %arg11[%dma_wait3A_279, %dma_wait3A_280] : memref<40x128xf32, #tpu.memory_space<vmem>> -> memref<40x128xf32, #tpu.memory_space<vmem>>
    %dma_wait3A_282 = arith.constant 0 : i32
    %dma_wait3A_283 = tpu.memref_slice %arg7[%add3A_278, %dma_wait3A_282] : memref<10000x128xf32, #tpu.memory_space<vmem_shared>> -> memref<40x128xf32, #tpu.memory_space<vmem_shared>>
    %dma_wait3A_284 = arith.constant 0 : i32
    %dma_wait3A_285 = tpu.memref_slice %arg7[%add3A_278, %dma_wait3A_284] : memref<10000x128xf32, #tpu.memory_space<vmem_shared>> -> memref<40x128xf32, #tpu.memory_space<vmem_shared>>
    %dma_wait3A_286 = arith.constant 0 : i32
    %dma_wait3A_287 = arith.constant 0 : i32
    %dma_wait3A_288 = tpu.memref_slice %arg11[%dma_wait3A_286, %dma_wait3A_287] : memref<40x128xf32, #tpu.memory_space<vmem>> -> memref<40x128xf32, #tpu.memory_space<vmem>>
    tpu.wait_dma2 semaphore(%arg21 : memref<!tpu.dma_semaphore, #tpu.memory_space<semaphore_mem>>) src(%dma_wait3A_288 : memref<40x128xf32, #tpu.memory_space<vmem>>) dst(%dma_wait3A_285 : memref<40x128xf32, #tpu.memory_space<vmem_shared>>)
    %add3A_289 = arith.constant 280 : i32
    %add3A_290 = arith.addi %mul3A_8, %add3A_289 : i32
    %dma_wait3A_291 = arith.constant 0 : i32
    %dma_wait3A_292 = arith.constant 0 : i32
    %dma_wait3A_293 = tpu.memref_slice %arg11[%dma_wait3A_291, %dma_wait3A_292] : memref<40x128xf32, #tpu.memory_space<vmem>> -> memref<40x128xf32, #tpu.memory_space<vmem>>
    %dma_wait3A_294 = arith.constant 0 : i32
    %dma_wait3A_295 = tpu.memref_slice %arg7[%add3A_290, %dma_wait3A_294] : memref<10000x128xf32, #tpu.memory_space<vmem_shared>> -> memref<40x128xf32, #tpu.memory_space<vmem_shared>>
    %dma_wait3A_296 = arith.constant 0 : i32
    %dma_wait3A_297 = tpu.memref_slice %arg7[%add3A_290, %dma_wait3A_296] : memref<10000x128xf32, #tpu.memory_space<vmem_shared>> -> memref<40x128xf32, #tpu.memory_space<vmem_shared>>
    %dma_wait3A_298 = arith.constant 0 : i32
    %dma_wait3A_299 = arith.constant 0 : i32
    %dma_wait3A_300 = tpu.memref_slice %arg11[%dma_wait3A_298, %dma_wait3A_299] : memref<40x128xf32, #tpu.memory_space<vmem>> -> memref<40x128xf32, #tpu.memory_space<vmem>>
    tpu.wait_dma2 semaphore(%arg22 : memref<!tpu.dma_semaphore, #tpu.memory_space<semaphore_mem>>) src(%dma_wait3A_300 : memref<40x128xf32, #tpu.memory_space<vmem>>) dst(%dma_wait3A_297 : memref<40x128xf32, #tpu.memory_space<vmem_shared>>)
    %add3A_301 = arith.constant 320 : i32
    %add3A_302 = arith.addi %mul3A_8, %add3A_301 : i32
    %dma_wait3A_303 = arith.constant 0 : i32
    %dma_wait3A_304 = arith.constant 0 : i32
    %dma_wait3A_305 = tpu.memref_slice %arg11[%dma_wait3A_303, %dma_wait3A_304] : memref<40x128xf32, #tpu.memory_space<vmem>> -> memref<40x128xf32, #tpu.memory_space<vmem>>
    %dma_wait3A_306 = arith.constant 0 : i32
    %dma_wait3A_307 = tpu.memref_slice %arg7[%add3A_302, %dma_wait3A_306] : memref<10000x128xf32, #tpu.memory_space<vmem_shared>> -> memref<40x128xf32, #tpu.memory_space<vmem_shared>>
    %dma_wait3A_308 = arith.constant 0 : i32
    %dma_wait3A_309 = tpu.memref_slice %arg7[%add3A_302, %dma_wait3A_308] : memref<10000x128xf32, #tpu.memory_space<vmem_shared>> -> memref<40x128xf32, #tpu.memory_space<vmem_shared>>
    %dma_wait3A_310 = arith.constant 0 : i32
    %dma_wait3A_311 = arith.constant 0 : i32
    %dma_wait3A_312 = tpu.memref_slice %arg11[%dma_wait3A_310, %dma_wait3A_311] : memref<40x128xf32, #tpu.memory_space<vmem>> -> memref<40x128xf32, #tpu.memory_space<vmem>>
    tpu.wait_dma2 semaphore(%arg19 : memref<!tpu.dma_semaphore, #tpu.memory_space<semaphore_mem>>) src(%dma_wait3A_312 : memref<40x128xf32, #tpu.memory_space<vmem>>) dst(%dma_wait3A_309 : memref<40x128xf32, #tpu.memory_space<vmem_shared>>)
    %add3A_313 = arith.constant 360 : i32
    %add3A_314 = arith.addi %mul3A_8, %add3A_313 : i32
    %dma_wait3A_315 = arith.constant 0 : i32
    %dma_wait3A_316 = arith.constant 0 : i32
    %dma_wait3A_317 = tpu.memref_slice %arg11[%dma_wait3A_315, %dma_wait3A_316] : memref<40x128xf32, #tpu.memory_space<vmem>> -> memref<40x128xf32, #tpu.memory_space<vmem>>
    %dma_wait3A_318 = arith.constant 0 : i32
    %dma_wait3A_319 = tpu.memref_slice %arg7[%add3A_314, %dma_wait3A_318] : memref<10000x128xf32, #tpu.memory_space<vmem_shared>> -> memref<40x128xf32, #tpu.memory_space<vmem_shared>>
    %dma_wait3A_320 = arith.constant 0 : i32
    %dma_wait3A_321 = tpu.memref_slice %arg7[%add3A_314, %dma_wait3A_320] : memref<10000x128xf32, #tpu.memory_space<vmem_shared>> -> memref<40x128xf32, #tpu.memory_space<vmem_shared>>
    %dma_wait3A_322 = arith.constant 0 : i32
    %dma_wait3A_323 = arith.constant 0 : i32
    %dma_wait3A_324 = tpu.memref_slice %arg11[%dma_wait3A_322, %dma_wait3A_323] : memref<40x128xf32, #tpu.memory_space<vmem>> -> memref<40x128xf32, #tpu.memory_space<vmem>>
    tpu.wait_dma2 semaphore(%arg20 : memref<!tpu.dma_semaphore, #tpu.memory_space<semaphore_mem>>) src(%dma_wait3A_324 : memref<40x128xf32, #tpu.memory_space<vmem>>) dst(%dma_wait3A_321 : memref<40x128xf32, #tpu.memory_space<vmem_shared>>)
    %add3A_325 = arith.constant 400 : i32
    %add3A_326 = arith.addi %mul3A_8, %add3A_325 : i32
    %dma_wait3A_327 = arith.constant 0 : i32
    %dma_wait3A_328 = arith.constant 0 : i32
    %dma_wait3A_329 = tpu.memref_slice %arg11[%dma_wait3A_327, %dma_wait3A_328] : memref<40x128xf32, #tpu.memory_space<vmem>> -> memref<40x128xf32, #tpu.memory_space<vmem>>
    %dma_wait3A_330 = arith.constant 0 : i32
    %dma_wait3A_331 = tpu.memref_slice %arg7[%add3A_326, %dma_wait3A_330] : memref<10000x128xf32, #tpu.memory_space<vmem_shared>> -> memref<40x128xf32, #tpu.memory_space<vmem_shared>>
    %dma_wait3A_332 = arith.constant 0 : i32
    %dma_wait3A_333 = tpu.memref_slice %arg7[%add3A_326, %dma_wait3A_332] : memref<10000x128xf32, #tpu.memory_space<vmem_shared>> -> memref<40x128xf32, #tpu.memory_space<vmem_shared>>
    %dma_wait3A_334 = arith.constant 0 : i32
    %dma_wait3A_335 = arith.constant 0 : i32
    %dma_wait3A_336 = tpu.memref_slice %arg11[%dma_wait3A_334, %dma_wait3A_335] : memref<40x128xf32, #tpu.memory_space<vmem>> -> memref<40x128xf32, #tpu.memory_space<vmem>>
    tpu.wait_dma2 semaphore(%arg21 : memref<!tpu.dma_semaphore, #tpu.memory_space<semaphore_mem>>) src(%dma_wait3A_336 : memref<40x128xf32, #tpu.memory_space<vmem>>) dst(%dma_wait3A_333 : memref<40x128xf32, #tpu.memory_space<vmem_shared>>)
    %add3A_337 = arith.constant 440 : i32
    %add3A_338 = arith.addi %mul3A_8, %add3A_337 : i32
    %dma_wait3A_339 = arith.constant 0 : i32
    %dma_wait3A_340 = arith.constant 0 : i32
    %dma_wait3A_341 = tpu.memref_slice %arg11[%dma_wait3A_339, %dma_wait3A_340] : memref<40x128xf32, #tpu.memory_space<vmem>> -> memref<40x128xf32, #tpu.memory_space<vmem>>
    %dma_wait3A_342 = arith.constant 0 : i32
    %dma_wait3A_343 = tpu.memref_slice %arg7[%add3A_338, %dma_wait3A_342] : memref<10000x128xf32, #tpu.memory_space<vmem_shared>> -> memref<40x128xf32, #tpu.memory_space<vmem_shared>>
    %dma_wait3A_344 = arith.constant 0 : i32
    %dma_wait3A_345 = tpu.memref_slice %arg7[%add3A_338, %dma_wait3A_344] : memref<10000x128xf32, #tpu.memory_space<vmem_shared>> -> memref<40x128xf32, #tpu.memory_space<vmem_shared>>
    %dma_wait3A_346 = arith.constant 0 : i32
    %dma_wait3A_347 = arith.constant 0 : i32
    %dma_wait3A_348 = tpu.memref_slice %arg11[%dma_wait3A_346, %dma_wait3A_347] : memref<40x128xf32, #tpu.memory_space<vmem>> -> memref<40x128xf32, #tpu.memory_space<vmem>>
    tpu.wait_dma2 semaphore(%arg22 : memref<!tpu.dma_semaphore, #tpu.memory_space<semaphore_mem>>) src(%dma_wait3A_348 : memref<40x128xf32, #tpu.memory_space<vmem>>) dst(%dma_wait3A_345 : memref<40x128xf32, #tpu.memory_space<vmem_shared>>)
    %add3A_349 = arith.constant 480 : i32
    %add3A_350 = arith.addi %mul3A_8, %add3A_349 : i32
    %dma_wait3A_351 = arith.constant 0 : i32
    %dma_wait3A_352 = arith.constant 0 : i32
    %dma_wait3A_353 = tpu.memref_slice %arg11[%dma_wait3A_351, %dma_wait3A_352] : memref<40x128xf32, #tpu.memory_space<vmem>> -> memref<40x128xf32, #tpu.memory_space<vmem>>
    %dma_wait3A_354 = arith.constant 0 : i32
    %dma_wait3A_355 = tpu.memref_slice %arg7[%add3A_350, %dma_wait3A_354] : memref<10000x128xf32, #tpu.memory_space<vmem_shared>> -> memref<40x128xf32, #tpu.memory_space<vmem_shared>>
    %dma_wait3A_356 = arith.constant 0 : i32
    %dma_wait3A_357 = tpu.memref_slice %arg7[%add3A_350, %dma_wait3A_356] : memref<10000x128xf32, #tpu.memory_space<vmem_shared>> -> memref<40x128xf32, #tpu.memory_space<vmem_shared>>
    %dma_wait3A_358 = arith.constant 0 : i32
    %dma_wait3A_359 = arith.constant 0 : i32
    %dma_wait3A_360 = tpu.memref_slice %arg11[%dma_wait3A_358, %dma_wait3A_359] : memref<40x128xf32, #tpu.memory_space<vmem>> -> memref<40x128xf32, #tpu.memory_space<vmem>>
    tpu.wait_dma2 semaphore(%arg19 : memref<!tpu.dma_semaphore, #tpu.memory_space<semaphore_mem>>) src(%dma_wait3A_360 : memref<40x128xf32, #tpu.memory_space<vmem>>) dst(%dma_wait3A_357 : memref<40x128xf32, #tpu.memory_space<vmem_shared>>)
    %add3A_361 = arith.constant 520 : i32
    %add3A_362 = arith.addi %mul3A_8, %add3A_361 : i32
    %dma_wait3A_363 = arith.constant 0 : i32
    %dma_wait3A_364 = arith.constant 0 : i32
    %dma_wait3A_365 = tpu.memref_slice %arg11[%dma_wait3A_363, %dma_wait3A_364] : memref<40x128xf32, #tpu.memory_space<vmem>> -> memref<40x128xf32, #tpu.memory_space<vmem>>
    %dma_wait3A_366 = arith.constant 0 : i32
    %dma_wait3A_367 = tpu.memref_slice %arg7[%add3A_362, %dma_wait3A_366] : memref<10000x128xf32, #tpu.memory_space<vmem_shared>> -> memref<40x128xf32, #tpu.memory_space<vmem_shared>>
    %dma_wait3A_368 = arith.constant 0 : i32
    %dma_wait3A_369 = tpu.memref_slice %arg7[%add3A_362, %dma_wait3A_368] : memref<10000x128xf32, #tpu.memory_space<vmem_shared>> -> memref<40x128xf32, #tpu.memory_space<vmem_shared>>
    %dma_wait3A_370 = arith.constant 0 : i32
    %dma_wait3A_371 = arith.constant 0 : i32
    %dma_wait3A_372 = tpu.memref_slice %arg11[%dma_wait3A_370, %dma_wait3A_371] : memref<40x128xf32, #tpu.memory_space<vmem>> -> memref<40x128xf32, #tpu.memory_space<vmem>>
    tpu.wait_dma2 semaphore(%arg20 : memref<!tpu.dma_semaphore, #tpu.memory_space<semaphore_mem>>) src(%dma_wait3A_372 : memref<40x128xf32, #tpu.memory_space<vmem>>) dst(%dma_wait3A_369 : memref<40x128xf32, #tpu.memory_space<vmem_shared>>)
    %add3A_373 = arith.constant 560 : i32
    %add3A_374 = arith.addi %mul3A_8, %add3A_373 : i32
    %dma_wait3A_375 = arith.constant 0 : i32
    %dma_wait3A_376 = arith.constant 0 : i32
    %dma_wait3A_377 = tpu.memref_slice %arg11[%dma_wait3A_375, %dma_wait3A_376] : memref<40x128xf32, #tpu.memory_space<vmem>> -> memref<40x128xf32, #tpu.memory_space<vmem>>
    %dma_wait3A_378 = arith.constant 0 : i32
    %dma_wait3A_379 = tpu.memref_slice %arg7[%add3A_374, %dma_wait3A_378] : memref<10000x128xf32, #tpu.memory_space<vmem_shared>> -> memref<40x128xf32, #tpu.memory_space<vmem_shared>>
    %dma_wait3A_380 = arith.constant 0 : i32
    %dma_wait3A_381 = tpu.memref_slice %arg7[%add3A_374, %dma_wait3A_380] : memref<10000x128xf32, #tpu.memory_space<vmem_shared>> -> memref<40x128xf32, #tpu.memory_space<vmem_shared>>
    %dma_wait3A_382 = arith.constant 0 : i32
    %dma_wait3A_383 = arith.constant 0 : i32
    %dma_wait3A_384 = tpu.memref_slice %arg11[%dma_wait3A_382, %dma_wait3A_383] : memref<40x128xf32, #tpu.memory_space<vmem>> -> memref<40x128xf32, #tpu.memory_space<vmem>>
    tpu.wait_dma2 semaphore(%arg21 : memref<!tpu.dma_semaphore, #tpu.memory_space<semaphore_mem>>) src(%dma_wait3A_384 : memref<40x128xf32, #tpu.memory_space<vmem>>) dst(%dma_wait3A_381 : memref<40x128xf32, #tpu.memory_space<vmem_shared>>)
    %add3A_385 = arith.constant 600 : i32
    %add3A_386 = arith.addi %mul3A_8, %add3A_385 : i32
    %dma_wait3A_387 = arith.constant 0 : i32
    %dma_wait3A_388 = arith.constant 0 : i32
    %dma_wait3A_389 = tpu.memref_slice %arg11[%dma_wait3A_387, %dma_wait3A_388] : memref<40x128xf32, #tpu.memory_space<vmem>> -> memref<25x128xf32, #tpu.memory_space<vmem>>
    %dma_wait3A_390 = arith.constant 0 : i32
    %dma_wait3A_391 = tpu.memref_slice %arg7[%add3A_386, %dma_wait3A_390] : memref<10000x128xf32, #tpu.memory_space<vmem_shared>> -> memref<25x128xf32, #tpu.memory_space<vmem_shared>>
    %dma_wait3A_392 = arith.constant 0 : i32
    %dma_wait3A_393 = tpu.memref_slice %arg7[%add3A_386, %dma_wait3A_392] : memref<10000x128xf32, #tpu.memory_space<vmem_shared>> -> memref<25x128xf32, #tpu.memory_space<vmem_shared>>
    %dma_wait3A_394 = arith.constant 0 : i32
    %dma_wait3A_395 = arith.constant 0 : i32
    %dma_wait3A_396 = tpu.memref_slice %arg11[%dma_wait3A_394, %dma_wait3A_395] : memref<40x128xf32, #tpu.memory_space<vmem>> -> memref<25x128xf32, #tpu.memory_space<vmem>>
    tpu.wait_dma2 semaphore(%arg22 : memref<!tpu.dma_semaphore, #tpu.memory_space<semaphore_mem>>) src(%dma_wait3A_396 : memref<25x128xf32, #tpu.memory_space<vmem>>) dst(%dma_wait3A_393 : memref<25x128xf32, #tpu.memory_space<vmem_shared>>)
    %barrier3A = arith.constant 0 : index
    tpu.barrier barrier_id(%barrier3A)
    %dma_start3A_397 = arith.constant 0 : i32
    %dma_start3A_398 = arith.constant 0 : i32
    %dma_start3A_399 = tpu.memref_slice %arg8[%dma_start3A_397, %dma_start3A_398] : memref<250x40xi32, #tpu.memory_space<vmem>> -> memref<1x40xi32, #tpu.memory_space<vmem>>
    %dma_start3A_400 = tpu.memref_squeeze %dma_start3A_399 : memref<1x40xi32, #tpu.memory_space<vmem>> -> memref<40xi32, #tpu.memory_space<vmem>>
    %dma_start3A_401 = arith.constant 0 : i32
    %dma_start3A_402 = arith.constant 0 : i32
    %dma_start3A_403 = tpu.memref_slice %arg5[%dma_start3A_401, %dma_start3A_402] : memref<10000x128xf32, #tpu.memory_space<hbm>> -> memref<10000x128xf32, #tpu.memory_space<hbm>>
    tpu.enqueue_indirect_dma source(%dma_start3A_403 : memref<10000x128xf32, #tpu.memory_space<hbm>>) target(%arg11 : memref<40x128xf32, #tpu.memory_space<vmem>>) offsets(%dma_start3A_400 : memref<40xi32, #tpu.memory_space<vmem>>) semaphore(%arg15 : memref<!tpu.dma_semaphore, #tpu.memory_space<semaphore_mem>>)
    %dma_start3A_404 = arith.constant 1 : i32
    %dma_start3A_405 = arith.constant 0 : i32
    %dma_start3A_406 = tpu.memref_slice %arg8[%dma_start3A_404, %dma_start3A_405] : memref<250x40xi32, #tpu.memory_space<vmem>> -> memref<1x40xi32, #tpu.memory_space<vmem>>
    %dma_start3A_407 = tpu.memref_squeeze %dma_start3A_406 : memref<1x40xi32, #tpu.memory_space<vmem>> -> memref<40xi32, #tpu.memory_space<vmem>>
    %dma_start3A_408 = arith.constant 0 : i32
    %dma_start3A_409 = arith.constant 0 : i32
    %dma_start3A_410 = tpu.memref_slice %arg5[%dma_start3A_408, %dma_start3A_409] : memref<10000x128xf32, #tpu.memory_space<hbm>> -> memref<10000x128xf32, #tpu.memory_space<hbm>>
    tpu.enqueue_indirect_dma source(%dma_start3A_410 : memref<10000x128xf32, #tpu.memory_space<hbm>>) target(%arg12 : memref<40x128xf32, #tpu.memory_space<vmem>>) offsets(%dma_start3A_407 : memref<40xi32, #tpu.memory_space<vmem>>) semaphore(%arg16 : memref<!tpu.dma_semaphore, #tpu.memory_space<semaphore_mem>>)
    %dma_start3A_411 = arith.constant 2 : i32
    %dma_start3A_412 = arith.constant 0 : i32
    %dma_start3A_413 = tpu.memref_slice %arg8[%dma_start3A_411, %dma_start3A_412] : memref<250x40xi32, #tpu.memory_space<vmem>> -> memref<1x40xi32, #tpu.memory_space<vmem>>
    %dma_start3A_414 = tpu.memref_squeeze %dma_start3A_413 : memref<1x40xi32, #tpu.memory_space<vmem>> -> memref<40xi32, #tpu.memory_space<vmem>>
    %dma_start3A_415 = arith.constant 0 : i32
    %dma_start3A_416 = arith.constant 0 : i32
    %dma_start3A_417 = tpu.memref_slice %arg5[%dma_start3A_415, %dma_start3A_416] : memref<10000x128xf32, #tpu.memory_space<hbm>> -> memref<10000x128xf32, #tpu.memory_space<hbm>>
    tpu.enqueue_indirect_dma source(%dma_start3A_417 : memref<10000x128xf32, #tpu.memory_space<hbm>>) target(%arg13 : memref<40x128xf32, #tpu.memory_space<vmem>>) offsets(%dma_start3A_414 : memref<40xi32, #tpu.memory_space<vmem>>) semaphore(%arg17 : memref<!tpu.dma_semaphore, #tpu.memory_space<semaphore_mem>>)
    %dma_wait3A_418 = arith.constant 0 : i32
    %dma_wait3A_419 = arith.constant 0 : i32
    %dma_wait3A_420 = tpu.memref_slice %arg8[%dma_wait3A_418, %dma_wait3A_419] : memref<250x40xi32, #tpu.memory_space<vmem>> -> memref<1x40xi32, #tpu.memory_space<vmem>>
    %dma_wait3A_421 = tpu.memref_squeeze %dma_wait3A_420 : memref<1x40xi32, #tpu.memory_space<vmem>> -> memref<40xi32, #tpu.memory_space<vmem>>
    %dma_wait3A_422 = arith.constant 0 : i32
    %dma_wait3A_423 = arith.constant 0 : i32
    %dma_wait3A_424 = tpu.memref_slice %arg5[%dma_wait3A_422, %dma_wait3A_423] : memref<10000x128xf32, #tpu.memory_space<hbm>> -> memref<10000x128xf32, #tpu.memory_space<hbm>>
    tpu.wait_indirect_dma semaphore(%arg15 : memref<!tpu.dma_semaphore, #tpu.memory_space<semaphore_mem>>) src(%dma_wait3A_424 : memref<10000x128xf32, #tpu.memory_space<hbm>>) dst(%arg11 : memref<40x128xf32, #tpu.memory_space<vmem>>)
    %parallel_loop3A = arith.constant 0 : i32
    %parallel_loop3A_425 = arith.constant 40 : i32
    %parallel_loop3A_426 = arith.constant 1 : i32
    scf.for %parallel_loop3A_482 = %parallel_loop3A to %parallel_loop3A_425 step %parallel_loop3A_426  : i32 {
      %parallel_loop3A_483 = arith.constant 0 : i32
      %parallel_loop3A_484 = arith.addi %parallel_loop3A_483, %parallel_loop3A_482 : i32
      %parallel_loop3A_485 = vector.broadcast %parallel_loop3A_484 : i32 to vector<16xi32>
      %parallel_loop3A_486 = tpu.vector_load_idx %arg10[%parallel_loop3A_485] : memref<10000xf32, #tpu.memory_space<vmem>>[vector<16xi32>], vector<16xf32>,
      %parallel_loop3A_487 = arith.index_cast %parallel_loop3A_482 : i32 to index
      %parallel_loop3A_488 = arith.constant 0 : index
      %parallel_loop3A_489 = tpu.vector_load %arg11[%parallel_loop3A_487, %parallel_loop3A_488] {strides = array<i32>} : memref<40x128xf32, #tpu.memory_space<vmem>>, vector<16xf32>,
      %parallel_loop3A_490 = arith.mulf %parallel_loop3A_489, %parallel_loop3A_486 : vector<16xf32>
      %parallel_loop3A_491 = arith.index_cast %parallel_loop3A_482 : i32 to index
      %parallel_loop3A_492 = arith.constant 0 : index
      %parallel_loop3A_493 = tpu.vector_load %arg11[%parallel_loop3A_491, %parallel_loop3A_492] {strides = array<i32>} : memref<40x128xf32, #tpu.memory_space<vmem>>, vector<16xf32>,
      tpu.vector_store %arg11[%parallel_loop3A_491, %parallel_loop3A_492], %parallel_loop3A_490 {strides = array<i32>} : memref<40x128xf32, #tpu.memory_space<vmem>>, vector<16xf32>,
      %parallel_loop3A_494 = arith.index_cast %parallel_loop3A_482 : i32 to index
      %parallel_loop3A_495 = arith.constant 16 : index
      %parallel_loop3A_496 = tpu.vector_load %arg11[%parallel_loop3A_494, %parallel_loop3A_495] {strides = array<i32>} : memref<40x128xf32, #tpu.memory_space<vmem>>, vector<16xf32>,
      %parallel_loop3A_497 = arith.mulf %parallel_loop3A_496, %parallel_loop3A_486 : vector<16xf32>
      %parallel_loop3A_498 = arith.index_cast %parallel_loop3A_482 : i32 to index
      %parallel_loop3A_499 = arith.constant 16 : index
      %parallel_loop3A_500 = tpu.vector_load %arg11[%parallel_loop3A_498, %parallel_loop3A_499] {strides = array<i32>} : memref<40x128xf32, #tpu.memory_space<vmem>>, vector<16xf32>,
      tpu.vector_store %arg11[%parallel_loop3A_498, %parallel_loop3A_499], %parallel_loop3A_497 {strides = array<i32>} : memref<40x128xf32, #tpu.memory_space<vmem>>, vector<16xf32>,
      %parallel_loop3A_501 = arith.index_cast %parallel_loop3A_482 : i32 to index
      %parallel_loop3A_502 = arith.constant 32 : index
      %parallel_loop3A_503 = tpu.vector_load %arg11[%parallel_loop3A_501, %parallel_loop3A_502] {strides = array<i32>} : memref<40x128xf32, #tpu.memory_space<vmem>>, vector<16xf32>,
      %parallel_loop3A_504 = arith.mulf %parallel_loop3A_503, %parallel_loop3A_486 : vector<16xf32>
      %parallel_loop3A_505 = arith.index_cast %parallel_loop3A_482 : i32 to index
      %parallel_loop3A_506 = arith.constant 32 : index
      %parallel_loop3A_507 = tpu.vector_load %arg11[%parallel_loop3A_505, %parallel_loop3A_506] {strides = array<i32>} : memref<40x128xf32, #tpu.memory_space<vmem>>, vector<16xf32>,
      tpu.vector_store %arg11[%parallel_loop3A_505, %parallel_loop3A_506], %parallel_loop3A_504 {strides = array<i32>} : memref<40x128xf32, #tpu.memory_space<vmem>>, vector<16xf32>,
      %parallel_loop3A_508 = arith.index_cast %parallel_loop3A_482 : i32 to index
      %parallel_loop3A_509 = arith.constant 48 : index
      %parallel_loop3A_510 = tpu.vector_load %arg11[%parallel_loop3A_508, %parallel_loop3A_509] {strides = array<i32>} : memref<40x128xf32, #tpu.memory_space<vmem>>, vector<16xf32>,
      %parallel_loop3A_511 = arith.mulf %parallel_loop3A_510, %parallel_loop3A_486 : vector<16xf32>
      %parallel_loop3A_512 = arith.index_cast %parallel_loop3A_482 : i32 to index
      %parallel_loop3A_513 = arith.constant 48 : index
      %parallel_loop3A_514 = tpu.vector_load %arg11[%parallel_loop3A_512, %parallel_loop3A_513] {strides = array<i32>} : memref<40x128xf32, #tpu.memory_space<vmem>>, vector<16xf32>,
      tpu.vector_store %arg11[%parallel_loop3A_512, %parallel_loop3A_513], %parallel_loop3A_511 {strides = array<i32>} : memref<40x128xf32, #tpu.memory_space<vmem>>, vector<16xf32>,
      %parallel_loop3A_515 = arith.index_cast %parallel_loop3A_482 : i32 to index
      %parallel_loop3A_516 = arith.constant 64 : index
      %parallel_loop3A_517 = tpu.vector_load %arg11[%parallel_loop3A_515, %parallel_loop3A_516] {strides = array<i32>} : memref<40x128xf32, #tpu.memory_space<vmem>>, vector<16xf32>,
      %parallel_loop3A_518 = arith.mulf %parallel_loop3A_517, %parallel_loop3A_486 : vector<16xf32>
      %parallel_loop3A_519 = arith.index_cast %parallel_loop3A_482 : i32 to index
      %parallel_loop3A_520 = arith.constant 64 : index
      %parallel_loop3A_521 = tpu.vector_load %arg11[%parallel_loop3A_519, %parallel_loop3A_520] {strides = array<i32>} : memref<40x128xf32, #tpu.memory_space<vmem>>, vector<16xf32>,
      tpu.vector_store %arg11[%parallel_loop3A_519, %parallel_loop3A_520], %parallel_loop3A_518 {strides = array<i32>} : memref<40x128xf32, #tpu.memory_space<vmem>>, vector<16xf32>,
      %parallel_loop3A_522 = arith.index_cast %parallel_loop3A_482 : i32 to index
      %parallel_loop3A_523 = arith.constant 80 : index
      %parallel_loop3A_524 = tpu.vector_load %arg11[%parallel_loop3A_522, %parallel_loop3A_523] {strides = array<i32>} : memref<40x128xf32, #tpu.memory_space<vmem>>, vector<16xf32>,
      %parallel_loop3A_525 = arith.mulf %parallel_loop3A_524, %parallel_loop3A_486 : vector<16xf32>
      %parallel_loop3A_526 = arith.index_cast %parallel_loop3A_482 : i32 to index
      %parallel_loop3A_527 = arith.constant 80 : index
      %parallel_loop3A_528 = tpu.vector_load %arg11[%parallel_loop3A_526, %parallel_loop3A_527] {strides = array<i32>} : memref<40x128xf32, #tpu.memory_space<vmem>>, vector<16xf32>,
      tpu.vector_store %arg11[%parallel_loop3A_526, %parallel_loop3A_527], %parallel_loop3A_525 {strides = array<i32>} : memref<40x128xf32, #tpu.memory_space<vmem>>, vector<16xf32>,
      %parallel_loop3A_529 = arith.index_cast %parallel_loop3A_482 : i32 to index
      %parallel_loop3A_530 = arith.constant 96 : index
      %parallel_loop3A_531 = tpu.vector_load %arg11[%parallel_loop3A_529, %parallel_loop3A_530] {strides = array<i32>} : memref<40x128xf32, #tpu.memory_space<vmem>>, vector<16xf32>,
      %parallel_loop3A_532 = arith.mulf %parallel_loop3A_531, %parallel_loop3A_486 : vector<16xf32>
      %parallel_loop3A_533 = arith.index_cast %parallel_loop3A_482 : i32 to index
      %parallel_loop3A_534 = arith.constant 96 : index
      %parallel_loop3A_535 = tpu.vector_load %arg11[%parallel_loop3A_533, %parallel_loop3A_534] {strides = array<i32>} : memref<40x128xf32, #tpu.memory_space<vmem>>, vector<16xf32>,
      tpu.vector_store %arg11[%parallel_loop3A_533, %parallel_loop3A_534], %parallel_loop3A_532 {strides = array<i32>} : memref<40x128xf32, #tpu.memory_space<vmem>>, vector<16xf32>,
      %parallel_loop3A_536 = arith.index_cast %parallel_loop3A_482 : i32 to index
      %parallel_loop3A_537 = arith.constant 112 : index
      %parallel_loop3A_538 = tpu.vector_load %arg11[%parallel_loop3A_536, %parallel_loop3A_537] {strides = array<i32>} : memref<40x128xf32, #tpu.memory_space<vmem>>, vector<16xf32>,
      %parallel_loop3A_539 = arith.mulf %parallel_loop3A_538, %parallel_loop3A_486 : vector<16xf32>
      %parallel_loop3A_540 = arith.index_cast %parallel_loop3A_482 : i32 to index
      %parallel_loop3A_541 = arith.constant 112 : index
      %parallel_loop3A_542 = tpu.vector_load %arg11[%parallel_loop3A_540, %parallel_loop3A_541] {strides = array<i32>} : memref<40x128xf32, #tpu.memory_space<vmem>>, vector<16xf32>,
      tpu.vector_store %arg11[%parallel_loop3A_540, %parallel_loop3A_541], %parallel_loop3A_539 {strides = array<i32>} : memref<40x128xf32, #tpu.memory_space<vmem>>, vector<16xf32>,
    } {sc.loop_unroll_factor = 4 : i64, sc.parallel_access}
    %dma_start3A_427 = arith.constant 0 : i32
    %dma_start3A_428 = arith.constant 0 : i32
    %dma_start3A_429 = tpu.memref_slice %arg9[%dma_start3A_427, %dma_start3A_428] : memref<250x40xi32, #tpu.memory_space<vmem>> -> memref<1x40xi32, #tpu.memory_space<vmem>>
    %dma_start3A_430 = tpu.memref_squeeze %dma_start3A_429 : memref<1x40xi32, #tpu.memory_space<vmem>> -> memref<40xi32, #tpu.memory_space<vmem>>
    %dma_start3A_431 = arith.constant 0 : i32
    %dma_start3A_432 = arith.constant 0 : i32
    %dma_start3A_433 = tpu.memref_slice %arg7[%dma_start3A_431, %dma_start3A_432] : memref<10000x128xf32, #tpu.memory_space<vmem_shared>> -> memref<10000x128xf32, #tpu.memory_space<vmem_shared>>
    tpu.enqueue_indirect_dma source(%arg11 : memref<40x128xf32, #tpu.memory_space<vmem>>) target(%dma_start3A_433 : memref<10000x128xf32, #tpu.memory_space<vmem_shared>>) offsets(%dma_start3A_430 : memref<40xi32, #tpu.memory_space<vmem>>) semaphore(%arg19 : memref<!tpu.dma_semaphore, #tpu.memory_space<semaphore_mem>>) {add = true}
    %dma_start3A_434 = arith.constant 3 : i32
    %dma_start3A_435 = arith.constant 0 : i32
    %dma_start3A_436 = tpu.memref_slice %arg8[%dma_start3A_434, %dma_start3A_435] : memref<250x40xi32, #tpu.memory_space<vmem>> -> memref<1x40xi32, #tpu.memory_space<vmem>>
    %dma_start3A_437 = tpu.memref_squeeze %dma_start3A_436 : memref<1x40xi32, #tpu.memory_space<vmem>> -> memref<40xi32, #tpu.memory_space<vmem>>
    %dma_start3A_438 = arith.constant 0 : i32
    %dma_start3A_439 = arith.constant 0 : i32
    %dma_start3A_440 = tpu.memref_slice %arg5[%dma_start3A_438, %dma_start3A_439] : memref<10000x128xf32, #tpu.memory_space<hbm>> -> memref<10000x128xf32, #tpu.memory_space<hbm>>
    tpu.enqueue_indirect_dma source(%dma_start3A_440 : memref<10000x128xf32, #tpu.memory_space<hbm>>) target(%arg14 : memref<40x128xf32, #tpu.memory_space<vmem>>) offsets(%dma_start3A_437 : memref<40xi32, #tpu.memory_space<vmem>>) semaphore(%arg18 : memref<!tpu.dma_semaphore, #tpu.memory_space<semaphore_mem>>)
    %dma_wait3A_441 = arith.constant 1 : i32
    %dma_wait3A_442 = arith.constant 0 : i32
    %dma_wait3A_443 = tpu.memref_slice %arg8[%dma_wait3A_441, %dma_wait3A_442] : memref<250x40xi32, #tpu.memory_space<vmem>> -> memref<1x40xi32, #tpu.memory_space<vmem>>
    %dma_wait3A_444 = tpu.memref_squeeze %dma_wait3A_443 : memref<1x40xi32, #tpu.memory_space<vmem>> -> memref<40xi32, #tpu.memory_space<vmem>>
    %dma_wait3A_445 = arith.constant 0 : i32
    %dma_wait3A_446 = arith.constant 0 : i32
    %dma_wait3A_447 = tpu.memref_slice %arg5[%dma_wait3A_445, %dma_wait3A_446] : memref<10000x128xf32, #tpu.memory_space<hbm>> -> memref<10000x128xf32, #tpu.memory_space<hbm>>
    tpu.wait_indirect_dma semaphore(%arg16 : memref<!tpu.dma_semaphore, #tpu.memory_space<semaphore_mem>>) src(%dma_wait3A_447 : memref<10000x128xf32, #tpu.memory_space<hbm>>) dst(%arg12 : memref<40x128xf32, #tpu.memory_space<vmem>>)
    %parallel_loop3A_448 = arith.constant 0 : i32
    %parallel_loop3A_449 = arith.constant 40 : i32
    %parallel_loop3A_450 = arith.constant 1 : i32
    scf.for %parallel_loop3A_482 = %parallel_loop3A_448 to %parallel_loop3A_449 step %parallel_loop3A_450  : i32 {
      %parallel_loop3A_483 = arith.constant 40 : i32
      %parallel_loop3A_484 = arith.addi %parallel_loop3A_483, %parallel_loop3A_482 : i32
      %parallel_loop3A_485 = vector.broadcast %parallel_loop3A_484 : i32 to vector<16xi32>
      %parallel_loop3A_486 = tpu.vector_load_idx %arg10[%parallel_loop3A_485] : memref<10000xf32, #tpu.memory_space<vmem>>[vector<16xi32>], vector<16xf32>,
      %parallel_loop3A_487 = arith.index_cast %parallel_loop3A_482 : i32 to index
      %parallel_loop3A_488 = arith.constant 0 : index
      %parallel_loop3A_489 = tpu.vector_load %arg12[%parallel_loop3A_487, %parallel_loop3A_488] {strides = array<i32>} : memref<40x128xf32, #tpu.memory_space<vmem>>, vector<16xf32>,
      %parallel_loop3A_490 = arith.mulf %parallel_loop3A_489, %parallel_loop3A_486 : vector<16xf32>
      %parallel_loop3A_491 = arith.index_cast %parallel_loop3A_482 : i32 to index
      %parallel_loop3A_492 = arith.constant 0 : index
      %parallel_loop3A_493 = tpu.vector_load %arg12[%parallel_loop3A_491, %parallel_loop3A_492] {strides = array<i32>} : memref<40x128xf32, #tpu.memory_space<vmem>>, vector<16xf32>,
      tpu.vector_store %arg12[%parallel_loop3A_491, %parallel_loop3A_492], %parallel_loop3A_490 {strides = array<i32>} : memref<40x128xf32, #tpu.memory_space<vmem>>, vector<16xf32>,
      %parallel_loop3A_494 = arith.index_cast %parallel_loop3A_482 : i32 to index
      %parallel_loop3A_495 = arith.constant 16 : index
      %parallel_loop3A_496 = tpu.vector_load %arg12[%parallel_loop3A_494, %parallel_loop3A_495] {strides = array<i32>} : memref<40x128xf32, #tpu.memory_space<vmem>>, vector<16xf32>,
      %parallel_loop3A_497 = arith.mulf %parallel_loop3A_496, %parallel_loop3A_486 : vector<16xf32>
      %parallel_loop3A_498 = arith.index_cast %parallel_loop3A_482 : i32 to index
      %parallel_loop3A_499 = arith.constant 16 : index
      %parallel_loop3A_500 = tpu.vector_load %arg12[%parallel_loop3A_498, %parallel_loop3A_499] {strides = array<i32>} : memref<40x128xf32, #tpu.memory_space<vmem>>, vector<16xf32>,
      tpu.vector_store %arg12[%parallel_loop3A_498, %parallel_loop3A_499], %parallel_loop3A_497 {strides = array<i32>} : memref<40x128xf32, #tpu.memory_space<vmem>>, vector<16xf32>,
      %parallel_loop3A_501 = arith.index_cast %parallel_loop3A_482 : i32 to index
      %parallel_loop3A_502 = arith.constant 32 : index
      %parallel_loop3A_503 = tpu.vector_load %arg12[%parallel_loop3A_501, %parallel_loop3A_502] {strides = array<i32>} : memref<40x128xf32, #tpu.memory_space<vmem>>, vector<16xf32>,
      %parallel_loop3A_504 = arith.mulf %parallel_loop3A_503, %parallel_loop3A_486 : vector<16xf32>
      %parallel_loop3A_505 = arith.index_cast %parallel_loop3A_482 : i32 to index
      %parallel_loop3A_506 = arith.constant 32 : index
      %parallel_loop3A_507 = tpu.vector_load %arg12[%parallel_loop3A_505, %parallel_loop3A_506] {strides = array<i32>} : memref<40x128xf32, #tpu.memory_space<vmem>>, vector<16xf32>,
      tpu.vector_store %arg12[%parallel_loop3A_505, %parallel_loop3A_506], %parallel_loop3A_504 {strides = array<i32>} : memref<40x128xf32, #tpu.memory_space<vmem>>, vector<16xf32>,
      %parallel_loop3A_508 = arith.index_cast %parallel_loop3A_482 : i32 to index
      %parallel_loop3A_509 = arith.constant 48 : index
      %parallel_loop3A_510 = tpu.vector_load %arg12[%parallel_loop3A_508, %parallel_loop3A_509] {strides = array<i32>} : memref<40x128xf32, #tpu.memory_space<vmem>>, vector<16xf32>,
      %parallel_loop3A_511 = arith.mulf %parallel_loop3A_510, %parallel_loop3A_486 : vector<16xf32>
      %parallel_loop3A_512 = arith.index_cast %parallel_loop3A_482 : i32 to index
      %parallel_loop3A_513 = arith.constant 48 : index
      %parallel_loop3A_514 = tpu.vector_load %arg12[%parallel_loop3A_512, %parallel_loop3A_513] {strides = array<i32>} : memref<40x128xf32, #tpu.memory_space<vmem>>, vector<16xf32>,
      tpu.vector_store %arg12[%parallel_loop3A_512, %parallel_loop3A_513], %parallel_loop3A_511 {strides = array<i32>} : memref<40x128xf32, #tpu.memory_space<vmem>>, vector<16xf32>,
      %parallel_loop3A_515 = arith.index_cast %parallel_loop3A_482 : i32 to index
      %parallel_loop3A_516 = arith.constant 64 : index
      %parallel_loop3A_517 = tpu.vector_load %arg12[%parallel_loop3A_515, %parallel_loop3A_516] {strides = array<i32>} : memref<40x128xf32, #tpu.memory_space<vmem>>, vector<16xf32>,
      %parallel_loop3A_518 = arith.mulf %parallel_loop3A_517, %parallel_loop3A_486 : vector<16xf32>
      %parallel_loop3A_519 = arith.index_cast %parallel_loop3A_482 : i32 to index
      %parallel_loop3A_520 = arith.constant 64 : index
      %parallel_loop3A_521 = tpu.vector_load %arg12[%parallel_loop3A_519, %parallel_loop3A_520] {strides = array<i32>} : memref<40x128xf32, #tpu.memory_space<vmem>>, vector<16xf32>,
      tpu.vector_store %arg12[%parallel_loop3A_519, %parallel_loop3A_520], %parallel_loop3A_518 {strides = array<i32>} : memref<40x128xf32, #tpu.memory_space<vmem>>, vector<16xf32>,
      %parallel_loop3A_522 = arith.index_cast %parallel_loop3A_482 : i32 to index
      %parallel_loop3A_523 = arith.constant 80 : index
      %parallel_loop3A_524 = tpu.vector_load %arg12[%parallel_loop3A_522, %parallel_loop3A_523] {strides = array<i32>} : memref<40x128xf32, #tpu.memory_space<vmem>>, vector<16xf32>,
      %parallel_loop3A_525 = arith.mulf %parallel_loop3A_524, %parallel_loop3A_486 : vector<16xf32>
      %parallel_loop3A_526 = arith.index_cast %parallel_loop3A_482 : i32 to index
      %parallel_loop3A_527 = arith.constant 80 : index
      %parallel_loop3A_528 = tpu.vector_load %arg12[%parallel_loop3A_526, %parallel_loop3A_527] {strides = array<i32>} : memref<40x128xf32, #tpu.memory_space<vmem>>, vector<16xf32>,
      tpu.vector_store %arg12[%parallel_loop3A_526, %parallel_loop3A_527], %parallel_loop3A_525 {strides = array<i32>} : memref<40x128xf32, #tpu.memory_space<vmem>>, vector<16xf32>,
      %parallel_loop3A_529 = arith.index_cast %parallel_loop3A_482 : i32 to index
      %parallel_loop3A_530 = arith.constant 96 : index
      %parallel_loop3A_531 = tpu.vector_load %arg12[%parallel_loop3A_529, %parallel_loop3A_530] {strides = array<i32>} : memref<40x128xf32, #tpu.memory_space<vmem>>, vector<16xf32>,
      %parallel_loop3A_532 = arith.mulf %parallel_loop3A_531, %parallel_loop3A_486 : vector<16xf32>
      %parallel_loop3A_533 = arith.index_cast %parallel_loop3A_482 : i32 to index
      %parallel_loop3A_534 = arith.constant 96 : index
      %parallel_loop3A_535 = tpu.vector_load %arg12[%parallel_loop3A_533, %parallel_loop3A_534] {strides = array<i32>} : memref<40x128xf32, #tpu.memory_space<vmem>>, vector<16xf32>,
      tpu.vector_store %arg12[%parallel_loop3A_533, %parallel_loop3A_534], %parallel_loop3A_532 {strides = array<i32>} : memref<40x128xf32, #tpu.memory_space<vmem>>, vector<16xf32>,
      %parallel_loop3A_536 = arith.index_cast %parallel_loop3A_482 : i32 to index
      %parallel_loop3A_537 = arith.constant 112 : index
      %parallel_loop3A_538 = tpu.vector_load %arg12[%parallel_loop3A_536, %parallel_loop3A_537] {strides = array<i32>} : memref<40x128xf32, #tpu.memory_space<vmem>>, vector<16xf32>,
      %parallel_loop3A_539 = arith.mulf %parallel_loop3A_538, %parallel_loop3A_486 : vector<16xf32>
      %parallel_loop3A_540 = arith.index_cast %parallel_loop3A_482 : i32 to index
      %parallel_loop3A_541 = arith.constant 112 : index
      %parallel_loop3A_542 = tpu.vector_load %arg12[%parallel_loop3A_540, %parallel_loop3A_541] {strides = array<i32>} : memref<40x128xf32, #tpu.memory_space<vmem>>, vector<16xf32>,
      tpu.vector_store %arg12[%parallel_loop3A_540, %parallel_loop3A_541], %parallel_loop3A_539 {strides = array<i32>} : memref<40x128xf32, #tpu.memory_space<vmem>>, vector<16xf32>,
    } {sc.loop_unroll_factor = 4 : i64, sc.parallel_access}
    %dma_start3A_451 = arith.constant 1 : i32
    %dma_start3A_452 = arith.constant 0 : i32
    %dma_start3A_453 = tpu.memref_slice %arg9[%dma_start3A_451, %dma_start3A_452] : memref<250x40xi32, #tpu.memory_space<vmem>> -> memref<1x40xi32, #tpu.memory_space<vmem>>
    %dma_start3A_454 = tpu.memref_squeeze %dma_start3A_453 : memref<1x40xi32, #tpu.memory_space<vmem>> -> memref<40xi32, #tpu.memory_space<vmem>>
    %dma_start3A_455 = arith.constant 0 : i32
    %dma_start3A_456 = arith.constant 0 : i32
    %dma_start3A_457 = tpu.memref_slice %arg7[%dma_start3A_455, %dma_start3A_456] : memref<10000x128xf32, #tpu.memory_space<vmem_shared>> -> memref<10000x128xf32, #tpu.memory_space<vmem_shared>>
    tpu.enqueue_indirect_dma source(%arg12 : memref<40x128xf32, #tpu.memory_space<vmem>>) target(%dma_start3A_457 : memref<10000x128xf32, #tpu.memory_space<vmem_shared>>) offsets(%dma_start3A_454 : memref<40xi32, #tpu.memory_space<vmem>>) semaphore(%arg20 : memref<!tpu.dma_semaphore, #tpu.memory_space<semaphore_mem>>) {add = true}
    %scan3A_458 = arith.constant 0 : i32
    %scan3A_459 = arith.constant 0 : i32
    %scan3A_460 = arith.constant 62 : i32
    %scan3A_461 = arith.addi %scan3A_459, %scan3A_460 : i32
    %scan3A_462 = arith.constant 1 : i32
    scf.for %scan3A_482 = %scan3A_459 to %scan3A_461 step %scan3A_462  : i32 {
      %mul3A_483 = arith.constant 4 : i32
      %mul3A_484 = arith.muli %mul3A_483, %scan3A_482 : i32
      %add3A_485 = arith.constant 2 : i32
      %add3A_486 = arith.addi %add3A_485, %mul3A_484 : i32
      %add3A_487 = arith.constant 0 : i32
      %add3A_488 = arith.addi %add3A_486, %add3A_487 : i32
      %dma_wait3A_489 = arith.constant 0 : i32
      %dma_wait3A_490 = arith.constant 0 : i32
      %dma_wait3A_491 = tpu.memref_slice %arg9[%dma_wait3A_489, %dma_wait3A_490] : memref<250x40xi32, #tpu.memory_space<vmem>> -> memref<1x40xi32, #tpu.memory_space<vmem>>
      %dma_wait3A_492 = tpu.memref_squeeze %dma_wait3A_491 : memref<1x40xi32, #tpu.memory_space<vmem>> -> memref<40xi32, #tpu.memory_space<vmem>>
      %dma_wait3A_493 = arith.constant 0 : i32
      %dma_wait3A_494 = arith.constant 0 : i32
      %dma_wait3A_495 = tpu.memref_slice %arg7[%dma_wait3A_493, %dma_wait3A_494] : memref<10000x128xf32, #tpu.memory_space<vmem_shared>> -> memref<10000x128xf32, #tpu.memory_space<vmem_shared>>
      tpu.wait_indirect_dma semaphore(%arg19 : memref<!tpu.dma_semaphore, #tpu.memory_space<semaphore_mem>>) src(%arg11 : memref<40x128xf32, #tpu.memory_space<vmem>>) dst(%dma_wait3A_495 : memref<10000x128xf32, #tpu.memory_space<vmem_shared>>)
      %add3A_496 = arith.constant 2 : i32
      %add3A_497 = arith.addi %add3A_488, %add3A_496 : i32
      %lt3A = arith.constant 250 : i32
      %lt3A_498 = arith.cmpi slt, %add3A_497, %lt3A : i32
      %convert_element_type3A = arith.extui %lt3A_498 : i1 to i32
      %cond3A = arith.constant 0 : i32
      %cond3A_499 = arith.cmpi ne, %convert_element_type3A, %cond3A : i32
      scf.if %cond3A_499 {
        %add3A_620 = arith.constant 2 : i32
        %add3A_621 = arith.addi %add3A_488, %add3A_620 : i32
        %dma_start3A_622 = arith.constant 0 : i32
        %dma_start3A_623 = tpu.memref_slice %arg8[%add3A_621, %dma_start3A_622] : memref<250x40xi32, #tpu.memory_space<vmem>> -> memref<1x40xi32, #tpu.memory_space<vmem>>
        %dma_start3A_624 = tpu.memref_squeeze %dma_start3A_623 : memref<1x40xi32, #tpu.memory_space<vmem>> -> memref<40xi32, #tpu.memory_space<vmem>>
        %dma_start3A_625 = arith.constant 0 : i32
        %dma_start3A_626 = arith.constant 0 : i32
        %dma_start3A_627 = tpu.memref_slice %arg5[%dma_start3A_625, %dma_start3A_626] : memref<10000x128xf32, #tpu.memory_space<hbm>> -> memref<10000x128xf32, #tpu.memory_space<hbm>>
        tpu.enqueue_indirect_dma source(%dma_start3A_627 : memref<10000x128xf32, #tpu.memory_space<hbm>>) target(%arg11 : memref<40x128xf32, #tpu.memory_space<vmem>>) offsets(%dma_start3A_624 : memref<40xi32, #tpu.memory_space<vmem>>) semaphore(%arg15 : memref<!tpu.dma_semaphore, #tpu.memory_space<semaphore_mem>>)
      } else {
      }
      %dma_wait3A_500 = arith.constant 0 : i32
      %dma_wait3A_501 = tpu.memref_slice %arg8[%add3A_488, %dma_wait3A_500] : memref<250x40xi32, #tpu.memory_space<vmem>> -> memref<1x40xi32, #tpu.memory_space<vmem>>
      %dma_wait3A_502 = tpu.memref_squeeze %dma_wait3A_501 : memref<1x40xi32, #tpu.memory_space<vmem>> -> memref<40xi32, #tpu.memory_space<vmem>>
      %dma_wait3A_503 = arith.constant 0 : i32
      %dma_wait3A_504 = arith.constant 0 : i32
      %dma_wait3A_505 = tpu.memref_slice %arg5[%dma_wait3A_503, %dma_wait3A_504] : memref<10000x128xf32, #tpu.memory_space<hbm>> -> memref<10000x128xf32, #tpu.memory_space<hbm>>
      tpu.wait_indirect_dma semaphore(%arg17 : memref<!tpu.dma_semaphore, #tpu.memory_space<semaphore_mem>>) src(%dma_wait3A_505 : memref<10000x128xf32, #tpu.memory_space<hbm>>) dst(%arg13 : memref<40x128xf32, #tpu.memory_space<vmem>>)
      %parallel_loop3A_506 = arith.constant 0 : i32
      %parallel_loop3A_507 = arith.constant 40 : i32
      %parallel_loop3A_508 = arith.constant 1 : i32
      scf.for %parallel_loop3A_620 = %parallel_loop3A_506 to %parallel_loop3A_507 step %parallel_loop3A_508  : i32 {
        %parallel_loop3A_621 = arith.constant 40 : i32
        %parallel_loop3A_622 = arith.muli %add3A_488, %parallel_loop3A_621 : i32
        %parallel_loop3A_623 = arith.addi %parallel_loop3A_622, %parallel_loop3A_620 : i32
        %parallel_loop3A_624 = vector.broadcast %parallel_loop3A_623 : i32 to vector<16xi32>
        %parallel_loop3A_625 = tpu.vector_load_idx %arg10[%parallel_loop3A_624] : memref<10000xf32, #tpu.memory_space<vmem>>[vector<16xi32>], vector<16xf32>,
        %parallel_loop3A_626 = arith.index_cast %parallel_loop3A_620 : i32 to index
        %parallel_loop3A_627 = arith.constant 0 : index
        %parallel_loop3A_628 = tpu.vector_load %arg13[%parallel_loop3A_626, %parallel_loop3A_627] {strides = array<i32>} : memref<40x128xf32, #tpu.memory_space<vmem>>, vector<16xf32>,
        %parallel_loop3A_629 = arith.mulf %parallel_loop3A_628, %parallel_loop3A_625 : vector<16xf32>
        %parallel_loop3A_630 = arith.index_cast %parallel_loop3A_620 : i32 to index
        %parallel_loop3A_631 = arith.constant 0 : index
        %parallel_loop3A_632 = tpu.vector_load %arg13[%parallel_loop3A_630, %parallel_loop3A_631] {strides = array<i32>} : memref<40x128xf32, #tpu.memory_space<vmem>>, vector<16xf32>,
        tpu.vector_store %arg13[%parallel_loop3A_630, %parallel_loop3A_631], %parallel_loop3A_629 {strides = array<i32>} : memref<40x128xf32, #tpu.memory_space<vmem>>, vector<16xf32>,
        %parallel_loop3A_633 = arith.index_cast %parallel_loop3A_620 : i32 to index
        %parallel_loop3A_634 = arith.constant 16 : index
        %parallel_loop3A_635 = tpu.vector_load %arg13[%parallel_loop3A_633, %parallel_loop3A_634] {strides = array<i32>} : memref<40x128xf32, #tpu.memory_space<vmem>>, vector<16xf32>,
        %parallel_loop3A_636 = arith.mulf %parallel_loop3A_635, %parallel_loop3A_625 : vector<16xf32>
        %parallel_loop3A_637 = arith.index_cast %parallel_loop3A_620 : i32 to index
        %parallel_loop3A_638 = arith.constant 16 : index
        %parallel_loop3A_639 = tpu.vector_load %arg13[%parallel_loop3A_637, %parallel_loop3A_638] {strides = array<i32>} : memref<40x128xf32, #tpu.memory_space<vmem>>, vector<16xf32>,
        tpu.vector_store %arg13[%parallel_loop3A_637, %parallel_loop3A_638], %parallel_loop3A_636 {strides = array<i32>} : memref<40x128xf32, #tpu.memory_space<vmem>>, vector<16xf32>,
        %parallel_loop3A_640 = arith.index_cast %parallel_loop3A_620 : i32 to index
        %parallel_loop3A_641 = arith.constant 32 : index
        %parallel_loop3A_642 = tpu.vector_load %arg13[%parallel_loop3A_640, %parallel_loop3A_641] {strides = array<i32>} : memref<40x128xf32, #tpu.memory_space<vmem>>, vector<16xf32>,
        %parallel_loop3A_643 = arith.mulf %parallel_loop3A_642, %parallel_loop3A_625 : vector<16xf32>
        %parallel_loop3A_644 = arith.index_cast %parallel_loop3A_620 : i32 to index
        %parallel_loop3A_645 = arith.constant 32 : index
        %parallel_loop3A_646 = tpu.vector_load %arg13[%parallel_loop3A_644, %parallel_loop3A_645] {strides = array<i32>} : memref<40x128xf32, #tpu.memory_space<vmem>>, vector<16xf32>,
        tpu.vector_store %arg13[%parallel_loop3A_644, %parallel_loop3A_645], %parallel_loop3A_643 {strides = array<i32>} : memref<40x128xf32, #tpu.memory_space<vmem>>, vector<16xf32>,
        %parallel_loop3A_647 = arith.index_cast %parallel_loop3A_620 : i32 to index
        %parallel_loop3A_648 = arith.constant 48 : index
        %parallel_loop3A_649 = tpu.vector_load %arg13[%parallel_loop3A_647, %parallel_loop3A_648] {strides = array<i32>} : memref<40x128xf32, #tpu.memory_space<vmem>>, vector<16xf32>,
        %parallel_loop3A_650 = arith.mulf %parallel_loop3A_649, %parallel_loop3A_625 : vector<16xf32>
        %parallel_loop3A_651 = arith.index_cast %parallel_loop3A_620 : i32 to index
        %parallel_loop3A_652 = arith.constant 48 : index
        %parallel_loop3A_653 = tpu.vector_load %arg13[%parallel_loop3A_651, %parallel_loop3A_652] {strides = array<i32>} : memref<40x128xf32, #tpu.memory_space<vmem>>, vector<16xf32>,
        tpu.vector_store %arg13[%parallel_loop3A_651, %parallel_loop3A_652], %parallel_loop3A_650 {strides = array<i32>} : memref<40x128xf32, #tpu.memory_space<vmem>>, vector<16xf32>,
        %parallel_loop3A_654 = arith.index_cast %parallel_loop3A_620 : i32 to index
        %parallel_loop3A_655 = arith.constant 64 : index
        %parallel_loop3A_656 = tpu.vector_load %arg13[%parallel_loop3A_654, %parallel_loop3A_655] {strides = array<i32>} : memref<40x128xf32, #tpu.memory_space<vmem>>, vector<16xf32>,
        %parallel_loop3A_657 = arith.mulf %parallel_loop3A_656, %parallel_loop3A_625 : vector<16xf32>
        %parallel_loop3A_658 = arith.index_cast %parallel_loop3A_620 : i32 to index
        %parallel_loop3A_659 = arith.constant 64 : index
        %parallel_loop3A_660 = tpu.vector_load %arg13[%parallel_loop3A_658, %parallel_loop3A_659] {strides = array<i32>} : memref<40x128xf32, #tpu.memory_space<vmem>>, vector<16xf32>,
        tpu.vector_store %arg13[%parallel_loop3A_658, %parallel_loop3A_659], %parallel_loop3A_657 {strides = array<i32>} : memref<40x128xf32, #tpu.memory_space<vmem>>, vector<16xf32>,
        %parallel_loop3A_661 = arith.index_cast %parallel_loop3A_620 : i32 to index
        %parallel_loop3A_662 = arith.constant 80 : index
        %parallel_loop3A_663 = tpu.vector_load %arg13[%parallel_loop3A_661, %parallel_loop3A_662] {strides = array<i32>} : memref<40x128xf32, #tpu.memory_space<vmem>>, vector<16xf32>,
        %parallel_loop3A_664 = arith.mulf %parallel_loop3A_663, %parallel_loop3A_625 : vector<16xf32>
        %parallel_loop3A_665 = arith.index_cast %parallel_loop3A_620 : i32 to index
        %parallel_loop3A_666 = arith.constant 80 : index
        %parallel_loop3A_667 = tpu.vector_load %arg13[%parallel_loop3A_665, %parallel_loop3A_666] {strides = array<i32>} : memref<40x128xf32, #tpu.memory_space<vmem>>, vector<16xf32>,
        tpu.vector_store %arg13[%parallel_loop3A_665, %parallel_loop3A_666], %parallel_loop3A_664 {strides = array<i32>} : memref<40x128xf32, #tpu.memory_space<vmem>>, vector<16xf32>,
        %parallel_loop3A_668 = arith.index_cast %parallel_loop3A_620 : i32 to index
        %parallel_loop3A_669 = arith.constant 96 : index
        %parallel_loop3A_670 = tpu.vector_load %arg13[%parallel_loop3A_668, %parallel_loop3A_669] {strides = array<i32>} : memref<40x128xf32, #tpu.memory_space<vmem>>, vector<16xf32>,
        %parallel_loop3A_671 = arith.mulf %parallel_loop3A_670, %parallel_loop3A_625 : vector<16xf32>
        %parallel_loop3A_672 = arith.index_cast %parallel_loop3A_620 : i32 to index
        %parallel_loop3A_673 = arith.constant 96 : index
        %parallel_loop3A_674 = tpu.vector_load %arg13[%parallel_loop3A_672, %parallel_loop3A_673] {strides = array<i32>} : memref<40x128xf32, #tpu.memory_space<vmem>>, vector<16xf32>,
        tpu.vector_store %arg13[%parallel_loop3A_672, %parallel_loop3A_673], %parallel_loop3A_671 {strides = array<i32>} : memref<40x128xf32, #tpu.memory_space<vmem>>, vector<16xf32>,
        %parallel_loop3A_675 = arith.index_cast %parallel_loop3A_620 : i32 to index
        %parallel_loop3A_676 = arith.constant 112 : index
        %parallel_loop3A_677 = tpu.vector_load %arg13[%parallel_loop3A_675, %parallel_loop3A_676] {strides = array<i32>} : memref<40x128xf32, #tpu.memory_space<vmem>>, vector<16xf32>,
        %parallel_loop3A_678 = arith.mulf %parallel_loop3A_677, %parallel_loop3A_625 : vector<16xf32>
        %parallel_loop3A_679 = arith.index_cast %parallel_loop3A_620 : i32 to index
        %parallel_loop3A_680 = arith.constant 112 : index
        %parallel_loop3A_681 = tpu.vector_load %arg13[%parallel_loop3A_679, %parallel_loop3A_680] {strides = array<i32>} : memref<40x128xf32, #tpu.memory_space<vmem>>, vector<16xf32>,
        tpu.vector_store %arg13[%parallel_loop3A_679, %parallel_loop3A_680], %parallel_loop3A_678 {strides = array<i32>} : memref<40x128xf32, #tpu.memory_space<vmem>>, vector<16xf32>,
      } {sc.loop_unroll_factor = 4 : i64, sc.parallel_access}
      %dma_start3A_509 = arith.constant 0 : i32
      %dma_start3A_510 = tpu.memref_slice %arg9[%add3A_488, %dma_start3A_509] : memref<250x40xi32, #tpu.memory_space<vmem>> -> memref<1x40xi32, #tpu.memory_space<vmem>>
      %dma_start3A_511 = tpu.memref_squeeze %dma_start3A_510 : memref<1x40xi32, #tpu.memory_space<vmem>> -> memref<40xi32, #tpu.memory_space<vmem>>
      %dma_start3A_512 = arith.constant 0 : i32
      %dma_start3A_513 = arith.constant 0 : i32
      %dma_start3A_514 = tpu.memref_slice %arg7[%dma_start3A_512, %dma_start3A_513] : memref<10000x128xf32, #tpu.memory_space<vmem_shared>> -> memref<10000x128xf32, #tpu.memory_space<vmem_shared>>
      tpu.enqueue_indirect_dma source(%arg13 : memref<40x128xf32, #tpu.memory_space<vmem>>) target(%dma_start3A_514 : memref<10000x128xf32, #tpu.memory_space<vmem_shared>>) offsets(%dma_start3A_511 : memref<40xi32, #tpu.memory_space<vmem>>) semaphore(%arg21 : memref<!tpu.dma_semaphore, #tpu.memory_space<semaphore_mem>>) {add = true}
      %mul3A_515 = arith.constant 4 : i32
      %mul3A_516 = arith.muli %mul3A_515, %scan3A_482 : i32
      %add3A_517 = arith.constant 2 : i32
      %add3A_518 = arith.addi %add3A_517, %mul3A_516 : i32
      %add3A_519 = arith.constant 1 : i32
      %add3A_520 = arith.addi %add3A_518, %add3A_519 : i32
      %dma_wait3A_521 = arith.constant 0 : i32
      %dma_wait3A_522 = arith.constant 0 : i32
      %dma_wait3A_523 = tpu.memref_slice %arg9[%dma_wait3A_521, %dma_wait3A_522] : memref<250x40xi32, #tpu.memory_space<vmem>> -> memref<1x40xi32, #tpu.memory_space<vmem>>
      %dma_wait3A_524 = tpu.memref_squeeze %dma_wait3A_523 : memref<1x40xi32, #tpu.memory_space<vmem>> -> memref<40xi32, #tpu.memory_space<vmem>>
      %dma_wait3A_525 = arith.constant 0 : i32
      %dma_wait3A_526 = arith.constant 0 : i32
      %dma_wait3A_527 = tpu.memref_slice %arg7[%dma_wait3A_525, %dma_wait3A_526] : memref<10000x128xf32, #tpu.memory_space<vmem_shared>> -> memref<10000x128xf32, #tpu.memory_space<vmem_shared>>
      tpu.wait_indirect_dma semaphore(%arg20 : memref<!tpu.dma_semaphore, #tpu.memory_space<semaphore_mem>>) src(%arg12 : memref<40x128xf32, #tpu.memory_space<vmem>>) dst(%dma_wait3A_527 : memref<10000x128xf32, #tpu.memory_space<vmem_shared>>)
      %add3A_528 = arith.constant 2 : i32
      %add3A_529 = arith.addi %add3A_520, %add3A_528 : i32
      %lt3A_530 = arith.constant 250 : i32
      %lt3A_531 = arith.cmpi slt, %add3A_529, %lt3A_530 : i32
      %convert_element_type3A_532 = arith.extui %lt3A_531 : i1 to i32
      %cond3A_533 = arith.constant 0 : i32
      %cond3A_534 = arith.cmpi ne, %convert_element_type3A_532, %cond3A_533 : i32
      scf.if %cond3A_534 {
        %add3A_620 = arith.constant 2 : i32
        %add3A_621 = arith.addi %add3A_520, %add3A_620 : i32
        %dma_start3A_622 = arith.constant 0 : i32
        %dma_start3A_623 = tpu.memref_slice %arg8[%add3A_621, %dma_start3A_622] : memref<250x40xi32, #tpu.memory_space<vmem>> -> memref<1x40xi32, #tpu.memory_space<vmem>>
        %dma_start3A_624 = tpu.memref_squeeze %dma_start3A_623 : memref<1x40xi32, #tpu.memory_space<vmem>> -> memref<40xi32, #tpu.memory_space<vmem>>
        %dma_start3A_625 = arith.constant 0 : i32
        %dma_start3A_626 = arith.constant 0 : i32
        %dma_start3A_627 = tpu.memref_slice %arg5[%dma_start3A_625, %dma_start3A_626] : memref<10000x128xf32, #tpu.memory_space<hbm>> -> memref<10000x128xf32, #tpu.memory_space<hbm>>
        tpu.enqueue_indirect_dma source(%dma_start3A_627 : memref<10000x128xf32, #tpu.memory_space<hbm>>) target(%arg12 : memref<40x128xf32, #tpu.memory_space<vmem>>) offsets(%dma_start3A_624 : memref<40xi32, #tpu.memory_space<vmem>>) semaphore(%arg16 : memref<!tpu.dma_semaphore, #tpu.memory_space<semaphore_mem>>)
      } else {
      }
      %dma_wait3A_535 = arith.constant 0 : i32
      %dma_wait3A_536 = tpu.memref_slice %arg8[%add3A_520, %dma_wait3A_535] : memref<250x40xi32, #tpu.memory_space<vmem>> -> memref<1x40xi32, #tpu.memory_space<vmem>>
      %dma_wait3A_537 = tpu.memref_squeeze %dma_wait3A_536 : memref<1x40xi32, #tpu.memory_space<vmem>> -> memref<40xi32, #tpu.memory_space<vmem>>
      %dma_wait3A_538 = arith.constant 0 : i32
      %dma_wait3A_539 = arith.constant 0 : i32
      %dma_wait3A_540 = tpu.memref_slice %arg5[%dma_wait3A_538, %dma_wait3A_539] : memref<10000x128xf32, #tpu.memory_space<hbm>> -> memref<10000x128xf32, #tpu.memory_space<hbm>>
      tpu.wait_indirect_dma semaphore(%arg18 : memref<!tpu.dma_semaphore, #tpu.memory_space<semaphore_mem>>) src(%dma_wait3A_540 : memref<10000x128xf32, #tpu.memory_space<hbm>>) dst(%arg14 : memref<40x128xf32, #tpu.memory_space<vmem>>)
      %parallel_loop3A_541 = arith.constant 0 : i32
      %parallel_loop3A_542 = arith.constant 40 : i32
      %parallel_loop3A_543 = arith.constant 1 : i32
      scf.for %parallel_loop3A_620 = %parallel_loop3A_541 to %parallel_loop3A_542 step %parallel_loop3A_543  : i32 {
        %parallel_loop3A_621 = arith.constant 40 : i32
        %parallel_loop3A_622 = arith.muli %add3A_520, %parallel_loop3A_621 : i32
        %parallel_loop3A_623 = arith.addi %parallel_loop3A_622, %parallel_loop3A_620 : i32
        %parallel_loop3A_624 = vector.broadcast %parallel_loop3A_623 : i32 to vector<16xi32>
        %parallel_loop3A_625 = tpu.vector_load_idx %arg10[%parallel_loop3A_624] : memref<10000xf32, #tpu.memory_space<vmem>>[vector<16xi32>], vector<16xf32>,
        %parallel_loop3A_626 = arith.index_cast %parallel_loop3A_620 : i32 to index
        %parallel_loop3A_627 = arith.constant 0 : index
        %parallel_loop3A_628 = tpu.vector_load %arg14[%parallel_loop3A_626, %parallel_loop3A_627] {strides = array<i32>} : memref<40x128xf32, #tpu.memory_space<vmem>>, vector<16xf32>,
        %parallel_loop3A_629 = arith.mulf %parallel_loop3A_628, %parallel_loop3A_625 : vector<16xf32>
        %parallel_loop3A_630 = arith.index_cast %parallel_loop3A_620 : i32 to index
        %parallel_loop3A_631 = arith.constant 0 : index
        %parallel_loop3A_632 = tpu.vector_load %arg14[%parallel_loop3A_630, %parallel_loop3A_631] {strides = array<i32>} : memref<40x128xf32, #tpu.memory_space<vmem>>, vector<16xf32>,
        tpu.vector_store %arg14[%parallel_loop3A_630, %parallel_loop3A_631], %parallel_loop3A_629 {strides = array<i32>} : memref<40x128xf32, #tpu.memory_space<vmem>>, vector<16xf32>,
        %parallel_loop3A_633 = arith.index_cast %parallel_loop3A_620 : i32 to index
        %parallel_loop3A_634 = arith.constant 16 : index
        %parallel_loop3A_635 = tpu.vector_load %arg14[%parallel_loop3A_633, %parallel_loop3A_634] {strides = array<i32>} : memref<40x128xf32, #tpu.memory_space<vmem>>, vector<16xf32>,
        %parallel_loop3A_636 = arith.mulf %parallel_loop3A_635, %parallel_loop3A_625 : vector<16xf32>
        %parallel_loop3A_637 = arith.index_cast %parallel_loop3A_620 : i32 to index
        %parallel_loop3A_638 = arith.constant 16 : index
        %parallel_loop3A_639 = tpu.vector_load %arg14[%parallel_loop3A_637, %parallel_loop3A_638] {strides = array<i32>} : memref<40x128xf32, #tpu.memory_space<vmem>>, vector<16xf32>,
        tpu.vector_store %arg14[%parallel_loop3A_637, %parallel_loop3A_638], %parallel_loop3A_636 {strides = array<i32>} : memref<40x128xf32, #tpu.memory_space<vmem>>, vector<16xf32>,
        %parallel_loop3A_640 = arith.index_cast %parallel_loop3A_620 : i32 to index
        %parallel_loop3A_641 = arith.constant 32 : index
        %parallel_loop3A_642 = tpu.vector_load %arg14[%parallel_loop3A_640, %parallel_loop3A_641] {strides = array<i32>} : memref<40x128xf32, #tpu.memory_space<vmem>>, vector<16xf32>,
        %parallel_loop3A_643 = arith.mulf %parallel_loop3A_642, %parallel_loop3A_625 : vector<16xf32>
        %parallel_loop3A_644 = arith.index_cast %parallel_loop3A_620 : i32 to index
        %parallel_loop3A_645 = arith.constant 32 : index
        %parallel_loop3A_646 = tpu.vector_load %arg14[%parallel_loop3A_644, %parallel_loop3A_645] {strides = array<i32>} : memref<40x128xf32, #tpu.memory_space<vmem>>, vector<16xf32>,
        tpu.vector_store %arg14[%parallel_loop3A_644, %parallel_loop3A_645], %parallel_loop3A_643 {strides = array<i32>} : memref<40x128xf32, #tpu.memory_space<vmem>>, vector<16xf32>,
        %parallel_loop3A_647 = arith.index_cast %parallel_loop3A_620 : i32 to index
        %parallel_loop3A_648 = arith.constant 48 : index
        %parallel_loop3A_649 = tpu.vector_load %arg14[%parallel_loop3A_647, %parallel_loop3A_648] {strides = array<i32>} : memref<40x128xf32, #tpu.memory_space<vmem>>, vector<16xf32>,
        %parallel_loop3A_650 = arith.mulf %parallel_loop3A_649, %parallel_loop3A_625 : vector<16xf32>
        %parallel_loop3A_651 = arith.index_cast %parallel_loop3A_620 : i32 to index
        %parallel_loop3A_652 = arith.constant 48 : index
        %parallel_loop3A_653 = tpu.vector_load %arg14[%parallel_loop3A_651, %parallel_loop3A_652] {strides = array<i32>} : memref<40x128xf32, #tpu.memory_space<vmem>>, vector<16xf32>,
        tpu.vector_store %arg14[%parallel_loop3A_651, %parallel_loop3A_652], %parallel_loop3A_650 {strides = array<i32>} : memref<40x128xf32, #tpu.memory_space<vmem>>, vector<16xf32>,
        %parallel_loop3A_654 = arith.index_cast %parallel_loop3A_620 : i32 to index
        %parallel_loop3A_655 = arith.constant 64 : index
        %parallel_loop3A_656 = tpu.vector_load %arg14[%parallel_loop3A_654, %parallel_loop3A_655] {strides = array<i32>} : memref<40x128xf32, #tpu.memory_space<vmem>>, vector<16xf32>,
        %parallel_loop3A_657 = arith.mulf %parallel_loop3A_656, %parallel_loop3A_625 : vector<16xf32>
        %parallel_loop3A_658 = arith.index_cast %parallel_loop3A_620 : i32 to index
        %parallel_loop3A_659 = arith.constant 64 : index
        %parallel_loop3A_660 = tpu.vector_load %arg14[%parallel_loop3A_658, %parallel_loop3A_659] {strides = array<i32>} : memref<40x128xf32, #tpu.memory_space<vmem>>, vector<16xf32>,
        tpu.vector_store %arg14[%parallel_loop3A_658, %parallel_loop3A_659], %parallel_loop3A_657 {strides = array<i32>} : memref<40x128xf32, #tpu.memory_space<vmem>>, vector<16xf32>,
        %parallel_loop3A_661 = arith.index_cast %parallel_loop3A_620 : i32 to index
        %parallel_loop3A_662 = arith.constant 80 : index
        %parallel_loop3A_663 = tpu.vector_load %arg14[%parallel_loop3A_661, %parallel_loop3A_662] {strides = array<i32>} : memref<40x128xf32, #tpu.memory_space<vmem>>, vector<16xf32>,
        %parallel_loop3A_664 = arith.mulf %parallel_loop3A_663, %parallel_loop3A_625 : vector<16xf32>
        %parallel_loop3A_665 = arith.index_cast %parallel_loop3A_620 : i32 to index
        %parallel_loop3A_666 = arith.constant 80 : index
        %parallel_loop3A_667 = tpu.vector_load %arg14[%parallel_loop3A_665, %parallel_loop3A_666] {strides = array<i32>} : memref<40x128xf32, #tpu.memory_space<vmem>>, vector<16xf32>,
        tpu.vector_store %arg14[%parallel_loop3A_665, %parallel_loop3A_666], %parallel_loop3A_664 {strides = array<i32>} : memref<40x128xf32, #tpu.memory_space<vmem>>, vector<16xf32>,
        %parallel_loop3A_668 = arith.index_cast %parallel_loop3A_620 : i32 to index
        %parallel_loop3A_669 = arith.constant 96 : index
        %parallel_loop3A_670 = tpu.vector_load %arg14[%parallel_loop3A_668, %parallel_loop3A_669] {strides = array<i32>} : memref<40x128xf32, #tpu.memory_space<vmem>>, vector<16xf32>,
        %parallel_loop3A_671 = arith.mulf %parallel_loop3A_670, %parallel_loop3A_625 : vector<16xf32>
        %parallel_loop3A_672 = arith.index_cast %parallel_loop3A_620 : i32 to index
        %parallel_loop3A_673 = arith.constant 96 : index
        %parallel_loop3A_674 = tpu.vector_load %arg14[%parallel_loop3A_672, %parallel_loop3A_673] {strides = array<i32>} : memref<40x128xf32, #tpu.memory_space<vmem>>, vector<16xf32>,
        tpu.vector_store %arg14[%parallel_loop3A_672, %parallel_loop3A_673], %parallel_loop3A_671 {strides = array<i32>} : memref<40x128xf32, #tpu.memory_space<vmem>>, vector<16xf32>,
        %parallel_loop3A_675 = arith.index_cast %parallel_loop3A_620 : i32 to index
        %parallel_loop3A_676 = arith.constant 112 : index
        %parallel_loop3A_677 = tpu.vector_load %arg14[%parallel_loop3A_675, %parallel_loop3A_676] {strides = array<i32>} : memref<40x128xf32, #tpu.memory_space<vmem>>, vector<16xf32>,
        %parallel_loop3A_678 = arith.mulf %parallel_loop3A_677, %parallel_loop3A_625 : vector<16xf32>
        %parallel_loop3A_679 = arith.index_cast %parallel_loop3A_620 : i32 to index
        %parallel_loop3A_680 = arith.constant 112 : index
        %parallel_loop3A_681 = tpu.vector_load %arg14[%parallel_loop3A_679, %parallel_loop3A_680] {strides = array<i32>} : memref<40x128xf32, #tpu.memory_space<vmem>>, vector<16xf32>,
        tpu.vector_store %arg14[%parallel_loop3A_679, %parallel_loop3A_680], %parallel_loop3A_678 {strides = array<i32>} : memref<40x128xf32, #tpu.memory_space<vmem>>, vector<16xf32>,
      } {sc.loop_unroll_factor = 4 : i64, sc.parallel_access}
      %dma_start3A_544 = arith.constant 0 : i32
      %dma_start3A_545 = tpu.memref_slice %arg9[%add3A_520, %dma_start3A_544] : memref<250x40xi32, #tpu.memory_space<vmem>> -> memref<1x40xi32, #tpu.memory_space<vmem>>
      %dma_start3A_546 = tpu.memref_squeeze %dma_start3A_545 : memref<1x40xi32, #tpu.memory_space<vmem>> -> memref<40xi32, #tpu.memory_space<vmem>>
      %dma_start3A_547 = arith.constant 0 : i32
      %dma_start3A_548 = arith.constant 0 : i32
      %dma_start3A_549 = tpu.memref_slice %arg7[%dma_start3A_547, %dma_start3A_548] : memref<10000x128xf32, #tpu.memory_space<vmem_shared>> -> memref<10000x128xf32, #tpu.memory_space<vmem_shared>>
      tpu.enqueue_indirect_dma source(%arg14 : memref<40x128xf32, #tpu.memory_space<vmem>>) target(%dma_start3A_549 : memref<10000x128xf32, #tpu.memory_space<vmem_shared>>) offsets(%dma_start3A_546 : memref<40xi32, #tpu.memory_space<vmem>>) semaphore(%arg22 : memref<!tpu.dma_semaphore, #tpu.memory_space<semaphore_mem>>) {add = true}
      %mul3A_550 = arith.constant 4 : i32
      %mul3A_551 = arith.muli %mul3A_550, %scan3A_482 : i32
      %add3A_552 = arith.constant 2 : i32
      %add3A_553 = arith.addi %add3A_552, %mul3A_551 : i32
      %add3A_554 = arith.constant 2 : i32
      %add3A_555 = arith.addi %add3A_553, %add3A_554 : i32
      %dma_wait3A_556 = arith.constant 0 : i32
      %dma_wait3A_557 = arith.constant 0 : i32
      %dma_wait3A_558 = tpu.memref_slice %arg9[%dma_wait3A_556, %dma_wait3A_557] : memref<250x40xi32, #tpu.memory_space<vmem>> -> memref<1x40xi32, #tpu.memory_space<vmem>>
      %dma_wait3A_559 = tpu.memref_squeeze %dma_wait3A_558 : memref<1x40xi32, #tpu.memory_space<vmem>> -> memref<40xi32, #tpu.memory_space<vmem>>
      %dma_wait3A_560 = arith.constant 0 : i32
      %dma_wait3A_561 = arith.constant 0 : i32
      %dma_wait3A_562 = tpu.memref_slice %arg7[%dma_wait3A_560, %dma_wait3A_561] : memref<10000x128xf32, #tpu.memory_space<vmem_shared>> -> memref<10000x128xf32, #tpu.memory_space<vmem_shared>>
      tpu.wait_indirect_dma semaphore(%arg21 : memref<!tpu.dma_semaphore, #tpu.memory_space<semaphore_mem>>) src(%arg13 : memref<40x128xf32, #tpu.memory_space<vmem>>) dst(%dma_wait3A_562 : memref<10000x128xf32, #tpu.memory_space<vmem_shared>>)
      %add3A_563 = arith.constant 2 : i32
      %add3A_564 = arith.addi %add3A_555, %add3A_563 : i32
      %lt3A_565 = arith.constant 250 : i32
      %lt3A_566 = arith.cmpi slt, %add3A_564, %lt3A_565 : i32
      %convert_element_type3A_567 = arith.extui %lt3A_566 : i1 to i32
      %cond3A_568 = arith.constant 0 : i32
      %cond3A_569 = arith.cmpi ne, %convert_element_type3A_567, %cond3A_568 : i32
      scf.if %cond3A_569 {
        %add3A_620 = arith.constant 2 : i32
        %add3A_621 = arith.addi %add3A_555, %add3A_620 : i32
        %dma_start3A_622 = arith.constant 0 : i32
        %dma_start3A_623 = tpu.memref_slice %arg8[%add3A_621, %dma_start3A_622] : memref<250x40xi32, #tpu.memory_space<vmem>> -> memref<1x40xi32, #tpu.memory_space<vmem>>
        %dma_start3A_624 = tpu.memref_squeeze %dma_start3A_623 : memref<1x40xi32, #tpu.memory_space<vmem>> -> memref<40xi32, #tpu.memory_space<vmem>>
        %dma_start3A_625 = arith.constant 0 : i32
        %dma_start3A_626 = arith.constant 0 : i32
        %dma_start3A_627 = tpu.memref_slice %arg5[%dma_start3A_625, %dma_start3A_626] : memref<10000x128xf32, #tpu.memory_space<hbm>> -> memref<10000x128xf32, #tpu.memory_space<hbm>>
        tpu.enqueue_indirect_dma source(%dma_start3A_627 : memref<10000x128xf32, #tpu.memory_space<hbm>>) target(%arg13 : memref<40x128xf32, #tpu.memory_space<vmem>>) offsets(%dma_start3A_624 : memref<40xi32, #tpu.memory_space<vmem>>) semaphore(%arg17 : memref<!tpu.dma_semaphore, #tpu.memory_space<semaphore_mem>>)
      } else {
      }
      %dma_wait3A_570 = arith.constant 0 : i32
      %dma_wait3A_571 = tpu.memref_slice %arg8[%add3A_555, %dma_wait3A_570] : memref<250x40xi32, #tpu.memory_space<vmem>> -> memref<1x40xi32, #tpu.memory_space<vmem>>
      %dma_wait3A_572 = tpu.memref_squeeze %dma_wait3A_571 : memref<1x40xi32, #tpu.memory_space<vmem>> -> memref<40xi32, #tpu.memory_space<vmem>>
      %dma_wait3A_573 = arith.constant 0 : i32
      %dma_wait3A_574 = arith.constant 0 : i32
      %dma_wait3A_575 = tpu.memref_slice %arg5[%dma_wait3A_573, %dma_wait3A_574] : memref<10000x128xf32, #tpu.memory_space<hbm>> -> memref<10000x128xf32, #tpu.memory_space<hbm>>
      tpu.wait_indirect_dma semaphore(%arg15 : memref<!tpu.dma_semaphore, #tpu.memory_space<semaphore_mem>>) src(%dma_wait3A_575 : memref<10000x128xf32, #tpu.memory_space<hbm>>) dst(%arg11 : memref<40x128xf32, #tpu.memory_space<vmem>>)
      %parallel_loop3A_576 = arith.constant 0 : i32
      %parallel_loop3A_577 = arith.constant 40 : i32
      %parallel_loop3A_578 = arith.constant 1 : i32
      scf.for %parallel_loop3A_620 = %parallel_loop3A_576 to %parallel_loop3A_577 step %parallel_loop3A_578  : i32 {
        %parallel_loop3A_621 = arith.constant 40 : i32
        %parallel_loop3A_622 = arith.muli %add3A_555, %parallel_loop3A_621 : i32
        %parallel_loop3A_623 = arith.addi %parallel_loop3A_622, %parallel_loop3A_620 : i32
        %parallel_loop3A_624 = vector.broadcast %parallel_loop3A_623 : i32 to vector<16xi32>
        %parallel_loop3A_625 = tpu.vector_load_idx %arg10[%parallel_loop3A_624] : memref<10000xf32, #tpu.memory_space<vmem>>[vector<16xi32>], vector<16xf32>,
        %parallel_loop3A_626 = arith.index_cast %parallel_loop3A_620 : i32 to index
        %parallel_loop3A_627 = arith.constant 0 : index
        %parallel_loop3A_628 = tpu.vector_load %arg11[%parallel_loop3A_626, %parallel_loop3A_627] {strides = array<i32>} : memref<40x128xf32, #tpu.memory_space<vmem>>, vector<16xf32>,
        %parallel_loop3A_629 = arith.mulf %parallel_loop3A_628, %parallel_loop3A_625 : vector<16xf32>
        %parallel_loop3A_630 = arith.index_cast %parallel_loop3A_620 : i32 to index
        %parallel_loop3A_631 = arith.constant 0 : index
        %parallel_loop3A_632 = tpu.vector_load %arg11[%parallel_loop3A_630, %parallel_loop3A_631] {strides = array<i32>} : memref<40x128xf32, #tpu.memory_space<vmem>>, vector<16xf32>,
        tpu.vector_store %arg11[%parallel_loop3A_630, %parallel_loop3A_631], %parallel_loop3A_629 {strides = array<i32>} : memref<40x128xf32, #tpu.memory_space<vmem>>, vector<16xf32>,
        %parallel_loop3A_633 = arith.index_cast %parallel_loop3A_620 : i32 to index
        %parallel_loop3A_634 = arith.constant 16 : index
        %parallel_loop3A_635 = tpu.vector_load %arg11[%parallel_loop3A_633, %parallel_loop3A_634] {strides = array<i32>} : memref<40x128xf32, #tpu.memory_space<vmem>>, vector<16xf32>,
        %parallel_loop3A_636 = arith.mulf %parallel_loop3A_635, %parallel_loop3A_625 : vector<16xf32>
        %parallel_loop3A_637 = arith.index_cast %parallel_loop3A_620 : i32 to index
        %parallel_loop3A_638 = arith.constant 16 : index
        %parallel_loop3A_639 = tpu.vector_load %arg11[%parallel_loop3A_637, %parallel_loop3A_638] {strides = array<i32>} : memref<40x128xf32, #tpu.memory_space<vmem>>, vector<16xf32>,
        tpu.vector_store %arg11[%parallel_loop3A_637, %parallel_loop3A_638], %parallel_loop3A_636 {strides = array<i32>} : memref<40x128xf32, #tpu.memory_space<vmem>>, vector<16xf32>,
        %parallel_loop3A_640 = arith.index_cast %parallel_loop3A_620 : i32 to index
        %parallel_loop3A_641 = arith.constant 32 : index
        %parallel_loop3A_642 = tpu.vector_load %arg11[%parallel_loop3A_640, %parallel_loop3A_641] {strides = array<i32>} : memref<40x128xf32, #tpu.memory_space<vmem>>, vector<16xf32>,
        %parallel_loop3A_643 = arith.mulf %parallel_loop3A_642, %parallel_loop3A_625 : vector<16xf32>
        %parallel_loop3A_644 = arith.index_cast %parallel_loop3A_620 : i32 to index
        %parallel_loop3A_645 = arith.constant 32 : index
        %parallel_loop3A_646 = tpu.vector_load %arg11[%parallel_loop3A_644, %parallel_loop3A_645] {strides = array<i32>} : memref<40x128xf32, #tpu.memory_space<vmem>>, vector<16xf32>,
        tpu.vector_store %arg11[%parallel_loop3A_644, %parallel_loop3A_645], %parallel_loop3A_643 {strides = array<i32>} : memref<40x128xf32, #tpu.memory_space<vmem>>, vector<16xf32>,
        %parallel_loop3A_647 = arith.index_cast %parallel_loop3A_620 : i32 to index
        %parallel_loop3A_648 = arith.constant 48 : index
        %parallel_loop3A_649 = tpu.vector_load %arg11[%parallel_loop3A_647, %parallel_loop3A_648] {strides = array<i32>} : memref<40x128xf32, #tpu.memory_space<vmem>>, vector<16xf32>,
        %parallel_loop3A_650 = arith.mulf %parallel_loop3A_649, %parallel_loop3A_625 : vector<16xf32>
        %parallel_loop3A_651 = arith.index_cast %parallel_loop3A_620 : i32 to index
        %parallel_loop3A_652 = arith.constant 48 : index
        %parallel_loop3A_653 = tpu.vector_load %arg11[%parallel_loop3A_651, %parallel_loop3A_652] {strides = array<i32>} : memref<40x128xf32, #tpu.memory_space<vmem>>, vector<16xf32>,
        tpu.vector_store %arg11[%parallel_loop3A_651, %parallel_loop3A_652], %parallel_loop3A_650 {strides = array<i32>} : memref<40x128xf32, #tpu.memory_space<vmem>>, vector<16xf32>,
        %parallel_loop3A_654 = arith.index_cast %parallel_loop3A_620 : i32 to index
        %parallel_loop3A_655 = arith.constant 64 : index
        %parallel_loop3A_656 = tpu.vector_load %arg11[%parallel_loop3A_654, %parallel_loop3A_655] {strides = array<i32>} : memref<40x128xf32, #tpu.memory_space<vmem>>, vector<16xf32>,
        %parallel_loop3A_657 = arith.mulf %parallel_loop3A_656, %parallel_loop3A_625 : vector<16xf32>
        %parallel_loop3A_658 = arith.index_cast %parallel_loop3A_620 : i32 to index
        %parallel_loop3A_659 = arith.constant 64 : index
        %parallel_loop3A_660 = tpu.vector_load %arg11[%parallel_loop3A_658, %parallel_loop3A_659] {strides = array<i32>} : memref<40x128xf32, #tpu.memory_space<vmem>>, vector<16xf32>,
        tpu.vector_store %arg11[%parallel_loop3A_658, %parallel_loop3A_659], %parallel_loop3A_657 {strides = array<i32>} : memref<40x128xf32, #tpu.memory_space<vmem>>, vector<16xf32>,
        %parallel_loop3A_661 = arith.index_cast %parallel_loop3A_620 : i32 to index
        %parallel_loop3A_662 = arith.constant 80 : index
        %parallel_loop3A_663 = tpu.vector_load %arg11[%parallel_loop3A_661, %parallel_loop3A_662] {strides = array<i32>} : memref<40x128xf32, #tpu.memory_space<vmem>>, vector<16xf32>,
        %parallel_loop3A_664 = arith.mulf %parallel_loop3A_663, %parallel_loop3A_625 : vector<16xf32>
        %parallel_loop3A_665 = arith.index_cast %parallel_loop3A_620 : i32 to index
        %parallel_loop3A_666 = arith.constant 80 : index
        %parallel_loop3A_667 = tpu.vector_load %arg11[%parallel_loop3A_665, %parallel_loop3A_666] {strides = array<i32>} : memref<40x128xf32, #tpu.memory_space<vmem>>, vector<16xf32>,
        tpu.vector_store %arg11[%parallel_loop3A_665, %parallel_loop3A_666], %parallel_loop3A_664 {strides = array<i32>} : memref<40x128xf32, #tpu.memory_space<vmem>>, vector<16xf32>,
        %parallel_loop3A_668 = arith.index_cast %parallel_loop3A_620 : i32 to index
        %parallel_loop3A_669 = arith.constant 96 : index
        %parallel_loop3A_670 = tpu.vector_load %arg11[%parallel_loop3A_668, %parallel_loop3A_669] {strides = array<i32>} : memref<40x128xf32, #tpu.memory_space<vmem>>, vector<16xf32>,
        %parallel_loop3A_671 = arith.mulf %parallel_loop3A_670, %parallel_loop3A_625 : vector<16xf32>
        %parallel_loop3A_672 = arith.index_cast %parallel_loop3A_620 : i32 to index
        %parallel_loop3A_673 = arith.constant 96 : index
        %parallel_loop3A_674 = tpu.vector_load %arg11[%parallel_loop3A_672, %parallel_loop3A_673] {strides = array<i32>} : memref<40x128xf32, #tpu.memory_space<vmem>>, vector<16xf32>,
        tpu.vector_store %arg11[%parallel_loop3A_672, %parallel_loop3A_673], %parallel_loop3A_671 {strides = array<i32>} : memref<40x128xf32, #tpu.memory_space<vmem>>, vector<16xf32>,
        %parallel_loop3A_675 = arith.index_cast %parallel_loop3A_620 : i32 to index
        %parallel_loop3A_676 = arith.constant 112 : index
        %parallel_loop3A_677 = tpu.vector_load %arg11[%parallel_loop3A_675, %parallel_loop3A_676] {strides = array<i32>} : memref<40x128xf32, #tpu.memory_space<vmem>>, vector<16xf32>,
        %parallel_loop3A_678 = arith.mulf %parallel_loop3A_677, %parallel_loop3A_625 : vector<16xf32>
        %parallel_loop3A_679 = arith.index_cast %parallel_loop3A_620 : i32 to index
        %parallel_loop3A_680 = arith.constant 112 : index
        %parallel_loop3A_681 = tpu.vector_load %arg11[%parallel_loop3A_679, %parallel_loop3A_680] {strides = array<i32>} : memref<40x128xf32, #tpu.memory_space<vmem>>, vector<16xf32>,
        tpu.vector_store %arg11[%parallel_loop3A_679, %parallel_loop3A_680], %parallel_loop3A_678 {strides = array<i32>} : memref<40x128xf32, #tpu.memory_space<vmem>>, vector<16xf32>,
      } {sc.loop_unroll_factor = 4 : i64, sc.parallel_access}
      %dma_start3A_579 = arith.constant 0 : i32
      %dma_start3A_580 = tpu.memref_slice %arg9[%add3A_555, %dma_start3A_579] : memref<250x40xi32, #tpu.memory_space<vmem>> -> memref<1x40xi32, #tpu.memory_space<vmem>>
      %dma_start3A_581 = tpu.memref_squeeze %dma_start3A_580 : memref<1x40xi32, #tpu.memory_space<vmem>> -> memref<40xi32, #tpu.memory_space<vmem>>
      %dma_start3A_582 = arith.constant 0 : i32
      %dma_start3A_583 = arith.constant 0 : i32
      %dma_start3A_584 = tpu.memref_slice %arg7[%dma_start3A_582, %dma_start3A_583] : memref<10000x128xf32, #tpu.memory_space<vmem_shared>> -> memref<10000x128xf32, #tpu.memory_space<vmem_shared>>
      tpu.enqueue_indirect_dma source(%arg11 : memref<40x128xf32, #tpu.memory_space<vmem>>) target(%dma_start3A_584 : memref<10000x128xf32, #tpu.memory_space<vmem_shared>>) offsets(%dma_start3A_581 : memref<40xi32, #tpu.memory_space<vmem>>) semaphore(%arg19 : memref<!tpu.dma_semaphore, #tpu.memory_space<semaphore_mem>>) {add = true}
      %mul3A_585 = arith.constant 4 : i32
      %mul3A_586 = arith.muli %mul3A_585, %scan3A_482 : i32
      %add3A_587 = arith.constant 2 : i32
      %add3A_588 = arith.addi %add3A_587, %mul3A_586 : i32
      %add3A_589 = arith.constant 3 : i32
      %add3A_590 = arith.addi %add3A_588, %add3A_589 : i32
      %dma_wait3A_591 = arith.constant 0 : i32
      %dma_wait3A_592 = arith.constant 0 : i32
      %dma_wait3A_593 = tpu.memref_slice %arg9[%dma_wait3A_591, %dma_wait3A_592] : memref<250x40xi32, #tpu.memory_space<vmem>> -> memref<1x40xi32, #tpu.memory_space<vmem>>
      %dma_wait3A_594 = tpu.memref_squeeze %dma_wait3A_593 : memref<1x40xi32, #tpu.memory_space<vmem>> -> memref<40xi32, #tpu.memory_space<vmem>>
      %dma_wait3A_595 = arith.constant 0 : i32
      %dma_wait3A_596 = arith.constant 0 : i32
      %dma_wait3A_597 = tpu.memref_slice %arg7[%dma_wait3A_595, %dma_wait3A_596] : memref<10000x128xf32, #tpu.memory_space<vmem_shared>> -> memref<10000x128xf32, #tpu.memory_space<vmem_shared>>
      tpu.wait_indirect_dma semaphore(%arg22 : memref<!tpu.dma_semaphore, #tpu.memory_space<semaphore_mem>>) src(%arg14 : memref<40x128xf32, #tpu.memory_space<vmem>>) dst(%dma_wait3A_597 : memref<10000x128xf32, #tpu.memory_space<vmem_shared>>)
      %add3A_598 = arith.constant 2 : i32
      %add3A_599 = arith.addi %add3A_590, %add3A_598 : i32
      %lt3A_600 = arith.constant 250 : i32
      %lt3A_601 = arith.cmpi slt, %add3A_599, %lt3A_600 : i32
      %convert_element_type3A_602 = arith.extui %lt3A_601 : i1 to i32
      %cond3A_603 = arith.constant 0 : i32
      %cond3A_604 = arith.cmpi ne, %convert_element_type3A_602, %cond3A_603 : i32
      scf.if %cond3A_604 {
        %add3A_620 = arith.constant 2 : i32
        %add3A_621 = arith.addi %add3A_590, %add3A_620 : i32
        %dma_start3A_622 = arith.constant 0 : i32
        %dma_start3A_623 = tpu.memref_slice %arg8[%add3A_621, %dma_start3A_622] : memref<250x40xi32, #tpu.memory_space<vmem>> -> memref<1x40xi32, #tpu.memory_space<vmem>>
        %dma_start3A_624 = tpu.memref_squeeze %dma_start3A_623 : memref<1x40xi32, #tpu.memory_space<vmem>> -> memref<40xi32, #tpu.memory_space<vmem>>
        %dma_start3A_625 = arith.constant 0 : i32
        %dma_start3A_626 = arith.constant 0 : i32
        %dma_start3A_627 = tpu.memref_slice %arg5[%dma_start3A_625, %dma_start3A_626] : memref<10000x128xf32, #tpu.memory_space<hbm>> -> memref<10000x128xf32, #tpu.memory_space<hbm>>
        tpu.enqueue_indirect_dma source(%dma_start3A_627 : memref<10000x128xf32, #tpu.memory_space<hbm>>) target(%arg14 : memref<40x128xf32, #tpu.memory_space<vmem>>) offsets(%dma_start3A_624 : memref<40xi32, #tpu.memory_space<vmem>>) semaphore(%arg18 : memref<!tpu.dma_semaphore, #tpu.memory_space<semaphore_mem>>)
      } else {
      }
      %dma_wait3A_605 = arith.constant 0 : i32
      %dma_wait3A_606 = tpu.memref_slice %arg8[%add3A_590, %dma_wait3A_605] : memref<250x40xi32, #tpu.memory_space<vmem>> -> memref<1x40xi32, #tpu.memory_space<vmem>>
      %dma_wait3A_607 = tpu.memref_squeeze %dma_wait3A_606 : memref<1x40xi32, #tpu.memory_space<vmem>> -> memref<40xi32, #tpu.memory_space<vmem>>
      %dma_wait3A_608 = arith.constant 0 : i32
      %dma_wait3A_609 = arith.constant 0 : i32
      %dma_wait3A_610 = tpu.memref_slice %arg5[%dma_wait3A_608, %dma_wait3A_609] : memref<10000x128xf32, #tpu.memory_space<hbm>> -> memref<10000x128xf32, #tpu.memory_space<hbm>>
      tpu.wait_indirect_dma semaphore(%arg16 : memref<!tpu.dma_semaphore, #tpu.memory_space<semaphore_mem>>) src(%dma_wait3A_610 : memref<10000x128xf32, #tpu.memory_space<hbm>>) dst(%arg12 : memref<40x128xf32, #tpu.memory_space<vmem>>)
      %parallel_loop3A_611 = arith.constant 0 : i32
      %parallel_loop3A_612 = arith.constant 40 : i32
      %parallel_loop3A_613 = arith.constant 1 : i32
      scf.for %parallel_loop3A_620 = %parallel_loop3A_611 to %parallel_loop3A_612 step %parallel_loop3A_613  : i32 {
        %parallel_loop3A_621 = arith.constant 40 : i32
        %parallel_loop3A_622 = arith.muli %add3A_590, %parallel_loop3A_621 : i32
        %parallel_loop3A_623 = arith.addi %parallel_loop3A_622, %parallel_loop3A_620 : i32
        %parallel_loop3A_624 = vector.broadcast %parallel_loop3A_623 : i32 to vector<16xi32>
        %parallel_loop3A_625 = tpu.vector_load_idx %arg10[%parallel_loop3A_624] : memref<10000xf32, #tpu.memory_space<vmem>>[vector<16xi32>], vector<16xf32>,
        %parallel_loop3A_626 = arith.index_cast %parallel_loop3A_620 : i32 to index
        %parallel_loop3A_627 = arith.constant 0 : index
        %parallel_loop3A_628 = tpu.vector_load %arg12[%parallel_loop3A_626, %parallel_loop3A_627] {strides = array<i32>} : memref<40x128xf32, #tpu.memory_space<vmem>>, vector<16xf32>,
        %parallel_loop3A_629 = arith.mulf %parallel_loop3A_628, %parallel_loop3A_625 : vector<16xf32>
        %parallel_loop3A_630 = arith.index_cast %parallel_loop3A_620 : i32 to index
        %parallel_loop3A_631 = arith.constant 0 : index
        %parallel_loop3A_632 = tpu.vector_load %arg12[%parallel_loop3A_630, %parallel_loop3A_631] {strides = array<i32>} : memref<40x128xf32, #tpu.memory_space<vmem>>, vector<16xf32>,
        tpu.vector_store %arg12[%parallel_loop3A_630, %parallel_loop3A_631], %parallel_loop3A_629 {strides = array<i32>} : memref<40x128xf32, #tpu.memory_space<vmem>>, vector<16xf32>,
        %parallel_loop3A_633 = arith.index_cast %parallel_loop3A_620 : i32 to index
        %parallel_loop3A_634 = arith.constant 16 : index
        %parallel_loop3A_635 = tpu.vector_load %arg12[%parallel_loop3A_633, %parallel_loop3A_634] {strides = array<i32>} : memref<40x128xf32, #tpu.memory_space<vmem>>, vector<16xf32>,
        %parallel_loop3A_636 = arith.mulf %parallel_loop3A_635, %parallel_loop3A_625 : vector<16xf32>
        %parallel_loop3A_637 = arith.index_cast %parallel_loop3A_620 : i32 to index
        %parallel_loop3A_638 = arith.constant 16 : index
        %parallel_loop3A_639 = tpu.vector_load %arg12[%parallel_loop3A_637, %parallel_loop3A_638] {strides = array<i32>} : memref<40x128xf32, #tpu.memory_space<vmem>>, vector<16xf32>,
        tpu.vector_store %arg12[%parallel_loop3A_637, %parallel_loop3A_638], %parallel_loop3A_636 {strides = array<i32>} : memref<40x128xf32, #tpu.memory_space<vmem>>, vector<16xf32>,
        %parallel_loop3A_640 = arith.index_cast %parallel_loop3A_620 : i32 to index
        %parallel_loop3A_641 = arith.constant 32 : index
        %parallel_loop3A_642 = tpu.vector_load %arg12[%parallel_loop3A_640, %parallel_loop3A_641] {strides = array<i32>} : memref<40x128xf32, #tpu.memory_space<vmem>>, vector<16xf32>,
        %parallel_loop3A_643 = arith.mulf %parallel_loop3A_642, %parallel_loop3A_625 : vector<16xf32>
        %parallel_loop3A_644 = arith.index_cast %parallel_loop3A_620 : i32 to index
        %parallel_loop3A_645 = arith.constant 32 : index
        %parallel_loop3A_646 = tpu.vector_load %arg12[%parallel_loop3A_644, %parallel_loop3A_645] {strides = array<i32>} : memref<40x128xf32, #tpu.memory_space<vmem>>, vector<16xf32>,
        tpu.vector_store %arg12[%parallel_loop3A_644, %parallel_loop3A_645], %parallel_loop3A_643 {strides = array<i32>} : memref<40x128xf32, #tpu.memory_space<vmem>>, vector<16xf32>,
        %parallel_loop3A_647 = arith.index_cast %parallel_loop3A_620 : i32 to index
        %parallel_loop3A_648 = arith.constant 48 : index
        %parallel_loop3A_649 = tpu.vector_load %arg12[%parallel_loop3A_647, %parallel_loop3A_648] {strides = array<i32>} : memref<40x128xf32, #tpu.memory_space<vmem>>, vector<16xf32>,
        %parallel_loop3A_650 = arith.mulf %parallel_loop3A_649, %parallel_loop3A_625 : vector<16xf32>
        %parallel_loop3A_651 = arith.index_cast %parallel_loop3A_620 : i32 to index
        %parallel_loop3A_652 = arith.constant 48 : index
        %parallel_loop3A_653 = tpu.vector_load %arg12[%parallel_loop3A_651, %parallel_loop3A_652] {strides = array<i32>} : memref<40x128xf32, #tpu.memory_space<vmem>>, vector<16xf32>,
        tpu.vector_store %arg12[%parallel_loop3A_651, %parallel_loop3A_652], %parallel_loop3A_650 {strides = array<i32>} : memref<40x128xf32, #tpu.memory_space<vmem>>, vector<16xf32>,
        %parallel_loop3A_654 = arith.index_cast %parallel_loop3A_620 : i32 to index
        %parallel_loop3A_655 = arith.constant 64 : index
        %parallel_loop3A_656 = tpu.vector_load %arg12[%parallel_loop3A_654, %parallel_loop3A_655] {strides = array<i32>} : memref<40x128xf32, #tpu.memory_space<vmem>>, vector<16xf32>,
        %parallel_loop3A_657 = arith.mulf %parallel_loop3A_656, %parallel_loop3A_625 : vector<16xf32>
        %parallel_loop3A_658 = arith.index_cast %parallel_loop3A_620 : i32 to index
        %parallel_loop3A_659 = arith.constant 64 : index
        %parallel_loop3A_660 = tpu.vector_load %arg12[%parallel_loop3A_658, %parallel_loop3A_659] {strides = array<i32>} : memref<40x128xf32, #tpu.memory_space<vmem>>, vector<16xf32>,
        tpu.vector_store %arg12[%parallel_loop3A_658, %parallel_loop3A_659], %parallel_loop3A_657 {strides = array<i32>} : memref<40x128xf32, #tpu.memory_space<vmem>>, vector<16xf32>,
        %parallel_loop3A_661 = arith.index_cast %parallel_loop3A_620 : i32 to index
        %parallel_loop3A_662 = arith.constant 80 : index
        %parallel_loop3A_663 = tpu.vector_load %arg12[%parallel_loop3A_661, %parallel_loop3A_662] {strides = array<i32>} : memref<40x128xf32, #tpu.memory_space<vmem>>, vector<16xf32>,
        %parallel_loop3A_664 = arith.mulf %parallel_loop3A_663, %parallel_loop3A_625 : vector<16xf32>
        %parallel_loop3A_665 = arith.index_cast %parallel_loop3A_620 : i32 to index
        %parallel_loop3A_666 = arith.constant 80 : index
        %parallel_loop3A_667 = tpu.vector_load %arg12[%parallel_loop3A_665, %parallel_loop3A_666] {strides = array<i32>} : memref<40x128xf32, #tpu.memory_space<vmem>>, vector<16xf32>,
        tpu.vector_store %arg12[%parallel_loop3A_665, %parallel_loop3A_666], %parallel_loop3A_664 {strides = array<i32>} : memref<40x128xf32, #tpu.memory_space<vmem>>, vector<16xf32>,
        %parallel_loop3A_668 = arith.index_cast %parallel_loop3A_620 : i32 to index
        %parallel_loop3A_669 = arith.constant 96 : index
        %parallel_loop3A_670 = tpu.vector_load %arg12[%parallel_loop3A_668, %parallel_loop3A_669] {strides = array<i32>} : memref<40x128xf32, #tpu.memory_space<vmem>>, vector<16xf32>,
        %parallel_loop3A_671 = arith.mulf %parallel_loop3A_670, %parallel_loop3A_625 : vector<16xf32>
        %parallel_loop3A_672 = arith.index_cast %parallel_loop3A_620 : i32 to index
        %parallel_loop3A_673 = arith.constant 96 : index
        %parallel_loop3A_674 = tpu.vector_load %arg12[%parallel_loop3A_672, %parallel_loop3A_673] {strides = array<i32>} : memref<40x128xf32, #tpu.memory_space<vmem>>, vector<16xf32>,
        tpu.vector_store %arg12[%parallel_loop3A_672, %parallel_loop3A_673], %parallel_loop3A_671 {strides = array<i32>} : memref<40x128xf32, #tpu.memory_space<vmem>>, vector<16xf32>,
        %parallel_loop3A_675 = arith.index_cast %parallel_loop3A_620 : i32 to index
        %parallel_loop3A_676 = arith.constant 112 : index
        %parallel_loop3A_677 = tpu.vector_load %arg12[%parallel_loop3A_675, %parallel_loop3A_676] {strides = array<i32>} : memref<40x128xf32, #tpu.memory_space<vmem>>, vector<16xf32>,
        %parallel_loop3A_678 = arith.mulf %parallel_loop3A_677, %parallel_loop3A_625 : vector<16xf32>
        %parallel_loop3A_679 = arith.index_cast %parallel_loop3A_620 : i32 to index
        %parallel_loop3A_680 = arith.constant 112 : index
        %parallel_loop3A_681 = tpu.vector_load %arg12[%parallel_loop3A_679, %parallel_loop3A_680] {strides = array<i32>} : memref<40x128xf32, #tpu.memory_space<vmem>>, vector<16xf32>,
        tpu.vector_store %arg12[%parallel_loop3A_679, %parallel_loop3A_680], %parallel_loop3A_678 {strides = array<i32>} : memref<40x128xf32, #tpu.memory_space<vmem>>, vector<16xf32>,
      } {sc.loop_unroll_factor = 4 : i64, sc.parallel_access}
      %dma_start3A_614 = arith.constant 0 : i32
      %dma_start3A_615 = tpu.memref_slice %arg9[%add3A_590, %dma_start3A_614] : memref<250x40xi32, #tpu.memory_space<vmem>> -> memref<1x40xi32, #tpu.memory_space<vmem>>
      %dma_start3A_616 = tpu.memref_squeeze %dma_start3A_615 : memref<1x40xi32, #tpu.memory_space<vmem>> -> memref<40xi32, #tpu.memory_space<vmem>>
      %dma_start3A_617 = arith.constant 0 : i32
      %dma_start3A_618 = arith.constant 0 : i32
      %dma_start3A_619 = tpu.memref_slice %arg7[%dma_start3A_617, %dma_start3A_618] : memref<10000x128xf32, #tpu.memory_space<vmem_shared>> -> memref<10000x128xf32, #tpu.memory_space<vmem_shared>>
      tpu.enqueue_indirect_dma source(%arg12 : memref<40x128xf32, #tpu.memory_space<vmem>>) target(%dma_start3A_619 : memref<10000x128xf32, #tpu.memory_space<vmem_shared>>) offsets(%dma_start3A_616 : memref<40xi32, #tpu.memory_space<vmem>>) semaphore(%arg20 : memref<!tpu.dma_semaphore, #tpu.memory_space<semaphore_mem>>) {add = true}
    }
    %scan3A_463 = arith.constant 62 : i32
    %dma_wait3A_464 = arith.constant 0 : i32
    %dma_wait3A_465 = arith.constant 0 : i32
    %dma_wait3A_466 = tpu.memref_slice %arg9[%dma_wait3A_464, %dma_wait3A_465] : memref<250x40xi32, #tpu.memory_space<vmem>> -> memref<1x40xi32, #tpu.memory_space<vmem>>
    %dma_wait3A_467 = tpu.memref_squeeze %dma_wait3A_466 : memref<1x40xi32, #tpu.memory_space<vmem>> -> memref<40xi32, #tpu.memory_space<vmem>>
    %dma_wait3A_468 = arith.constant 0 : i32
    %dma_wait3A_469 = arith.constant 0 : i32
    %dma_wait3A_470 = tpu.memref_slice %arg7[%dma_wait3A_468, %dma_wait3A_469] : memref<10000x128xf32, #tpu.memory_space<vmem_shared>> -> memref<10000x128xf32, #tpu.memory_space<vmem_shared>>
    tpu.wait_indirect_dma semaphore(%arg19 : memref<!tpu.dma_semaphore, #tpu.memory_space<semaphore_mem>>) src(%arg11 : memref<40x128xf32, #tpu.memory_space<vmem>>) dst(%dma_wait3A_470 : memref<10000x128xf32, #tpu.memory_space<vmem_shared>>)
    %dma_wait3A_471 = arith.constant 0 : i32
    %dma_wait3A_472 = arith.constant 0 : i32
    %dma_wait3A_473 = tpu.memref_slice %arg9[%dma_wait3A_471, %dma_wait3A_472] : memref<250x40xi32, #tpu.memory_space<vmem>> -> memref<1x40xi32, #tpu.memory_space<vmem>>
    %dma_wait3A_474 = tpu.memref_squeeze %dma_wait3A_473 : memref<1x40xi32, #tpu.memory_space<vmem>> -> memref<40xi32, #tpu.memory_space<vmem>>
    %dma_wait3A_475 = arith.constant 0 : i32
    %dma_wait3A_476 = arith.constant 0 : i32
    %dma_wait3A_477 = tpu.memref_slice %arg7[%dma_wait3A_475, %dma_wait3A_476] : memref<10000x128xf32, #tpu.memory_space<vmem_shared>> -> memref<10000x128xf32, #tpu.memory_space<vmem_shared>>
    tpu.wait_indirect_dma semaphore(%arg20 : memref<!tpu.dma_semaphore, #tpu.memory_space<semaphore_mem>>) src(%arg12 : memref<40x128xf32, #tpu.memory_space<vmem>>) dst(%dma_wait3A_477 : memref<10000x128xf32, #tpu.memory_space<vmem_shared>>)
    %barrier3A_478 = arith.constant 0 : index
    tpu.barrier barrier_id(%barrier3A_478)
    %mul3A_479 = arith.constant 10000 : i32
    %mul3A_480 = arith.muli %arg0, %mul3A_479 : i32
    %add3A_481 = arith.addi %mul3A_480, %mul3A_8 : i32
    "tpu.region"() ({
      %run_scoped3A = tpu.sem_alloc : memref<!tpu.dma_semaphore, #tpu.memory_space<semaphore_mem>>
      %dma_start3A_482 = arith.constant 0 : i32
      %dma_start3A_483 = tpu.memref_slice %arg6[%add3A_481, %dma_start3A_482] : memref<20000x128xf32, #tpu.memory_space<hbm>> -> memref<625x128xf32, #tpu.memory_space<hbm>>
      %dma_start3A_484 = arith.constant 0 : i32
      %dma_start3A_485 = tpu.memref_slice %arg7[%mul3A_8, %dma_start3A_484] : memref<10000x128xf32, #tpu.memory_space<vmem_shared>> -> memref<625x128xf32, #tpu.memory_space<vmem_shared>>
      tpu.enqueue_dma source(%dma_start3A_485 : memref<625x128xf32, #tpu.memory_space<vmem_shared>>) target(%dma_start3A_483 : memref<625x128xf32, #tpu.memory_space<hbm>>) target_semaphore(%run_scoped3A : memref<!tpu.dma_semaphore, #tpu.memory_space<semaphore_mem>>)
      %dma_wait3A_486 = arith.constant 0 : i32
      %dma_wait3A_487 = tpu.memref_slice %arg6[%add3A_481, %dma_wait3A_486] : memref<20000x128xf32, #tpu.memory_space<hbm>> -> memref<625x128xf32, #tpu.memory_space<hbm>>
      %dma_wait3A_488 = arith.constant 0 : i32
      %dma_wait3A_489 = tpu.memref_slice %arg7[%mul3A_8, %dma_wait3A_488] : memref<10000x128xf32, #tpu.memory_space<vmem_shared>> -> memref<625x128xf32, #tpu.memory_space<vmem_shared>>
      tpu.wait_dma2 semaphore(%run_scoped3A : memref<!tpu.dma_semaphore, #tpu.memory_space<semaphore_mem>>) src(%dma_wait3A_489 : memref<625x128xf32, #tpu.memory_space<vmem_shared>>) dst(%dma_wait3A_487 : memref<625x128xf32, #tpu.memory_space<hbm>>)
      tpu.yield
    }) : () -> ()
    return
  }
}

module attributes {stable_mosaic.version = 14 : i64} {
  func.func @body(%arg0: i32, %arg1: memref<2x1000x128xf32, #tpu.memory_space<vmem>>, %arg2: memref<1x128xf32, #tpu.memory_space<vmem>>, %arg3: memref<1000x128xf32, #tpu.memory_space<vmem>>) attributes {dimension_semantics = [#tpu.dimension_semantics<arbitrary>], iteration_bounds = array<i64: 10>, scalar_prefetch = 0 : i64, scratch_operands = 0 : i64, tpu.core_type = #tpu.core_type<tc>, window_params = [{transform_indices = @transform_0, window_bounds = array<i64: 2, 1000, 128>}, {pipeline_mode = #tpu.pipeline_mode<synchronous>, transform_indices = @transform_1, window_bounds = array<i64: 1, 128>}, {transform_indices = @transform_2, window_bounds = array<i64: 1000, 128>}]} {
    %get3A = arith.constant 0 : index
    %get3A_0 = arith.constant 0 : index
    %get3A_1 = arith.constant 0 : index
    %get3A_2 = vector.load %arg1[%get3A, %get3A_0, %get3A_1] : memref<2x1000x128xf32, #tpu.memory_space<vmem>>, vector<1x1000x128xf32>
    %get3A_3 = vector.shape_cast %get3A_2 : vector<1x1000x128xf32> to vector<1000x128xf32>
    %get3A_4 = arith.constant 1 : index
    %get3A_5 = arith.constant 0 : index
    %get3A_6 = arith.constant 0 : index
    %get3A_7 = vector.load %arg1[%get3A_4, %get3A_5, %get3A_6] : memref<2x1000x128xf32, #tpu.memory_space<vmem>>, vector<1x1000x128xf32>
    %get3A_8 = vector.shape_cast %get3A_7 : vector<1x1000x128xf32> to vector<1000x128xf32>
    %add3A = arith.addf %get3A_3, %get3A_8 : vector<1000x128xf32>
    %get3A_9 = arith.constant 0 : index
    %get3A_10 = arith.constant 0 : index
    %get3A_11 = vector.load %arg2[%get3A_9, %get3A_10] : memref<1x128xf32, #tpu.memory_space<vmem>>, vector<1x128xf32>
    %add3A_12 = vector.broadcast %get3A_11 : vector<1x128xf32> to vector<1000x128xf32>
    %add3A_13 = arith.addf %add3A, %add3A_12 : vector<1000x128xf32>
    %swap3A = arith.constant 0 : index
    %swap3A_14 = arith.constant 0 : index
    %swap3A_15 = vector.load %arg3[%swap3A, %swap3A_14] : memref<1000x128xf32, #tpu.memory_space<vmem>>, vector<1000x128xf32>
    tpu.vector_store %arg3[%swap3A, %swap3A_14], %add3A_13 {strides = array<i32>} : memref<1000x128xf32, #tpu.memory_space<vmem>>, vector<1000x128xf32>,
    return
  }
  func.func @transform_0(%arg0: i32) -> (i32, i32, i32) {
    %c0_i32 = arith.constant 0 : i32
    %c0_i32_0 = arith.constant 0 : i32
    %c0_i32_1 = arith.constant 0 : i32
    return %c0_i32, %arg0, %c0_i32_0 : i32, i32, i32
  }
  func.func @transform_1(%arg0: i32) -> (i32, i32) {
    %c0_i32 = arith.constant 0 : i32
    %c0_i32_0 = arith.constant 0 : i32
    %c0_i32_1 = arith.constant 0 : i32
    return %c0_i32, %c0_i32_0 : i32, i32
  }
  func.func @transform_2(%arg0: i32) -> (i32, i32) {
    %c0_i32 = arith.constant 0 : i32
    %c0_i32_0 = arith.constant 0 : i32
    return %arg0, %c0_i32 : i32, i32
  }
}

module attributes {stable_mosaic.version = 14 : i64} {
  func.func @body(%arg0: i32, %arg1: memref<2x1000x128xf32, #tpu.memory_space<vmem>>, %arg2: memref<128x256xf32, #tpu.memory_space<vmem>>, %arg3: memref<1x256xf32, #tpu.memory_space<vmem>>, %arg4: memref<256x128xf32, #tpu.memory_space<vmem>>, %arg5: memref<1000x128xf32, #tpu.memory_space<vmem>>) attributes {dimension_semantics = [#tpu.dimension_semantics<arbitrary>], iteration_bounds = array<i64: 10>, scalar_prefetch = 0 : i64, scratch_operands = 0 : i64, tpu.core_type = #tpu.core_type<tc>, window_params = [{transform_indices = @transform_0, window_bounds = array<i64: 2, 1000, 128>}, {pipeline_mode = #tpu.pipeline_mode<synchronous>, transform_indices = @transform_1, window_bounds = array<i64: 128, 256>}, {pipeline_mode = #tpu.pipeline_mode<synchronous>, transform_indices = @transform_2, window_bounds = array<i64: 1, 256>}, {pipeline_mode = #tpu.pipeline_mode<synchronous>, transform_indices = @transform_3, window_bounds = array<i64: 256, 128>}, {transform_indices = @transform_4, window_bounds = array<i64: 1000, 128>}]} {
    %get3A = arith.constant 0 : index
    %get3A_0 = arith.constant 0 : index
    %get3A_1 = arith.constant 0 : index
    %get3A_2 = vector.load %arg1[%get3A, %get3A_0, %get3A_1] : memref<2x1000x128xf32, #tpu.memory_space<vmem>>, vector<1x1000x128xf32>
    %get3A_3 = vector.shape_cast %get3A_2 : vector<1x1000x128xf32> to vector<1000x128xf32>
    %get3A_4 = arith.constant 1 : index
    %get3A_5 = arith.constant 0 : index
    %get3A_6 = arith.constant 0 : index
    %get3A_7 = vector.load %arg1[%get3A_4, %get3A_5, %get3A_6] : memref<2x1000x128xf32, #tpu.memory_space<vmem>>, vector<1x1000x128xf32>
    %get3A_8 = vector.shape_cast %get3A_7 : vector<1x1000x128xf32> to vector<1000x128xf32>
    %add3A = arith.addf %get3A_3, %get3A_8 : vector<1000x128xf32>
    %get3A_9 = arith.constant 0 : index
    %get3A_10 = arith.constant 0 : index
    %get3A_11 = vector.load %arg2[%get3A_9, %get3A_10] : memref<128x256xf32, #tpu.memory_space<vmem>>, vector<128x256xf32>
    %dot_general3A = arith.constant dense<0.000000e+00> : vector<1000x256xf32>
    %dot_general3A_12 = tpu.matmul %add3A, %get3A_11, %dot_general3A {dimension_numbers = #tpu.dot_dimension_numbers<[1], [0], [0], [1], [0, 0, 1, 1], [], []>, transpose_lhs_hint = false} : vector<1000x128xf32>, vector<128x256xf32>, vector<1000x256xf32> -> vector<1000x256xf32>
    %get3A_13 = arith.constant 0 : index
    %get3A_14 = arith.constant 0 : index
    %get3A_15 = vector.load %arg3[%get3A_13, %get3A_14] : memref<1x256xf32, #tpu.memory_space<vmem>>, vector<1x256xf32>
    %add3A_16 = vector.broadcast %get3A_15 : vector<1x256xf32> to vector<1000x256xf32>
    %add3A_17 = arith.addf %dot_general3A_12, %add3A_16 : vector<1000x256xf32>
    %max3A = arith.constant 0.000000e+00 : f32
    %max3A_18 = vector.broadcast %max3A : f32 to vector<1000x256xf32>
    %max3A_19 = arith.maximumf %add3A_17, %max3A_18 : vector<1000x256xf32>
    %get3A_20 = arith.constant 0 : index
    %get3A_21 = arith.constant 0 : index
    %get3A_22 = vector.load %arg4[%get3A_20, %get3A_21] : memref<256x128xf32, #tpu.memory_space<vmem>>, vector<256x128xf32>
    %dot_general3A_23 = arith.constant dense<0.000000e+00> : vector<1000x128xf32>
    %dot_general3A_24 = tpu.matmul %max3A_19, %get3A_22, %dot_general3A_23 {dimension_numbers = #tpu.dot_dimension_numbers<[1], [0], [0], [1], [0, 0, 1, 1], [], []>, transpose_lhs_hint = false} : vector<1000x256xf32>, vector<256x128xf32>, vector<1000x128xf32> -> vector<1000x128xf32>
    %swap3A = arith.constant 0 : index
    %swap3A_25 = arith.constant 0 : index
    %swap3A_26 = vector.load %arg5[%swap3A, %swap3A_25] : memref<1000x128xf32, #tpu.memory_space<vmem>>, vector<1000x128xf32>
    tpu.vector_store %arg5[%swap3A, %swap3A_25], %dot_general3A_24 {strides = array<i32>} : memref<1000x128xf32, #tpu.memory_space<vmem>>, vector<1000x128xf32>,
    return
  }
  func.func @transform_0(%arg0: i32) -> (i32, i32, i32) {
    %c0_i32 = arith.constant 0 : i32
    %c0_i32_0 = arith.constant 0 : i32
    %c0_i32_1 = arith.constant 0 : i32
    return %c0_i32, %arg0, %c0_i32_0 : i32, i32, i32
  }
  func.func @transform_1(%arg0: i32) -> (i32, i32) {
    %c0_i32 = arith.constant 0 : i32
    %c0_i32_0 = arith.constant 0 : i32
    %c0_i32_1 = arith.constant 0 : i32
    return %c0_i32, %c0_i32_0 : i32, i32
  }
  func.func @transform_2(%arg0: i32) -> (i32, i32) {
    %c0_i32 = arith.constant 0 : i32
    %c0_i32_0 = arith.constant 0 : i32
    %c0_i32_1 = arith.constant 0 : i32
    return %c0_i32, %c0_i32_0 : i32, i32
  }
  func.func @transform_3(%arg0: i32) -> (i32, i32) {
    %c0_i32 = arith.constant 0 : i32
    %c0_i32_0 = arith.constant 0 : i32
    %c0_i32_1 = arith.constant 0 : i32
    return %c0_i32, %c0_i32_0 : i32, i32
  }
  func.func @transform_4(%arg0: i32) -> (i32, i32) {
    %c0_i32 = arith.constant 0 : i32
    %c0_i32_0 = arith.constant 0 : i32
    return %arg0, %c0_i32 : i32, i32
  }
}

</mosaic_0001>

<sc_bundles>
// kernel: kernel.6.cloned.1.call-start
scs
__scs_entry_jumppad:
0x0: {  	(pc) =	sbr.rel $0x88, $3  }
0x1: {  	(tag) =	ssettag $0x0;
	lr =	simm.s32 $0x1  }
0x2: {  	[smem:$0x3F9A] =	sst lr;
	_ =	strace $0xD0000000  }
0x3: {  	_ = 	snop  }
0x4: {  	_ = 	snop  }
0x5: {  	_ = 	snop  }
0x6: {  	_ = 	snop  }
0x7: {  	_ = 	snop  }
__scs_overlays_trampoline_lowered:
0x8: {  	[smem:$0x3FA9] =	sst s0  }
0x9: {  	[smem:$0x3FAA] =	sst s1  }
0xa: {  	[smem:$0x3FAB] =	sst s2  }
0xb: {  	[smem:$0x3FAC] =	sst s3  }
0xc: {  	[smem:$0x3FAD] =	sst s4  }
0xd: {  	[smem:$0x3FAE] =	sst s5  }
0xe: {  	[smem:$0x3FAF] =	sst s6  }
0xf: {  	[smem:$0x3FB0] =	sst s7  }
0x10: {  	[smem:$0x3FB1] =	sst s8  }
0x11: {  	[smem:$0x3FB2] =	sst s9;
	s0 =	simm.s32 @!p0 $0x0  }
0x12: {  	s1 =	sld [smem:$0x3F98];
	s0 =	simm.s32 @p0 $0x1  }
0x13: {  	[smem:$0x3FB3] =	sst s0;
	s0 =	simm.s32 @!p1 $0x0  }
0x14: {  	s2 =	sld [smem:$0x3F97];
	s0 =	simm.s32 @p1 $0x1  }
0x15: {  	[smem:$0x3FB4] =	sst s0;
	s0 =	simm.s32 @!p2 $0x0  }
0x16: {  	s3 =	sld [smem:$0x3FDB];
	s0 =	simm.s32 @p2 $0x1  }
0x17: {  	s4 =	simm.s32 $0x1BF5;
	[smem:$0x3FB6] =	sst s0  }
0x18: {  	s0 =	sld [smem:$0x3F99];
	_ =	swait.ge [sflag:s4], $0x0  }
0x19: {  	s7 =	sld [smem:$0x3F9A]  }
0x1a: {  	s8 =	sadd.s32 $0xFFFFE003, lr  }
0x1b: {  	s9 =	sadd.s32 $0xFFFFFEF7, lr;
	s5 =	simm.s32 $0xFFFFFFFF;
	p2 =	slt.u32 s8, $0xFFFFF086  }
0x1c: {  	p1 =	slt.u32 s9, $0xF7A;
	s5 =	simm.s32 @!p2 $0x0  }
0x1d: {  	s5 =	simm.s32 @p1 $0x1;
	p0 =	seq.s32 s7, s2  }
0x1e: {  	s7 =	smul.u32 @!p0 $0xF7A, s2;
	p2 =	seq.s32 @!p0 s5, $0x0  }
0x1f: {  	s9 =	smul.u32 $0xF7A, s1;
	s8 =	simm.s32 @!p0 $0x1BF5;
	p2 =	por !p2, p0  }
0x20: {  	[sflag:s8] =	ssyncset.s32 @!p0 $0xFFFFF086;
	s6 =	sadd.s32 @!p0 s3, s7;
	s7 =	simm.s32 @!p0 $0x108  }
0x21: {  	s3 =	sadd.s32 s3, s9;
	s6 =	sadd.s32 @!p0 $0x88, s6;
	s7 =	simm.s32 @p2 $0x1082  }
0x22: {  	[simem:s7], [sflag:s8] =	dma.local @!p0 [hbm:s6], $0xF7A  }
0x23: {  	s9 =	sor.u32 $0xD0000000, s2;
	s6 =	simm.s32 $0x108;
	_ =	swait.ge @!p0 [sflag:s8], $0x0  }
0x24: {  	s3 =	sadd.s32 $0x88, s3;
	s6 =	simm.s32 @!p1 $0x1082;
	[sflag:s4] =	ssyncset.s32 $0xFFFFF086  }
0x25: {  	[simem:s6], [sflag:s4] =	dma.local [hbm:s3], $0xF7A  }
0x26: {  	[smem:$0x3F9A] =	sst s1;
	(tag) =	ssettag s2;
	_ =	strace s9  }
0x27: {  	s1 =	sld [smem:$0x3FAA]  }
0x28: {  	s2 =	sld [smem:$0x3FAB]  }
0x29: {  	s4 =	sld [smem:$0x3FAD]  }
0x2a: {  	p0 =	seq.s32 s5, $0x0;
	s5 =	sld [smem:$0x3FAE]  }
0x2b: {  	s6 =	sld [smem:$0x3FAF]  }
0x2c: {  	s7 =	sld [smem:$0x3FB0]  }
0x2d: {  	s3 =	simm.s32 $0x108;
	s8 =	sld [smem:$0x3FB1]  }
0x2e: {  	s3 =	simm.s32 @!p0 $0x1082;
	s9 =	sld [smem:$0x3FB2]  }
0x2f: {  	lr =	sadd.s32 s0, s3;
	s0 =	sld [smem:$0x3FA9]  }
0x30: {  	s3 =	sld [smem:$0x3FAC]  }
0x31: {  	[smem:$0x3FB5] =	sst s10  }
0x32: {  	s10 =	sld [smem:$0x3FB3];
	_ =	sdelay $0x3  }
0x33: {  	p0 =	seq.s32 s10, $0x1;
	s10 =	sld [smem:$0x3FB5];
	_ =	sdelay $0x3  }
0x34: {  	[smem:$0x3FB5] =	sst s10  }
0x35: {  	s10 =	sld [smem:$0x3FB4];
	_ =	sdelay $0x3  }
0x36: {  	p1 =	seq.s32 s10, $0x1;
	s10 =	sld [smem:$0x3FB5];
	_ =	sdelay $0x3  }
0x37: {  	[smem:$0x3FB5] =	sst s10  }
0x38: {  	s10 =	sld [smem:$0x3FB6]  }
0x39: {  	_ = 	snop;
	(pc) =	sbr.ind lr, $3  }
0x3a: {  	_ = 	snop  }
0x3b: {  	_ = 	snop  }
0x3c: {  	p2 =	seq.s32 s10, $0x1;
	s10 =	sld [smem:$0x3FB5]  }
0x3d: {  	_ =	shalt  }
0x3e: {  	_ =	shalt  }
0x3f: {  	_ =	shalt  }
0x40: {  	_ =	shalt  }
0x41: {  	_ =	shalt  }
0x42: {  	_ =	shalt  }
0x43: {  	_ =	shalt  }
0x44: {  	_ =	shalt  }
0x45: {  	_ =	shalt  }
0x46: {  	_ =	shalt  }
0x47: {  	_ =	shalt  }
0x48: {  	_ =	shalt  }
0x49: {  	_ =	shalt  }
0x4a: {  	_ =	shalt  }
0x4b: {  	_ =	shalt  }
0x4c: {  	_ =	shalt  }
0x4d: {  	_ =	shalt  }
0x4e: {  	_ =	shalt  }
0x4f: {  	_ =	shalt  }
0x50: {  	_ =	shalt  }
0x51: {  	_ =	shalt  }
0x52: {  	_ =	shalt  }
0x53: {  	_ =	shalt  }
0x54: {  	_ =	shalt  }
0x55: {  	_ =	shalt  }
0x56: {  	_ =	shalt  }
0x57: {  	_ =	shalt  }
0x58: {  	_ =	shalt  }
0x59: {  	_ =	shalt  }
0x5a: {  	_ =	shalt  }
0x5b: {  	_ =	shalt  }
0x5c: {  	_ =	shalt  }
0x5d: {  	_ =	shalt  }
0x5e: {  	_ =	shalt  }
0x5f: {  	_ =	shalt  }
0x60: {  	_ =	shalt  }
0x61: {  	_ =	shalt  }
0x62: {  	_ =	shalt  }
0x63: {  	_ =	shalt  }
0x64: {  	_ =	shalt  }
0x65: {  	_ =	shalt  }
0x66: {  	_ =	shalt  }
0x67: {  	_ =	shalt  }
0x68: {  	_ =	shalt  }
0x69: {  	_ =	shalt  }
0x6a: {  	_ =	shalt  }
0x6b: {  	_ =	shalt  }
0x6c: {  	_ =	shalt  }
0x6d: {  	_ =	shalt  }
0x6e: {  	_ =	shalt  }
0x6f: {  	_ =	shalt  }
0x70: {  	_ =	shalt  }
0x71: {  	_ =	shalt  }
0x72: {  	_ =	shalt  }
0x73: {  	_ =	shalt  }
0x74: {  	_ =	shalt  }
0x75: {  	_ =	shalt  }
0x76: {  	_ =	shalt  }
0x77: {  	_ =	shalt  }
0x78: {  	_ =	shalt  }
0x79: {  	_ =	shalt  }
0x7a: {  	_ =	shalt  }
0x7b: {  	_ =	shalt  }
0x7c: {  	_ =	shalt  }
0x7d: {  	_ =	shalt  }
0x7e: {  	_ =	shalt  }
0x7f: {  	_ =	shalt  }
0x80: {  	_ =	shalt  }
0x81: {  	_ =	shalt  }
0x82: {  	_ =	shalt  }
0x83: {  	_ =	shalt  }
0x84: {  	_ =	shalt  }
0x85: {  	_ =	shalt  }
0x86: {  	_ =	shalt  }
0x87: {  	_ =	shalt  }
.Lfunc_end0:
.L_simem_size_0:
called_computation_lowered:
.L_overlay_start_0:
0x88: {  	s2 =	sld [smem:$0x3FD9]  }
0x89: {  	s3 =	sld [smem:$0x3FFE];
	_ =	sdelay $0x1  }
0x8a: {  	s1 =	srdreg.scid  }
0x8b: {  	s0 =	sand.u32 $0x1, s1  }
0x8c: {  	s17 =	sshll.u32 s0, $0xA;
	s2 =	sadd.s32 s3, s2  }
0x8d: {  	s2 =	sadd.s32 s2, s17  }
0x8e: {  	[smem:$0x3FC1] =	sst s2  }
0x8f: {  	_ = 	snop  }
0x90: {  	s2 =	sld [smem:$0x3FC9]  }
0x91: {  	s18 =	sld [smem:$0x3FC7];
	(tm) =	ssettm $0x1  }
0x92: {  	s4 =	sld [smem:$0x3FFB];
	_ =	sdelay $0x3  }
0x93: {  	_ =	strace s4  }
0x94: {  	s4 =	sld [smem:$0x3FFC];
	_ =	sdelay $0x3  }
0x95: {  	_ =	strace s4  }
0x96: {  	s4 =	sld [smem:$0x3FFD];
	_ =	sdelay $0x3  }
0x97: {  	_ =	strace s4  }
0x98: {  	_ =	strace $0x8FFFFFFF  }
0x99: {  	s19 =	sld [smem:$0x3FDB];
	_ =	sdelay $0x1  }
0x9a: {  	s5 =	simm.s32 $_scs_section_size  }
0x9b: {  	s6 =	simm.s32 $_size__tile_overlayer_lowered;
	s7 =	simm.s32 $_tile_overlayer_lowered  }
0x9c: {  	s22 =	simm.s32 $0x1BFF;
	s21 =	sshll.u32 s7, $0x1;
	s4 =	sadd.s32 s5, s19  }
0x9d: {  	s8 =	simm.s32 $0x0;
	s20 =	sshll.u32 s6, $0x1;
	s6 =	sadd.s32 s21, s4  }
0x9e: {  	[timem:s8], [sflag:s22] =	dma.local [hbm:s6], s20  }
0x9f: {  	_ =	swait.ge [sflag:s22], s20  }
0xa0: {  	s5 =	ssub.s32 $0x0, s20;
	[sflag:s22] =	ssyncset.done $0x0  }
0xa1: {  	[sflag:s22] =	ssyncadd.s32 s5;
	_ =	sdelay $0x1  }
0xa2: {  	s23 =	simm.s32 $0x1B8B  }
0xa3: {  	_ =	swait.ge [sflag:s23], $0x1  }
0xa4: {  	[sflag:s23] =	ssyncset.done $0x0  }
0xa5: {  	s25 =	simm.s32 $0x1B8E;
	s24 =	sld [smem:$0x3FFE];
	[sflag:s23] =	ssyncadd.s32 $0xFFFFFFFF  }
0xa6: {  	s26 =	simm.s32 $execute0_lowered;
	[smem:$0x3FD2] =	sst s25  }
0xa7: {  	s6 =	sshll.u32 s26, $0x1;
	_ =	strace $0x80000046;
	[dreg:$0x1] =	wrdreg $0xFFFFFFFF  }
0xa8: {  	s28 =	simm.s32 $_size_execute0_lowered;
	s4 =	sadd.s32 s4, s6;
	[dreg:$0x0] =	wrdreg $0x0  }
0xa9: {  	s6 =	sshll.u32 s28, $0x1;
	[dreg:$0x2] =	wrdreg s4  }
0xaa: {  	[dreg:$0x3] =	wrdreg s6  }
0xab: {  	[dreg:$0x4] =	wrdreg $0xC0  }
0xac: {  	_ =	task [dreg:s8], $0x5FFFF  }
0xad: {  	[dreg:$0x1] =	wrdreg $0xFFFFFFFF  }
0xae: {  	[dreg:$0x0] =	wrdreg $0x60  }
0xaf: {  	[dreg:$0x2] =	wrdreg s24  }
0xb0: {  	[dreg:$0x3] =	wrdreg s18  }
0xb1: {  	[dreg:$0x4] =	wrdreg s2  }
0xb2: {  	[dreg:$0x5] =	wrdreg $0x0  }
0xb3: {  	[dreg:$0x6] =	wrdreg $0x9  }
0xb4: {  	_ =	task.clear_ibuf [dreg:s8], $0x7FFFF;
	_ =	strace $0x90000046  }
0xb5: {  	s29 =	simm.s32 $0x9;
	_ =	strace $0x80000048  }
0xb6: {  	_ =	swait.ge [sflag:s29], $0x1  }
0xb7: {  	[sflag:s29] =	ssyncadd.s32 $0xFFFFFFFF  }
0xb8: {  	_ =	strace $0x90000048  }
0xb9: {  	_ =	sfence  }
0xba: {  	s30 =	sld [smem:$0x0];
	_ =	sdelay $0x2  }
0xbb: {  	s31 =	sshll.u32 s1, $0xD;
	s1 =	sshrl.u32 s1, $0x2  }
0xbc: {  	s3 =	sand.u32 $0x4000, s31;
	s1 =	sadd.s32 s1, s30  }
0xbd: {  	s0 =	sor.u32 s3, s0;
	s1 =	sshll.u32 s1, $0x11  }
0xbe: {  	s0 =	sor.u32 s1, s0  }
0xbf: {  	s0 =	sadd.s32 $0x8F2B, s0  }
0xc0: {  	[sflag:s0] =	ssyncadd.remote.s32 $0x1  }
0xc1: {  	_ =	sfence.sel $0xFFFF  }
0xc2: {  	[dreg:$0x0] =	wrdreg $0xFFFFFFFF;
	(pc) =	sbr.abs _section_cstart, $3  }
0xc3: {  	[dreg:$0x1] =	wrdreg $0xFFFFFFFF  }
0xc4: {  	_ =	task.clear_ibuf [dreg:s8], $0x2FFFF;
	_ =	strace $0x9FFFFFFF  }
0xc5: {  	(tm) =	ssettm $0x7FFFFFFF  }
tec
execute0_lowered:
.L_overlay_start_1:
0x0: {  	(tag) =	ssettag $0x1  }
0x1: {  	s0 =	rddreg [dreg:$0x0]  }
0x2: {  	s2 =	rddreg [dreg:$0x1]  }
0x3: {  	s1 =	rddreg [dreg:$0x2]  }
0x4: {  	s3 =	rddreg [dreg:$0x3];
	s9 =	stileid.u32  }
0x5: {  	s5 =	srdreg.scid;
	s7 =	smul.u32 $0x2710, s9  }
0x6: {  	s5 =	sand.u32 $0x1, s5;
	s6 =	sshll.u32 s9, $0x1;
	s22 =	smul.u32 $0x4E200, s9  }
0x7: {  	s4 =	simm.s32 $0x0;
	s6 =	sor.u32 s5, s6;
	s8 =	smul.u32 $0x27100, s5  }
0x8: {  	s28 =	simm.s32 $0x9;
	s30 =	simm.s32 $0x186A0;
	s6 =	smul.u32 $0x4E2, s6  }
0x9: {  	s31 =	simm.s32 $0x1ADB0;
	[smem:$0x7FF] =	sst s4;
	s26 =	sshrl.u32 s22, $0x2  }
0xa: {  	s7 =	sadd.s32 s7, s8;
	s8 =	sadd.s32 s26, s3;
	s2 =	sadd.s32 s2, s6  }
0xb: {  	_ =	strace $0x80000047;
	s11 =	sadd.s32 $0x1400, s8;
	[dreg:$0x7] =	wrdreg s2  }
0xc: {  	s29 =	simm.s32 $0x8;
	s12 =	sadd.s32 $0x2800, s8;
	[dreg:$0x8] =	wrdreg s11  }
0xd: {  	s9 =	simm.s32 $0x1;
	s13 =	sadd.s32 $0x3C00, s8;
	[dreg:$0x9] =	wrdreg s12  }
0xe: {  	s5 =	ssub.s32 $0x2, s5;
	s14 =	sadd.s32 $0x5000, s8;
	[dreg:$0xa] =	wrdreg s13  }
0xf: {  	s24 =	sshrl.u32 s5, $0x1;
	s15 =	sadd.s32 $0x6400, s8;
	[dreg:$0xb] =	wrdreg s14  }
0x10: {  	s5 =	ssub.s32 s5, s24;
	s16 =	sadd.s32 $0x7800, s8;
	[dreg:$0xc] =	wrdreg s15  }
0x11: {  	s23 =	sadd.s32 s6, s0;
	s17 =	sadd.s32 $0x8C00, s8;
	[dreg:$0xd] =	wrdreg s16  }
0x12: {  	s0 =	sadd.s32 s7, s0;
	s18 =	sadd.s32 $0xA000, s8;
	[dreg:$0xe] =	wrdreg s17  }
0x13: {  	s19 =	sadd.s32 $0xB400, s8;
	s20 =	sadd.s32 $0xC800, s8;
	[dreg:$0xf] =	wrdreg s18  }
0x14: {  	s21 =	sadd.s32 $0xDC00, s8;
	s22 =	sadd.s32 $0xF000, s8;
	[dreg:$0x10] =	wrdreg s19  }
0x15: {  	s24 =	sadd.s32 $0x11800, s8;
	s26 =	smax.u32 s5, $0x1;
	[dreg:$0x11] =	wrdreg s20  }
0x16: {  	s5 =	simm.s32 $0x28;
	s6 =	simm.s32 $0x1C1B0;
	[dreg:$0x12] =	wrdreg s21  }
0x17: {  	s7 =	simm.s32 $0x1D5B0;
	s25 =	sadd.s32 $0xAC00, s23;
	[dreg:$0x13] =	wrdreg s22  }
0x18: {  	s10 =	sadd.s32 $0xE00, s23;
	s23 =	sadd.s32 $0x10400, s8;
	[dreg:$0x15] =	wrdreg s24  }
0x19: {  	s0 =	sadd.s32 $0x14A00, s0;
	[dreg:$0x18] =	wrdreg s26;
	s17 =	simm.s32 $0x13880  }
0x1a: {  	s20 =	simm.s32 $0x15F90;
	s2 =	simm.s32 $0x6;
	[dreg:$0x5] =	wrdreg s25  }
0x1b: {  	s26 =	simm.s32 $0x7;
	s11 =	simm.s32 $0x2;
	[dreg:$0x6] =	wrdreg s10  }
0x1c: {  	s12 =	simm.s32 $0x3;
	s13 =	simm.s32 $0x4;
	[dreg:$0x14] =	wrdreg s23  }
0x1d: {  	s14 =	simm.s32 $0x0;
	s25 =	sadd.s32 $0x12C00, s8;
	[dreg:$0x17] =	wrdreg s0  }
0x1e: {  	v0 =	vimm.f32 $0.0e+00;
	s0 =	simm.s32 $0x5;
	s10 =	simm.s32 $0x1E9B0;
	[dreg:$0x16] =	wrdreg s25  }
.LBB2_1:
0x1f: {  	s15 =	rddreg [dreg:$0x5]  }
0x20: {  	[tilespmem:s17], [sflag:$0x9] =	stream.linear.gather [hbm4b:s15+s4], $0x2710, $0x38;
	[tilespmem:$0x1FDB0] =	vst v63  }
0x21: {  	_ =	swait.ge [sflag:s28], $0x2710  }
0x22: {  	[sflag:s28] =	ssyncset.done $0x0  }
0x23: {  	s24 =	rddreg [dreg:$0x6];
	[sflag:s28] =	ssyncadd.s32 $0xFFFFD8F0  }
0x24: {  	[tilespmem:s20], [sflag:$0x9] =	stream.linear.gather [hbm4b:s24+s4], $0x2710, $0x38;
	[tilespmem:$0x1FDB0] =	vst v63  }
0x25: {  	_ =	swait.ge [sflag:s28], $0x2710  }
0x26: {  	[sflag:s28] =	ssyncset.done $0x0  }
0x27: {  	s25 =	rddreg [dreg:$0x7];
	[sflag:s28] =	ssyncadd.s32 $0xFFFFD8F0  }
0x28: {  	[tilespmem:s30], [sflag:$0x9] =	stream.linear.gather [hbm4b:s25+s4], $0x2710, $0x38;
	[tilespmem:$0x1FDB0] =	vst v63  }
0x29: {  	_ =	swait.ge [sflag:s28], $0x2710  }
0x2a: {  	[sflag:s28] =	ssyncset.done $0x0  }
0x2b: {  	s16 =	simm.s32 $0x200;
	s15 =	simm.s32 $0x0;
	[sflag:s28] =	ssyncadd.s32 $0xFFFFD8F0  }
.LBB2_2:
0x2c: {  	p0 =	sne.s32 s16, $0x4E00;
	[tilespmem:s15+$0x1AE20] =	vst v0  }
0x2d: {  	[tilespmem:s15+$0x1ADB0] =	vst v0  }
0x2e: {  	[tilespmem:s15+$0x1ADC0] =	vst v0  }
.Ltmp0:
0x2f: {  	[tilespmem:s15+$0x1ADD0] =	vst v0;
	(pc) =	sbr.rel @p0 .LBB2_2-.Ltmp0, $4  }
0x30: {  	[tilespmem:s15+$0x1ADE0] =	vst v0  }
0x31: {  	[tilespmem:s15+$0x1ADF0] =	vst v0  }
0x32: {  	[tilespmem:s15+$0x1AE00] =	vst v0  }
0x33: {  	[tilespmem:s15+$0x1AE10] =	vst v0;
	s15 =	sshra.s32 s16, $0x2;
	s16 =	sadd.s32 $0x200, s16  }
0x34: {  	[tilespmem:s15+$0x1AE20] =	vst v0  }
0x35: {  	[tilespmem:s15+$0x1ADB0] =	vst v0  }
0x36: {  	[tilespmem:s15+$0x1ADC0] =	vst v0  }
0x37: {  	[tilespmem:s15+$0x1ADD0] =	vst v0  }
0x38: {  	[tilespmem:s15+$0x1ADE0] =	vst v0  }
0x39: {  	[tilespmem:s15+$0x1ADF0] =	vst v0  }
0x3a: {  	[tilespmem:s15+$0x1AE00] =	vst v0  }
0x3b: {  	[tilespmem:s15+$0x1AE10] =	vst v0  }
0x3c: {  	[spmem:s8] =	stream.linear.scatter [tilespmem:s31], [sflag:$0x5], $0x1400, $0x38;
	[tilespmem:$0x1FDB0] =	vst v63  }
0x3d: {  	s19 =	rddreg [dreg:$0x8]  }
0x3e: {  	[spmem:s19] =	stream.linear.scatter [tilespmem:s31], [sflag:$0x6], $0x1400, $0x38;
	[tilespmem:$0x1FDB0] =	vst v63  }
0x3f: {  	s21 =	rddreg [dreg:$0x9]  }
0x40: {  	[spmem:s21] =	stream.linear.scatter [tilespmem:s31], [sflag:$0x7], $0x1400, $0x38;
	[tilespmem:$0x1FDB0] =	vst v63  }
0x41: {  	s22 =	rddreg [dreg:$0xa]  }
0x42: {  	[spmem:s22] =	stream.linear.scatter [tilespmem:s31], [sflag:$0x8], $0x1400, $0x38;
	[tilespmem:$0x1FDB0] =	vst v63  }
0x43: {  	s23 =	rddreg [dreg:$0xb]  }
0x44: {  	[spmem:s23] =	stream.linear.scatter [tilespmem:s31], [sflag:$0x5], $0x1400, $0x38;
	[tilespmem:$0x1FDB0] =	vst v63  }
0x45: {  	s24 =	rddreg [dreg:$0xc]  }
0x46: {  	[spmem:s24] =	stream.linear.scatter [tilespmem:s31], [sflag:$0x6], $0x1400, $0x38;
	[tilespmem:$0x1FDB0] =	vst v63  }
0x47: {  	s25 =	rddreg [dreg:$0xd]  }
0x48: {  	[spmem:s25] =	stream.linear.scatter [tilespmem:s31], [sflag:$0x7], $0x1400, $0x38;
	[tilespmem:$0x1FDB0] =	vst v63  }
0x49: {  	s16 =	rddreg [dreg:$0xe]  }
0x4a: {  	[spmem:s16] =	stream.linear.scatter [tilespmem:s31], [sflag:$0x8], $0x1400, $0x38;
	[tilespmem:$0x1FDB0] =	vst v63  }
0x4b: {  	s18 =	rddreg [dreg:$0xf]  }
0x4c: {  	[spmem:s18] =	stream.linear.scatter [tilespmem:s31], [sflag:$0x5], $0x1400, $0x38;
	[tilespmem:$0x1FDB0] =	vst v63  }
0x4d: {  	s19 =	rddreg [dreg:$0x10]  }
0x4e: {  	[spmem:s19] =	stream.linear.scatter [tilespmem:s31], [sflag:$0x6], $0x1400, $0x38;
	[tilespmem:$0x1FDB0] =	vst v63  }
0x4f: {  	s21 =	rddreg [dreg:$0x11]  }
0x50: {  	[spmem:s21] =	stream.linear.scatter [tilespmem:s31], [sflag:$0x7], $0x1400, $0x38;
	[tilespmem:$0x1FDB0] =	vst v63  }
0x51: {  	s22 =	rddreg [dreg:$0x12]  }
0x52: {  	[spmem:s22] =	stream.linear.scatter [tilespmem:s31], [sflag:$0x8], $0x1400, $0x38;
	[tilespmem:$0x1FDB0] =	vst v63  }
0x53: {  	s23 =	rddreg [dreg:$0x13]  }
0x54: {  	[spmem:s23] =	stream.linear.scatter [tilespmem:s31], [sflag:$0x5], $0x1400, $0x38;
	[tilespmem:$0x1FDB0] =	vst v63  }
0x55: {  	s24 =	rddreg [dreg:$0x14]  }
0x56: {  	[spmem:s24] =	stream.linear.scatter [tilespmem:s31], [sflag:$0x6], $0x1400, $0x38;
	[tilespmem:$0x1FDB0] =	vst v63  }
0x57: {  	s25 =	rddreg [dreg:$0x15]  }
0x58: {  	[spmem:s25] =	stream.linear.scatter [tilespmem:s31], [sflag:$0x7], $0x1400, $0x38;
	[tilespmem:$0x1FDB0] =	vst v63  }
0x59: {  	s16 =	rddreg [dreg:$0x16]  }
0x5a: {  	[spmem:s16] =	stream.linear.scatter [tilespmem:s31], [sflag:$0x8], $0xC80, $0x38;
	[tilespmem:$0x1FDB0] =	vst v63  }
0x5b: {  	_ =	swait.ge [sflag:s0], $0x1400  }
0x5c: {  	[sflag:s0] =	ssyncset.done $0x0  }
0x5d: {  	[sflag:s0] =	ssyncadd.s32 $0xFFFFEC00  }
0x5e: {  	_ =	swait.ge [sflag:s2], $0x1400  }
0x5f: {  	[sflag:s2] =	ssyncset.done $0x0  }
0x60: {  	[sflag:s2] =	ssyncadd.s32 $0xFFFFEC00  }
0x61: {  	_ =	swait.ge [sflag:s26], $0x1400  }
0x62: {  	[sflag:s26] =	ssyncset.done $0x0  }
0x63: {  	[sflag:s26] =	ssyncadd.s32 $0xFFFFEC00  }
0x64: {  	_ =	swait.ge [sflag:s29], $0x1400  }
0x65: {  	[sflag:s29] =	ssyncset.done $0x0  }
0x66: {  	[sflag:s29] =	ssyncadd.s32 $0xFFFFEC00  }
0x67: {  	_ =	swait.ge [sflag:s0], $0x1400  }
0x68: {  	[sflag:s0] =	ssyncset.done $0x0  }
0x69: {  	[sflag:s0] =	ssyncadd.s32 $0xFFFFEC00  }
0x6a: {  	_ =	swait.ge [sflag:s2], $0x1400  }
0x6b: {  	[sflag:s2] =	ssyncset.done $0x0  }
0x6c: {  	[sflag:s2] =	ssyncadd.s32 $0xFFFFEC00  }
0x6d: {  	_ =	swait.ge [sflag:s26], $0x1400  }
0x6e: {  	[sflag:s26] =	ssyncset.done $0x0  }
0x6f: {  	[sflag:s26] =	ssyncadd.s32 $0xFFFFEC00  }
0x70: {  	_ =	swait.ge [sflag:s29], $0x1400  }
0x71: {  	[sflag:s29] =	ssyncset.done $0x0  }
0x72: {  	[sflag:s29] =	ssyncadd.s32 $0xFFFFEC00  }
0x73: {  	_ =	swait.ge [sflag:s0], $0x1400  }
0x74: {  	[sflag:s0] =	ssyncset.done $0x0  }
0x75: {  	[sflag:s0] =	ssyncadd.s32 $0xFFFFEC00  }
0x76: {  	_ =	swait.ge [sflag:s2], $0x1400  }
0x77: {  	[sflag:s2] =	ssyncset.done $0x0  }
0x78: {  	[sflag:s2] =	ssyncadd.s32 $0xFFFFEC00  }
0x79: {  	_ =	swait.ge [sflag:s26], $0x1400  }
0x7a: {  	[sflag:s26] =	ssyncset.done $0x0  }
0x7b: {  	[sflag:s26] =	ssyncadd.s32 $0xFFFFEC00  }
0x7c: {  	_ =	swait.ge [sflag:s29], $0x1400  }
0x7d: {  	[sflag:s29] =	ssyncset.done $0x0  }
0x7e: {  	[sflag:s29] =	ssyncadd.s32 $0xFFFFEC00  }
0x7f: {  	_ =	swait.ge [sflag:s0], $0x1400  }
0x80: {  	[sflag:s0] =	ssyncset.done $0x0  }
0x81: {  	[sflag:s0] =	ssyncadd.s32 $0xFFFFEC00  }
0x82: {  	_ =	swait.ge [sflag:s2], $0x1400  }
0x83: {  	[sflag:s2] =	ssyncset.done $0x0  }
0x84: {  	[sflag:s2] =	ssyncadd.s32 $0xFFFFEC00  }
0x85: {  	_ =	swait.ge [sflag:s26], $0x1400  }
0x86: {  	[sflag:s26] =	ssyncset.done $0x0  }
0x87: {  	[sflag:s26] =	ssyncadd.s32 $0xFFFFEC00  }
0x88: {  	_ =	swait.ge [sflag:s29], $0xC80  }
0x89: {  	[sflag:s29] =	ssyncset.done $0x0  }
0x8a: {  	[sflag:s29] =	ssyncadd.s32 $0xFFFFF380  }
0x8b: {  	s18 =	simm.s32 $0x2;
	[bflag:$0x0] =	sbarrier.arrive $0xFFFF  }
0x8c: {  	v2 =	vmov s18;
	[tilespmem:s31], [sflag:$0x1] =	stream.indirect.gather [hbm4b:s1+s5], $0x80, s17, s5, $0xb8;
	[tilespmem:$0x1FDB0] =	vst v63  }
0x8d: {  	s19 =	simm.s32 $0x138A8;
	v2 =	vand.u32 $0xFFFFFFFE, v2  }
0x8e: {  	v2 =	vbroadcast v2, $0x0;
	[tilespmem:s6], [sflag:$0x2] =	stream.indirect.gather [hbm4b:s1+s5], $0x80, s19, s5, $0xb8;
	[tilespmem:$0x1FDB0] =	vst v63  }
0x8f: {  	s21 =	simm.s32 $0x138D0;
	s17 =	simm.s32 $0x0  }
0x90: {  	[tilespmem:s7], [sflag:$0x3] =	stream.indirect.gather [hbm4b:s1+s5], $0x80, s21, s5, $0xb8;
	[tilespmem:$0x1FDB0] =	vst v63  }
0x91: {  	v1 =	vmov s17;
	_ =	swait.ge [sflag:s9], $0x1400  }
0x92: {  	v1 =	vand.u32 $0xFFFFFFFC, v1;
	[sflag:s9] =	ssyncset.done $0x0  }
0x93: {  	v1 =	vbroadcast v1, $0x0;
	[sflag:s9] =	ssyncadd.s32 $0xFFFFEC00  }
0x94: {  	s15 =	simm.s32 $0x1AEB0;
	v2 =	vld.idx.msk [tilespmem:v2+s30+$0x0], $0xffff  }
0x95: {  	s16 =	simm.s32 $0x1;
	v4 =	vld [tilespmem:s15+$0x70]  }
0x96: {  	v3 =	vmov s16;
	v5 =	vld [tilespmem:s15+$0xFFFFFF00]  }
0x97: {  	v3 =	vand.u32 $0xFFFFFFFD, v3;
	v6 =	vld [tilespmem:s15+$0xFFFFFF10]  }
0x98: {  	v3 =	vbroadcast v3, $0x0;
	v7 =	vld [tilespmem:s15+$0xFFFFFF20]  }
0x99: {  	v1 =	vld.idx.msk [tilespmem:v1+s30+$0x0], $0xffff  }
0x9a: {  	v8 =	vld [tilespmem:s15+$0xFFFFFF30]  }
0x9b: {  	v9 =	vld [tilespmem:s15+$0xFFFFFF40]  }
0x9c: {  	v10 =	vld [tilespmem:s15+$0xFFFFFF50]  }
0x9d: {  	v11 =	vld [tilespmem:s15+$0xFFFFFF60];
	v4 =	vmul.f32 v4, v2  }
0x9e: {  	v3 =	vld.idx.msk [tilespmem:v3+s30+$0x0], $0xffff;
	v5 =	vmul.f32 v5, v1  }
0x9f: {  	v13 =	vld [tilespmem:s15+$0x40];
	[tilespmem:s15+$0x70] =	vst v4;
	v4 =	vmul.f32 v7, v1  }
0xa0: {  	[tilespmem:s15+$0xFFFFFF00] =	vst v5;
	v5 =	vmul.f32 v6, v1;
	v6 =	vld [tilespmem:s15+$0xFFFFFF70]  }
0xa1: {  	v7 =	vld [tilespmem:s15+$0xFFFFFF80];
	[tilespmem:s15+$0xFFFFFF20] =	vst v4;
	v4 =	vmul.f32 v9, v1  }
0xa2: {  	[tilespmem:s15+$0xFFFFFF10] =	vst v5;
	v5 =	vmul.f32 v8, v1;
	v8 =	vld [tilespmem:s15+$0xFFFFFF90]  }
0xa3: {  	v9 =	vld [tilespmem:s15+$0xFFFFFFA0];
	[tilespmem:s15+$0xFFFFFF40] =	vst v4;
	v4 =	vmul.f32 v11, v1  }
0xa4: {  	[tilespmem:s15+$0xFFFFFF30] =	vst v5;
	v5 =	vmul.f32 v10, v1;
	v10 =	vld [tilespmem:s15+$0xFFFFFFB0]  }
0xa5: {  	v11 =	vld [tilespmem:s15+$0xFFFFFFC0];
	v6 =	vmul.f32 v6, v1;
	[tilespmem:s15+$0xFFFFFF60] =	vst v4  }
0xa6: {  	v4 =	vld [tilespmem:s15+$0xFFFFFFE0];
	[tilespmem:s15+$0xFFFFFF50] =	vst v5;
	v5 =	vmul.f32 v7, v3  }
0xa7: {  	s22 =	simm.s32 $0x3;
	v7 =	vld [tilespmem:s15+$0xFFFFFFD0];
	v8 =	vmul.f32 v8, v3;
	[tilespmem:s15+$0xFFFFFF70] =	vst v6  }
0xa8: {  	v12 =	vmov s22;
	v6 =	vld [tilespmem:s15+$0xFFFFFFF0];
	[tilespmem:s15+$0xFFFFFF80] =	vst v5;
	v5 =	vmul.f32 v9, v3  }
0xa9: {  	v9 =	vld [tilespmem:s15+$0x0];
	[tilespmem:s15+$0xFFFFFF90] =	vst v8;
	v8 =	vmul.f32 v10, v3  }
0xaa: {  	v10 =	vld [tilespmem:s15+$0x10];
	[tilespmem:s15+$0xFFFFFFA0] =	vst v5;
	v5 =	vmul.f32 v11, v3  }
0xab: {  	v4 =	vmul.f32 v4, v3;
	[tilespmem:s15+$0xFFFFFFB0] =	vst v8;
	v8 =	vld [tilespmem:s15+$0x20]  }
0xac: {  	v11 =	vld [tilespmem:s15+$0x30];
	v7 =	vmul.f32 v7, v3;
	[tilespmem:s15+$0xFFFFFFC0] =	vst v5  }
0xad: {  	v1 =	vld.idx.msk [tilespmem:v12+s30+$0x0], $0xffff;
	v3 =	vmul.f32 v6, v3;
	[tilespmem:s15+$0xFFFFFFE0] =	vst v4  }
0xae: {  	v4 =	vld [tilespmem:s15+$0x50];
	[tilespmem:s15+$0xFFFFFFD0] =	vst v7;
	v5 =	vmul.f32 v9, v2  }
0xaf: {  	s23 =	simm.s32 $0x4;
	[tilespmem:s15+$0xFFFFFFF0] =	vst v3;
	v6 =	vmul.f32 v10, v2;
	v3 =	vld [tilespmem:s15+$0x60]  }
0xb0: {  	s24 =	simm.s32 $0x7;
	v7 =	vmov s23;
	[tilespmem:s15+$0x0] =	vst v5;
	v9 =	vmul.f32 v8, v2;
	v8 =	vld [tilespmem:s15+$0x80]  }
0xb1: {  	s25 =	simm.s32 $0x5;
	v12 =	vand.u32 $0xFFFFFFFC, v7;
	v7 =	vld [tilespmem:s15+$0x90];
	v5 =	vmov s24;
	v10 =	vmul.f32 v11, v2;
	[tilespmem:s15+$0x10] =	vst v6  }
0xb2: {  	s18 =	simm.s32 $0x6;
	s16 =	simm.s32 $0x1AEB0;
	s17 =	simm.s32 $0x8;
	v11 =	vmul.f32 v13, v2;
	v6 =	vbroadcast v12, $0x0;
	v12 =	vmov s25;
	[tilespmem:s15+$0x20] =	vst v9;
	v9 =	vld [tilespmem:s15+$0xA0]  }
.LBB2_4:
0xb3: {  	p0 =	slt.u32 s17, $0x24;
	v12 =	vand.u32 $0xFFFFFFFD, v12;
	v13 =	vmov s18;
	[tilespmem:s15+$0x30] =	vst v10;
	v4 =	vmul.f32 v4, v2;
	v10 =	vld [tilespmem:s15+$0xB0]  }
0xb4: {  	v12 =	vbroadcast v12, $0x0;
	v13 =	vand.u32 $0xFFFFFFFE, v13;
	[tilespmem:s15+$0x40] =	vst v11;
	v2 =	vmul.f32 v3, v2;
	v3 =	vld [tilespmem:s15+$0xC0]  }
0xb5: {  	v11 =	vbroadcast v13, $0x0;
	[tilespmem:s15+$0x50] =	vst v4;
	v4 =	vmul.f32 v8, v1;
	v8 =	vld [tilespmem:s15+$0xD0]  }
0xb6: {  	[tilespmem:s15+$0x60] =	vst v2;
	v2 =	vmul.f32 v7, v1;
	v7 =	vld [tilespmem:s15+$0xE0]  }
0xb7: {  	[tilespmem:s15+$0x80] =	vst v4;
	v4 =	vmul.f32 v9, v1;
	v9 =	vld [tilespmem:s15+$0xF0]  }
0xb8: {  	v5 =	vld.idx.msk [tilespmem:v5+s30+$0x0], $0xffff;
	[tilespmem:s15+$0x90] =	vst v2;
	v2 =	vmul.f32 v10, v1  }
0xb9: {  	v6 =	vld.idx.msk [tilespmem:v6+s30+$0x0], $0xffff;
	[tilespmem:s15+$0xA0] =	vst v4;
	v3 =	vmul.f32 v3, v1  }
0xba: {  	v4 =	vld.idx.msk [tilespmem:v12+s30+$0x0], $0xffff;
	[tilespmem:s15+$0xB0] =	vst v2;
	v8 =	vmul.f32 v8, v1  }
0xbb: {  	s15 =	sadd.s32 $0x200, s15;
	v2 =	vld.idx.msk [tilespmem:v11+s30+$0x0], $0xffff;
	[tilespmem:s16+$0xC0] =	vst v3;
	v3 =	vmul.f32 v7, v1  }
0xbc: {  	v7 =	vld [tilespmem:s15+$0x70];
	[tilespmem:s16+$0xD0] =	vst v8;
	v9 =	vmul.f32 v9, v1  }
0xbd: {  	v8 =	vld [tilespmem:s15+$0xFFFFFF00];
	[tilespmem:s16+$0xE0] =	vst v3  }
0xbe: {  	v1 =	vmov v5;
	v3 =	vld [tilespmem:s15+$0xFFFFFF10];
	[tilespmem:s16+$0xF0] =	vst v9;
	s16 =	smov.u32 s15  }
0xbf: {  	v5 =	vld [tilespmem:s15+$0xFFFFFF20]  }
0xc0: {  	v9 =	vld [tilespmem:s15+$0xFFFFFF30]  }
0xc1: {  	v10 =	vld [tilespmem:s15+$0xFFFFFF40];
	v7 =	vmul.f32 v7, v2  }
0xc2: {  	v8 =	vmul.f32 v8, v6;
	v11 =	vld [tilespmem:s15+$0xFFFFFF50]  }
0xc3: {  	v3 =	vmul.f32 v3, v6;
	v12 =	vld [tilespmem:s15+$0xFFFFFF60];
	[tilespmem:s15+$0x70] =	vst v7  }
0xc4: {  	[tilespmem:s15+$0xFFFFFF00] =	vst v8;
	v5 =	vmul.f32 v5, v6;
	v7 =	vld [tilespmem:s15+$0xFFFFFF70]  }
0xc5: {  	[tilespmem:s15+$0xFFFFFF10] =	vst v3;
	v3 =	vmul.f32 v9, v6;
	v8 =	vld [tilespmem:s15+$0xFFFFFF80]  }
0xc6: {  	[tilespmem:s15+$0xFFFFFF20] =	vst v5;
	v5 =	vmul.f32 v10, v6;
	v9 =	vld [tilespmem:s15+$0xFFFFFF90]  }
0xc7: {  	[tilespmem:s15+$0xFFFFFF30] =	vst v3;
	v3 =	vmul.f32 v11, v6;
	v10 =	vld [tilespmem:s15+$0xFFFFFFA0]  }
0xc8: {  	[tilespmem:s15+$0xFFFFFF40] =	vst v5;
	v5 =	vmul.f32 v12, v6;
	v11 =	vld [tilespmem:s15+$0xFFFFFFB0]  }
0xc9: {  	[tilespmem:s15+$0xFFFFFF50] =	vst v3;
	v3 =	vmul.f32 v7, v6;
	v6 =	vld [tilespmem:s15+$0xFFFFFFC0]  }
0xca: {  	[tilespmem:s15+$0xFFFFFF60] =	vst v5;
	v5 =	vmul.f32 v8, v4;
	v7 =	vld [tilespmem:s15+$0xFFFFFFD0]  }
0xcb: {  	[tilespmem:s15+$0xFFFFFF70] =	vst v3;
	v3 =	vmul.f32 v9, v4;
	v8 =	vld [tilespmem:s15+$0xFFFFFFE0]  }
0xcc: {  	[tilespmem:s15+$0xFFFFFF80] =	vst v5;
	v5 =	vmul.f32 v10, v4;
	v9 =	vld [tilespmem:s15+$0xFFFFFFF0]  }
0xcd: {  	[tilespmem:s15+$0xFFFFFF90] =	vst v3;
	v3 =	vmul.f32 v11, v4;
	v10 =	vld [tilespmem:s15+$0x0]  }
0xce: {  	[tilespmem:s15+$0xFFFFFFA0] =	vst v5;
	v5 =	vmul.f32 v6, v4;
	v6 =	vld [tilespmem:s15+$0x10]  }
0xcf: {  	[tilespmem:s15+$0xFFFFFFB0] =	vst v3;
	v3 =	vmul.f32 v7, v4;
	v7 =	vld [tilespmem:s15+$0x20]  }
0xd0: {  	[tilespmem:s15+$0xFFFFFFC0] =	vst v5;
	v5 =	vmul.f32 v8, v4;
	v11 =	vld [tilespmem:s15+$0x30]  }
0xd1: {  	[tilespmem:s15+$0xFFFFFFD0] =	vst v3;
	v3 =	vmul.f32 v9, v4;
	v9 =	vld [tilespmem:s15+$0x40]  }
.Ltmp1:
0xd2: {  	[tilespmem:s15+$0xFFFFFFE0] =	vst v5;
	v5 =	vmul.f32 v10, v2;
	v4 =	vld [tilespmem:s15+$0x50];
	(pc) =	sbr.rel @p0 .LBB2_4-.Ltmp1, $4  }
0xd3: {  	[tilespmem:s15+$0xFFFFFFF0] =	vst v3;
	v6 =	vmul.f32 v6, v2;
	v3 =	vld [tilespmem:s15+$0x60]  }
0xd4: {  	s18 =	sadd.s32 $0x3, s17;
	v10 =	vmov s17;
	[tilespmem:s15+$0x0] =	vst v5;
	v13 =	vmul.f32 v7, v2;
	v8 =	vld [tilespmem:s15+$0x80]  }
0xd5: {  	s19 =	sadd.s32 $0x1, s17;
	v12 =	vand.u32 $0xFFFFFFFC, v10;
	v5 =	vmov s18;
	[tilespmem:s15+$0x10] =	vst v6;
	v10 =	vmul.f32 v11, v2;
	v7 =	vld [tilespmem:s15+$0x90]  }
0xd6: {  	s18 =	sadd.s32 $0x2, s17;
	s17 =	sadd.s32 $0x4, s17;
	v6 =	vbroadcast v12, $0x0;
	v12 =	vmov s19;
	[tilespmem:s15+$0x20] =	vst v13;
	v11 =	vmul.f32 v9, v2;
	v9 =	vld [tilespmem:s15+$0xA0]  }
0xd7: {  	v13 =	vld [tilespmem:s15+$0xB0]  }
0xd8: {  	v15 =	vld [tilespmem:s15+$0xC0]  }
0xd9: {  	v14 =	vmov s18;
	v16 =	vld [tilespmem:s15+$0xD0]  }
0xda: {  	v17 =	vld [tilespmem:s15+$0xE0];
	[tilespmem:s15+$0x30] =	vst v10;
	v4 =	vmul.f32 v4, v2;
	v14 =	vand.u32 $0xFFFFFFFE, v14  }
0xdb: {  	v5 =	vld.idx.msk [tilespmem:v5+s30+$0x0], $0xffff;
	[tilespmem:s15+$0x40] =	vst v11;
	v2 =	vmul.f32 v3, v2;
	v14 =	vbroadcast v14, $0x0  }
0xdc: {  	v12 =	vand.u32 $0xFFFFFFFD, v12;
	s17 =	sadd.s32 $0x200, s15;
	v3 =	vld.idx.msk [tilespmem:v6+s30+$0x0], $0xffff;
	v8 =	vmul.f32 v8, v1;
	[tilespmem:s15+$0x50] =	vst v4  }
0xdd: {  	v12 =	vbroadcast v12, $0x0;
	v10 =	vld [tilespmem:s17+$0xFFFFFF00];
	v4 =	vmul.f32 v7, v1;
	[tilespmem:s15+$0x60] =	vst v2  }
0xde: {  	[tilespmem:s15+$0x80] =	vst v8;
	v8 =	vld [tilespmem:s15+$0xF0];
	v2 =	vmul.f32 v9, v1  }
0xdf: {  	v11 =	vld [tilespmem:s17+$0xFFFFFF10];
	[tilespmem:s15+$0x90] =	vst v4;
	v4 =	vmul.f32 v13, v1  }
0xe0: {  	v9 =	vld [tilespmem:s17+$0x70];
	[tilespmem:s15+$0xA0] =	vst v2;
	v2 =	vmul.f32 v15, v1  }
0xe1: {  	[tilespmem:s15+$0xB0] =	vst v4;
	v4 =	vmul.f32 v16, v1;
	v7 =	vld.idx.msk [tilespmem:v14+s30+$0x0], $0xffff  }
0xe2: {  	v62 =	vld [tilespmem:s17+$0xFFFFFF20];
	[tilespmem:s16+$0xC0] =	vst v2;
	v2 =	vmul.f32 v17, v1  }
0xe3: {  	v6 =	vld.idx.msk [tilespmem:v12+s30+$0x0], $0xffff;
	[tilespmem:s16+$0xD0] =	vst v4;
	v1 =	vmul.f32 v8, v1  }
0xe4: {  	v4 =	vld [tilespmem:s17+$0xFFFFFF30];
	[tilespmem:s16+$0xE0] =	vst v2  }
0xe5: {  	v2 =	vld [tilespmem:s17+$0xFFFFFF40];
	[tilespmem:s16+$0xF0] =	vst v1;
	v1 =	vmul.f32 v10, v3  }
0xe6: {  	v8 =	vmul.f32 v9, v7;
	v9 =	vld [tilespmem:s17+$0xFFFFFF50]  }
0xe7: {  	v10 =	vmul.f32 v11, v3;
	v11 =	vld [tilespmem:s17+$0xFFFFFF60];
	[tilespmem:s17+$0xFFFFFF00] =	vst v1  }
0xe8: {  	v1 =	vmul.f32 v62, v3;
	[tilespmem:s17+$0x70] =	vst v8;
	v8 =	vld [tilespmem:s17+$0xFFFFFF70]  }
0xe9: {  	[tilespmem:s17+$0xFFFFFF10] =	vst v10;
	v10 =	vld [tilespmem:s17+$0xFFFFFF80];
	v4 =	vmul.f32 v4, v3  }
0xea: {  	[tilespmem:s17+$0xFFFFFF20] =	vst v1;
	v1 =	vmul.f32 v2, v3;
	v2 =	vld [tilespmem:s17+$0xFFFFFF90]  }
0xeb: {  	[tilespmem:s17+$0xFFFFFF30] =	vst v4;
	v4 =	vmul.f32 v9, v3;
	v9 =	vld [tilespmem:s17+$0xFFFFFFA0]  }
0xec: {  	[tilespmem:s17+$0xFFFFFF40] =	vst v1;
	v1 =	vmul.f32 v11, v3;
	v11 =	vld [tilespmem:s17+$0xFFFFFFB0]  }
0xed: {  	[tilespmem:s17+$0xFFFFFF50] =	vst v4;
	v3 =	vmul.f32 v8, v3;
	v4 =	vld [tilespmem:s17+$0xFFFFFFC0]  }
0xee: {  	[tilespmem:s17+$0xFFFFFF60] =	vst v1;
	v1 =	vmul.f32 v10, v6;
	v8 =	vld [tilespmem:s17+$0xFFFFFFD0]  }
0xef: {  	v2 =	vmul.f32 v2, v6;
	[tilespmem:s17+$0xFFFFFF70] =	vst v3;
	v3 =	vld [tilespmem:s17+$0xFFFFFFE0]  }
0xf0: {  	[tilespmem:s17+$0xFFFFFF80] =	vst v1;
	v1 =	vmul.f32 v9, v6;
	v9 =	vld [tilespmem:s17+$0xFFFFFFF0]  }
0xf1: {  	v10 =	vld [tilespmem:s17+$0x0];
	[tilespmem:s17+$0xFFFFFF90] =	vst v2;
	v2 =	vmul.f32 v11, v6  }
0xf2: {  	[tilespmem:s17+$0xFFFFFFA0] =	vst v1;
	v1 =	vmul.f32 v4, v6;
	v4 =	vld [tilespmem:s17+$0x10]  }
0xf3: {  	[tilespmem:s17+$0xFFFFFFB0] =	vst v2;
	v2 =	vmul.f32 v8, v6;
	v8 =	vld [tilespmem:s17+$0x20]  }
0xf4: {  	[tilespmem:s17+$0xFFFFFFC0] =	vst v1;
	v1 =	vmul.f32 v3, v6;
	v3 =	vld [tilespmem:s17+$0x30]  }
0xf5: {  	[tilespmem:s17+$0xFFFFFFD0] =	vst v2;
	v2 =	vmul.f32 v9, v6;
	v6 =	vld [tilespmem:s17+$0x40]  }
0xf6: {  	v9 =	vld [tilespmem:s17+$0x50];
	[tilespmem:s17+$0xFFFFFFE0] =	vst v1;
	v1 =	vmul.f32 v10, v7  }
0xf7: {  	[tilespmem:s17+$0xFFFFFFF0] =	vst v2;
	v2 =	vmul.f32 v4, v7;
	v4 =	vld [tilespmem:s17+$0x60]  }
0xf8: {  	[tilespmem:s17+$0x0] =	vst v1;
	v1 =	vmul.f32 v8, v7;
	v8 =	vld [tilespmem:s17+$0x80]  }
0xf9: {  	[tilespmem:s17+$0x10] =	vst v2;
	v2 =	vmul.f32 v3, v7;
	v3 =	vld [tilespmem:s17+$0x90]  }
0xfa: {  	[tilespmem:s17+$0x20] =	vst v1;
	v1 =	vmul.f32 v6, v7;
	v6 =	vld [tilespmem:s17+$0xA0]  }
0xfb: {  	[tilespmem:s17+$0x30] =	vst v2;
	v2 =	vmul.f32 v9, v7;
	v9 =	vld [tilespmem:s17+$0xB0]  }
0xfc: {  	[tilespmem:s17+$0x40] =	vst v1;
	v1 =	vmul.f32 v4, v7;
	v4 =	vld [tilespmem:s17+$0xC0]  }
0xfd: {  	v7 =	vld [tilespmem:s17+$0xD0];
	[tilespmem:s17+$0x50] =	vst v2;
	v2 =	vmul.f32 v8, v5  }
0xfe: {  	[tilespmem:s17+$0x60] =	vst v1;
	v1 =	vmul.f32 v3, v5;
	v3 =	vld [tilespmem:s17+$0xE0]  }
0xff: {  	[tilespmem:s17+$0x80] =	vst v2;
	v2 =	vmul.f32 v6, v5;
	v6 =	vld [tilespmem:s17+$0xF0]  }
0x100: {  	[tilespmem:s17+$0x90] =	vst v1;
	v1 =	vmul.f32 v9, v5  }
0x101: {  	[tilespmem:s17+$0xA0] =	vst v2;
	v2 =	vmul.f32 v4, v5  }
0x102: {  	[tilespmem:s17+$0xB0] =	vst v1;
	v1 =	vmul.f32 v7, v5  }
0x103: {  	[tilespmem:s17+$0xC0] =	vst v2;
	v2 =	vmul.f32 v3, v5  }
0x104: {  	s21 =	simm.s32 $0x28;
	[tilespmem:s17+$0xD0] =	vst v1;
	v1 =	vmul.f32 v6, v5  }
0x105: {  	[tilespmem:s17+$0xE0] =	vst v2;
	v2 =	vmov s21  }
0x106: {  	s22 =	simm.s32 $0x2A;
	[tilespmem:s17+$0xF0] =	vst v1;
	v1 =	vand.u32 $0xFFFFFFFC, v2  }
0x107: {  	v2 =	vmov s22;
	[spmem:s3] =	stream.indirect.scatter.add.f32 [tilespmem:s31], [sflag:$0x5], $0x80, s20, s5, $0xb8;
	v1 =	vbroadcast v1, $0x0;
	[tilespmem:$0x1FDB0] =	vst v63  }
0x108: {  	s23 =	simm.s32 $0x138F8;
	v2 =	vand.u32 $0xFFFFFFFE, v2  }
0x109: {  	v2 =	vbroadcast v2, $0x0;
	[tilespmem:s10], [sflag:$0x4] =	stream.indirect.gather [hbm4b:s1+s5], $0x80, s23, s5, $0xb8;
	[tilespmem:$0x1FDB0] =	vst v63  }
0x10a: {  	_ =	swait.ge [sflag:s11], $0x1400  }
0x10b: {  	[sflag:s11] =	ssyncset.done $0x0  }
0x10c: {  	[sflag:s11] =	ssyncadd.s32 $0xFFFFEC00  }
0x10d: {  	s15 =	simm.s32 $0x1C2B0;
	v3 =	vld.idx.msk [tilespmem:v1+s30+$0x0], $0xffff  }
0x10e: {  	s24 =	simm.s32 $0x29;
	v4 =	vld [tilespmem:s15+$0x70]  }
0x10f: {  	v1 =	vld.idx.msk [tilespmem:v2+s30+$0x0], $0xffff;
	v2 =	vmov s24  }
0x110: {  	v5 =	vld [tilespmem:s15+$0xFFFFFF00];
	v2 =	vand.u32 $0xFFFFFFFD, v2  }
0x111: {  	v6 =	vld [tilespmem:s15+$0xFFFFFF10];
	v2 =	vbroadcast v2, $0x0  }
0x112: {  	v7 =	vld [tilespmem:s15+$0xFFFFFF20]  }
0x113: {  	v8 =	vld [tilespmem:s15+$0xFFFFFF30]  }
0x114: {  	v9 =	vld [tilespmem:s15+$0xFFFFFF40]  }
0x115: {  	v10 =	vld [tilespmem:s15+$0xFFFFFF50]  }
0x116: {  	v11 =	vld [tilespmem:s15+$0xFFFFFF60];
	v5 =	vmul.f32 v5, v3  }
0x117: {  	v63 =	vld.idx.msk [tilespmem:v2+s30+$0x0], $0xffff;
	v2 =	vmul.f32 v4, v1  }
0x118: {  	[tilespmem:s15+$0xFFFFFF00] =	vst v5;
	v5 =	vld [tilespmem:s15+$0xFFFFFF70];
	v4 =	vmul.f32 v6, v3  }
0x119: {  	v6 =	vld [tilespmem:s15+$0xFFFFFF80];
	[tilespmem:s15+$0x70] =	vst v2;
	v2 =	vmul.f32 v7, v3  }
0x11a: {  	s25 =	simm.s32 $0x2B;
	[tilespmem:s15+$0xFFFFFF10] =	vst v4;
	v4 =	vmul.f32 v8, v3;
	v7 =	vld [tilespmem:s15+$0xFFFFFF90]  }
0x11b: {  	v8 =	vmov s25;
	[tilespmem:s15+$0xFFFFFF20] =	vst v2;
	v2 =	vmul.f32 v9, v3;
	v9 =	vld [tilespmem:s15+$0xFFFFFFA0]  }
0x11c: {  	[tilespmem:s15+$0xFFFFFF30] =	vst v4;
	v4 =	vmul.f32 v10, v3;
	v10 =	vld [tilespmem:s15+$0xFFFFFFB0]  }
0x11d: {  	[tilespmem:s15+$0xFFFFFF40] =	vst v2;
	v2 =	vmul.f32 v11, v3;
	v11 =	vld [tilespmem:s15+$0xFFFFFFC0]  }
0x11e: {  	[tilespmem:s15+$0xFFFFFF50] =	vst v4;
	v4 =	vmul.f32 v6, v63;
	v6 =	vld [tilespmem:s15+$0xFFFFFFD0]  }
0x11f: {  	v3 =	vmul.f32 v5, v3;
	v5 =	vld [tilespmem:s15+$0xFFFFFFE0];
	[tilespmem:s15+$0xFFFFFF60] =	vst v2  }
0x120: {  	v7 =	vmul.f32 v7, v63;
	v2 =	vld.idx.msk [tilespmem:v8+s30+$0x0], $0xffff;
	[tilespmem:s15+$0xFFFFFF80] =	vst v4  }
0x121: {  	[tilespmem:s15+$0xFFFFFF70] =	vst v3;
	v8 =	vld [tilespmem:s15+$0xFFFFFFF0];
	v3 =	vmul.f32 v9, v63  }
0x122: {  	[tilespmem:s15+$0xFFFFFF90] =	vst v7;
	v4 =	vmul.f32 v10, v63;
	v10 =	vld [tilespmem:s15+$0x0]  }
0x123: {  	v7 =	vld [tilespmem:s15+$0x10];
	[tilespmem:s15+$0xFFFFFFA0] =	vst v3;
	v3 =	vmul.f32 v11, v63  }
0x124: {  	[tilespmem:s15+$0xFFFFFFB0] =	vst v4;
	v4 =	vmul.f32 v6, v63;
	v6 =	vld [tilespmem:s15+$0x20]  }
0x125: {  	[tilespmem:s15+$0xFFFFFFC0] =	vst v3;
	v3 =	vmul.f32 v5, v63;
	v5 =	vld [tilespmem:s15+$0x30]  }
0x126: {  	[tilespmem:s15+$0xFFFFFFD0] =	vst v4;
	v4 =	vld [tilespmem:s15+$0x40];
	v9 =	vmul.f32 v8, v63  }
0x127: {  	s16 =	simm.s32 $0x1C2B0;
	s17 =	simm.s32 $0x0;
	v8 =	vmul.f32 v10, v1;
	[tilespmem:s15+$0xFFFFFFE0] =	vst v3;
	v3 =	vld [tilespmem:s15+$0x50]  }
.LBB2_6:
0x128: {  	s18 =	sadd.s32 $0x2F, s17;
	[tilespmem:s15+$0xFFFFFFF0] =	vst v9;
	v7 =	vmul.f32 v7, v1;
	v9 =	vld [tilespmem:s15+$0x60]  }
0x129: {  	s19 =	sadd.s32 $0x2C, s17;
	s20 =	sadd.s32 $0x2D, s17;
	v10 =	vmov s18;
	[tilespmem:s15+$0x0] =	vst v8;
	v6 =	vmul.f32 v6, v1;
	v8 =	vld [tilespmem:s15+$0x80]  }
0x12a: {  	v11 =	vmov s19;
	v12 =	vmov s20;
	[tilespmem:s15+$0x10] =	vst v7;
	v5 =	vmul.f32 v5, v1;
	v7 =	vld [tilespmem:s15+$0x90]  }
0x12b: {  	s18 =	sadd.s32 $0x2E, s17;
	s17 =	sadd.s32 $0x4, s17;
	v11 =	vand.u32 $0xFFFFFFFC, v11;
	v12 =	vand.u32 $0xFFFFFFFD, v12;
	[tilespmem:s15+$0x20] =	vst v6;
	v4 =	vmul.f32 v4, v1;
	v6 =	vld [tilespmem:s15+$0xA0]  }
0x12c: {  	v13 =	vmov s18;
	p0 =	slt.u32 s17, $0x24;
	v11 =	vbroadcast v11, $0x0;
	[tilespmem:s15+$0x30] =	vst v5;
	v3 =	vmul.f32 v3, v1;
	v5 =	vld [tilespmem:s15+$0xB0]  }
0x12d: {  	v12 =	vbroadcast v12, $0x0;
	v13 =	vand.u32 $0xFFFFFFFE, v13;
	[tilespmem:s15+$0x40] =	vst v4;
	v1 =	vmul.f32 v9, v1;
	v4 =	vld [tilespmem:s15+$0xC0]  }
0x12e: {  	v9 =	vbroadcast v13, $0x0;
	[tilespmem:s15+$0x50] =	vst v3;
	v3 =	vmul.f32 v8, v2;
	v8 =	vld [tilespmem:s15+$0xD0]  }
0x12f: {  	[tilespmem:s15+$0x60] =	vst v1;
	v1 =	vmul.f32 v7, v2;
	v7 =	vld [tilespmem:s15+$0xE0]  }
0x130: {  	[tilespmem:s15+$0x80] =	vst v3;
	v3 =	vmul.f32 v6, v2;
	v6 =	vld [tilespmem:s15+$0xF0]  }
0x131: {  	v10 =	vld.idx.msk [tilespmem:v10+s30+$0x0], $0xffff;
	[tilespmem:s15+$0x90] =	vst v1;
	v1 =	vmul.f32 v5, v2  }
0x132: {  	v5 =	vld.idx.msk [tilespmem:v11+s30+$0x0], $0xffff;
	[tilespmem:s15+$0xA0] =	vst v3;
	v3 =	vmul.f32 v4, v2  }
0x133: {  	v4 =	vld.idx.msk [tilespmem:v12+s30+$0x0], $0xffff;
	[tilespmem:s15+$0xB0] =	vst v1;
	v8 =	vmul.f32 v8, v2  }
0x134: {  	s15 =	sadd.s32 $0x200, s15;
	v1 =	vld.idx.msk [tilespmem:v9+s30+$0x0], $0xffff;
	[tilespmem:s16+$0xC0] =	vst v3;
	v3 =	vmul.f32 v7, v2  }
0x135: {  	v7 =	vld [tilespmem:s15+$0x70];
	[tilespmem:s16+$0xD0] =	vst v8;
	v8 =	vmul.f32 v6, v2  }
0x136: {  	v6 =	vld [tilespmem:s15+$0xFFFFFF00];
	[tilespmem:s16+$0xE0] =	vst v3  }
0x137: {  	v2 =	vmov v10;
	v3 =	vld [tilespmem:s15+$0xFFFFFF10];
	[tilespmem:s16+$0xF0] =	vst v8;
	s16 =	smov.u32 s15  }
0x138: {  	v8 =	vld [tilespmem:s15+$0xFFFFFF20]  }
0x139: {  	v9 =	vld [tilespmem:s15+$0xFFFFFF30]  }
0x13a: {  	v10 =	vld [tilespmem:s15+$0xFFFFFF40];
	v7 =	vmul.f32 v7, v1  }
0x13b: {  	v6 =	vmul.f32 v6, v5;
	v11 =	vld [tilespmem:s15+$0xFFFFFF50]  }
0x13c: {  	v3 =	vmul.f32 v3, v5;
	v12 =	vld [tilespmem:s15+$0xFFFFFF60];
	[tilespmem:s15+$0x70] =	vst v7  }
0x13d: {  	[tilespmem:s15+$0xFFFFFF00] =	vst v6;
	v6 =	vmul.f32 v8, v5;
	v7 =	vld [tilespmem:s15+$0xFFFFFF70]  }
0x13e: {  	[tilespmem:s15+$0xFFFFFF10] =	vst v3;
	v3 =	vmul.f32 v9, v5;
	v8 =	vld [tilespmem:s15+$0xFFFFFF80]  }
0x13f: {  	[tilespmem:s15+$0xFFFFFF20] =	vst v6;
	v6 =	vmul.f32 v10, v5;
	v9 =	vld [tilespmem:s15+$0xFFFFFF90]  }
0x140: {  	[tilespmem:s15+$0xFFFFFF30] =	vst v3;
	v3 =	vmul.f32 v11, v5;
	v10 =	vld [tilespmem:s15+$0xFFFFFFA0]  }
0x141: {  	[tilespmem:s15+$0xFFFFFF40] =	vst v6;
	v6 =	vmul.f32 v12, v5;
	v11 =	vld [tilespmem:s15+$0xFFFFFFB0]  }
0x142: {  	[tilespmem:s15+$0xFFFFFF50] =	vst v3;
	v3 =	vmul.f32 v7, v5;
	v5 =	vld [tilespmem:s15+$0xFFFFFFC0]  }
0x143: {  	[tilespmem:s15+$0xFFFFFF60] =	vst v6;
	v6 =	vmul.f32 v8, v4;
	v8 =	vld [tilespmem:s15+$0xFFFFFFD0]  }
0x144: {  	[tilespmem:s15+$0xFFFFFF70] =	vst v3;
	v3 =	vmul.f32 v9, v4;
	v9 =	vld [tilespmem:s15+$0xFFFFFFE0]  }
0x145: {  	[tilespmem:s15+$0xFFFFFF80] =	vst v6;
	v6 =	vmul.f32 v10, v4;
	v10 =	vld [tilespmem:s15+$0xFFFFFFF0]  }
0x146: {  	[tilespmem:s15+$0xFFFFFF90] =	vst v3;
	v3 =	vmul.f32 v11, v4;
	v11 =	vld [tilespmem:s15+$0x0]  }
.Ltmp2:
0x147: {  	[tilespmem:s15+$0xFFFFFFA0] =	vst v6;
	v5 =	vmul.f32 v5, v4;
	v7 =	vld [tilespmem:s15+$0x10];
	(pc) =	sbr.rel @p0 .LBB2_6-.Ltmp2, $4  }
0x148: {  	[tilespmem:s15+$0xFFFFFFB0] =	vst v3;
	v3 =	vmul.f32 v8, v4;
	v6 =	vld [tilespmem:s15+$0x20]  }
0x149: {  	[tilespmem:s15+$0xFFFFFFC0] =	vst v5;
	v8 =	vmul.f32 v9, v4;
	v5 =	vld [tilespmem:s15+$0x30]  }
0x14a: {  	[tilespmem:s15+$0xFFFFFFD0] =	vst v3;
	v9 =	vmul.f32 v10, v4;
	v4 =	vld [tilespmem:s15+$0x40]  }
0x14b: {  	[tilespmem:s15+$0xFFFFFFE0] =	vst v8;
	v8 =	vmul.f32 v11, v1;
	v3 =	vld [tilespmem:s15+$0x50]  }
0x14c: {  	[tilespmem:s15+$0xFFFFFFF0] =	vst v9;
	v7 =	vmul.f32 v7, v1;
	v55 =	vld [tilespmem:s15+$0x80]  }
0x14d: {  	v10 =	vld [tilespmem:s15+$0x60];
	[tilespmem:s15+$0x0] =	vst v8;
	v6 =	vmul.f32 v6, v1  }
0x14e: {  	v56 =	vld [tilespmem:s15+$0x90];
	[tilespmem:s15+$0x10] =	vst v7;
	v5 =	vmul.f32 v5, v1  }
0x14f: {  	v57 =	vld [tilespmem:s15+$0xA0];
	[tilespmem:s15+$0x20] =	vst v6;
	v4 =	vmul.f32 v4, v1  }
0x150: {  	v58 =	vld [tilespmem:s15+$0xB0];
	[tilespmem:s15+$0x30] =	vst v5;
	v3 =	vmul.f32 v3, v1  }
0x151: {  	v59 =	vld [tilespmem:s15+$0xC0];
	[tilespmem:s15+$0x40] =	vst v4;
	v60 =	vmul.f32 v55, v2  }
0x152: {  	v61 =	vld [tilespmem:s15+$0xD0];
	v1 =	vmul.f32 v10, v1;
	[tilespmem:s15+$0x50] =	vst v3  }
0x153: {  	v8 =	vmul.f32 v56, v2;
	v3 =	vld [tilespmem:s15+$0xE0];
	[tilespmem:s15+$0x80] =	vst v60  }
0x154: {  	v62 =	vld [tilespmem:s15+$0xF0];
	[tilespmem:s15+$0x60] =	vst v1;
	v1 =	vmul.f32 v57, v2  }
0x155: {  	v6 =	vmul.f32 v58, v2;
	[tilespmem:s15+$0x90] =	vst v8  }
0x156: {  	[tilespmem:s15+$0xA0] =	vst v1;
	v1 =	vmul.f32 v59, v2  }
0x157: {  	v63 =	vmul.f32 v61, v2;
	[tilespmem:s15+$0xB0] =	vst v6  }
0x158: {  	[tilespmem:s16+$0xC0] =	vst v1;
	v1 =	vmul.f32 v3, v2  }
0x159: {  	[tilespmem:s16+$0xD0] =	vst v63;
	v2 =	vmul.f32 v62, v2  }
0x15a: {  	[tilespmem:s16+$0xE0] =	vst v1  }
0x15b: {  	s25 =	simm.s32 $0x15FB8;
	s15 =	simm.s32 $0x0;
	[tilespmem:s16+$0xF0] =	vst v2;
	s16 =	simm.s32 $0x0  }
0x15c: {  	[spmem:s3] =	stream.indirect.scatter.add.f32 [tilespmem:s6], [sflag:$0x6], $0x80, s25, s5, $0xb8;
	[tilespmem:$0x1FDB0] =	vst v63  }
.LBB2_8:
0x15d: {  	s17 =	smul.u32 $0x280, s16;
	_ =	sdelay $0x1  }
0x15e: {  	s19 =	sadd.s32 $0xFFFFFFFC, s15;
	_ =	swait.ge [sflag:s0], $0x1400;
	s17 =	sadd.s32 $0x280, s17  }
0x15f: {  	s18 =	sadd.s32 $0x56, s19;
	[sflag:s0] =	ssyncset.done $0x0;
	s17 =	sshra.s32 s17, $0x2  }
0x160: {  	s24 =	sadd.s32 $0x54, s19;
	[sflag:s0] =	ssyncadd.s32 $0xFFFFEC00;
	s25 =	sadd.s32 $0x13880, s17  }
0x161: {  	v2 =	vmov s24;
	[tilespmem:s31], [sflag:$0x1] =	stream.indirect.gather [hbm4b:s1+s5], $0x80, s25, s5, $0xb8;
	[tilespmem:$0x1FDB0] =	vst v63  }
0x162: {  	v1 =	vmov s18;
	v2 =	vand.u32 $0xFFFFFFFC, v2;
	_ =	swait.ge [sflag:s12], $0x1400  }
0x163: {  	v1 =	vand.u32 $0xFFFFFFFE, v1;
	v2 =	vbroadcast v2, $0x0;
	[sflag:s12] =	ssyncset.done $0x0  }
0x164: {  	s18 =	simm.s32 $0x1D6B0;
	v1 =	vbroadcast v1, $0x0;
	[sflag:s12] =	ssyncadd.s32 $0xFFFFEC00  }
0x165: {  	v3 =	vld [tilespmem:s18+$0x70]  }
0x166: {  	v5 =	vld [tilespmem:s18+$0xFFFFFF00]  }
0x167: {  	s20 =	sadd.s32 $0x55, s19;
	v6 =	vld [tilespmem:s18+$0xFFFFFF10]  }
0x168: {  	v4 =	vmov s20;
	v7 =	vld [tilespmem:s18+$0xFFFFFF20]  }
0x169: {  	v4 =	vand.u32 $0xFFFFFFFD, v4;
	v2 =	vld.idx.msk [tilespmem:v2+s30+$0x0], $0xffff  }
0x16a: {  	v4 =	vbroadcast v4, $0x0;
	v1 =	vld.idx.msk [tilespmem:v1+s30+$0x0], $0xffff  }
0x16b: {  	v8 =	vld [tilespmem:s18+$0xFFFFFF30]  }
0x16c: {  	v9 =	vld [tilespmem:s18+$0xFFFFFF40]  }
0x16d: {  	v10 =	vld [tilespmem:s18+$0xFFFFFF50]  }
0x16e: {  	v11 =	vld [tilespmem:s18+$0xFFFFFF60];
	v5 =	vmul.f32 v5, v2  }
0x16f: {  	v13 =	vld [tilespmem:s18+$0xFFFFFFD0];
	v3 =	vmul.f32 v3, v1  }
0x170: {  	v4 =	vld.idx.msk [tilespmem:v4+s30+$0x0], $0xffff;
	[tilespmem:s18+$0xFFFFFF00] =	vst v5;
	v5 =	vmul.f32 v6, v2  }
0x171: {  	v6 =	vld [tilespmem:s18+$0xFFFFFF70];
	[tilespmem:s18+$0x70] =	vst v3;
	v3 =	vmul.f32 v7, v2  }
0x172: {  	s19 =	sadd.s32 $0x57, s19;
	v7 =	vld [tilespmem:s18+$0xFFFFFF80];
	[tilespmem:s18+$0xFFFFFF10] =	vst v5;
	v5 =	vmul.f32 v8, v2  }
0x173: {  	v12 =	vmov s19;
	v8 =	vld [tilespmem:s18+$0xFFFFFF90];
	[tilespmem:s18+$0xFFFFFF20] =	vst v3;
	v3 =	vmul.f32 v9, v2  }
0x174: {  	v9 =	vld [tilespmem:s18+$0xFFFFFFA0];
	[tilespmem:s18+$0xFFFFFF30] =	vst v5;
	v5 =	vmul.f32 v10, v2  }
0x175: {  	v10 =	vld [tilespmem:s18+$0xFFFFFFB0];
	[tilespmem:s18+$0xFFFFFF40] =	vst v3;
	v3 =	vmul.f32 v11, v2  }
0x176: {  	v11 =	vld [tilespmem:s18+$0xFFFFFFC0];
	v6 =	vmul.f32 v6, v2;
	[tilespmem:s18+$0xFFFFFF50] =	vst v5  }
0x177: {  	v14 =	vld [tilespmem:s18+$0xFFFFFFE0];
	v5 =	vmul.f32 v7, v4;
	[tilespmem:s18+$0xFFFFFF60] =	vst v3  }
0x178: {  	v2 =	vld.idx.msk [tilespmem:v12+s30+$0x0], $0xffff;
	v3 =	vmul.f32 v8, v4;
	[tilespmem:s18+$0xFFFFFF70] =	vst v6  }
0x179: {  	v8 =	vld [tilespmem:s18+$0xFFFFFFF0];
	[tilespmem:s18+$0xFFFFFF80] =	vst v5;
	v5 =	vmul.f32 v9, v4  }
0x17a: {  	v7 =	vld [tilespmem:s18+$0x0];
	[tilespmem:s18+$0xFFFFFF90] =	vst v3;
	v3 =	vmul.f32 v10, v4  }
0x17b: {  	v6 =	vld [tilespmem:s18+$0x10];
	v9 =	vmul.f32 v11, v4;
	[tilespmem:s18+$0xFFFFFFA0] =	vst v5  }
0x17c: {  	v10 =	vmul.f32 v13, v4;
	v5 =	vld [tilespmem:s18+$0x20];
	[tilespmem:s18+$0xFFFFFFB0] =	vst v3  }
0x17d: {  	s19 =	sshll.u32 s16, $0x2;
	[tilespmem:s18+$0xFFFFFFC0] =	vst v9;
	v3 =	vld [tilespmem:s18+$0x30];
	v9 =	vmul.f32 v14, v4  }
0x17e: {  	s22 =	simm.s32 $0x0;
	s21 =	simm.s32 $0x1D6B0;
	s20 =	sor.u32 $0x2, s19;
	[tilespmem:s18+$0xFFFFFFD0] =	vst v10;
	v8 =	vmul.f32 v8, v4;
	v4 =	vld [tilespmem:s18+$0x40]  }
.LBB2_9:
0x17f: {  	s23 =	sadd.s32 s22, s15;
	s22 =	sadd.s32 $0x4, s22;
	[tilespmem:s18+$0xFFFFFFE0] =	vst v9;
	v7 =	vmul.f32 v7, v1;
	v9 =	vld [tilespmem:s18+$0x50]  }
0x180: {  	s24 =	sadd.s32 $0x54, s23;
	s25 =	sadd.s32 $0x56, s23;
	p0 =	slt.u32 s22, $0x24;
	[tilespmem:s18+$0xFFFFFFF0] =	vst v8;
	v6 =	vmul.f32 v6, v1;
	v8 =	vld [tilespmem:s18+$0x60]  }
0x181: {  	v10 =	vmov s24;
	s24 =	sadd.s32 $0x55, s23;
	v11 =	vmov s25;
	s23 =	sadd.s32 $0x57, s23;
	[tilespmem:s18+$0x0] =	vst v7;
	v5 =	vmul.f32 v5, v1;
	v7 =	vld [tilespmem:s18+$0x80]  }
0x182: {  	v10 =	vand.u32 $0xFFFFFFFC, v10;
	v12 =	vmov s24;
	v11 =	vand.u32 $0xFFFFFFFE, v11;
	[tilespmem:s18+$0x10] =	vst v6;
	v6 =	vld [tilespmem:s18+$0x90]  }
0x183: {  	v10 =	vbroadcast v10, $0x0;
	v12 =	vand.u32 $0xFFFFFFFD, v12;
	v11 =	vbroadcast v11, $0x0;
	[tilespmem:s18+$0x20] =	vst v5;
	v5 =	vld [tilespmem:s18+$0xA0]  }
0x184: {  	v13 =	vmov s23;
	v3 =	vmul.f32 v3, v1;
	v12 =	vbroadcast v12, $0x0;
	v14 =	vld [tilespmem:s18+$0xB0]  }
0x185: {  	v4 =	vmul.f32 v4, v1;
	v9 =	vmul.f32 v9, v1;
	v15 =	vld [tilespmem:s18+$0xC0]  }
0x186: {  	[tilespmem:s18+$0x30] =	vst v3;
	v3 =	vmul.f32 v8, v1;
	v7 =	vmul.f32 v7, v2;
	v8 =	vld [tilespmem:s18+$0xD0]  }
0x187: {  	[tilespmem:s18+$0x40] =	vst v4;
	v4 =	vmul.f32 v6, v2;
	v6 =	vld [tilespmem:s18+$0xE0]  }
0x188: {  	[tilespmem:s18+$0x50] =	vst v9;
	v5 =	vmul.f32 v5, v2;
	v9 =	vld [tilespmem:s18+$0xF0]  }
0x189: {  	s18 =	sadd.s32 $0x200, s18;
	v1 =	vld.idx.msk [tilespmem:v11+s30+$0x0], $0xffff;
	[tilespmem:s21+$0x60] =	vst v3;
	v3 =	vmul.f32 v14, v2  }
0x18a: {  	v11 =	vld [tilespmem:s18+$0x70];
	[tilespmem:s21+$0x80] =	vst v7;
	v7 =	vmul.f32 v15, v2  }
0x18b: {  	v10 =	vld.idx.msk [tilespmem:v10+s30+$0x0], $0xffff;
	[tilespmem:s21+$0x90] =	vst v4;
	v4 =	vmul.f32 v8, v2  }
0x18c: {  	v8 =	vld.idx.msk [tilespmem:v12+s30+$0x0], $0xffff;
	[tilespmem:s21+$0xA0] =	vst v5;
	v5 =	vmul.f32 v6, v2  }
0x18d: {  	[tilespmem:s21+$0xB0] =	vst v3;
	v3 =	vmul.f32 v9, v2;
	v2 =	vld.idx.msk [tilespmem:v13+s30+$0x0], $0xffff  }
0x18e: {  	v6 =	vld [tilespmem:s18+$0xFFFFFF00];
	[tilespmem:s21+$0xC0] =	vst v7  }
0x18f: {  	v7 =	vld [tilespmem:s18+$0xFFFFFF10];
	v9 =	vmul.f32 v11, v1;
	[tilespmem:s21+$0xD0] =	vst v4  }
0x190: {  	v4 =	vld [tilespmem:s18+$0xFFFFFF20];
	[tilespmem:s21+$0xE0] =	vst v5  }
0x191: {  	v5 =	vld [tilespmem:s18+$0xFFFFFF30];
	[tilespmem:s18+$0x70] =	vst v9  }
0x192: {  	v9 =	vld [tilespmem:s18+$0xFFFFFF40];
	[tilespmem:s21+$0xF0] =	vst v3;
	s21 =	smov.u32 s18  }
0x193: {  	v3 =	vmul.f32 v6, v10;
	v6 =	vld [tilespmem:s18+$0xFFFFFF50]  }
0x194: {  	v7 =	vmul.f32 v7, v10;
	v11 =	vld [tilespmem:s18+$0xFFFFFF60]  }
0x195: {  	[tilespmem:s18+$0xFFFFFF00] =	vst v3;
	v3 =	vmul.f32 v4, v10;
	v4 =	vld [tilespmem:s18+$0xFFFFFF70]  }
0x196: {  	[tilespmem:s18+$0xFFFFFF10] =	vst v7;
	v5 =	vmul.f32 v5, v10;
	v7 =	vld [tilespmem:s18+$0xFFFFFF80]  }
0x197: {  	[tilespmem:s18+$0xFFFFFF20] =	vst v3;
	v3 =	vmul.f32 v9, v10;
	v9 =	vld [tilespmem:s18+$0xFFFFFF90]  }
0x198: {  	[tilespmem:s18+$0xFFFFFF30] =	vst v5;
	v5 =	vmul.f32 v6, v10;
	v6 =	vld [tilespmem:s18+$0xFFFFFFA0]  }
0x199: {  	[tilespmem:s18+$0xFFFFFF40] =	vst v3;
	v3 =	vmul.f32 v11, v10;
	v11 =	vld [tilespmem:s18+$0xFFFFFFB0]  }
0x19a: {  	[tilespmem:s18+$0xFFFFFF50] =	vst v5;
	v4 =	vmul.f32 v4, v10;
	v5 =	vld [tilespmem:s18+$0xFFFFFFC0]  }
0x19b: {  	[tilespmem:s18+$0xFFFFFF60] =	vst v3;
	v3 =	vmul.f32 v7, v8;
	v10 =	vld [tilespmem:s18+$0xFFFFFFD0]  }
0x19c: {  	[tilespmem:s18+$0xFFFFFF70] =	vst v4;
	v4 =	vmul.f32 v9, v8;
	v9 =	vld [tilespmem:s18+$0xFFFFFFE0]  }
0x19d: {  	[tilespmem:s18+$0xFFFFFF80] =	vst v3;
	v3 =	vmul.f32 v6, v8;
	v12 =	vld [tilespmem:s18+$0xFFFFFFF0]  }
.Ltmp3:
0x19e: {  	[tilespmem:s18+$0xFFFFFF90] =	vst v4;
	v4 =	vmul.f32 v11, v8;
	v7 =	vld [tilespmem:s18+$0x0];
	(pc) =	sbr.rel @p0 .LBB2_9-.Ltmp3, $4  }
0x19f: {  	[tilespmem:s18+$0xFFFFFFA0] =	vst v3;
	v3 =	vmul.f32 v5, v8;
	v6 =	vld [tilespmem:s18+$0x10]  }
0x1a0: {  	[tilespmem:s18+$0xFFFFFFB0] =	vst v4;
	v4 =	vmul.f32 v10, v8;
	v5 =	vld [tilespmem:s18+$0x20]  }
0x1a1: {  	[tilespmem:s18+$0xFFFFFFC0] =	vst v3;
	v9 =	vmul.f32 v9, v8;
	v3 =	vld [tilespmem:s18+$0x30]  }
0x1a2: {  	[tilespmem:s18+$0xFFFFFFD0] =	vst v4;
	v8 =	vmul.f32 v12, v8;
	v4 =	vld [tilespmem:s18+$0x40]  }
0x1a3: {  	v10 =	vld [tilespmem:s18+$0x50];
	[tilespmem:s18+$0xFFFFFFE0] =	vst v9;
	v7 =	vmul.f32 v7, v1  }
0x1a4: {  	v9 =	vld [tilespmem:s18+$0x60];
	[tilespmem:s18+$0xFFFFFFF0] =	vst v8;
	v6 =	vmul.f32 v6, v1  }
0x1a5: {  	v8 =	vld [tilespmem:s18+$0x80];
	[tilespmem:s18+$0x0] =	vst v7;
	v5 =	vmul.f32 v5, v1  }
0x1a6: {  	v7 =	vld [tilespmem:s18+$0x90];
	[tilespmem:s18+$0x10] =	vst v6;
	v3 =	vmul.f32 v3, v1  }
0x1a7: {  	v6 =	vld [tilespmem:s18+$0xA0];
	[tilespmem:s18+$0x20] =	vst v5;
	v4 =	vmul.f32 v4, v1  }
0x1a8: {  	v5 =	vld [tilespmem:s18+$0xB0];
	v10 =	vmul.f32 v10, v1;
	[tilespmem:s18+$0x30] =	vst v3  }
0x1a9: {  	v11 =	vld [tilespmem:s18+$0xC0];
	v1 =	vmul.f32 v9, v1;
	[tilespmem:s18+$0x40] =	vst v4  }
0x1aa: {  	v3 =	vld [tilespmem:s18+$0xD0];
	v4 =	vmul.f32 v8, v2;
	[tilespmem:s18+$0x50] =	vst v10  }
0x1ab: {  	v8 =	vld [tilespmem:s18+$0xE0];
	v7 =	vmul.f32 v7, v2;
	[tilespmem:s21+$0x60] =	vst v1  }
0x1ac: {  	v9 =	vld [tilespmem:s18+$0xF0];
	v1 =	vmul.f32 v6, v2;
	[tilespmem:s21+$0x80] =	vst v4  }
0x1ad: {  	v4 =	vmul.f32 v5, v2;
	[tilespmem:s21+$0x90] =	vst v7  }
0x1ae: {  	v5 =	vmul.f32 v11, v2;
	[tilespmem:s21+$0xA0] =	vst v1  }
0x1af: {  	v1 =	vmul.f32 v3, v2;
	[tilespmem:s21+$0xB0] =	vst v4  }
0x1b0: {  	s23 =	smul.u32 $0xA0, s20;
	v3 =	vmul.f32 v8, v2;
	[tilespmem:s21+$0xC0] =	vst v5  }
0x1b1: {  	v2 =	vmul.f32 v9, v2;
	[tilespmem:s21+$0xD0] =	vst v1  }
0x1b2: {  	s22 =	sadd.s32 $0xFFFFFFFC, s15;
	s18 =	sshra.s32 s23, $0x2;
	[tilespmem:s21+$0xE0] =	vst v3  }
0x1b3: {  	s24 =	smul.u32 $0xA0, s19;
	s25 =	sadd.s32 $0x7E, s22;
	s18 =	sadd.s32 $0x15F90, s18;
	[tilespmem:s21+$0xF0] =	vst v2  }
0x1b4: {  	v1 =	vmov s25;
	[spmem:s3] =	stream.indirect.scatter.add.f32 [tilespmem:s7], [sflag:$0x7], $0x80, s18, s5, $0xb8;
	[tilespmem:$0x1FDB0] =	vst v63  }
0x1b5: {  	s20 =	sadd.s32 $0x320, s24;
	s21 =	sadd.s32 $0x7C, s22;
	v1 =	vand.u32 $0xFFFFFFFE, v1;
	_ =	swait.ge [sflag:s2], $0x1400  }
0x1b6: {  	s18 =	sshra.s32 s20, $0x2;
	v2 =	vmov s21;
	v1 =	vbroadcast v1, $0x0;
	[sflag:s2] =	ssyncset.done $0x0  }
0x1b7: {  	s23 =	sadd.s32 $0x13880, s18;
	v2 =	vand.u32 $0xFFFFFFFC, v2;
	[sflag:s2] =	ssyncadd.s32 $0xFFFFEC00  }
0x1b8: {  	v2 =	vbroadcast v2, $0x0;
	[tilespmem:s6], [sflag:$0x2] =	stream.indirect.gather [hbm4b:s1+s5], $0x80, s23, s5, $0xb8;
	[tilespmem:$0x1FDB0] =	vst v63  }
0x1b9: {  	_ =	swait.ge [sflag:s13], $0x1400  }
0x1ba: {  	[sflag:s13] =	ssyncset.done $0x0  }
0x1bb: {  	[sflag:s13] =	ssyncadd.s32 $0xFFFFEC00  }
0x1bc: {  	s20 =	simm.s32 $0x1EAB0;
	v1 =	vld.idx.msk [tilespmem:v1+s30+$0x0], $0xffff  }
0x1bd: {  	s24 =	sadd.s32 $0x7D, s22;
	v3 =	vld [tilespmem:s20+$0x70]  }
0x1be: {  	v4 =	vmov s24;
	v2 =	vld.idx.msk [tilespmem:v2+s30+$0x0], $0xffff  }
0x1bf: {  	v4 =	vand.u32 $0xFFFFFFFD, v4;
	v5 =	vld [tilespmem:s20+$0xFFFFFF00]  }
0x1c0: {  	v4 =	vbroadcast v4, $0x0;
	v6 =	vld [tilespmem:s20+$0xFFFFFF10]  }
0x1c1: {  	v7 =	vld [tilespmem:s20+$0xFFFFFF20]  }
0x1c2: {  	v8 =	vld [tilespmem:s20+$0xFFFFFF30]  }
0x1c3: {  	v9 =	vld [tilespmem:s20+$0xFFFFFF40]  }
0x1c4: {  	v10 =	vld [tilespmem:s20+$0xFFFFFF50]  }
0x1c5: {  	v11 =	vld [tilespmem:s20+$0xFFFFFF60];
	v5 =	vmul.f32 v5, v2  }
0x1c6: {  	v4 =	vld.idx.msk [tilespmem:v4+s30+$0x0], $0xffff;
	v3 =	vmul.f32 v3, v1  }
0x1c7: {  	v13 =	vld [tilespmem:s20+$0xFFFFFFD0];
	[tilespmem:s20+$0xFFFFFF00] =	vst v5;
	v5 =	vmul.f32 v6, v2  }
0x1c8: {  	v6 =	vld [tilespmem:s20+$0xFFFFFF70];
	[tilespmem:s20+$0x70] =	vst v3;
	v3 =	vmul.f32 v7, v2  }
0x1c9: {  	s25 =	sadd.s32 $0x7F, s22;
	v7 =	vld [tilespmem:s20+$0xFFFFFF80];
	[tilespmem:s20+$0xFFFFFF10] =	vst v5;
	v5 =	vmul.f32 v8, v2  }
0x1ca: {  	v12 =	vmov s25;
	v8 =	vld [tilespmem:s20+$0xFFFFFF90];
	[tilespmem:s20+$0xFFFFFF20] =	vst v3;
	v3 =	vmul.f32 v9, v2  }
0x1cb: {  	v9 =	vld [tilespmem:s20+$0xFFFFFFA0];
	[tilespmem:s20+$0xFFFFFF30] =	vst v5;
	v5 =	vmul.f32 v10, v2  }
0x1cc: {  	v10 =	vld [tilespmem:s20+$0xFFFFFFB0];
	[tilespmem:s20+$0xFFFFFF40] =	vst v3;
	v3 =	vmul.f32 v11, v2  }
0x1cd: {  	v11 =	vld [tilespmem:s20+$0xFFFFFFC0];
	v6 =	vmul.f32 v6, v2;
	[tilespmem:s20+$0xFFFFFF50] =	vst v5  }
0x1ce: {  	v14 =	vld [tilespmem:s20+$0xFFFFFFE0];
	v5 =	vmul.f32 v7, v4;
	[tilespmem:s20+$0xFFFFFF60] =	vst v3  }
0x1cf: {  	v2 =	vld.idx.msk [tilespmem:v12+s30+$0x0], $0xffff;
	v3 =	vmul.f32 v8, v4;
	[tilespmem:s20+$0xFFFFFF70] =	vst v6  }
0x1d0: {  	v8 =	vld [tilespmem:s20+$0xFFFFFFF0];
	[tilespmem:s20+$0xFFFFFF80] =	vst v5;
	v5 =	vmul.f32 v9, v4  }
0x1d1: {  	v7 =	vld [tilespmem:s20+$0x0];
	[tilespmem:s20+$0xFFFFFF90] =	vst v3;
	v3 =	vmul.f32 v10, v4  }
0x1d2: {  	v6 =	vld [tilespmem:s20+$0x10];
	v9 =	vmul.f32 v11, v4;
	[tilespmem:s20+$0xFFFFFFA0] =	vst v5  }
0x1d3: {  	v10 =	vmul.f32 v13, v4;
	v5 =	vld [tilespmem:s20+$0x20];
	[tilespmem:s20+$0xFFFFFFB0] =	vst v3  }
0x1d4: {  	[tilespmem:s20+$0xFFFFFFC0] =	vst v9;
	v3 =	vld [tilespmem:s20+$0x30];
	v9 =	vmul.f32 v14, v4  }
0x1d5: {  	s19 =	sor.u32 $0x3, s19;
	s22 =	simm.s32 $0x0;
	s21 =	simm.s32 $0x1EAB0;
	[tilespmem:s20+$0xFFFFFFD0] =	vst v10;
	v8 =	vmul.f32 v8, v4;
	v4 =	vld [tilespmem:s20+$0x40]  }
.LBB2_11:
0x1d6: {  	s23 =	sadd.s32 s22, s15;
	s22 =	sadd.s32 $0x4, s22;
	[tilespmem:s20+$0xFFFFFFE0] =	vst v9;
	v7 =	vmul.f32 v7, v1;
	v9 =	vld [tilespmem:s20+$0x50]  }
0x1d7: {  	s24 =	sadd.s32 $0x7C, s23;
	s25 =	sadd.s32 $0x7E, s23;
	p0 =	slt.u32 s22, $0x24;
	[tilespmem:s20+$0xFFFFFFF0] =	vst v8;
	v6 =	vmul.f32 v6, v1;
	v8 =	vld [tilespmem:s20+$0x60]  }
0x1d8: {  	v10 =	vmov s24;
	s24 =	sadd.s32 $0x7D, s23;
	v11 =	vmov s25;
	s23 =	sadd.s32 $0x7F, s23;
	[tilespmem:s20+$0x0] =	vst v7;
	v5 =	vmul.f32 v5, v1;
	v7 =	vld [tilespmem:s20+$0x80]  }
0x1d9: {  	v10 =	vand.u32 $0xFFFFFFFC, v10;
	v12 =	vmov s24;
	v11 =	vand.u32 $0xFFFFFFFE, v11;
	[tilespmem:s20+$0x10] =	vst v6;
	v6 =	vld [tilespmem:s20+$0x90]  }
0x1da: {  	v10 =	vbroadcast v10, $0x0;
	v12 =	vand.u32 $0xFFFFFFFD, v12;
	v11 =	vbroadcast v11, $0x0;
	[tilespmem:s20+$0x20] =	vst v5;
	v5 =	vld [tilespmem:s20+$0xA0]  }
0x1db: {  	v13 =	vmov s23;
	v3 =	vmul.f32 v3, v1;
	v12 =	vbroadcast v12, $0x0;
	v14 =	vld [tilespmem:s20+$0xB0]  }
0x1dc: {  	v4 =	vmul.f32 v4, v1;
	v9 =	vmul.f32 v9, v1;
	v15 =	vld [tilespmem:s20+$0xC0]  }
0x1dd: {  	[tilespmem:s20+$0x30] =	vst v3;
	v3 =	vmul.f32 v8, v1;
	v7 =	vmul.f32 v7, v2;
	v8 =	vld [tilespmem:s20+$0xD0]  }
0x1de: {  	[tilespmem:s20+$0x40] =	vst v4;
	v4 =	vmul.f32 v6, v2;
	v6 =	vld [tilespmem:s20+$0xE0]  }
0x1df: {  	[tilespmem:s20+$0x50] =	vst v9;
	v5 =	vmul.f32 v5, v2;
	v9 =	vld [tilespmem:s20+$0xF0]  }
0x1e0: {  	s20 =	sadd.s32 $0x200, s20;
	v1 =	vld.idx.msk [tilespmem:v11+s30+$0x0], $0xffff;
	[tilespmem:s21+$0x60] =	vst v3;
	v3 =	vmul.f32 v14, v2  }
0x1e1: {  	v11 =	vld [tilespmem:s20+$0x70];
	[tilespmem:s21+$0x80] =	vst v7;
	v7 =	vmul.f32 v15, v2  }
0x1e2: {  	v10 =	vld.idx.msk [tilespmem:v10+s30+$0x0], $0xffff;
	[tilespmem:s21+$0x90] =	vst v4;
	v4 =	vmul.f32 v8, v2  }
0x1e3: {  	v8 =	vld.idx.msk [tilespmem:v12+s30+$0x0], $0xffff;
	[tilespmem:s21+$0xA0] =	vst v5;
	v5 =	vmul.f32 v6, v2  }
0x1e4: {  	[tilespmem:s21+$0xB0] =	vst v3;
	v3 =	vmul.f32 v9, v2;
	v2 =	vld.idx.msk [tilespmem:v13+s30+$0x0], $0xffff  }
0x1e5: {  	v6 =	vld [tilespmem:s20+$0xFFFFFF00];
	[tilespmem:s21+$0xC0] =	vst v7  }
0x1e6: {  	v7 =	vld [tilespmem:s20+$0xFFFFFF10];
	v9 =	vmul.f32 v11, v1;
	[tilespmem:s21+$0xD0] =	vst v4  }
0x1e7: {  	v4 =	vld [tilespmem:s20+$0xFFFFFF20];
	[tilespmem:s21+$0xE0] =	vst v5  }
0x1e8: {  	v5 =	vld [tilespmem:s20+$0xFFFFFF30];
	[tilespmem:s20+$0x70] =	vst v9  }
0x1e9: {  	v9 =	vld [tilespmem:s20+$0xFFFFFF40];
	[tilespmem:s21+$0xF0] =	vst v3;
	s21 =	smov.u32 s20  }
0x1ea: {  	v3 =	vmul.f32 v6, v10;
	v6 =	vld [tilespmem:s20+$0xFFFFFF50]  }
0x1eb: {  	v7 =	vmul.f32 v7, v10;
	v11 =	vld [tilespmem:s20+$0xFFFFFF60]  }
0x1ec: {  	[tilespmem:s20+$0xFFFFFF00] =	vst v3;
	v3 =	vmul.f32 v4, v10;
	v4 =	vld [tilespmem:s20+$0xFFFFFF70]  }
0x1ed: {  	[tilespmem:s20+$0xFFFFFF10] =	vst v7;
	v5 =	vmul.f32 v5, v10;
	v7 =	vld [tilespmem:s20+$0xFFFFFF80]  }
0x1ee: {  	[tilespmem:s20+$0xFFFFFF20] =	vst v3;
	v3 =	vmul.f32 v9, v10;
	v9 =	vld [tilespmem:s20+$0xFFFFFF90]  }
0x1ef: {  	[tilespmem:s20+$0xFFFFFF30] =	vst v5;
	v5 =	vmul.f32 v6, v10;
	v6 =	vld [tilespmem:s20+$0xFFFFFFA0]  }
0x1f0: {  	[tilespmem:s20+$0xFFFFFF40] =	vst v3;
	v3 =	vmul.f32 v11, v10;
	v11 =	vld [tilespmem:s20+$0xFFFFFFB0]  }
0x1f1: {  	[tilespmem:s20+$0xFFFFFF50] =	vst v5;
	v4 =	vmul.f32 v4, v10;
	v5 =	vld [tilespmem:s20+$0xFFFFFFC0]  }
0x1f2: {  	[tilespmem:s20+$0xFFFFFF60] =	vst v3;
	v3 =	vmul.f32 v7, v8;
	v10 =	vld [tilespmem:s20+$0xFFFFFFD0]  }
0x1f3: {  	[tilespmem:s20+$0xFFFFFF70] =	vst v4;
	v4 =	vmul.f32 v9, v8;
	v9 =	vld [tilespmem:s20+$0xFFFFFFE0]  }
0x1f4: {  	[tilespmem:s20+$0xFFFFFF80] =	vst v3;
	v3 =	vmul.f32 v6, v8;
	v12 =	vld [tilespmem:s20+$0xFFFFFFF0]  }
.Ltmp4:
0x1f5: {  	[tilespmem:s20+$0xFFFFFF90] =	vst v4;
	v4 =	vmul.f32 v11, v8;
	v7 =	vld [tilespmem:s20+$0x0];
	(pc) =	sbr.rel @p0 .LBB2_11-.Ltmp4, $4  }
0x1f6: {  	[tilespmem:s20+$0xFFFFFFA0] =	vst v3;
	v3 =	vmul.f32 v5, v8;
	v6 =	vld [tilespmem:s20+$0x10]  }
0x1f7: {  	[tilespmem:s20+$0xFFFFFFB0] =	vst v4;
	v4 =	vmul.f32 v10, v8;
	v5 =	vld [tilespmem:s20+$0x20]  }
0x1f8: {  	[tilespmem:s20+$0xFFFFFFC0] =	vst v3;
	v9 =	vmul.f32 v9, v8;
	v3 =	vld [tilespmem:s20+$0x30]  }
0x1f9: {  	[tilespmem:s20+$0xFFFFFFD0] =	vst v4;
	v8 =	vmul.f32 v12, v8;
	v4 =	vld [tilespmem:s20+$0x40]  }
0x1fa: {  	v10 =	vld [tilespmem:s20+$0x50];
	[tilespmem:s20+$0xFFFFFFE0] =	vst v9;
	v7 =	vmul.f32 v7, v1  }
0x1fb: {  	v9 =	vld [tilespmem:s20+$0x60];
	[tilespmem:s20+$0xFFFFFFF0] =	vst v8;
	v6 =	vmul.f32 v6, v1  }
0x1fc: {  	v8 =	vld [tilespmem:s20+$0x80];
	[tilespmem:s20+$0x0] =	vst v7;
	v5 =	vmul.f32 v5, v1  }
0x1fd: {  	v7 =	vld [tilespmem:s20+$0x90];
	[tilespmem:s20+$0x10] =	vst v6;
	v3 =	vmul.f32 v3, v1  }
0x1fe: {  	v6 =	vld [tilespmem:s20+$0xA0];
	[tilespmem:s20+$0x20] =	vst v5;
	v4 =	vmul.f32 v4, v1  }
0x1ff: {  	v5 =	vld [tilespmem:s20+$0xB0];
	v10 =	vmul.f32 v10, v1;
	[tilespmem:s20+$0x30] =	vst v3  }
0x200: {  	v11 =	vld [tilespmem:s20+$0xC0];
	v1 =	vmul.f32 v9, v1;
	[tilespmem:s20+$0x40] =	vst v4  }
0x201: {  	v3 =	vld [tilespmem:s20+$0xD0];
	v4 =	vmul.f32 v8, v2;
	[tilespmem:s20+$0x50] =	vst v10  }
0x202: {  	v8 =	vld [tilespmem:s20+$0xE0];
	v7 =	vmul.f32 v7, v2;
	[tilespmem:s21+$0x60] =	vst v1  }
0x203: {  	v9 =	vld [tilespmem:s20+$0xF0];
	v1 =	vmul.f32 v6, v2;
	[tilespmem:s21+$0x80] =	vst v4  }
0x204: {  	v4 =	vmul.f32 v5, v2;
	[tilespmem:s21+$0x90] =	vst v7  }
0x205: {  	v5 =	vmul.f32 v11, v2;
	[tilespmem:s21+$0xA0] =	vst v1  }
0x206: {  	v1 =	vmul.f32 v3, v2;
	[tilespmem:s21+$0xB0] =	vst v4  }
0x207: {  	s19 =	smul.u32 $0xA0, s19;
	v3 =	vmul.f32 v8, v2;
	[tilespmem:s21+$0xC0] =	vst v5  }
0x208: {  	v2 =	vmul.f32 v9, v2;
	[tilespmem:s21+$0xD0] =	vst v1  }
0x209: {  	p0 =	seq.s32 s16, $0x3D;
	s19 =	sshra.s32 s19, $0x2;
	[tilespmem:s21+$0xE0] =	vst v3  }
0x20a: {  	s19 =	sadd.s32 $0x15F90, s19;
	s20 =	smul.u32 @!p0 $0x280, s16;
	[tilespmem:s21+$0xF0] =	vst v2;
	s21 =	sadd.s32 $0xFFFFFFFC, s15  }
0x20b: {  	[spmem:s3] =	stream.indirect.scatter.add.f32 [tilespmem:s10], [sflag:$0x8], $0x80, s19, s5, $0xb8;
	[tilespmem:$0x1FDB0] =	vst v63  }
0x20c: {  	s23 =	simm.s32 @!p0 $0x1D5B0;
	s24 =	sadd.s32 $0xA6, s21;
	_ =	swait.ge [sflag:s26], $0x1400  }
0x20d: {  	s22 =	sadd.s32 $0xA4, s21;
	s19 =	sshra.s32 @!p0 s20, $0x2;
	[sflag:s26] =	ssyncset.done $0x0  }
0x20e: {  	v2 =	vmov s22;
	s20 =	sadd.s32 @!p0 $0x13970, s19;
	s22 =	simm.s32 @!p0 $0x28;
	[sflag:s26] =	ssyncadd.s32 $0xFFFFEC00  }
0x20f: {  	[tilespmem:s23], [sflag:$0x3] =	stream.indirect.gather @!p0 [hbm4b:s1+s22], $0x80, s20, s22, $0xb8;
	[tilespmem:$0x1FDB0] =	vst v63  }
0x210: {  	v1 =	vmov s24;
	v2 =	vand.u32 $0xFFFFFFFC, v2;
	_ =	swait.ge [sflag:s9], $0x1400  }
0x211: {  	v1 =	vand.u32 $0xFFFFFFFE, v1;
	v2 =	vbroadcast v2, $0x0;
	[sflag:s9] =	ssyncset.done $0x0  }
0x212: {  	v1 =	vbroadcast v1, $0x0;
	s20 =	simm.s32 $0x1AEB0;
	[sflag:s9] =	ssyncadd.s32 $0xFFFFEC00  }
0x213: {  	v3 =	vld [tilespmem:s20+$0x70]  }
0x214: {  	v5 =	vld [tilespmem:s20+$0xFFFFFF00]  }
0x215: {  	s25 =	sadd.s32 $0xA5, s21;
	v6 =	vld [tilespmem:s20+$0xFFFFFF10]  }
0x216: {  	v4 =	vmov s25;
	v7 =	vld [tilespmem:s20+$0xFFFFFF20]  }
0x217: {  	v4 =	vand.u32 $0xFFFFFFFD, v4;
	v2 =	vld.idx.msk [tilespmem:v2+s30+$0x0], $0xffff  }
0x218: {  	v4 =	vbroadcast v4, $0x0;
	v1 =	vld.idx.msk [tilespmem:v1+s30+$0x0], $0xffff  }
0x219: {  	v8 =	vld [tilespmem:s20+$0xFFFFFF30]  }
0x21a: {  	v9 =	vld [tilespmem:s20+$0xFFFFFF40]  }
0x21b: {  	v10 =	vld [tilespmem:s20+$0xFFFFFF50]  }
0x21c: {  	v11 =	vld [tilespmem:s20+$0xFFFFFF60];
	v5 =	vmul.f32 v5, v2  }
0x21d: {  	v13 =	vld [tilespmem:s20+$0xFFFFFFD0];
	v3 =	vmul.f32 v3, v1  }
0x21e: {  	v4 =	vld.idx.msk [tilespmem:v4+s30+$0x0], $0xffff;
	[tilespmem:s20+$0xFFFFFF00] =	vst v5;
	v5 =	vmul.f32 v6, v2  }
0x21f: {  	v6 =	vld [tilespmem:s20+$0xFFFFFF70];
	[tilespmem:s20+$0x70] =	vst v3;
	v3 =	vmul.f32 v7, v2  }
0x220: {  	s21 =	sadd.s32 $0xA7, s21;
	v7 =	vld [tilespmem:s20+$0xFFFFFF80];
	[tilespmem:s20+$0xFFFFFF10] =	vst v5;
	v5 =	vmul.f32 v8, v2  }
0x221: {  	v12 =	vmov s21;
	v8 =	vld [tilespmem:s20+$0xFFFFFF90];
	[tilespmem:s20+$0xFFFFFF20] =	vst v3;
	v3 =	vmul.f32 v9, v2  }
0x222: {  	v9 =	vld [tilespmem:s20+$0xFFFFFFA0];
	[tilespmem:s20+$0xFFFFFF30] =	vst v5;
	v5 =	vmul.f32 v10, v2  }
0x223: {  	v10 =	vld [tilespmem:s20+$0xFFFFFFB0];
	[tilespmem:s20+$0xFFFFFF40] =	vst v3;
	v3 =	vmul.f32 v11, v2  }
0x224: {  	v11 =	vld [tilespmem:s20+$0xFFFFFFC0];
	v6 =	vmul.f32 v6, v2;
	[tilespmem:s20+$0xFFFFFF50] =	vst v5  }
0x225: {  	v14 =	vld [tilespmem:s20+$0xFFFFFFE0];
	v5 =	vmul.f32 v7, v4;
	[tilespmem:s20+$0xFFFFFF60] =	vst v3  }
0x226: {  	v2 =	vld.idx.msk [tilespmem:v12+s30+$0x0], $0xffff;
	v3 =	vmul.f32 v8, v4;
	[tilespmem:s20+$0xFFFFFF70] =	vst v6  }
0x227: {  	v8 =	vld [tilespmem:s20+$0xFFFFFFF0];
	[tilespmem:s20+$0xFFFFFF80] =	vst v5;
	v5 =	vmul.f32 v9, v4  }
0x228: {  	v7 =	vld [tilespmem:s20+$0x0];
	[tilespmem:s20+$0xFFFFFF90] =	vst v3;
	v3 =	vmul.f32 v10, v4  }
0x229: {  	v6 =	vld [tilespmem:s20+$0x10];
	v9 =	vmul.f32 v11, v4;
	[tilespmem:s20+$0xFFFFFFA0] =	vst v5  }
0x22a: {  	v10 =	vmul.f32 v13, v4;
	v5 =	vld [tilespmem:s20+$0x20];
	[tilespmem:s20+$0xFFFFFFB0] =	vst v3  }
0x22b: {  	[tilespmem:s20+$0xFFFFFFC0] =	vst v9;
	v3 =	vld [tilespmem:s20+$0x30];
	v9 =	vmul.f32 v14, v4  }
0x22c: {  	s21 =	simm.s32 $0x1AEB0;
	s22 =	simm.s32 $0x0;
	[tilespmem:s20+$0xFFFFFFD0] =	vst v10;
	v8 =	vmul.f32 v8, v4;
	v4 =	vld [tilespmem:s20+$0x40]  }
.LBB2_13:
0x22d: {  	s23 =	sadd.s32 s22, s15;
	s22 =	sadd.s32 $0x4, s22;
	[tilespmem:s20+$0xFFFFFFE0] =	vst v9;
	v7 =	vmul.f32 v7, v1;
	v9 =	vld [tilespmem:s20+$0x50]  }
0x22e: {  	s24 =	sadd.s32 $0xA4, s23;
	s25 =	sadd.s32 $0xA6, s23;
	p1 =	slt.u32 s22, $0x24;
	[tilespmem:s20+$0xFFFFFFF0] =	vst v8;
	v6 =	vmul.f32 v6, v1;
	v8 =	vld [tilespmem:s20+$0x60]  }
0x22f: {  	v10 =	vmov s24;
	s24 =	sadd.s32 $0xA5, s23;
	v11 =	vmov s25;
	s23 =	sadd.s32 $0xA7, s23;
	[tilespmem:s20+$0x0] =	vst v7;
	v5 =	vmul.f32 v5, v1;
	v7 =	vld [tilespmem:s20+$0x80]  }
0x230: {  	v10 =	vand.u32 $0xFFFFFFFC, v10;
	v12 =	vmov s24;
	v11 =	vand.u32 $0xFFFFFFFE, v11;
	[tilespmem:s20+$0x10] =	vst v6;
	v6 =	vld [tilespmem:s20+$0x90]  }
0x231: {  	v10 =	vbroadcast v10, $0x0;
	v12 =	vand.u32 $0xFFFFFFFD, v12;
	v11 =	vbroadcast v11, $0x0;
	[tilespmem:s20+$0x20] =	vst v5;
	v5 =	vld [tilespmem:s20+$0xA0]  }
0x232: {  	v13 =	vmov s23;
	v3 =	vmul.f32 v3, v1;
	v12 =	vbroadcast v12, $0x0;
	v14 =	vld [tilespmem:s20+$0xB0]  }
0x233: {  	v4 =	vmul.f32 v4, v1;
	v9 =	vmul.f32 v9, v1;
	v15 =	vld [tilespmem:s20+$0xC0]  }
0x234: {  	[tilespmem:s20+$0x30] =	vst v3;
	v3 =	vmul.f32 v8, v1;
	v7 =	vmul.f32 v7, v2;
	v8 =	vld [tilespmem:s20+$0xD0]  }
0x235: {  	[tilespmem:s20+$0x40] =	vst v4;
	v4 =	vmul.f32 v6, v2;
	v6 =	vld [tilespmem:s20+$0xE0]  }
0x236: {  	[tilespmem:s20+$0x50] =	vst v9;
	v5 =	vmul.f32 v5, v2;
	v9 =	vld [tilespmem:s20+$0xF0]  }
0x237: {  	s20 =	sadd.s32 $0x200, s20;
	v1 =	vld.idx.msk [tilespmem:v11+s30+$0x0], $0xffff;
	[tilespmem:s21+$0x60] =	vst v3;
	v3 =	vmul.f32 v14, v2  }
0x238: {  	v11 =	vld [tilespmem:s20+$0x70];
	[tilespmem:s21+$0x80] =	vst v7;
	v7 =	vmul.f32 v15, v2  }
0x239: {  	v10 =	vld.idx.msk [tilespmem:v10+s30+$0x0], $0xffff;
	[tilespmem:s21+$0x90] =	vst v4;
	v4 =	vmul.f32 v8, v2  }
0x23a: {  	v8 =	vld.idx.msk [tilespmem:v12+s30+$0x0], $0xffff;
	[tilespmem:s21+$0xA0] =	vst v5;
	v5 =	vmul.f32 v6, v2  }
0x23b: {  	[tilespmem:s21+$0xB0] =	vst v3;
	v3 =	vmul.f32 v9, v2;
	v2 =	vld.idx.msk [tilespmem:v13+s30+$0x0], $0xffff  }
0x23c: {  	v6 =	vld [tilespmem:s20+$0xFFFFFF00];
	[tilespmem:s21+$0xC0] =	vst v7  }
0x23d: {  	v7 =	vld [tilespmem:s20+$0xFFFFFF10];
	v9 =	vmul.f32 v11, v1;
	[tilespmem:s21+$0xD0] =	vst v4  }
0x23e: {  	v4 =	vld [tilespmem:s20+$0xFFFFFF20];
	[tilespmem:s21+$0xE0] =	vst v5  }
0x23f: {  	v5 =	vld [tilespmem:s20+$0xFFFFFF30];
	[tilespmem:s20+$0x70] =	vst v9  }
0x240: {  	v9 =	vld [tilespmem:s20+$0xFFFFFF40];
	[tilespmem:s21+$0xF0] =	vst v3;
	s21 =	smov.u32 s20  }
0x241: {  	v3 =	vmul.f32 v6, v10;
	v6 =	vld [tilespmem:s20+$0xFFFFFF50]  }
0x242: {  	v7 =	vmul.f32 v7, v10;
	v11 =	vld [tilespmem:s20+$0xFFFFFF60]  }
0x243: {  	[tilespmem:s20+$0xFFFFFF00] =	vst v3;
	v3 =	vmul.f32 v4, v10;
	v4 =	vld [tilespmem:s20+$0xFFFFFF70]  }
0x244: {  	[tilespmem:s20+$0xFFFFFF10] =	vst v7;
	v5 =	vmul.f32 v5, v10;
	v7 =	vld [tilespmem:s20+$0xFFFFFF80]  }
0x245: {  	[tilespmem:s20+$0xFFFFFF20] =	vst v3;
	v3 =	vmul.f32 v9, v10;
	v9 =	vld [tilespmem:s20+$0xFFFFFF90]  }
0x246: {  	[tilespmem:s20+$0xFFFFFF30] =	vst v5;
	v5 =	vmul.f32 v6, v10;
	v6 =	vld [tilespmem:s20+$0xFFFFFFA0]  }
0x247: {  	[tilespmem:s20+$0xFFFFFF40] =	vst v3;
	v3 =	vmul.f32 v11, v10;
	v11 =	vld [tilespmem:s20+$0xFFFFFFB0]  }
0x248: {  	[tilespmem:s20+$0xFFFFFF50] =	vst v5;
	v4 =	vmul.f32 v4, v10;
	v5 =	vld [tilespmem:s20+$0xFFFFFFC0]  }
0x249: {  	[tilespmem:s20+$0xFFFFFF60] =	vst v3;
	v3 =	vmul.f32 v7, v8;
	v10 =	vld [tilespmem:s20+$0xFFFFFFD0]  }
0x24a: {  	[tilespmem:s20+$0xFFFFFF70] =	vst v4;
	v4 =	vmul.f32 v9, v8;
	v9 =	vld [tilespmem:s20+$0xFFFFFFE0]  }
0x24b: {  	[tilespmem:s20+$0xFFFFFF80] =	vst v3;
	v3 =	vmul.f32 v6, v8;
	v12 =	vld [tilespmem:s20+$0xFFFFFFF0]  }
.Ltmp5:
0x24c: {  	[tilespmem:s20+$0xFFFFFF90] =	vst v4;
	v4 =	vmul.f32 v11, v8;
	v7 =	vld [tilespmem:s20+$0x0];
	(pc) =	sbr.rel @p1 .LBB2_13-.Ltmp5, $4  }
0x24d: {  	[tilespmem:s20+$0xFFFFFFA0] =	vst v3;
	v3 =	vmul.f32 v5, v8;
	v6 =	vld [tilespmem:s20+$0x10]  }
0x24e: {  	[tilespmem:s20+$0xFFFFFFB0] =	vst v4;
	v4 =	vmul.f32 v10, v8;
	v5 =	vld [tilespmem:s20+$0x20]  }
0x24f: {  	[tilespmem:s20+$0xFFFFFFC0] =	vst v3;
	v9 =	vmul.f32 v9, v8;
	v3 =	vld [tilespmem:s20+$0x30]  }
0x250: {  	[tilespmem:s20+$0xFFFFFFD0] =	vst v4;
	v8 =	vmul.f32 v12, v8;
	v4 =	vld [tilespmem:s20+$0x40]  }
0x251: {  	v10 =	vld [tilespmem:s20+$0x50];
	[tilespmem:s20+$0xFFFFFFE0] =	vst v9;
	v7 =	vmul.f32 v7, v1  }
0x252: {  	v9 =	vld [tilespmem:s20+$0x60];
	[tilespmem:s20+$0xFFFFFFF0] =	vst v8;
	v6 =	vmul.f32 v6, v1  }
0x253: {  	v8 =	vld [tilespmem:s20+$0x80];
	[tilespmem:s20+$0x0] =	vst v7;
	v5 =	vmul.f32 v5, v1  }
0x254: {  	v7 =	vld [tilespmem:s20+$0x90];
	[tilespmem:s20+$0x10] =	vst v6;
	v3 =	vmul.f32 v3, v1  }
0x255: {  	v6 =	vld [tilespmem:s20+$0xA0];
	[tilespmem:s20+$0x20] =	vst v5;
	v4 =	vmul.f32 v4, v1  }
0x256: {  	v5 =	vld [tilespmem:s20+$0xB0];
	v10 =	vmul.f32 v10, v1;
	[tilespmem:s20+$0x30] =	vst v3  }
0x257: {  	v11 =	vld [tilespmem:s20+$0xC0];
	v1 =	vmul.f32 v9, v1;
	[tilespmem:s20+$0x40] =	vst v4  }
0x258: {  	v3 =	vld [tilespmem:s20+$0xD0];
	v4 =	vmul.f32 v8, v2;
	[tilespmem:s20+$0x50] =	vst v10  }
0x259: {  	v8 =	vld [tilespmem:s20+$0xE0];
	v7 =	vmul.f32 v7, v2;
	[tilespmem:s21+$0x60] =	vst v1  }
0x25a: {  	v9 =	vld [tilespmem:s20+$0xF0];
	v1 =	vmul.f32 v6, v2;
	[tilespmem:s21+$0x80] =	vst v4  }
0x25b: {  	v4 =	vmul.f32 v5, v2;
	[tilespmem:s21+$0x90] =	vst v7  }
0x25c: {  	v5 =	vmul.f32 v11, v2;
	[tilespmem:s21+$0xA0] =	vst v1  }
0x25d: {  	v1 =	vmul.f32 v3, v2;
	[tilespmem:s21+$0xB0] =	vst v4  }
0x25e: {  	v3 =	vmul.f32 v8, v2;
	[tilespmem:s21+$0xC0] =	vst v5  }
0x25f: {  	v2 =	vmul.f32 v9, v2;
	[tilespmem:s21+$0xD0] =	vst v1  }
0x260: {  	s25 =	sadd.s32 $0xFFFFFFFC, s15;
	[tilespmem:s21+$0xE0] =	vst v3  }
0x261: {  	s17 =	sadd.s32 $0x15F90, s17;
	s22 =	sadd.s32 $0xCE, s25;
	[tilespmem:s21+$0xF0] =	vst v2  }
0x262: {  	v1 =	vmov s22;
	[spmem:s3] =	stream.indirect.scatter.add.f32 [tilespmem:s31], [sflag:$0x5], $0x80, s17, s5, $0xb8;
	[tilespmem:$0x1FDB0] =	vst v63  }
0x263: {  	s23 =	sadd.s32 $0xCC, s25;
	v1 =	vand.u32 $0xFFFFFFFE, v1;
	_ =	swait.ge [sflag:s29], $0x1400  }
0x264: {  	v2 =	vmov s23;
	s21 =	simm.s32 @!p0 $0x1E9B0;
	v1 =	vbroadcast v1, $0x0;
	[sflag:s29] =	ssyncset.done $0x0  }
0x265: {  	s17 =	sadd.s32 @!p0 $0x13998, s19;
	s19 =	simm.s32 @!p0 $0x28;
	v2 =	vand.u32 $0xFFFFFFFC, v2;
	[sflag:s29] =	ssyncadd.s32 $0xFFFFEC00  }
0x266: {  	v2 =	vbroadcast v2, $0x0;
	[tilespmem:s21], [sflag:$0x4] =	stream.indirect.gather @!p0 [hbm4b:s1+s19], $0x80, s17, s19, $0xb8;
	[tilespmem:$0x1FDB0] =	vst v63  }
0x267: {  	_ =	swait.ge [sflag:s11], $0x1400  }
0x268: {  	[sflag:s11] =	ssyncset.done $0x0  }
0x269: {  	[sflag:s11] =	ssyncadd.s32 $0xFFFFEC00  }
0x26a: {  	s17 =	simm.s32 $0x1C2B0;
	v1 =	vld.idx.msk [tilespmem:v1+s30+$0x0], $0xffff  }
0x26b: {  	s24 =	sadd.s32 $0xCD, s25;
	v3 =	vld [tilespmem:s17+$0x70]  }
0x26c: {  	v4 =	vmov s24;
	v2 =	vld.idx.msk [tilespmem:v2+s30+$0x0], $0xffff  }
0x26d: {  	v4 =	vand.u32 $0xFFFFFFFD, v4;
	v5 =	vld [tilespmem:s17+$0xFFFFFF00]  }
0x26e: {  	v4 =	vbroadcast v4, $0x0;
	v6 =	vld [tilespmem:s17+$0xFFFFFF10]  }
0x26f: {  	v7 =	vld [tilespmem:s17+$0xFFFFFF20]  }
0x270: {  	v8 =	vld [tilespmem:s17+$0xFFFFFF30]  }
0x271: {  	v9 =	vld [tilespmem:s17+$0xFFFFFF40]  }
0x272: {  	v10 =	vld [tilespmem:s17+$0xFFFFFF50]  }
0x273: {  	v11 =	vld [tilespmem:s17+$0xFFFFFF60];
	v5 =	vmul.f32 v5, v2  }
0x274: {  	v4 =	vld.idx.msk [tilespmem:v4+s30+$0x0], $0xffff;
	v3 =	vmul.f32 v3, v1  }
0x275: {  	v13 =	vld [tilespmem:s17+$0xFFFFFFD0];
	[tilespmem:s17+$0xFFFFFF00] =	vst v5;
	v5 =	vmul.f32 v6, v2  }
0x276: {  	v6 =	vld [tilespmem:s17+$0xFFFFFF70];
	[tilespmem:s17+$0x70] =	vst v3;
	v3 =	vmul.f32 v7, v2  }
0x277: {  	s25 =	sadd.s32 $0xCF, s25;
	v7 =	vld [tilespmem:s17+$0xFFFFFF80];
	[tilespmem:s17+$0xFFFFFF10] =	vst v5;
	v5 =	vmul.f32 v8, v2  }
0x278: {  	v12 =	vmov s25;
	v8 =	vld [tilespmem:s17+$0xFFFFFF90];
	[tilespmem:s17+$0xFFFFFF20] =	vst v3;
	v3 =	vmul.f32 v9, v2  }
0x279: {  	v9 =	vld [tilespmem:s17+$0xFFFFFFA0];
	[tilespmem:s17+$0xFFFFFF30] =	vst v5;
	v5 =	vmul.f32 v10, v2  }
0x27a: {  	v10 =	vld [tilespmem:s17+$0xFFFFFFB0];
	[tilespmem:s17+$0xFFFFFF40] =	vst v3;
	v3 =	vmul.f32 v11, v2  }
0x27b: {  	v11 =	vld [tilespmem:s17+$0xFFFFFFC0];
	v6 =	vmul.f32 v6, v2;
	[tilespmem:s17+$0xFFFFFF50] =	vst v5  }
0x27c: {  	v14 =	vld [tilespmem:s17+$0xFFFFFFE0];
	v5 =	vmul.f32 v7, v4;
	[tilespmem:s17+$0xFFFFFF60] =	vst v3  }
0x27d: {  	v2 =	vld.idx.msk [tilespmem:v12+s30+$0x0], $0xffff;
	v3 =	vmul.f32 v8, v4;
	[tilespmem:s17+$0xFFFFFF70] =	vst v6  }
0x27e: {  	v8 =	vld [tilespmem:s17+$0xFFFFFFF0];
	[tilespmem:s17+$0xFFFFFF80] =	vst v5;
	v5 =	vmul.f32 v9, v4  }
0x27f: {  	v7 =	vld [tilespmem:s17+$0x0];
	[tilespmem:s17+$0xFFFFFF90] =	vst v3;
	v3 =	vmul.f32 v10, v4  }
0x280: {  	v6 =	vld [tilespmem:s17+$0x10];
	v9 =	vmul.f32 v11, v4;
	[tilespmem:s17+$0xFFFFFFA0] =	vst v5  }
0x281: {  	v10 =	vmul.f32 v13, v4;
	v5 =	vld [tilespmem:s17+$0x20];
	[tilespmem:s17+$0xFFFFFFB0] =	vst v3  }
0x282: {  	[tilespmem:s17+$0xFFFFFFC0] =	vst v9;
	v3 =	vld [tilespmem:s17+$0x30];
	v9 =	vmul.f32 v14, v4  }
0x283: {  	s20 =	simm.s32 $0x0;
	s19 =	simm.s32 $0x1C2B0;
	[tilespmem:s17+$0xFFFFFFD0] =	vst v10;
	v8 =	vmul.f32 v8, v4;
	v4 =	vld [tilespmem:s17+$0x40]  }
.LBB2_15:
0x284: {  	s21 =	sadd.s32 s20, s15;
	s20 =	sadd.s32 $0x4, s20;
	[tilespmem:s17+$0xFFFFFFE0] =	vst v9;
	v7 =	vmul.f32 v7, v1;
	v9 =	vld [tilespmem:s17+$0x50]  }
0x285: {  	s22 =	sadd.s32 $0xCC, s21;
	s23 =	sadd.s32 $0xCE, s21;
	p0 =	slt.u32 s20, $0x24;
	[tilespmem:s17+$0xFFFFFFF0] =	vst v8;
	v6 =	vmul.f32 v6, v1;
	v8 =	vld [tilespmem:s17+$0x60]  }
0x286: {  	v10 =	vmov s22;
	s22 =	sadd.s32 $0xCD, s21;
	v11 =	vmov s23;
	s21 =	sadd.s32 $0xCF, s21;
	[tilespmem:s17+$0x0] =	vst v7;
	v5 =	vmul.f32 v5, v1;
	v7 =	vld [tilespmem:s17+$0x80]  }
0x287: {  	v10 =	vand.u32 $0xFFFFFFFC, v10;
	v12 =	vmov s22;
	v11 =	vand.u32 $0xFFFFFFFE, v11;
	[tilespmem:s17+$0x10] =	vst v6;
	v6 =	vld [tilespmem:s17+$0x90]  }
0x288: {  	v10 =	vbroadcast v10, $0x0;
	v12 =	vand.u32 $0xFFFFFFFD, v12;
	v11 =	vbroadcast v11, $0x0;
	[tilespmem:s17+$0x20] =	vst v5;
	v5 =	vld [tilespmem:s17+$0xA0]  }
0x289: {  	v13 =	vmov s21;
	v3 =	vmul.f32 v3, v1;
	v12 =	vbroadcast v12, $0x0;
	v14 =	vld [tilespmem:s17+$0xB0]  }
0x28a: {  	v4 =	vmul.f32 v4, v1;
	v9 =	vmul.f32 v9, v1;
	v15 =	vld [tilespmem:s17+$0xC0]  }
0x28b: {  	[tilespmem:s17+$0x30] =	vst v3;
	v3 =	vmul.f32 v8, v1;
	v7 =	vmul.f32 v7, v2;
	v8 =	vld [tilespmem:s17+$0xD0]  }
0x28c: {  	[tilespmem:s17+$0x40] =	vst v4;
	v4 =	vmul.f32 v6, v2;
	v6 =	vld [tilespmem:s17+$0xE0]  }
0x28d: {  	[tilespmem:s17+$0x50] =	vst v9;
	v5 =	vmul.f32 v5, v2;
	v9 =	vld [tilespmem:s17+$0xF0]  }
0x28e: {  	s17 =	sadd.s32 $0x200, s17;
	v1 =	vld.idx.msk [tilespmem:v11+s30+$0x0], $0xffff;
	[tilespmem:s19+$0x60] =	vst v3;
	v3 =	vmul.f32 v14, v2  }
0x28f: {  	v11 =	vld [tilespmem:s17+$0x70];
	[tilespmem:s19+$0x80] =	vst v7;
	v7 =	vmul.f32 v15, v2  }
0x290: {  	v10 =	vld.idx.msk [tilespmem:v10+s30+$0x0], $0xffff;
	[tilespmem:s19+$0x90] =	vst v4;
	v4 =	vmul.f32 v8, v2  }
0x291: {  	v8 =	vld.idx.msk [tilespmem:v12+s30+$0x0], $0xffff;
	[tilespmem:s19+$0xA0] =	vst v5;
	v5 =	vmul.f32 v6, v2  }
0x292: {  	[tilespmem:s19+$0xB0] =	vst v3;
	v3 =	vmul.f32 v9, v2;
	v2 =	vld.idx.msk [tilespmem:v13+s30+$0x0], $0xffff  }
0x293: {  	v6 =	vld [tilespmem:s17+$0xFFFFFF00];
	[tilespmem:s19+$0xC0] =	vst v7  }
0x294: {  	v7 =	vld [tilespmem:s17+$0xFFFFFF10];
	v9 =	vmul.f32 v11, v1;
	[tilespmem:s19+$0xD0] =	vst v4  }
0x295: {  	v4 =	vld [tilespmem:s17+$0xFFFFFF20];
	[tilespmem:s19+$0xE0] =	vst v5  }
0x296: {  	v5 =	vld [tilespmem:s17+$0xFFFFFF30];
	[tilespmem:s17+$0x70] =	vst v9  }
0x297: {  	v9 =	vld [tilespmem:s17+$0xFFFFFF40];
	[tilespmem:s19+$0xF0] =	vst v3;
	s19 =	smov.u32 s17  }
0x298: {  	v3 =	vmul.f32 v6, v10;
	v6 =	vld [tilespmem:s17+$0xFFFFFF50]  }
0x299: {  	v7 =	vmul.f32 v7, v10;
	v11 =	vld [tilespmem:s17+$0xFFFFFF60]  }
0x29a: {  	[tilespmem:s17+$0xFFFFFF00] =	vst v3;
	v3 =	vmul.f32 v4, v10;
	v4 =	vld [tilespmem:s17+$0xFFFFFF70]  }
0x29b: {  	[tilespmem:s17+$0xFFFFFF10] =	vst v7;
	v5 =	vmul.f32 v5, v10;
	v7 =	vld [tilespmem:s17+$0xFFFFFF80]  }
0x29c: {  	[tilespmem:s17+$0xFFFFFF20] =	vst v3;
	v3 =	vmul.f32 v9, v10;
	v9 =	vld [tilespmem:s17+$0xFFFFFF90]  }
0x29d: {  	[tilespmem:s17+$0xFFFFFF30] =	vst v5;
	v5 =	vmul.f32 v6, v10;
	v6 =	vld [tilespmem:s17+$0xFFFFFFA0]  }
0x29e: {  	[tilespmem:s17+$0xFFFFFF40] =	vst v3;
	v3 =	vmul.f32 v11, v10;
	v11 =	vld [tilespmem:s17+$0xFFFFFFB0]  }
0x29f: {  	[tilespmem:s17+$0xFFFFFF50] =	vst v5;
	v4 =	vmul.f32 v4, v10;
	v5 =	vld [tilespmem:s17+$0xFFFFFFC0]  }
0x2a0: {  	[tilespmem:s17+$0xFFFFFF60] =	vst v3;
	v3 =	vmul.f32 v7, v8;
	v10 =	vld [tilespmem:s17+$0xFFFFFFD0]  }
0x2a1: {  	[tilespmem:s17+$0xFFFFFF70] =	vst v4;
	v4 =	vmul.f32 v9, v8;
	v9 =	vld [tilespmem:s17+$0xFFFFFFE0]  }
0x2a2: {  	[tilespmem:s17+$0xFFFFFF80] =	vst v3;
	v3 =	vmul.f32 v6, v8;
	v12 =	vld [tilespmem:s17+$0xFFFFFFF0]  }
.Ltmp6:
0x2a3: {  	[tilespmem:s17+$0xFFFFFF90] =	vst v4;
	v4 =	vmul.f32 v11, v8;
	v7 =	vld [tilespmem:s17+$0x0];
	(pc) =	sbr.rel @p0 .LBB2_15-.Ltmp6, $4  }
0x2a4: {  	[tilespmem:s17+$0xFFFFFFA0] =	vst v3;
	v3 =	vmul.f32 v5, v8;
	v6 =	vld [tilespmem:s17+$0x10]  }
0x2a5: {  	[tilespmem:s17+$0xFFFFFFB0] =	vst v4;
	v4 =	vmul.f32 v10, v8;
	v5 =	vld [tilespmem:s17+$0x20]  }
0x2a6: {  	[tilespmem:s17+$0xFFFFFFC0] =	vst v3;
	v9 =	vmul.f32 v9, v8;
	v3 =	vld [tilespmem:s17+$0x30]  }
0x2a7: {  	[tilespmem:s17+$0xFFFFFFD0] =	vst v4;
	v8 =	vmul.f32 v12, v8;
	v4 =	vld [tilespmem:s17+$0x40]  }
0x2a8: {  	v10 =	vld [tilespmem:s17+$0x50]  }
0x2a9: {  	[tilespmem:s17+$0xFFFFFFE0] =	vst v9;
	v7 =	vmul.f32 v7, v1;
	v54 =	vld [tilespmem:s17+$0x60]  }
0x2aa: {  	v55 =	vld [tilespmem:s17+$0x80];
	[tilespmem:s17+$0xFFFFFFF0] =	vst v8;
	v6 =	vmul.f32 v6, v1  }
0x2ab: {  	v56 =	vld [tilespmem:s17+$0x90];
	[tilespmem:s17+$0x0] =	vst v7;
	v5 =	vmul.f32 v5, v1  }
0x2ac: {  	v57 =	vld [tilespmem:s17+$0xA0];
	[tilespmem:s17+$0x10] =	vst v6;
	v3 =	vmul.f32 v3, v1  }
0x2ad: {  	v58 =	vld [tilespmem:s17+$0xB0];
	[tilespmem:s17+$0x20] =	vst v5;
	v4 =	vmul.f32 v4, v1  }
0x2ae: {  	v11 =	vld [tilespmem:s17+$0xC0];
	v10 =	vmul.f32 v10, v1;
	[tilespmem:s17+$0x30] =	vst v3  }
0x2af: {  	v60 =	vld [tilespmem:s17+$0xE0];
	v59 =	vmul.f32 v55, v2;
	[tilespmem:s17+$0x40] =	vst v4  }
0x2b0: {  	v3 =	vld [tilespmem:s17+$0xD0];
	v7 =	vmul.f32 v56, v2;
	[tilespmem:s17+$0x50] =	vst v10  }
0x2b1: {  	v61 =	vld [tilespmem:s17+$0xF0];
	v1 =	vmul.f32 v54, v1;
	[tilespmem:s19+$0x80] =	vst v59  }
0x2b2: {  	v62 =	vmul.f32 v58, v2;
	[tilespmem:s19+$0x90] =	vst v7  }
0x2b3: {  	[tilespmem:s19+$0x60] =	vst v1;
	v1 =	vmul.f32 v57, v2  }
0x2b4: {  	s16 =	sadd.s32 $0x1, s16;
	v63 =	vmul.f32 v11, v2;
	[tilespmem:s19+$0xB0] =	vst v62  }
0x2b5: {  	p0 =	sne.s32 s16, $0x3E;
	[tilespmem:s19+$0xA0] =	vst v1;
	v1 =	vmul.f32 v3, v2  }
.Ltmp7:
0x2b6: {  	[tilespmem:s19+$0xC0] =	vst v63;
	v3 =	vmul.f32 v60, v2;
	(pc) =	sbr.rel @p0 .LBB2_8-.Ltmp7, $4  }
0x2b7: {  	v2 =	vmul.f32 v61, v2;
	[tilespmem:s19+$0xD0] =	vst v1  }
0x2b8: {  	[tilespmem:s19+$0xE0] =	vst v3  }
0x2b9: {  	s25 =	sadd.s32 $0x15F90, s18;
	s15 =	sadd.s32 $0xA0, s15;
	[tilespmem:s19+$0xF0] =	vst v2  }
0x2ba: {  	[spmem:s3] =	stream.indirect.scatter.add.f32 [tilespmem:s6], [sflag:$0x6], $0x80, s25, s5, $0xb8;
	[tilespmem:$0x1FDB0] =	vst v63  }
0x2bb: {  	_ =	swait.ge [sflag:s0], $0x1400  }
0x2bc: {  	[sflag:s0] =	ssyncset.done $0x0  }
0x2bd: {  	[sflag:s0] =	ssyncadd.s32 $0xFFFFEC00  }
0x2be: {  	_ =	swait.ge [sflag:s2], $0x1400  }
0x2bf: {  	[sflag:s2] =	ssyncset.done $0x0  }
0x2c0: {  	s15 =	stileid.u32;
	[sflag:s2] =	ssyncadd.s32 $0xFFFFEC00  }
0x2c1: {  	s15 =	sshll.u32 s15, $0x6;
	[bflag:$0x0] =	sbarrier.arrive $0xFFFF  }
0x2c2: {  	s16 =	sshrl.u32 s8, $0x3;
	s15 =	sor.u32 $0x1C09, s15;
	s17 =	rddreg [dreg:$0x17]  }
0x2c3: {  	[hbm:s17], [sflag:s15] =	dma.local [spmem:s16], $0x2710  }
0x2c4: {  	_ =	swait.ge [sflag:s28], $0x2710  }
0x2c5: {  	s14 =	sadd.s32 $0x1, s14;
	s25 =	rddreg [dreg:$0x18]  }
0x2c6: {  	p0 =	sne.s32 s14, s25  }
.Ltmp8:
0x2c7: {  	_ = 	snop;
	(pc) =	sbr.rel @p0 .LBB2_1-.Ltmp8, $3  }
0x2c8: {  	_ =	sdelay $0x1  }
0x2c9: {  	[sflag:s28] =	ssyncset.done $0x0  }
0x2ca: {  	s20 =	simm.s32 $0x15F90;
	s17 =	simm.s32 $0x13880;
	[sflag:s28] =	ssyncadd.s32 $0xFFFFD8F0  }
0x2cb: {  	_ =	sfence.sel $0x180000  }
0x2cc: {  	[bflag:$0x0] =	sbarrier.arrive $0xFFFF  }
0x2cd: {  	_ =	strace $0x90000047  }
0x2ce: {  	s0 =	stileid.u32;
	[bflag:$0x2] =	sbarrier.arrive $0xFFFF  }
0x2cf: {  	p0 =	sne.s32 s0, $0x0;
	s0 =	rddreg [dreg:$0x4]  }
0x2d0: {  	s0 =	sadd.s32 @!p0 $0x100000, s0  }
0x2d1: {  	[sflag:s0] =	ssyncadd.tile.s32 @!p0 $0x1;
	_ =	shalt  }
.Lfunc_end2:
_tile_overlayer_lowered:
.L_overlay_start_2:
0x2d2: {  	(tag) =	ssettag $0x2  }
0x2d3: {  	s0 =	rddreg [dreg:$0x0];
	s2 =	stileid.u32  }
0x2d4: {  	s1 =	rddreg [dreg:$0x1];
	p0 =	sne.s32 s2, $0x0  }
0x2d5: {  	s3 =	rddreg [dreg:$0x2];
	[bflag:$0x3] =	sbarrier.arrive $0xFFFF;
	s2 =	simm.s32 @!p0 $0x1C09  }
0x2d6: {  	[timem:s3], [sflag:s2] =	dma.local @!p0 [hbm:s0], s1  }
0x2d7: {  	s0 =	simm.s32 @!p0 $0x9  }
0x2d8: {  	_ =	swait.ge @!p0 [sflag:s0], s1  }
0x2d9: {  	s1 =	ssub.s32 @!p0 $0x0, s1;
	[sflag:s0] =	ssyncset.done @!p0 $0x0  }
0x2da: {  	[sflag:s0] =	ssyncadd.s32 @!p0 s1  }
0x2db: {  	[bflag:$0x3] =	sbarrier.arrive $0xFFFF  }
0x2dc: {  	_ =	shalt  }

// kernel: kernel.9.cloned.1.call-start
scs
__scs_entry_jumppad:
0x0: {  	(pc) =	sbr.rel $0x88, $3  }
0x1: {  	(tag) =	ssettag $0x0;
	lr =	simm.s32 $0x1  }
0x2: {  	[smem:$0x3F9A] =	sst lr;
	_ =	strace $0xD0000000  }
0x3: {  	_ = 	snop  }
0x4: {  	_ = 	snop  }
0x5: {  	_ = 	snop  }
0x6: {  	_ = 	snop  }
0x7: {  	_ = 	snop  }
__scs_overlays_trampoline_lowered:
0x8: {  	[smem:$0x3FA9] =	sst s0  }
0x9: {  	[smem:$0x3FAA] =	sst s1  }
0xa: {  	[smem:$0x3FAB] =	sst s2  }
0xb: {  	[smem:$0x3FAC] =	sst s3  }
0xc: {  	[smem:$0x3FAD] =	sst s4  }
0xd: {  	[smem:$0x3FAE] =	sst s5  }
0xe: {  	[smem:$0x3FAF] =	sst s6  }
0xf: {  	[smem:$0x3FB0] =	sst s7  }
0x10: {  	[smem:$0x3FB1] =	sst s8  }
0x11: {  	[smem:$0x3FB2] =	sst s9;
	s0 =	simm.s32 @!p0 $0x0  }
0x12: {  	s1 =	sld [smem:$0x3F98];
	s0 =	simm.s32 @p0 $0x1  }
0x13: {  	[smem:$0x3FB3] =	sst s0;
	s0 =	simm.s32 @!p1 $0x0  }
0x14: {  	s2 =	sld [smem:$0x3F97];
	s0 =	simm.s32 @p1 $0x1  }
0x15: {  	[smem:$0x3FB4] =	sst s0;
	s0 =	simm.s32 @!p2 $0x0  }
0x16: {  	s3 =	sld [smem:$0x3FDB];
	s0 =	simm.s32 @p2 $0x1  }
0x17: {  	s4 =	simm.s32 $0x1BF5;
	[smem:$0x3FB6] =	sst s0  }
0x18: {  	s0 =	sld [smem:$0x3F99];
	_ =	swait.ge [sflag:s4], $0x0  }
0x19: {  	s7 =	sld [smem:$0x3F9A]  }
0x1a: {  	s8 =	sadd.s32 $0xFFFFE003, lr  }
0x1b: {  	s9 =	sadd.s32 $0xFFFFFEF7, lr;
	s5 =	simm.s32 $0xFFFFFFFF;
	p2 =	slt.u32 s8, $0xFFFFF086  }
0x1c: {  	p1 =	slt.u32 s9, $0xF7A;
	s5 =	simm.s32 @!p2 $0x0  }
0x1d: {  	s5 =	simm.s32 @p1 $0x1;
	p0 =	seq.s32 s7, s2  }
0x1e: {  	s7 =	smul.u32 @!p0 $0xF7A, s2;
	p2 =	seq.s32 @!p0 s5, $0x0  }
0x1f: {  	s9 =	smul.u32 $0xF7A, s1;
	s8 =	simm.s32 @!p0 $0x1BF5;
	p2 =	por !p2, p0  }
0x20: {  	[sflag:s8] =	ssyncset.s32 @!p0 $0xFFFFF086;
	s6 =	sadd.s32 @!p0 s3, s7;
	s7 =	simm.s32 @!p0 $0x108  }
0x21: {  	s3 =	sadd.s32 s3, s9;
	s6 =	sadd.s32 @!p0 $0x88, s6;
	s7 =	simm.s32 @p2 $0x1082  }
0x22: {  	[simem:s7], [sflag:s8] =	dma.local @!p0 [hbm:s6], $0xF7A  }
0x23: {  	s9 =	sor.u32 $0xD0000000, s2;
	s6 =	simm.s32 $0x108;
	_ =	swait.ge @!p0 [sflag:s8], $0x0  }
0x24: {  	s3 =	sadd.s32 $0x88, s3;
	s6 =	simm.s32 @!p1 $0x1082;
	[sflag:s4] =	ssyncset.s32 $0xFFFFF086  }
0x25: {  	[simem:s6], [sflag:s4] =	dma.local [hbm:s3], $0xF7A  }
0x26: {  	[smem:$0x3F9A] =	sst s1;
	(tag) =	ssettag s2;
	_ =	strace s9  }
0x27: {  	s1 =	sld [smem:$0x3FAA]  }
0x28: {  	s2 =	sld [smem:$0x3FAB]  }
0x29: {  	s4 =	sld [smem:$0x3FAD]  }
0x2a: {  	p0 =	seq.s32 s5, $0x0;
	s5 =	sld [smem:$0x3FAE]  }
0x2b: {  	s6 =	sld [smem:$0x3FAF]  }
0x2c: {  	s7 =	sld [smem:$0x3FB0]  }
0x2d: {  	s3 =	simm.s32 $0x108;
	s8 =	sld [smem:$0x3FB1]  }
0x2e: {  	s3 =	simm.s32 @!p0 $0x1082;
	s9 =	sld [smem:$0x3FB2]  }
0x2f: {  	lr =	sadd.s32 s0, s3;
	s0 =	sld [smem:$0x3FA9]  }
0x30: {  	s3 =	sld [smem:$0x3FAC]  }
0x31: {  	[smem:$0x3FB5] =	sst s10  }
0x32: {  	s10 =	sld [smem:$0x3FB3];
	_ =	sdelay $0x3  }
0x33: {  	p0 =	seq.s32 s10, $0x1;
	s10 =	sld [smem:$0x3FB5];
	_ =	sdelay $0x3  }
0x34: {  	[smem:$0x3FB5] =	sst s10  }
0x35: {  	s10 =	sld [smem:$0x3FB4];
	_ =	sdelay $0x3  }
0x36: {  	p1 =	seq.s32 s10, $0x1;
	s10 =	sld [smem:$0x3FB5];
	_ =	sdelay $0x3  }
0x37: {  	[smem:$0x3FB5] =	sst s10  }
0x38: {  	s10 =	sld [smem:$0x3FB6]  }
0x39: {  	_ = 	snop;
	(pc) =	sbr.ind lr, $3  }
0x3a: {  	_ = 	snop  }
0x3b: {  	_ = 	snop  }
0x3c: {  	p2 =	seq.s32 s10, $0x1;
	s10 =	sld [smem:$0x3FB5]  }
0x3d: {  	_ =	shalt  }
0x3e: {  	_ =	shalt  }
0x3f: {  	_ =	shalt  }
0x40: {  	_ =	shalt  }
0x41: {  	_ =	shalt  }
0x42: {  	_ =	shalt  }
0x43: {  	_ =	shalt  }
0x44: {  	_ =	shalt  }
0x45: {  	_ =	shalt  }
0x46: {  	_ =	shalt  }
0x47: {  	_ =	shalt  }
0x48: {  	_ =	shalt  }
0x49: {  	_ =	shalt  }
0x4a: {  	_ =	shalt  }
0x4b: {  	_ =	shalt  }
0x4c: {  	_ =	shalt  }
0x4d: {  	_ =	shalt  }
0x4e: {  	_ =	shalt  }
0x4f: {  	_ =	shalt  }
0x50: {  	_ =	shalt  }
0x51: {  	_ =	shalt  }
0x52: {  	_ =	shalt  }
0x53: {  	_ =	shalt  }
0x54: {  	_ =	shalt  }
0x55: {  	_ =	shalt  }
0x56: {  	_ =	shalt  }
0x57: {  	_ =	shalt  }
0x58: {  	_ =	shalt  }
0x59: {  	_ =	shalt  }
0x5a: {  	_ =	shalt  }
0x5b: {  	_ =	shalt  }
0x5c: {  	_ =	shalt  }
0x5d: {  	_ =	shalt  }
0x5e: {  	_ =	shalt  }
0x5f: {  	_ =	shalt  }
0x60: {  	_ =	shalt  }
0x61: {  	_ =	shalt  }
0x62: {  	_ =	shalt  }
0x63: {  	_ =	shalt  }
0x64: {  	_ =	shalt  }
0x65: {  	_ =	shalt  }
0x66: {  	_ =	shalt  }
0x67: {  	_ =	shalt  }
0x68: {  	_ =	shalt  }
0x69: {  	_ =	shalt  }
0x6a: {  	_ =	shalt  }
0x6b: {  	_ =	shalt  }
0x6c: {  	_ =	shalt  }
0x6d: {  	_ =	shalt  }
0x6e: {  	_ =	shalt  }
0x6f: {  	_ =	shalt  }
0x70: {  	_ =	shalt  }
0x71: {  	_ =	shalt  }
0x72: {  	_ =	shalt  }
0x73: {  	_ =	shalt  }
0x74: {  	_ =	shalt  }
0x75: {  	_ =	shalt  }
0x76: {  	_ =	shalt  }
0x77: {  	_ =	shalt  }
0x78: {  	_ =	shalt  }
0x79: {  	_ =	shalt  }
0x7a: {  	_ =	shalt  }
0x7b: {  	_ =	shalt  }
0x7c: {  	_ =	shalt  }
0x7d: {  	_ =	shalt  }
0x7e: {  	_ =	shalt  }
0x7f: {  	_ =	shalt  }
0x80: {  	_ =	shalt  }
0x81: {  	_ =	shalt  }
0x82: {  	_ =	shalt  }
0x83: {  	_ =	shalt  }
0x84: {  	_ =	shalt  }
0x85: {  	_ =	shalt  }
0x86: {  	_ =	shalt  }
0x87: {  	_ =	shalt  }
.Lfunc_end0:
.L_simem_size_0:
called_computation.1_lowered:
.L_overlay_start_0:
0x88: {  	s2 =	sld [smem:$0x3FD9]  }
0x89: {  	s3 =	sld [smem:$0x3FFE];
	_ =	sdelay $0x1  }
0x8a: {  	s1 =	srdreg.scid  }
0x8b: {  	s0 =	sand.u32 $0x1, s1  }
0x8c: {  	s17 =	sshll.u32 s0, $0xA;
	s2 =	sadd.s32 s3, s2  }
0x8d: {  	s2 =	sadd.s32 s2, s17  }
0x8e: {  	[smem:$0x3FC1] =	sst s2  }
0x8f: {  	_ = 	snop  }
0x90: {  	s2 =	sld [smem:$0x3FC7]  }
0x91: {  	s18 =	sld [smem:$0x3FD0];
	(tm) =	ssettm $0x1  }
0x92: {  	s4 =	sld [smem:$0x3FFB];
	_ =	sdelay $0x3  }
0x93: {  	_ =	strace s4  }
0x94: {  	s4 =	sld [smem:$0x3FFC];
	_ =	sdelay $0x3  }
0x95: {  	_ =	strace s4  }
0x96: {  	s4 =	sld [smem:$0x3FFD];
	_ =	sdelay $0x3  }
0x97: {  	_ =	strace s4  }
0x98: {  	_ =	strace $0x8FFFFFFF  }
0x99: {  	s19 =	sld [smem:$0x3FDB];
	_ =	sdelay $0x1  }
0x9a: {  	s5 =	simm.s32 $_scs_section_size  }
0x9b: {  	s6 =	simm.s32 $_size__tile_overlayer_lowered;
	s7 =	simm.s32 $_tile_overlayer_lowered  }
0x9c: {  	s22 =	simm.s32 $0x1BFF;
	s21 =	sshll.u32 s7, $0x1;
	s4 =	sadd.s32 s5, s19  }
0x9d: {  	s8 =	simm.s32 $0x0;
	s20 =	sshll.u32 s6, $0x1;
	s6 =	sadd.s32 s21, s4  }
0x9e: {  	[timem:s8], [sflag:s22] =	dma.local [hbm:s6], s20  }
0x9f: {  	_ =	swait.ge [sflag:s22], s20  }
0xa0: {  	s5 =	ssub.s32 $0x0, s20;
	[sflag:s22] =	ssyncset.done $0x0  }
0xa1: {  	[sflag:s22] =	ssyncadd.s32 s5;
	_ =	sdelay $0x1  }
0xa2: {  	s23 =	simm.s32 $0x1B8B  }
0xa3: {  	_ =	swait.ge [sflag:s23], $0x1  }
0xa4: {  	[sflag:s23] =	ssyncset.done $0x0  }
0xa5: {  	s25 =	simm.s32 $0x1B8E;
	s24 =	sld [smem:$0x3FFE];
	[sflag:s23] =	ssyncadd.s32 $0xFFFFFFFF  }
0xa6: {  	s26 =	simm.s32 $execute0_lowered;
	[smem:$0x3FD2] =	sst s25  }
0xa7: {  	s6 =	sshll.u32 s26, $0x1;
	_ =	strace $0x80000049;
	[dreg:$0x1] =	wrdreg $0xFFFFFFFF  }
0xa8: {  	s28 =	simm.s32 $_size_execute0_lowered;
	s4 =	sadd.s32 s4, s6;
	[dreg:$0x0] =	wrdreg $0x0  }
0xa9: {  	s6 =	sshll.u32 s28, $0x1;
	[dreg:$0x2] =	wrdreg s4  }
0xaa: {  	[dreg:$0x3] =	wrdreg s6  }
0xab: {  	[dreg:$0x4] =	wrdreg $0xC0  }
0xac: {  	_ =	task [dreg:s8], $0x5FFFF  }
0xad: {  	[dreg:$0x1] =	wrdreg $0xFFFFFFFF  }
0xae: {  	[dreg:$0x0] =	wrdreg $0x60  }
0xaf: {  	[dreg:$0x2] =	wrdreg s24  }
0xb0: {  	[dreg:$0x3] =	wrdreg s2  }
0xb1: {  	[dreg:$0x4] =	wrdreg s18  }
0xb2: {  	[dreg:$0x5] =	wrdreg $0x0  }
0xb3: {  	[dreg:$0x6] =	wrdreg $0x9  }
0xb4: {  	_ =	task.clear_ibuf [dreg:s8], $0x7FFFF;
	_ =	strace $0x90000049  }
0xb5: {  	s29 =	simm.s32 $0x9;
	_ =	strace $0x8000004B  }
0xb6: {  	_ =	swait.ge [sflag:s29], $0x1  }
0xb7: {  	[sflag:s29] =	ssyncadd.s32 $0xFFFFFFFF  }
0xb8: {  	_ =	strace $0x9000004B  }
0xb9: {  	_ =	sfence  }
0xba: {  	s30 =	sld [smem:$0x0];
	_ =	sdelay $0x2  }
0xbb: {  	s31 =	sshll.u32 s1, $0xD;
	s1 =	sshrl.u32 s1, $0x2  }
0xbc: {  	s3 =	sand.u32 $0x4000, s31;
	s1 =	sadd.s32 s1, s30  }
0xbd: {  	s0 =	sor.u32 s3, s0;
	s1 =	sshll.u32 s1, $0x11  }
0xbe: {  	s0 =	sor.u32 s1, s0  }
0xbf: {  	s0 =	sadd.s32 $0x8F2B, s0  }
0xc0: {  	[sflag:s0] =	ssyncadd.remote.s32 $0x1  }
0xc1: {  	_ =	sfence.sel $0xFFFF  }
0xc2: {  	[dreg:$0x0] =	wrdreg $0xFFFFFFFF;
	(pc) =	sbr.abs _section_cstart, $3  }
0xc3: {  	[dreg:$0x1] =	wrdreg $0xFFFFFFFF  }
0xc4: {  	_ =	task.clear_ibuf [dreg:s8], $0x2FFFF;
	_ =	strace $0x9FFFFFFF  }
0xc5: {  	(tm) =	ssettm $0x7FFFFFFF  }
tec
execute0_lowered:
.L_overlay_start_1:
0x0: {  	(tag) =	ssettag $0x1  }
0x1: {  	s0 =	rddreg [dreg:$0x0]  }
0x2: {  	s2 =	rddreg [dreg:$0x1]  }
0x3: {  	s1 =	rddreg [dreg:$0x2]  }
0x4: {  	s3 =	rddreg [dreg:$0x3];
	s9 =	stileid.u32  }
0x5: {  	s5 =	srdreg.scid;
	s7 =	smul.u32 $0x2710, s9  }
0x6: {  	s5 =	sand.u32 $0x1, s5;
	s6 =	sshll.u32 s9, $0x1;
	s22 =	smul.u32 $0x4E200, s9  }
0x7: {  	s4 =	simm.s32 $0x0;
	s6 =	sor.u32 s5, s6;
	s8 =	smul.u32 $0x27100, s5  }
0x8: {  	s28 =	simm.s32 $0x9;
	s30 =	simm.s32 $0x186A0;
	s6 =	smul.u32 $0x4E2, s6  }
0x9: {  	s31 =	simm.s32 $0x1ADB0;
	[smem:$0x7FF] =	sst s4;
	s26 =	sshrl.u32 s22, $0x2  }
0xa: {  	s7 =	sadd.s32 s7, s8;
	s8 =	sadd.s32 s26, s3;
	s2 =	sadd.s32 s2, s6  }
0xb: {  	_ =	strace $0x8000004A;
	s11 =	sadd.s32 $0x1400, s8;
	[dreg:$0x7] =	wrdreg s2  }
0xc: {  	s29 =	simm.s32 $0x8;
	s12 =	sadd.s32 $0x2800, s8;
	[dreg:$0x8] =	wrdreg s11  }
0xd: {  	s9 =	simm.s32 $0x1;
	s13 =	sadd.s32 $0x3C00, s8;
	[dreg:$0x9] =	wrdreg s12  }
0xe: {  	s5 =	ssub.s32 $0x2, s5;
	s14 =	sadd.s32 $0x5000, s8;
	[dreg:$0xa] =	wrdreg s13  }
0xf: {  	s24 =	sshrl.u32 s5, $0x1;
	s15 =	sadd.s32 $0x6400, s8;
	[dreg:$0xb] =	wrdreg s14  }
0x10: {  	s5 =	ssub.s32 s5, s24;
	s16 =	sadd.s32 $0x7800, s8;
	[dreg:$0xc] =	wrdreg s15  }
0x11: {  	s23 =	sadd.s32 s6, s0;
	s17 =	sadd.s32 $0x8C00, s8;
	[dreg:$0xd] =	wrdreg s16  }
0x12: {  	s0 =	sadd.s32 s7, s0;
	s18 =	sadd.s32 $0xA000, s8;
	[dreg:$0xe] =	wrdreg s17  }
0x13: {  	s19 =	sadd.s32 $0xB400, s8;
	s20 =	sadd.s32 $0xC800, s8;
	[dreg:$0xf] =	wrdreg s18  }
0x14: {  	s21 =	sadd.s32 $0xDC00, s8;
	s22 =	sadd.s32 $0xF000, s8;
	[dreg:$0x10] =	wrdreg s19  }
0x15: {  	s24 =	sadd.s32 $0x11800, s8;
	s26 =	smax.u32 s5, $0x1;
	[dreg:$0x11] =	wrdreg s20  }
0x16: {  	s5 =	simm.s32 $0x28;
	s6 =	simm.s32 $0x1C1B0;
	[dreg:$0x12] =	wrdreg s21  }
0x17: {  	s7 =	simm.s32 $0x1D5B0;
	s25 =	sadd.s32 $0xAC00, s23;
	[dreg:$0x13] =	wrdreg s22  }
0x18: {  	s10 =	sadd.s32 $0xE00, s23;
	s23 =	sadd.s32 $0x10400, s8;
	[dreg:$0x15] =	wrdreg s24  }
0x19: {  	s0 =	sadd.s32 $0x14A00, s0;
	[dreg:$0x18] =	wrdreg s26;
	s17 =	simm.s32 $0x13880  }
0x1a: {  	s20 =	simm.s32 $0x15F90;
	s2 =	simm.s32 $0x6;
	[dreg:$0x5] =	wrdreg s25  }
0x1b: {  	s26 =	simm.s32 $0x7;
	s11 =	simm.s32 $0x2;
	[dreg:$0x6] =	wrdreg s10  }
0x1c: {  	s12 =	simm.s32 $0x3;
	s13 =	simm.s32 $0x4;
	[dreg:$0x14] =	wrdreg s23  }
0x1d: {  	s14 =	simm.s32 $0x0;
	s25 =	sadd.s32 $0x12C00, s8;
	[dreg:$0x17] =	wrdreg s0  }
0x1e: {  	v0 =	vimm.f32 $0.0e+00;
	s0 =	simm.s32 $0x5;
	s10 =	simm.s32 $0x1E9B0;
	[dreg:$0x16] =	wrdreg s25  }
.LBB2_1:
0x1f: {  	s15 =	rddreg [dreg:$0x5]  }
0x20: {  	[tilespmem:s17], [sflag:$0x9] =	stream.linear.gather [hbm4b:s15+s4], $0x2710, $0x38;
	[tilespmem:$0x1FDB0] =	vst v63  }
0x21: {  	_ =	swait.ge [sflag:s28], $0x2710  }
0x22: {  	[sflag:s28] =	ssyncset.done $0x0  }
0x23: {  	s24 =	rddreg [dreg:$0x6];
	[sflag:s28] =	ssyncadd.s32 $0xFFFFD8F0  }
0x24: {  	[tilespmem:s20], [sflag:$0x9] =	stream.linear.gather [hbm4b:s24+s4], $0x2710, $0x38;
	[tilespmem:$0x1FDB0] =	vst v63  }
0x25: {  	_ =	swait.ge [sflag:s28], $0x2710  }
0x26: {  	[sflag:s28] =	ssyncset.done $0x0  }
0x27: {  	s25 =	rddreg [dreg:$0x7];
	[sflag:s28] =	ssyncadd.s32 $0xFFFFD8F0  }
0x28: {  	[tilespmem:s30], [sflag:$0x9] =	stream.linear.gather [hbm4b:s25+s4], $0x2710, $0x38;
	[tilespmem:$0x1FDB0] =	vst v63  }
0x29: {  	_ =	swait.ge [sflag:s28], $0x2710  }
0x2a: {  	[sflag:s28] =	ssyncset.done $0x0  }
0x2b: {  	s16 =	simm.s32 $0x200;
	s15 =	simm.s32 $0x0;
	[sflag:s28] =	ssyncadd.s32 $0xFFFFD8F0  }
.LBB2_2:
0x2c: {  	p0 =	sne.s32 s16, $0x4E00;
	[tilespmem:s15+$0x1AE20] =	vst v0  }
0x2d: {  	[tilespmem:s15+$0x1ADB0] =	vst v0  }
0x2e: {  	[tilespmem:s15+$0x1ADC0] =	vst v0  }
.Ltmp0:
0x2f: {  	[tilespmem:s15+$0x1ADD0] =	vst v0;
	(pc) =	sbr.rel @p0 .LBB2_2-.Ltmp0, $4  }
0x30: {  	[tilespmem:s15+$0x1ADE0] =	vst v0  }
0x31: {  	[tilespmem:s15+$0x1ADF0] =	vst v0  }
0x32: {  	[tilespmem:s15+$0x1AE00] =	vst v0  }
0x33: {  	[tilespmem:s15+$0x1AE10] =	vst v0;
	s15 =	sshra.s32 s16, $0x2;
	s16 =	sadd.s32 $0x200, s16  }
0x34: {  	[tilespmem:s15+$0x1AE20] =	vst v0  }
0x35: {  	[tilespmem:s15+$0x1ADB0] =	vst v0  }
0x36: {  	[tilespmem:s15+$0x1ADC0] =	vst v0  }
0x37: {  	[tilespmem:s15+$0x1ADD0] =	vst v0  }
0x38: {  	[tilespmem:s15+$0x1ADE0] =	vst v0  }
0x39: {  	[tilespmem:s15+$0x1ADF0] =	vst v0  }
0x3a: {  	[tilespmem:s15+$0x1AE00] =	vst v0  }
0x3b: {  	[tilespmem:s15+$0x1AE10] =	vst v0  }
0x3c: {  	[spmem:s8] =	stream.linear.scatter [tilespmem:s31], [sflag:$0x5], $0x1400, $0x38;
	[tilespmem:$0x1FDB0] =	vst v63  }
0x3d: {  	s19 =	rddreg [dreg:$0x8]  }
0x3e: {  	[spmem:s19] =	stream.linear.scatter [tilespmem:s31], [sflag:$0x6], $0x1400, $0x38;
	[tilespmem:$0x1FDB0] =	vst v63  }
0x3f: {  	s21 =	rddreg [dreg:$0x9]  }
0x40: {  	[spmem:s21] =	stream.linear.scatter [tilespmem:s31], [sflag:$0x7], $0x1400, $0x38;
	[tilespmem:$0x1FDB0] =	vst v63  }
0x41: {  	s22 =	rddreg [dreg:$0xa]  }
0x42: {  	[spmem:s22] =	stream.linear.scatter [tilespmem:s31], [sflag:$0x8], $0x1400, $0x38;
	[tilespmem:$0x1FDB0] =	vst v63  }
0x43: {  	s23 =	rddreg [dreg:$0xb]  }
0x44: {  	[spmem:s23] =	stream.linear.scatter [tilespmem:s31], [sflag:$0x5], $0x1400, $0x38;
	[tilespmem:$0x1FDB0] =	vst v63  }
0x45: {  	s24 =	rddreg [dreg:$0xc]  }
0x46: {  	[spmem:s24] =	stream.linear.scatter [tilespmem:s31], [sflag:$0x6], $0x1400, $0x38;
	[tilespmem:$0x1FDB0] =	vst v63  }
0x47: {  	s25 =	rddreg [dreg:$0xd]  }
0x48: {  	[spmem:s25] =	stream.linear.scatter [tilespmem:s31], [sflag:$0x7], $0x1400, $0x38;
	[tilespmem:$0x1FDB0] =	vst v63  }
0x49: {  	s16 =	rddreg [dreg:$0xe]  }
0x4a: {  	[spmem:s16] =	stream.linear.scatter [tilespmem:s31], [sflag:$0x8], $0x1400, $0x38;
	[tilespmem:$0x1FDB0] =	vst v63  }
0x4b: {  	s18 =	rddreg [dreg:$0xf]  }
0x4c: {  	[spmem:s18] =	stream.linear.scatter [tilespmem:s31], [sflag:$0x5], $0x1400, $0x38;
	[tilespmem:$0x1FDB0] =	vst v63  }
0x4d: {  	s19 =	rddreg [dreg:$0x10]  }
0x4e: {  	[spmem:s19] =	stream.linear.scatter [tilespmem:s31], [sflag:$0x6], $0x1400, $0x38;
	[tilespmem:$0x1FDB0] =	vst v63  }
0x4f: {  	s21 =	rddreg [dreg:$0x11]  }
0x50: {  	[spmem:s21] =	stream.linear.scatter [tilespmem:s31], [sflag:$0x7], $0x1400, $0x38;
	[tilespmem:$0x1FDB0] =	vst v63  }
0x51: {  	s22 =	rddreg [dreg:$0x12]  }
0x52: {  	[spmem:s22] =	stream.linear.scatter [tilespmem:s31], [sflag:$0x8], $0x1400, $0x38;
	[tilespmem:$0x1FDB0] =	vst v63  }
0x53: {  	s23 =	rddreg [dreg:$0x13]  }
0x54: {  	[spmem:s23] =	stream.linear.scatter [tilespmem:s31], [sflag:$0x5], $0x1400, $0x38;
	[tilespmem:$0x1FDB0] =	vst v63  }
0x55: {  	s24 =	rddreg [dreg:$0x14]  }
0x56: {  	[spmem:s24] =	stream.linear.scatter [tilespmem:s31], [sflag:$0x6], $0x1400, $0x38;
	[tilespmem:$0x1FDB0] =	vst v63  }
0x57: {  	s25 =	rddreg [dreg:$0x15]  }
0x58: {  	[spmem:s25] =	stream.linear.scatter [tilespmem:s31], [sflag:$0x7], $0x1400, $0x38;
	[tilespmem:$0x1FDB0] =	vst v63  }
0x59: {  	s16 =	rddreg [dreg:$0x16]  }
0x5a: {  	[spmem:s16] =	stream.linear.scatter [tilespmem:s31], [sflag:$0x8], $0xC80, $0x38;
	[tilespmem:$0x1FDB0] =	vst v63  }
0x5b: {  	_ =	swait.ge [sflag:s0], $0x1400  }
0x5c: {  	[sflag:s0] =	ssyncset.done $0x0  }
0x5d: {  	[sflag:s0] =	ssyncadd.s32 $0xFFFFEC00  }
0x5e: {  	_ =	swait.ge [sflag:s2], $0x1400  }
0x5f: {  	[sflag:s2] =	ssyncset.done $0x0  }
0x60: {  	[sflag:s2] =	ssyncadd.s32 $0xFFFFEC00  }
0x61: {  	_ =	swait.ge [sflag:s26], $0x1400  }
0x62: {  	[sflag:s26] =	ssyncset.done $0x0  }
0x63: {  	[sflag:s26] =	ssyncadd.s32 $0xFFFFEC00  }
0x64: {  	_ =	swait.ge [sflag:s29], $0x1400  }
0x65: {  	[sflag:s29] =	ssyncset.done $0x0  }
0x66: {  	[sflag:s29] =	ssyncadd.s32 $0xFFFFEC00  }
0x67: {  	_ =	swait.ge [sflag:s0], $0x1400  }
0x68: {  	[sflag:s0] =	ssyncset.done $0x0  }
0x69: {  	[sflag:s0] =	ssyncadd.s32 $0xFFFFEC00  }
0x6a: {  	_ =	swait.ge [sflag:s2], $0x1400  }
0x6b: {  	[sflag:s2] =	ssyncset.done $0x0  }
0x6c: {  	[sflag:s2] =	ssyncadd.s32 $0xFFFFEC00  }
0x6d: {  	_ =	swait.ge [sflag:s26], $0x1400  }
0x6e: {  	[sflag:s26] =	ssyncset.done $0x0  }
0x6f: {  	[sflag:s26] =	ssyncadd.s32 $0xFFFFEC00  }
0x70: {  	_ =	swait.ge [sflag:s29], $0x1400  }
0x71: {  	[sflag:s29] =	ssyncset.done $0x0  }
0x72: {  	[sflag:s29] =	ssyncadd.s32 $0xFFFFEC00  }
0x73: {  	_ =	swait.ge [sflag:s0], $0x1400  }
0x74: {  	[sflag:s0] =	ssyncset.done $0x0  }
0x75: {  	[sflag:s0] =	ssyncadd.s32 $0xFFFFEC00  }
0x76: {  	_ =	swait.ge [sflag:s2], $0x1400  }
0x77: {  	[sflag:s2] =	ssyncset.done $0x0  }
0x78: {  	[sflag:s2] =	ssyncadd.s32 $0xFFFFEC00  }
0x79: {  	_ =	swait.ge [sflag:s26], $0x1400  }
0x7a: {  	[sflag:s26] =	ssyncset.done $0x0  }
0x7b: {  	[sflag:s26] =	ssyncadd.s32 $0xFFFFEC00  }
0x7c: {  	_ =	swait.ge [sflag:s29], $0x1400  }
0x7d: {  	[sflag:s29] =	ssyncset.done $0x0  }
0x7e: {  	[sflag:s29] =	ssyncadd.s32 $0xFFFFEC00  }
0x7f: {  	_ =	swait.ge [sflag:s0], $0x1400  }
0x80: {  	[sflag:s0] =	ssyncset.done $0x0  }
0x81: {  	[sflag:s0] =	ssyncadd.s32 $0xFFFFEC00  }
0x82: {  	_ =	swait.ge [sflag:s2], $0x1400  }
0x83: {  	[sflag:s2] =	ssyncset.done $0x0  }
0x84: {  	[sflag:s2] =	ssyncadd.s32 $0xFFFFEC00  }
0x85: {  	_ =	swait.ge [sflag:s26], $0x1400  }
0x86: {  	[sflag:s26] =	ssyncset.done $0x0  }
0x87: {  	[sflag:s26] =	ssyncadd.s32 $0xFFFFEC00  }
0x88: {  	_ =	swait.ge [sflag:s29], $0xC80  }
0x89: {  	[sflag:s29] =	ssyncset.done $0x0  }
0x8a: {  	[sflag:s29] =	ssyncadd.s32 $0xFFFFF380  }
0x8b: {  	s18 =	simm.s32 $0x2;
	[bflag:$0x0] =	sbarrier.arrive $0xFFFF  }
0x8c: {  	v2 =	vmov s18;
	[tilespmem:s31], [sflag:$0x1] =	stream.indirect.gather [hbm4b:s1+s5], $0x80, s17, s5, $0xb8;
	[tilespmem:$0x1FDB0] =	vst v63  }
0x8d: {  	s19 =	simm.s32 $0x138A8;
	v2 =	vand.u32 $0xFFFFFFFE, v2  }
0x8e: {  	v2 =	vbroadcast v2, $0x0;
	[tilespmem:s6], [sflag:$0x2] =	stream.indirect.gather [hbm4b:s1+s5], $0x80, s19, s5, $0xb8;
	[tilespmem:$0x1FDB0] =	vst v63  }
0x8f: {  	s21 =	simm.s32 $0x138D0;
	s17 =	simm.s32 $0x0  }
0x90: {  	[tilespmem:s7], [sflag:$0x3] =	stream.indirect.gather [hbm4b:s1+s5], $0x80, s21, s5, $0xb8;
	[tilespmem:$0x1FDB0] =	vst v63  }
0x91: {  	v1 =	vmov s17;
	_ =	swait.ge [sflag:s9], $0x1400  }
0x92: {  	v1 =	vand.u32 $0xFFFFFFFC, v1;
	[sflag:s9] =	ssyncset.done $0x0  }
0x93: {  	v1 =	vbroadcast v1, $0x0;
	[sflag:s9] =	ssyncadd.s32 $0xFFFFEC00  }
0x94: {  	s15 =	simm.s32 $0x1AEB0;
	v2 =	vld.idx.msk [tilespmem:v2+s30+$0x0], $0xffff  }
0x95: {  	s16 =	simm.s32 $0x1;
	v4 =	vld [tilespmem:s15+$0x70]  }
0x96: {  	v3 =	vmov s16;
	v5 =	vld [tilespmem:s15+$0xFFFFFF00]  }
0x97: {  	v3 =	vand.u32 $0xFFFFFFFD, v3;
	v6 =	vld [tilespmem:s15+$0xFFFFFF10]  }
0x98: {  	v3 =	vbroadcast v3, $0x0;
	v7 =	vld [tilespmem:s15+$0xFFFFFF20]  }
0x99: {  	v1 =	vld.idx.msk [tilespmem:v1+s30+$0x0], $0xffff  }
0x9a: {  	v8 =	vld [tilespmem:s15+$0xFFFFFF30]  }
0x9b: {  	v9 =	vld [tilespmem:s15+$0xFFFFFF40]  }
0x9c: {  	v10 =	vld [tilespmem:s15+$0xFFFFFF50]  }
0x9d: {  	v11 =	vld [tilespmem:s15+$0xFFFFFF60];
	v4 =	vmul.f32 v4, v2  }
0x9e: {  	v3 =	vld.idx.msk [tilespmem:v3+s30+$0x0], $0xffff;
	v5 =	vmul.f32 v5, v1  }
0x9f: {  	v13 =	vld [tilespmem:s15+$0x40];
	[tilespmem:s15+$0x70] =	vst v4;
	v4 =	vmul.f32 v7, v1  }
0xa0: {  	[tilespmem:s15+$0xFFFFFF00] =	vst v5;
	v5 =	vmul.f32 v6, v1;
	v6 =	vld [tilespmem:s15+$0xFFFFFF70]  }
0xa1: {  	v7 =	vld [tilespmem:s15+$0xFFFFFF80];
	[tilespmem:s15+$0xFFFFFF20] =	vst v4;
	v4 =	vmul.f32 v9, v1  }
0xa2: {  	[tilespmem:s15+$0xFFFFFF10] =	vst v5;
	v5 =	vmul.f32 v8, v1;
	v8 =	vld [tilespmem:s15+$0xFFFFFF90]  }
0xa3: {  	v9 =	vld [tilespmem:s15+$0xFFFFFFA0];
	[tilespmem:s15+$0xFFFFFF40] =	vst v4;
	v4 =	vmul.f32 v11, v1  }
0xa4: {  	[tilespmem:s15+$0xFFFFFF30] =	vst v5;
	v5 =	vmul.f32 v10, v1;
	v10 =	vld [tilespmem:s15+$0xFFFFFFB0]  }
0xa5: {  	v11 =	vld [tilespmem:s15+$0xFFFFFFC0];
	v6 =	vmul.f32 v6, v1;
	[tilespmem:s15+$0xFFFFFF60] =	vst v4  }
0xa6: {  	v4 =	vld [tilespmem:s15+$0xFFFFFFE0];
	[tilespmem:s15+$0xFFFFFF50] =	vst v5;
	v5 =	vmul.f32 v7, v3  }
0xa7: {  	s22 =	simm.s32 $0x3;
	v7 =	vld [tilespmem:s15+$0xFFFFFFD0];
	v8 =	vmul.f32 v8, v3;
	[tilespmem:s15+$0xFFFFFF70] =	vst v6  }
0xa8: {  	v12 =	vmov s22;
	v6 =	vld [tilespmem:s15+$0xFFFFFFF0];
	[tilespmem:s15+$0xFFFFFF80] =	vst v5;
	v5 =	vmul.f32 v9, v3  }
0xa9: {  	v9 =	vld [tilespmem:s15+$0x0];
	[tilespmem:s15+$0xFFFFFF90] =	vst v8;
	v8 =	vmul.f32 v10, v3  }
0xaa: {  	v10 =	vld [tilespmem:s15+$0x10];
	[tilespmem:s15+$0xFFFFFFA0] =	vst v5;
	v5 =	vmul.f32 v11, v3  }
0xab: {  	v4 =	vmul.f32 v4, v3;
	[tilespmem:s15+$0xFFFFFFB0] =	vst v8;
	v8 =	vld [tilespmem:s15+$0x20]  }
0xac: {  	v11 =	vld [tilespmem:s15+$0x30];
	v7 =	vmul.f32 v7, v3;
	[tilespmem:s15+$0xFFFFFFC0] =	vst v5  }
0xad: {  	v1 =	vld.idx.msk [tilespmem:v12+s30+$0x0], $0xffff;
	v3 =	vmul.f32 v6, v3;
	[tilespmem:s15+$0xFFFFFFE0] =	vst v4  }
0xae: {  	v4 =	vld [tilespmem:s15+$0x50];
	[tilespmem:s15+$0xFFFFFFD0] =	vst v7;
	v5 =	vmul.f32 v9, v2  }
0xaf: {  	s23 =	simm.s32 $0x4;
	[tilespmem:s15+$0xFFFFFFF0] =	vst v3;
	v6 =	vmul.f32 v10, v2;
	v3 =	vld [tilespmem:s15+$0x60]  }
0xb0: {  	s24 =	simm.s32 $0x7;
	v7 =	vmov s23;
	[tilespmem:s15+$0x0] =	vst v5;
	v9 =	vmul.f32 v8, v2;
	v8 =	vld [tilespmem:s15+$0x80]  }
0xb1: {  	s25 =	simm.s32 $0x5;
	v12 =	vand.u32 $0xFFFFFFFC, v7;
	v7 =	vld [tilespmem:s15+$0x90];
	v5 =	vmov s24;
	v10 =	vmul.f32 v11, v2;
	[tilespmem:s15+$0x10] =	vst v6  }
0xb2: {  	s18 =	simm.s32 $0x6;
	s16 =	simm.s32 $0x1AEB0;
	s17 =	simm.s32 $0x8;
	v11 =	vmul.f32 v13, v2;
	v6 =	vbroadcast v12, $0x0;
	v12 =	vmov s25;
	[tilespmem:s15+$0x20] =	vst v9;
	v9 =	vld [tilespmem:s15+$0xA0]  }
.LBB2_4:
0xb3: {  	p0 =	slt.u32 s17, $0x24;
	v12 =	vand.u32 $0xFFFFFFFD, v12;
	v13 =	vmov s18;
	[tilespmem:s15+$0x30] =	vst v10;
	v4 =	vmul.f32 v4, v2;
	v10 =	vld [tilespmem:s15+$0xB0]  }
0xb4: {  	v12 =	vbroadcast v12, $0x0;
	v13 =	vand.u32 $0xFFFFFFFE, v13;
	[tilespmem:s15+$0x40] =	vst v11;
	v2 =	vmul.f32 v3, v2;
	v3 =	vld [tilespmem:s15+$0xC0]  }
0xb5: {  	v11 =	vbroadcast v13, $0x0;
	[tilespmem:s15+$0x50] =	vst v4;
	v4 =	vmul.f32 v8, v1;
	v8 =	vld [tilespmem:s15+$0xD0]  }
0xb6: {  	[tilespmem:s15+$0x60] =	vst v2;
	v2 =	vmul.f32 v7, v1;
	v7 =	vld [tilespmem:s15+$0xE0]  }
0xb7: {  	[tilespmem:s15+$0x80] =	vst v4;
	v4 =	vmul.f32 v9, v1;
	v9 =	vld [tilespmem:s15+$0xF0]  }
0xb8: {  	v5 =	vld.idx.msk [tilespmem:v5+s30+$0x0], $0xffff;
	[tilespmem:s15+$0x90] =	vst v2;
	v2 =	vmul.f32 v10, v1  }
0xb9: {  	v6 =	vld.idx.msk [tilespmem:v6+s30+$0x0], $0xffff;
	[tilespmem:s15+$0xA0] =	vst v4;
	v3 =	vmul.f32 v3, v1  }
0xba: {  	v4 =	vld.idx.msk [tilespmem:v12+s30+$0x0], $0xffff;
	[tilespmem:s15+$0xB0] =	vst v2;
	v8 =	vmul.f32 v8, v1  }
0xbb: {  	s15 =	sadd.s32 $0x200, s15;
	v2 =	vld.idx.msk [tilespmem:v11+s30+$0x0], $0xffff;
	[tilespmem:s16+$0xC0] =	vst v3;
	v3 =	vmul.f32 v7, v1  }
0xbc: {  	v7 =	vld [tilespmem:s15+$0x70];
	[tilespmem:s16+$0xD0] =	vst v8;
	v9 =	vmul.f32 v9, v1  }
0xbd: {  	v8 =	vld [tilespmem:s15+$0xFFFFFF00];
	[tilespmem:s16+$0xE0] =	vst v3  }
0xbe: {  	v1 =	vmov v5;
	v3 =	vld [tilespmem:s15+$0xFFFFFF10];
	[tilespmem:s16+$0xF0] =	vst v9;
	s16 =	smov.u32 s15  }
0xbf: {  	v5 =	vld [tilespmem:s15+$0xFFFFFF20]  }
0xc0: {  	v9 =	vld [tilespmem:s15+$0xFFFFFF30]  }
0xc1: {  	v10 =	vld [tilespmem:s15+$0xFFFFFF40];
	v7 =	vmul.f32 v7, v2  }
0xc2: {  	v8 =	vmul.f32 v8, v6;
	v11 =	vld [tilespmem:s15+$0xFFFFFF50]  }
0xc3: {  	v3 =	vmul.f32 v3, v6;
	v12 =	vld [tilespmem:s15+$0xFFFFFF60];
	[tilespmem:s15+$0x70] =	vst v7  }
0xc4: {  	[tilespmem:s15+$0xFFFFFF00] =	vst v8;
	v5 =	vmul.f32 v5, v6;
	v7 =	vld [tilespmem:s15+$0xFFFFFF70]  }
0xc5: {  	[tilespmem:s15+$0xFFFFFF10] =	vst v3;
	v3 =	vmul.f32 v9, v6;
	v8 =	vld [tilespmem:s15+$0xFFFFFF80]  }
0xc6: {  	[tilespmem:s15+$0xFFFFFF20] =	vst v5;
	v5 =	vmul.f32 v10, v6;
	v9 =	vld [tilespmem:s15+$0xFFFFFF90]  }
0xc7: {  	[tilespmem:s15+$0xFFFFFF30] =	vst v3;
	v3 =	vmul.f32 v11, v6;
	v10 =	vld [tilespmem:s15+$0xFFFFFFA0]  }
0xc8: {  	[tilespmem:s15+$0xFFFFFF40] =	vst v5;
	v5 =	vmul.f32 v12, v6;
	v11 =	vld [tilespmem:s15+$0xFFFFFFB0]  }
0xc9: {  	[tilespmem:s15+$0xFFFFFF50] =	vst v3;
	v3 =	vmul.f32 v7, v6;
	v6 =	vld [tilespmem:s15+$0xFFFFFFC0]  }
0xca: {  	[tilespmem:s15+$0xFFFFFF60] =	vst v5;
	v5 =	vmul.f32 v8, v4;
	v7 =	vld [tilespmem:s15+$0xFFFFFFD0]  }
0xcb: {  	[tilespmem:s15+$0xFFFFFF70] =	vst v3;
	v3 =	vmul.f32 v9, v4;
	v8 =	vld [tilespmem:s15+$0xFFFFFFE0]  }
0xcc: {  	[tilespmem:s15+$0xFFFFFF80] =	vst v5;
	v5 =	vmul.f32 v10, v4;
	v9 =	vld [tilespmem:s15+$0xFFFFFFF0]  }
0xcd: {  	[tilespmem:s15+$0xFFFFFF90] =	vst v3;
	v3 =	vmul.f32 v11, v4;
	v10 =	vld [tilespmem:s15+$0x0]  }
0xce: {  	[tilespmem:s15+$0xFFFFFFA0] =	vst v5;
	v5 =	vmul.f32 v6, v4;
	v6 =	vld [tilespmem:s15+$0x10]  }
0xcf: {  	[tilespmem:s15+$0xFFFFFFB0] =	vst v3;
	v3 =	vmul.f32 v7, v4;
	v7 =	vld [tilespmem:s15+$0x20]  }
0xd0: {  	[tilespmem:s15+$0xFFFFFFC0] =	vst v5;
	v5 =	vmul.f32 v8, v4;
	v11 =	vld [tilespmem:s15+$0x30]  }
0xd1: {  	[tilespmem:s15+$0xFFFFFFD0] =	vst v3;
	v3 =	vmul.f32 v9, v4;
	v9 =	vld [tilespmem:s15+$0x40]  }
.Ltmp1:
0xd2: {  	[tilespmem:s15+$0xFFFFFFE0] =	vst v5;
	v5 =	vmul.f32 v10, v2;
	v4 =	vld [tilespmem:s15+$0x50];
	(pc) =	sbr.rel @p0 .LBB2_4-.Ltmp1, $4  }
0xd3: {  	[tilespmem:s15+$0xFFFFFFF0] =	vst v3;
	v6 =	vmul.f32 v6, v2;
	v3 =	vld [tilespmem:s15+$0x60]  }
0xd4: {  	s18 =	sadd.s32 $0x3, s17;
	v10 =	vmov s17;
	[tilespmem:s15+$0x0] =	vst v5;
	v13 =	vmul.f32 v7, v2;
	v8 =	vld [tilespmem:s15+$0x80]  }
0xd5: {  	s19 =	sadd.s32 $0x1, s17;
	v12 =	vand.u32 $0xFFFFFFFC, v10;
	v5 =	vmov s18;
	[tilespmem:s15+$0x10] =	vst v6;
	v10 =	vmul.f32 v11, v2;
	v7 =	vld [tilespmem:s15+$0x90]  }
0xd6: {  	s18 =	sadd.s32 $0x2, s17;
	s17 =	sadd.s32 $0x4, s17;
	v6 =	vbroadcast v12, $0x0;
	v12 =	vmov s19;
	[tilespmem:s15+$0x20] =	vst v13;
	v11 =	vmul.f32 v9, v2;
	v9 =	vld [tilespmem:s15+$0xA0]  }
0xd7: {  	v13 =	vld [tilespmem:s15+$0xB0]  }
0xd8: {  	v15 =	vld [tilespmem:s15+$0xC0]  }
0xd9: {  	v14 =	vmov s18;
	v16 =	vld [tilespmem:s15+$0xD0]  }
0xda: {  	v17 =	vld [tilespmem:s15+$0xE0];
	[tilespmem:s15+$0x30] =	vst v10;
	v4 =	vmul.f32 v4, v2;
	v14 =	vand.u32 $0xFFFFFFFE, v14  }
0xdb: {  	v5 =	vld.idx.msk [tilespmem:v5+s30+$0x0], $0xffff;
	[tilespmem:s15+$0x40] =	vst v11;
	v2 =	vmul.f32 v3, v2;
	v14 =	vbroadcast v14, $0x0  }
0xdc: {  	v12 =	vand.u32 $0xFFFFFFFD, v12;
	s17 =	sadd.s32 $0x200, s15;
	v3 =	vld.idx.msk [tilespmem:v6+s30+$0x0], $0xffff;
	v8 =	vmul.f32 v8, v1;
	[tilespmem:s15+$0x50] =	vst v4  }
0xdd: {  	v12 =	vbroadcast v12, $0x0;
	v10 =	vld [tilespmem:s17+$0xFFFFFF00];
	v4 =	vmul.f32 v7, v1;
	[tilespmem:s15+$0x60] =	vst v2  }
0xde: {  	[tilespmem:s15+$0x80] =	vst v8;
	v8 =	vld [tilespmem:s15+$0xF0];
	v2 =	vmul.f32 v9, v1  }
0xdf: {  	v11 =	vld [tilespmem:s17+$0xFFFFFF10];
	[tilespmem:s15+$0x90] =	vst v4;
	v4 =	vmul.f32 v13, v1  }
0xe0: {  	v9 =	vld [tilespmem:s17+$0x70];
	[tilespmem:s15+$0xA0] =	vst v2;
	v2 =	vmul.f32 v15, v1  }
0xe1: {  	[tilespmem:s15+$0xB0] =	vst v4;
	v4 =	vmul.f32 v16, v1;
	v7 =	vld.idx.msk [tilespmem:v14+s30+$0x0], $0xffff  }
0xe2: {  	v62 =	vld [tilespmem:s17+$0xFFFFFF20];
	[tilespmem:s16+$0xC0] =	vst v2;
	v2 =	vmul.f32 v17, v1  }
0xe3: {  	v6 =	vld.idx.msk [tilespmem:v12+s30+$0x0], $0xffff;
	[tilespmem:s16+$0xD0] =	vst v4;
	v1 =	vmul.f32 v8, v1  }
0xe4: {  	v4 =	vld [tilespmem:s17+$0xFFFFFF30];
	[tilespmem:s16+$0xE0] =	vst v2  }
0xe5: {  	v2 =	vld [tilespmem:s17+$0xFFFFFF40];
	[tilespmem:s16+$0xF0] =	vst v1;
	v1 =	vmul.f32 v10, v3  }
0xe6: {  	v8 =	vmul.f32 v9, v7;
	v9 =	vld [tilespmem:s17+$0xFFFFFF50]  }
0xe7: {  	v10 =	vmul.f32 v11, v3;
	v11 =	vld [tilespmem:s17+$0xFFFFFF60];
	[tilespmem:s17+$0xFFFFFF00] =	vst v1  }
0xe8: {  	v1 =	vmul.f32 v62, v3;
	[tilespmem:s17+$0x70] =	vst v8;
	v8 =	vld [tilespmem:s17+$0xFFFFFF70]  }
0xe9: {  	[tilespmem:s17+$0xFFFFFF10] =	vst v10;
	v10 =	vld [tilespmem:s17+$0xFFFFFF80];
	v4 =	vmul.f32 v4, v3  }
0xea: {  	[tilespmem:s17+$0xFFFFFF20] =	vst v1;
	v1 =	vmul.f32 v2, v3;
	v2 =	vld [tilespmem:s17+$0xFFFFFF90]  }
0xeb: {  	[tilespmem:s17+$0xFFFFFF30] =	vst v4;
	v4 =	vmul.f32 v9, v3;
	v9 =	vld [tilespmem:s17+$0xFFFFFFA0]  }
0xec: {  	[tilespmem:s17+$0xFFFFFF40] =	vst v1;
	v1 =	vmul.f32 v11, v3;
	v11 =	vld [tilespmem:s17+$0xFFFFFFB0]  }
0xed: {  	[tilespmem:s17+$0xFFFFFF50] =	vst v4;
	v3 =	vmul.f32 v8, v3;
	v4 =	vld [tilespmem:s17+$0xFFFFFFC0]  }
0xee: {  	[tilespmem:s17+$0xFFFFFF60] =	vst v1;
	v1 =	vmul.f32 v10, v6;
	v8 =	vld [tilespmem:s17+$0xFFFFFFD0]  }
0xef: {  	v2 =	vmul.f32 v2, v6;
	[tilespmem:s17+$0xFFFFFF70] =	vst v3;
	v3 =	vld [tilespmem:s17+$0xFFFFFFE0]  }
0xf0: {  	[tilespmem:s17+$0xFFFFFF80] =	vst v1;
	v1 =	vmul.f32 v9, v6;
	v9 =	vld [tilespmem:s17+$0xFFFFFFF0]  }
0xf1: {  	v10 =	vld [tilespmem:s17+$0x0];
	[tilespmem:s17+$0xFFFFFF90] =	vst v2;
	v2 =	vmul.f32 v11, v6  }
0xf2: {  	[tilespmem:s17+$0xFFFFFFA0] =	vst v1;
	v1 =	vmul.f32 v4, v6;
	v4 =	vld [tilespmem:s17+$0x10]  }
0xf3: {  	[tilespmem:s17+$0xFFFFFFB0] =	vst v2;
	v2 =	vmul.f32 v8, v6;
	v8 =	vld [tilespmem:s17+$0x20]  }
0xf4: {  	[tilespmem:s17+$0xFFFFFFC0] =	vst v1;
	v1 =	vmul.f32 v3, v6;
	v3 =	vld [tilespmem:s17+$0x30]  }
0xf5: {  	[tilespmem:s17+$0xFFFFFFD0] =	vst v2;
	v2 =	vmul.f32 v9, v6;
	v6 =	vld [tilespmem:s17+$0x40]  }
0xf6: {  	v9 =	vld [tilespmem:s17+$0x50];
	[tilespmem:s17+$0xFFFFFFE0] =	vst v1;
	v1 =	vmul.f32 v10, v7  }
0xf7: {  	[tilespmem:s17+$0xFFFFFFF0] =	vst v2;
	v2 =	vmul.f32 v4, v7;
	v4 =	vld [tilespmem:s17+$0x60]  }
0xf8: {  	[tilespmem:s17+$0x0] =	vst v1;
	v1 =	vmul.f32 v8, v7;
	v8 =	vld [tilespmem:s17+$0x80]  }
0xf9: {  	[tilespmem:s17+$0x10] =	vst v2;
	v2 =	vmul.f32 v3, v7;
	v3 =	vld [tilespmem:s17+$0x90]  }
0xfa: {  	[tilespmem:s17+$0x20] =	vst v1;
	v1 =	vmul.f32 v6, v7;
	v6 =	vld [tilespmem:s17+$0xA0]  }
0xfb: {  	[tilespmem:s17+$0x30] =	vst v2;
	v2 =	vmul.f32 v9, v7;
	v9 =	vld [tilespmem:s17+$0xB0]  }
0xfc: {  	[tilespmem:s17+$0x40] =	vst v1;
	v1 =	vmul.f32 v4, v7;
	v4 =	vld [tilespmem:s17+$0xC0]  }
0xfd: {  	v7 =	vld [tilespmem:s17+$0xD0];
	[tilespmem:s17+$0x50] =	vst v2;
	v2 =	vmul.f32 v8, v5  }
0xfe: {  	[tilespmem:s17+$0x60] =	vst v1;
	v1 =	vmul.f32 v3, v5;
	v3 =	vld [tilespmem:s17+$0xE0]  }
0xff: {  	[tilespmem:s17+$0x80] =	vst v2;
	v2 =	vmul.f32 v6, v5;
	v6 =	vld [tilespmem:s17+$0xF0]  }
0x100: {  	[tilespmem:s17+$0x90] =	vst v1;
	v1 =	vmul.f32 v9, v5  }
0x101: {  	[tilespmem:s17+$0xA0] =	vst v2;
	v2 =	vmul.f32 v4, v5  }
0x102: {  	[tilespmem:s17+$0xB0] =	vst v1;
	v1 =	vmul.f32 v7, v5  }
0x103: {  	[tilespmem:s17+$0xC0] =	vst v2;
	v2 =	vmul.f32 v3, v5  }
0x104: {  	s21 =	simm.s32 $0x28;
	[tilespmem:s17+$0xD0] =	vst v1;
	v1 =	vmul.f32 v6, v5  }
0x105: {  	[tilespmem:s17+$0xE0] =	vst v2;
	v2 =	vmov s21  }
0x106: {  	s22 =	simm.s32 $0x2A;
	[tilespmem:s17+$0xF0] =	vst v1;
	v1 =	vand.u32 $0xFFFFFFFC, v2  }
0x107: {  	v2 =	vmov s22;
	[spmem:s3] =	stream.indirect.scatter.add.f32 [tilespmem:s31], [sflag:$0x5], $0x80, s20, s5, $0xb8;
	v1 =	vbroadcast v1, $0x0;
	[tilespmem:$0x1FDB0] =	vst v63  }
0x108: {  	s23 =	simm.s32 $0x138F8;
	v2 =	vand.u32 $0xFFFFFFFE, v2  }
0x109: {  	v2 =	vbroadcast v2, $0x0;
	[tilespmem:s10], [sflag:$0x4] =	stream.indirect.gather [hbm4b:s1+s5], $0x80, s23, s5, $0xb8;
	[tilespmem:$0x1FDB0] =	vst v63  }
0x10a: {  	_ =	swait.ge [sflag:s11], $0x1400  }
0x10b: {  	[sflag:s11] =	ssyncset.done $0x0  }
0x10c: {  	[sflag:s11] =	ssyncadd.s32 $0xFFFFEC00  }
0x10d: {  	s15 =	simm.s32 $0x1C2B0;
	v3 =	vld.idx.msk [tilespmem:v1+s30+$0x0], $0xffff  }
0x10e: {  	s24 =	simm.s32 $0x29;
	v4 =	vld [tilespmem:s15+$0x70]  }
0x10f: {  	v1 =	vld.idx.msk [tilespmem:v2+s30+$0x0], $0xffff;
	v2 =	vmov s24  }
0x110: {  	v5 =	vld [tilespmem:s15+$0xFFFFFF00];
	v2 =	vand.u32 $0xFFFFFFFD, v2  }
0x111: {  	v6 =	vld [tilespmem:s15+$0xFFFFFF10];
	v2 =	vbroadcast v2, $0x0  }
0x112: {  	v7 =	vld [tilespmem:s15+$0xFFFFFF20]  }
0x113: {  	v8 =	vld [tilespmem:s15+$0xFFFFFF30]  }
0x114: {  	v9 =	vld [tilespmem:s15+$0xFFFFFF40]  }
0x115: {  	v10 =	vld [tilespmem:s15+$0xFFFFFF50]  }
0x116: {  	v11 =	vld [tilespmem:s15+$0xFFFFFF60];
	v5 =	vmul.f32 v5, v3  }
0x117: {  	v63 =	vld.idx.msk [tilespmem:v2+s30+$0x0], $0xffff;
	v2 =	vmul.f32 v4, v1  }
0x118: {  	[tilespmem:s15+$0xFFFFFF00] =	vst v5;
	v5 =	vld [tilespmem:s15+$0xFFFFFF70];
	v4 =	vmul.f32 v6, v3  }
0x119: {  	v6 =	vld [tilespmem:s15+$0xFFFFFF80];
	[tilespmem:s15+$0x70] =	vst v2;
	v2 =	vmul.f32 v7, v3  }
0x11a: {  	s25 =	simm.s32 $0x2B;
	[tilespmem:s15+$0xFFFFFF10] =	vst v4;
	v4 =	vmul.f32 v8, v3;
	v7 =	vld [tilespmem:s15+$0xFFFFFF90]  }
0x11b: {  	v8 =	vmov s25;
	[tilespmem:s15+$0xFFFFFF20] =	vst v2;
	v2 =	vmul.f32 v9, v3;
	v9 =	vld [tilespmem:s15+$0xFFFFFFA0]  }
0x11c: {  	[tilespmem:s15+$0xFFFFFF30] =	vst v4;
	v4 =	vmul.f32 v10, v3;
	v10 =	vld [tilespmem:s15+$0xFFFFFFB0]  }
0x11d: {  	[tilespmem:s15+$0xFFFFFF40] =	vst v2;
	v2 =	vmul.f32 v11, v3;
	v11 =	vld [tilespmem:s15+$0xFFFFFFC0]  }
0x11e: {  	[tilespmem:s15+$0xFFFFFF50] =	vst v4;
	v4 =	vmul.f32 v6, v63;
	v6 =	vld [tilespmem:s15+$0xFFFFFFD0]  }
0x11f: {  	v3 =	vmul.f32 v5, v3;
	v5 =	vld [tilespmem:s15+$0xFFFFFFE0];
	[tilespmem:s15+$0xFFFFFF60] =	vst v2  }
0x120: {  	v7 =	vmul.f32 v7, v63;
	v2 =	vld.idx.msk [tilespmem:v8+s30+$0x0], $0xffff;
	[tilespmem:s15+$0xFFFFFF80] =	vst v4  }
0x121: {  	[tilespmem:s15+$0xFFFFFF70] =	vst v3;
	v8 =	vld [tilespmem:s15+$0xFFFFFFF0];
	v3 =	vmul.f32 v9, v63  }
0x122: {  	[tilespmem:s15+$0xFFFFFF90] =	vst v7;
	v4 =	vmul.f32 v10, v63;
	v10 =	vld [tilespmem:s15+$0x0]  }
0x123: {  	v7 =	vld [tilespmem:s15+$0x10];
	[tilespmem:s15+$0xFFFFFFA0] =	vst v3;
	v3 =	vmul.f32 v11, v63  }
0x124: {  	[tilespmem:s15+$0xFFFFFFB0] =	vst v4;
	v4 =	vmul.f32 v6, v63;
	v6 =	vld [tilespmem:s15+$0x20]  }
0x125: {  	[tilespmem:s15+$0xFFFFFFC0] =	vst v3;
	v3 =	vmul.f32 v5, v63;
	v5 =	vld [tilespmem:s15+$0x30]  }
0x126: {  	[tilespmem:s15+$0xFFFFFFD0] =	vst v4;
	v4 =	vld [tilespmem:s15+$0x40];
	v9 =	vmul.f32 v8, v63  }
0x127: {  	s16 =	simm.s32 $0x1C2B0;
	s17 =	simm.s32 $0x0;
	v8 =	vmul.f32 v10, v1;
	[tilespmem:s15+$0xFFFFFFE0] =	vst v3;
	v3 =	vld [tilespmem:s15+$0x50]  }
.LBB2_6:
0x128: {  	s18 =	sadd.s32 $0x2F, s17;
	[tilespmem:s15+$0xFFFFFFF0] =	vst v9;
	v7 =	vmul.f32 v7, v1;
	v9 =	vld [tilespmem:s15+$0x60]  }
0x129: {  	s19 =	sadd.s32 $0x2C, s17;
	s20 =	sadd.s32 $0x2D, s17;
	v10 =	vmov s18;
	[tilespmem:s15+$0x0] =	vst v8;
	v6 =	vmul.f32 v6, v1;
	v8 =	vld [tilespmem:s15+$0x80]  }
0x12a: {  	v11 =	vmov s19;
	v12 =	vmov s20;
	[tilespmem:s15+$0x10] =	vst v7;
	v5 =	vmul.f32 v5, v1;
	v7 =	vld [tilespmem:s15+$0x90]  }
0x12b: {  	s18 =	sadd.s32 $0x2E, s17;
	s17 =	sadd.s32 $0x4, s17;
	v11 =	vand.u32 $0xFFFFFFFC, v11;
	v12 =	vand.u32 $0xFFFFFFFD, v12;
	[tilespmem:s15+$0x20] =	vst v6;
	v4 =	vmul.f32 v4, v1;
	v6 =	vld [tilespmem:s15+$0xA0]  }
0x12c: {  	v13 =	vmov s18;
	p0 =	slt.u32 s17, $0x24;
	v11 =	vbroadcast v11, $0x0;
	[tilespmem:s15+$0x30] =	vst v5;
	v3 =	vmul.f32 v3, v1;
	v5 =	vld [tilespmem:s15+$0xB0]  }
0x12d: {  	v12 =	vbroadcast v12, $0x0;
	v13 =	vand.u32 $0xFFFFFFFE, v13;
	[tilespmem:s15+$0x40] =	vst v4;
	v1 =	vmul.f32 v9, v1;
	v4 =	vld [tilespmem:s15+$0xC0]  }
0x12e: {  	v9 =	vbroadcast v13, $0x0;
	[tilespmem:s15+$0x50] =	vst v3;
	v3 =	vmul.f32 v8, v2;
	v8 =	vld [tilespmem:s15+$0xD0]  }
0x12f: {  	[tilespmem:s15+$0x60] =	vst v1;
	v1 =	vmul.f32 v7, v2;
	v7 =	vld [tilespmem:s15+$0xE0]  }
0x130: {  	[tilespmem:s15+$0x80] =	vst v3;
	v3 =	vmul.f32 v6, v2;
	v6 =	vld [tilespmem:s15+$0xF0]  }
0x131: {  	v10 =	vld.idx.msk [tilespmem:v10+s30+$0x0], $0xffff;
	[tilespmem:s15+$0x90] =	vst v1;
	v1 =	vmul.f32 v5, v2  }
0x132: {  	v5 =	vld.idx.msk [tilespmem:v11+s30+$0x0], $0xffff;
	[tilespmem:s15+$0xA0] =	vst v3;
	v3 =	vmul.f32 v4, v2  }
0x133: {  	v4 =	vld.idx.msk [tilespmem:v12+s30+$0x0], $0xffff;
	[tilespmem:s15+$0xB0] =	vst v1;
	v8 =	vmul.f32 v8, v2  }
0x134: {  	s15 =	sadd.s32 $0x200, s15;
	v1 =	vld.idx.msk [tilespmem:v9+s30+$0x0], $0xffff;
	[tilespmem:s16+$0xC0] =	vst v3;
	v3 =	vmul.f32 v7, v2  }
0x135: {  	v7 =	vld [tilespmem:s15+$0x70];
	[tilespmem:s16+$0xD0] =	vst v8;
	v8 =	vmul.f32 v6, v2  }
0x136: {  	v6 =	vld [tilespmem:s15+$0xFFFFFF00];
	[tilespmem:s16+$0xE0] =	vst v3  }
0x137: {  	v2 =	vmov v10;
	v3 =	vld [tilespmem:s15+$0xFFFFFF10];
	[tilespmem:s16+$0xF0] =	vst v8;
	s16 =	smov.u32 s15  }
0x138: {  	v8 =	vld [tilespmem:s15+$0xFFFFFF20]  }
0x139: {  	v9 =	vld [tilespmem:s15+$0xFFFFFF30]  }
0x13a: {  	v10 =	vld [tilespmem:s15+$0xFFFFFF40];
	v7 =	vmul.f32 v7, v1  }
0x13b: {  	v6 =	vmul.f32 v6, v5;
	v11 =	vld [tilespmem:s15+$0xFFFFFF50]  }
0x13c: {  	v3 =	vmul.f32 v3, v5;
	v12 =	vld [tilespmem:s15+$0xFFFFFF60];
	[tilespmem:s15+$0x70] =	vst v7  }
0x13d: {  	[tilespmem:s15+$0xFFFFFF00] =	vst v6;
	v6 =	vmul.f32 v8, v5;
	v7 =	vld [tilespmem:s15+$0xFFFFFF70]  }
0x13e: {  	[tilespmem:s15+$0xFFFFFF10] =	vst v3;
	v3 =	vmul.f32 v9, v5;
	v8 =	vld [tilespmem:s15+$0xFFFFFF80]  }
0x13f: {  	[tilespmem:s15+$0xFFFFFF20] =	vst v6;
	v6 =	vmul.f32 v10, v5;
	v9 =	vld [tilespmem:s15+$0xFFFFFF90]  }
0x140: {  	[tilespmem:s15+$0xFFFFFF30] =	vst v3;
	v3 =	vmul.f32 v11, v5;
	v10 =	vld [tilespmem:s15+$0xFFFFFFA0]  }
0x141: {  	[tilespmem:s15+$0xFFFFFF40] =	vst v6;
	v6 =	vmul.f32 v12, v5;
	v11 =	vld [tilespmem:s15+$0xFFFFFFB0]  }
0x142: {  	[tilespmem:s15+$0xFFFFFF50] =	vst v3;
	v3 =	vmul.f32 v7, v5;
	v5 =	vld [tilespmem:s15+$0xFFFFFFC0]  }
0x143: {  	[tilespmem:s15+$0xFFFFFF60] =	vst v6;
	v6 =	vmul.f32 v8, v4;
	v8 =	vld [tilespmem:s15+$0xFFFFFFD0]  }
0x144: {  	[tilespmem:s15+$0xFFFFFF70] =	vst v3;
	v3 =	vmul.f32 v9, v4;
	v9 =	vld [tilespmem:s15+$0xFFFFFFE0]  }
0x145: {  	[tilespmem:s15+$0xFFFFFF80] =	vst v6;
	v6 =	vmul.f32 v10, v4;
	v10 =	vld [tilespmem:s15+$0xFFFFFFF0]  }
0x146: {  	[tilespmem:s15+$0xFFFFFF90] =	vst v3;
	v3 =	vmul.f32 v11, v4;
	v11 =	vld [tilespmem:s15+$0x0]  }
.Ltmp2:
0x147: {  	[tilespmem:s15+$0xFFFFFFA0] =	vst v6;
	v5 =	vmul.f32 v5, v4;
	v7 =	vld [tilespmem:s15+$0x10];
	(pc) =	sbr.rel @p0 .LBB2_6-.Ltmp2, $4  }
0x148: {  	[tilespmem:s15+$0xFFFFFFB0] =	vst v3;
	v3 =	vmul.f32 v8, v4;
	v6 =	vld [tilespmem:s15+$0x20]  }
0x149: {  	[tilespmem:s15+$0xFFFFFFC0] =	vst v5;
	v8 =	vmul.f32 v9, v4;
	v5 =	vld [tilespmem:s15+$0x30]  }
0x14a: {  	[tilespmem:s15+$0xFFFFFFD0] =	vst v3;
	v9 =	vmul.f32 v10, v4;
	v4 =	vld [tilespmem:s15+$0x40]  }
0x14b: {  	[tilespmem:s15+$0xFFFFFFE0] =	vst v8;
	v8 =	vmul.f32 v11, v1;
	v3 =	vld [tilespmem:s15+$0x50]  }
0x14c: {  	[tilespmem:s15+$0xFFFFFFF0] =	vst v9;
	v7 =	vmul.f32 v7, v1;
	v55 =	vld [tilespmem:s15+$0x80]  }
0x14d: {  	v10 =	vld [tilespmem:s15+$0x60];
	[tilespmem:s15+$0x0] =	vst v8;
	v6 =	vmul.f32 v6, v1  }
0x14e: {  	v56 =	vld [tilespmem:s15+$0x90];
	[tilespmem:s15+$0x10] =	vst v7;
	v5 =	vmul.f32 v5, v1  }
0x14f: {  	v57 =	vld [tilespmem:s15+$0xA0];
	[tilespmem:s15+$0x20] =	vst v6;
	v4 =	vmul.f32 v4, v1  }
0x150: {  	v58 =	vld [tilespmem:s15+$0xB0];
	[tilespmem:s15+$0x30] =	vst v5;
	v3 =	vmul.f32 v3, v1  }
0x151: {  	v59 =	vld [tilespmem:s15+$0xC0];
	[tilespmem:s15+$0x40] =	vst v4;
	v60 =	vmul.f32 v55, v2  }
0x152: {  	v61 =	vld [tilespmem:s15+$0xD0];
	v1 =	vmul.f32 v10, v1;
	[tilespmem:s15+$0x50] =	vst v3  }
0x153: {  	v8 =	vmul.f32 v56, v2;
	v3 =	vld [tilespmem:s15+$0xE0];
	[tilespmem:s15+$0x80] =	vst v60  }
0x154: {  	v62 =	vld [tilespmem:s15+$0xF0];
	[tilespmem:s15+$0x60] =	vst v1;
	v1 =	vmul.f32 v57, v2  }
0x155: {  	v6 =	vmul.f32 v58, v2;
	[tilespmem:s15+$0x90] =	vst v8  }
0x156: {  	[tilespmem:s15+$0xA0] =	vst v1;
	v1 =	vmul.f32 v59, v2  }
0x157: {  	v63 =	vmul.f32 v61, v2;
	[tilespmem:s15+$0xB0] =	vst v6  }
0x158: {  	[tilespmem:s16+$0xC0] =	vst v1;
	v1 =	vmul.f32 v3, v2  }
0x159: {  	[tilespmem:s16+$0xD0] =	vst v63;
	v2 =	vmul.f32 v62, v2  }
0x15a: {  	[tilespmem:s16+$0xE0] =	vst v1  }
0x15b: {  	s25 =	simm.s32 $0x15FB8;
	s15 =	simm.s32 $0x0;
	[tilespmem:s16+$0xF0] =	vst v2;
	s16 =	simm.s32 $0x0  }
0x15c: {  	[spmem:s3] =	stream.indirect.scatter.add.f32 [tilespmem:s6], [sflag:$0x6], $0x80, s25, s5, $0xb8;
	[tilespmem:$0x1FDB0] =	vst v63  }
.LBB2_8:
0x15d: {  	s17 =	smul.u32 $0x280, s16;
	_ =	sdelay $0x1  }
0x15e: {  	s19 =	sadd.s32 $0xFFFFFFFC, s15;
	_ =	swait.ge [sflag:s0], $0x1400;
	s17 =	sadd.s32 $0x280, s17  }
0x15f: {  	s18 =	sadd.s32 $0x56, s19;
	[sflag:s0] =	ssyncset.done $0x0;
	s17 =	sshra.s32 s17, $0x2  }
0x160: {  	s24 =	sadd.s32 $0x54, s19;
	[sflag:s0] =	ssyncadd.s32 $0xFFFFEC00;
	s25 =	sadd.s32 $0x13880, s17  }
0x161: {  	v2 =	vmov s24;
	[tilespmem:s31], [sflag:$0x1] =	stream.indirect.gather [hbm4b:s1+s5], $0x80, s25, s5, $0xb8;
	[tilespmem:$0x1FDB0] =	vst v63  }
0x162: {  	v1 =	vmov s18;
	v2 =	vand.u32 $0xFFFFFFFC, v2;
	_ =	swait.ge [sflag:s12], $0x1400  }
0x163: {  	v1 =	vand.u32 $0xFFFFFFFE, v1;
	v2 =	vbroadcast v2, $0x0;
	[sflag:s12] =	ssyncset.done $0x0  }
0x164: {  	s18 =	simm.s32 $0x1D6B0;
	v1 =	vbroadcast v1, $0x0;
	[sflag:s12] =	ssyncadd.s32 $0xFFFFEC00  }
0x165: {  	v3 =	vld [tilespmem:s18+$0x70]  }
0x166: {  	v5 =	vld [tilespmem:s18+$0xFFFFFF00]  }
0x167: {  	s20 =	sadd.s32 $0x55, s19;
	v6 =	vld [tilespmem:s18+$0xFFFFFF10]  }
0x168: {  	v4 =	vmov s20;
	v7 =	vld [tilespmem:s18+$0xFFFFFF20]  }
0x169: {  	v4 =	vand.u32 $0xFFFFFFFD, v4;
	v2 =	vld.idx.msk [tilespmem:v2+s30+$0x0], $0xffff  }
0x16a: {  	v4 =	vbroadcast v4, $0x0;
	v1 =	vld.idx.msk [tilespmem:v1+s30+$0x0], $0xffff  }
0x16b: {  	v8 =	vld [tilespmem:s18+$0xFFFFFF30]  }
0x16c: {  	v9 =	vld [tilespmem:s18+$0xFFFFFF40]  }
0x16d: {  	v10 =	vld [tilespmem:s18+$0xFFFFFF50]  }
0x16e: {  	v11 =	vld [tilespmem:s18+$0xFFFFFF60];
	v5 =	vmul.f32 v5, v2  }
0x16f: {  	v13 =	vld [tilespmem:s18+$0xFFFFFFD0];
	v3 =	vmul.f32 v3, v1  }
0x170: {  	v4 =	vld.idx.msk [tilespmem:v4+s30+$0x0], $0xffff;
	[tilespmem:s18+$0xFFFFFF00] =	vst v5;
	v5 =	vmul.f32 v6, v2  }
0x171: {  	v6 =	vld [tilespmem:s18+$0xFFFFFF70];
	[tilespmem:s18+$0x70] =	vst v3;
	v3 =	vmul.f32 v7, v2  }
0x172: {  	s19 =	sadd.s32 $0x57, s19;
	v7 =	vld [tilespmem:s18+$0xFFFFFF80];
	[tilespmem:s18+$0xFFFFFF10] =	vst v5;
	v5 =	vmul.f32 v8, v2  }
0x173: {  	v12 =	vmov s19;
	v8 =	vld [tilespmem:s18+$0xFFFFFF90];
	[tilespmem:s18+$0xFFFFFF20] =	vst v3;
	v3 =	vmul.f32 v9, v2  }
0x174: {  	v9 =	vld [tilespmem:s18+$0xFFFFFFA0];
	[tilespmem:s18+$0xFFFFFF30] =	vst v5;
	v5 =	vmul.f32 v10, v2  }
0x175: {  	v10 =	vld [tilespmem:s18+$0xFFFFFFB0];
	[tilespmem:s18+$0xFFFFFF40] =	vst v3;
	v3 =	vmul.f32 v11, v2  }
0x176: {  	v11 =	vld [tilespmem:s18+$0xFFFFFFC0];
	v6 =	vmul.f32 v6, v2;
	[tilespmem:s18+$0xFFFFFF50] =	vst v5  }
0x177: {  	v14 =	vld [tilespmem:s18+$0xFFFFFFE0];
	v5 =	vmul.f32 v7, v4;
	[tilespmem:s18+$0xFFFFFF60] =	vst v3  }
0x178: {  	v2 =	vld.idx.msk [tilespmem:v12+s30+$0x0], $0xffff;
	v3 =	vmul.f32 v8, v4;
	[tilespmem:s18+$0xFFFFFF70] =	vst v6  }
0x179: {  	v8 =	vld [tilespmem:s18+$0xFFFFFFF0];
	[tilespmem:s18+$0xFFFFFF80] =	vst v5;
	v5 =	vmul.f32 v9, v4  }
0x17a: {  	v7 =	vld [tilespmem:s18+$0x0];
	[tilespmem:s18+$0xFFFFFF90] =	vst v3;
	v3 =	vmul.f32 v10, v4  }
0x17b: {  	v6 =	vld [tilespmem:s18+$0x10];
	v9 =	vmul.f32 v11, v4;
	[tilespmem:s18+$0xFFFFFFA0] =	vst v5  }
0x17c: {  	v10 =	vmul.f32 v13, v4;
	v5 =	vld [tilespmem:s18+$0x20];
	[tilespmem:s18+$0xFFFFFFB0] =	vst v3  }
0x17d: {  	s19 =	sshll.u32 s16, $0x2;
	[tilespmem:s18+$0xFFFFFFC0] =	vst v9;
	v3 =	vld [tilespmem:s18+$0x30];
	v9 =	vmul.f32 v14, v4  }
0x17e: {  	s22 =	simm.s32 $0x0;
	s21 =	simm.s32 $0x1D6B0;
	s20 =	sor.u32 $0x2, s19;
	[tilespmem:s18+$0xFFFFFFD0] =	vst v10;
	v8 =	vmul.f32 v8, v4;
	v4 =	vld [tilespmem:s18+$0x40]  }
.LBB2_9:
0x17f: {  	s23 =	sadd.s32 s22, s15;
	s22 =	sadd.s32 $0x4, s22;
	[tilespmem:s18+$0xFFFFFFE0] =	vst v9;
	v7 =	vmul.f32 v7, v1;
	v9 =	vld [tilespmem:s18+$0x50]  }
0x180: {  	s24 =	sadd.s32 $0x54, s23;
	s25 =	sadd.s32 $0x56, s23;
	p0 =	slt.u32 s22, $0x24;
	[tilespmem:s18+$0xFFFFFFF0] =	vst v8;
	v6 =	vmul.f32 v6, v1;
	v8 =	vld [tilespmem:s18+$0x60]  }
0x181: {  	v10 =	vmov s24;
	s24 =	sadd.s32 $0x55, s23;
	v11 =	vmov s25;
	s23 =	sadd.s32 $0x57, s23;
	[tilespmem:s18+$0x0] =	vst v7;
	v5 =	vmul.f32 v5, v1;
	v7 =	vld [tilespmem:s18+$0x80]  }
0x182: {  	v10 =	vand.u32 $0xFFFFFFFC, v10;
	v12 =	vmov s24;
	v11 =	vand.u32 $0xFFFFFFFE, v11;
	[tilespmem:s18+$0x10] =	vst v6;
	v6 =	vld [tilespmem:s18+$0x90]  }
0x183: {  	v10 =	vbroadcast v10, $0x0;
	v12 =	vand.u32 $0xFFFFFFFD, v12;
	v11 =	vbroadcast v11, $0x0;
	[tilespmem:s18+$0x20] =	vst v5;
	v5 =	vld [tilespmem:s18+$0xA0]  }
0x184: {  	v13 =	vmov s23;
	v3 =	vmul.f32 v3, v1;
	v12 =	vbroadcast v12, $0x0;
	v14 =	vld [tilespmem:s18+$0xB0]  }
0x185: {  	v4 =	vmul.f32 v4, v1;
	v9 =	vmul.f32 v9, v1;
	v15 =	vld [tilespmem:s18+$0xC0]  }
0x186: {  	[tilespmem:s18+$0x30] =	vst v3;
	v3 =	vmul.f32 v8, v1;
	v7 =	vmul.f32 v7, v2;
	v8 =	vld [tilespmem:s18+$0xD0]  }
0x187: {  	[tilespmem:s18+$0x40] =	vst v4;
	v4 =	vmul.f32 v6, v2;
	v6 =	vld [tilespmem:s18+$0xE0]  }
0x188: {  	[tilespmem:s18+$0x50] =	vst v9;
	v5 =	vmul.f32 v5, v2;
	v9 =	vld [tilespmem:s18+$0xF0]  }
0x189: {  	s18 =	sadd.s32 $0x200, s18;
	v1 =	vld.idx.msk [tilespmem:v11+s30+$0x0], $0xffff;
	[tilespmem:s21+$0x60] =	vst v3;
	v3 =	vmul.f32 v14, v2  }
0x18a: {  	v11 =	vld [tilespmem:s18+$0x70];
	[tilespmem:s21+$0x80] =	vst v7;
	v7 =	vmul.f32 v15, v2  }
0x18b: {  	v10 =	vld.idx.msk [tilespmem:v10+s30+$0x0], $0xffff;
	[tilespmem:s21+$0x90] =	vst v4;
	v4 =	vmul.f32 v8, v2  }
0x18c: {  	v8 =	vld.idx.msk [tilespmem:v12+s30+$0x0], $0xffff;
	[tilespmem:s21+$0xA0] =	vst v5;
	v5 =	vmul.f32 v6, v2  }
0x18d: {  	[tilespmem:s21+$0xB0] =	vst v3;
	v3 =	vmul.f32 v9, v2;
	v2 =	vld.idx.msk [tilespmem:v13+s30+$0x0], $0xffff  }
0x18e: {  	v6 =	vld [tilespmem:s18+$0xFFFFFF00];
	[tilespmem:s21+$0xC0] =	vst v7  }
0x18f: {  	v7 =	vld [tilespmem:s18+$0xFFFFFF10];
	v9 =	vmul.f32 v11, v1;
	[tilespmem:s21+$0xD0] =	vst v4  }
0x190: {  	v4 =	vld [tilespmem:s18+$0xFFFFFF20];
	[tilespmem:s21+$0xE0] =	vst v5  }
0x191: {  	v5 =	vld [tilespmem:s18+$0xFFFFFF30];
	[tilespmem:s18+$0x70] =	vst v9  }
0x192: {  	v9 =	vld [tilespmem:s18+$0xFFFFFF40];
	[tilespmem:s21+$0xF0] =	vst v3;
	s21 =	smov.u32 s18  }
0x193: {  	v3 =	vmul.f32 v6, v10;
	v6 =	vld [tilespmem:s18+$0xFFFFFF50]  }
0x194: {  	v7 =	vmul.f32 v7, v10;
	v11 =	vld [tilespmem:s18+$0xFFFFFF60]  }
0x195: {  	[tilespmem:s18+$0xFFFFFF00] =	vst v3;
	v3 =	vmul.f32 v4, v10;
	v4 =	vld [tilespmem:s18+$0xFFFFFF70]  }
0x196: {  	[tilespmem:s18+$0xFFFFFF10] =	vst v7;
	v5 =	vmul.f32 v5, v10;
	v7 =	vld [tilespmem:s18+$0xFFFFFF80]  }
0x197: {  	[tilespmem:s18+$0xFFFFFF20] =	vst v3;
	v3 =	vmul.f32 v9, v10;
	v9 =	vld [tilespmem:s18+$0xFFFFFF90]  }
0x198: {  	[tilespmem:s18+$0xFFFFFF30] =	vst v5;
	v5 =	vmul.f32 v6, v10;
	v6 =	vld [tilespmem:s18+$0xFFFFFFA0]  }
0x199: {  	[tilespmem:s18+$0xFFFFFF40] =	vst v3;
	v3 =	vmul.f32 v11, v10;
	v11 =	vld [tilespmem:s18+$0xFFFFFFB0]  }
0x19a: {  	[tilespmem:s18+$0xFFFFFF50] =	vst v5;
	v4 =	vmul.f32 v4, v10;
	v5 =	vld [tilespmem:s18+$0xFFFFFFC0]  }
0x19b: {  	[tilespmem:s18+$0xFFFFFF60] =	vst v3;
	v3 =	vmul.f32 v7, v8;
	v10 =	vld [tilespmem:s18+$0xFFFFFFD0]  }
0x19c: {  	[tilespmem:s18+$0xFFFFFF70] =	vst v4;
	v4 =	vmul.f32 v9, v8;
	v9 =	vld [tilespmem:s18+$0xFFFFFFE0]  }
0x19d: {  	[tilespmem:s18+$0xFFFFFF80] =	vst v3;
	v3 =	vmul.f32 v6, v8;
	v12 =	vld [tilespmem:s18+$0xFFFFFFF0]  }
.Ltmp3:
0x19e: {  	[tilespmem:s18+$0xFFFFFF90] =	vst v4;
	v4 =	vmul.f32 v11, v8;
	v7 =	vld [tilespmem:s18+$0x0];
	(pc) =	sbr.rel @p0 .LBB2_9-.Ltmp3, $4  }
0x19f: {  	[tilespmem:s18+$0xFFFFFFA0] =	vst v3;
	v3 =	vmul.f32 v5, v8;
	v6 =	vld [tilespmem:s18+$0x10]  }
0x1a0: {  	[tilespmem:s18+$0xFFFFFFB0] =	vst v4;
	v4 =	vmul.f32 v10, v8;
	v5 =	vld [tilespmem:s18+$0x20]  }
0x1a1: {  	[tilespmem:s18+$0xFFFFFFC0] =	vst v3;
	v9 =	vmul.f32 v9, v8;
	v3 =	vld [tilespmem:s18+$0x30]  }
0x1a2: {  	[tilespmem:s18+$0xFFFFFFD0] =	vst v4;
	v8 =	vmul.f32 v12, v8;
	v4 =	vld [tilespmem:s18+$0x40]  }
0x1a3: {  	v10 =	vld [tilespmem:s18+$0x50];
	[tilespmem:s18+$0xFFFFFFE0] =	vst v9;
	v7 =	vmul.f32 v7, v1  }
0x1a4: {  	v9 =	vld [tilespmem:s18+$0x60];
	[tilespmem:s18+$0xFFFFFFF0] =	vst v8;
	v6 =	vmul.f32 v6, v1  }
0x1a5: {  	v8 =	vld [tilespmem:s18+$0x80];
	[tilespmem:s18+$0x0] =	vst v7;
	v5 =	vmul.f32 v5, v1  }
0x1a6: {  	v7 =	vld [tilespmem:s18+$0x90];
	[tilespmem:s18+$0x10] =	vst v6;
	v3 =	vmul.f32 v3, v1  }
0x1a7: {  	v6 =	vld [tilespmem:s18+$0xA0];
	[tilespmem:s18+$0x20] =	vst v5;
	v4 =	vmul.f32 v4, v1  }
0x1a8: {  	v5 =	vld [tilespmem:s18+$0xB0];
	v10 =	vmul.f32 v10, v1;
	[tilespmem:s18+$0x30] =	vst v3  }
0x1a9: {  	v11 =	vld [tilespmem:s18+$0xC0];
	v1 =	vmul.f32 v9, v1;
	[tilespmem:s18+$0x40] =	vst v4  }
0x1aa: {  	v3 =	vld [tilespmem:s18+$0xD0];
	v4 =	vmul.f32 v8, v2;
	[tilespmem:s18+$0x50] =	vst v10  }
0x1ab: {  	v8 =	vld [tilespmem:s18+$0xE0];
	v7 =	vmul.f32 v7, v2;
	[tilespmem:s21+$0x60] =	vst v1  }
0x1ac: {  	v9 =	vld [tilespmem:s18+$0xF0];
	v1 =	vmul.f32 v6, v2;
	[tilespmem:s21+$0x80] =	vst v4  }
0x1ad: {  	v4 =	vmul.f32 v5, v2;
	[tilespmem:s21+$0x90] =	vst v7  }
0x1ae: {  	v5 =	vmul.f32 v11, v2;
	[tilespmem:s21+$0xA0] =	vst v1  }
0x1af: {  	v1 =	vmul.f32 v3, v2;
	[tilespmem:s21+$0xB0] =	vst v4  }
0x1b0: {  	s23 =	smul.u32 $0xA0, s20;
	v3 =	vmul.f32 v8, v2;
	[tilespmem:s21+$0xC0] =	vst v5  }
0x1b1: {  	v2 =	vmul.f32 v9, v2;
	[tilespmem:s21+$0xD0] =	vst v1  }
0x1b2: {  	s22 =	sadd.s32 $0xFFFFFFFC, s15;
	s18 =	sshra.s32 s23, $0x2;
	[tilespmem:s21+$0xE0] =	vst v3  }
0x1b3: {  	s24 =	smul.u32 $0xA0, s19;
	s25 =	sadd.s32 $0x7E, s22;
	s18 =	sadd.s32 $0x15F90, s18;
	[tilespmem:s21+$0xF0] =	vst v2  }
0x1b4: {  	v1 =	vmov s25;
	[spmem:s3] =	stream.indirect.scatter.add.f32 [tilespmem:s7], [sflag:$0x7], $0x80, s18, s5, $0xb8;
	[tilespmem:$0x1FDB0] =	vst v63  }
0x1b5: {  	s20 =	sadd.s32 $0x320, s24;
	s21 =	sadd.s32 $0x7C, s22;
	v1 =	vand.u32 $0xFFFFFFFE, v1;
	_ =	swait.ge [sflag:s2], $0x1400  }
0x1b6: {  	s18 =	sshra.s32 s20, $0x2;
	v2 =	vmov s21;
	v1 =	vbroadcast v1, $0x0;
	[sflag:s2] =	ssyncset.done $0x0  }
0x1b7: {  	s23 =	sadd.s32 $0x13880, s18;
	v2 =	vand.u32 $0xFFFFFFFC, v2;
	[sflag:s2] =	ssyncadd.s32 $0xFFFFEC00  }
0x1b8: {  	v2 =	vbroadcast v2, $0x0;
	[tilespmem:s6], [sflag:$0x2] =	stream.indirect.gather [hbm4b:s1+s5], $0x80, s23, s5, $0xb8;
	[tilespmem:$0x1FDB0] =	vst v63  }
0x1b9: {  	_ =	swait.ge [sflag:s13], $0x1400  }
0x1ba: {  	[sflag:s13] =	ssyncset.done $0x0  }
0x1bb: {  	[sflag:s13] =	ssyncadd.s32 $0xFFFFEC00  }
0x1bc: {  	s20 =	simm.s32 $0x1EAB0;
	v1 =	vld.idx.msk [tilespmem:v1+s30+$0x0], $0xffff  }
0x1bd: {  	s24 =	sadd.s32 $0x7D, s22;
	v3 =	vld [tilespmem:s20+$0x70]  }
0x1be: {  	v4 =	vmov s24;
	v2 =	vld.idx.msk [tilespmem:v2+s30+$0x0], $0xffff  }
0x1bf: {  	v4 =	vand.u32 $0xFFFFFFFD, v4;
	v5 =	vld [tilespmem:s20+$0xFFFFFF00]  }
0x1c0: {  	v4 =	vbroadcast v4, $0x0;
	v6 =	vld [tilespmem:s20+$0xFFFFFF10]  }
0x1c1: {  	v7 =	vld [tilespmem:s20+$0xFFFFFF20]  }
0x1c2: {  	v8 =	vld [tilespmem:s20+$0xFFFFFF30]  }
0x1c3: {  	v9 =	vld [tilespmem:s20+$0xFFFFFF40]  }
0x1c4: {  	v10 =	vld [tilespmem:s20+$0xFFFFFF50]  }
0x1c5: {  	v11 =	vld [tilespmem:s20+$0xFFFFFF60];
	v5 =	vmul.f32 v5, v2  }
0x1c6: {  	v4 =	vld.idx.msk [tilespmem:v4+s30+$0x0], $0xffff;
	v3 =	vmul.f32 v3, v1  }
0x1c7: {  	v13 =	vld [tilespmem:s20+$0xFFFFFFD0];
	[tilespmem:s20+$0xFFFFFF00] =	vst v5;
	v5 =	vmul.f32 v6, v2  }
0x1c8: {  	v6 =	vld [tilespmem:s20+$0xFFFFFF70];
	[tilespmem:s20+$0x70] =	vst v3;
	v3 =	vmul.f32 v7, v2  }
0x1c9: {  	s25 =	sadd.s32 $0x7F, s22;
	v7 =	vld [tilespmem:s20+$0xFFFFFF80];
	[tilespmem:s20+$0xFFFFFF10] =	vst v5;
	v5 =	vmul.f32 v8, v2  }
0x1ca: {  	v12 =	vmov s25;
	v8 =	vld [tilespmem:s20+$0xFFFFFF90];
	[tilespmem:s20+$0xFFFFFF20] =	vst v3;
	v3 =	vmul.f32 v9, v2  }
0x1cb: {  	v9 =	vld [tilespmem:s20+$0xFFFFFFA0];
	[tilespmem:s20+$0xFFFFFF30] =	vst v5;
	v5 =	vmul.f32 v10, v2  }
0x1cc: {  	v10 =	vld [tilespmem:s20+$0xFFFFFFB0];
	[tilespmem:s20+$0xFFFFFF40] =	vst v3;
	v3 =	vmul.f32 v11, v2  }
0x1cd: {  	v11 =	vld [tilespmem:s20+$0xFFFFFFC0];
	v6 =	vmul.f32 v6, v2;
	[tilespmem:s20+$0xFFFFFF50] =	vst v5  }
0x1ce: {  	v14 =	vld [tilespmem:s20+$0xFFFFFFE0];
	v5 =	vmul.f32 v7, v4;
	[tilespmem:s20+$0xFFFFFF60] =	vst v3  }
0x1cf: {  	v2 =	vld.idx.msk [tilespmem:v12+s30+$0x0], $0xffff;
	v3 =	vmul.f32 v8, v4;
	[tilespmem:s20+$0xFFFFFF70] =	vst v6  }
0x1d0: {  	v8 =	vld [tilespmem:s20+$0xFFFFFFF0];
	[tilespmem:s20+$0xFFFFFF80] =	vst v5;
	v5 =	vmul.f32 v9, v4  }
0x1d1: {  	v7 =	vld [tilespmem:s20+$0x0];
	[tilespmem:s20+$0xFFFFFF90] =	vst v3;
	v3 =	vmul.f32 v10, v4  }
0x1d2: {  	v6 =	vld [tilespmem:s20+$0x10];
	v9 =	vmul.f32 v11, v4;
	[tilespmem:s20+$0xFFFFFFA0] =	vst v5  }
0x1d3: {  	v10 =	vmul.f32 v13, v4;
	v5 =	vld [tilespmem:s20+$0x20];
	[tilespmem:s20+$0xFFFFFFB0] =	vst v3  }
0x1d4: {  	[tilespmem:s20+$0xFFFFFFC0] =	vst v9;
	v3 =	vld [tilespmem:s20+$0x30];
	v9 =	vmul.f32 v14, v4  }
0x1d5: {  	s19 =	sor.u32 $0x3, s19;
	s22 =	simm.s32 $0x0;
	s21 =	simm.s32 $0x1EAB0;
	[tilespmem:s20+$0xFFFFFFD0] =	vst v10;
	v8 =	vmul.f32 v8, v4;
	v4 =	vld [tilespmem:s20+$0x40]  }
.LBB2_11:
0x1d6: {  	s23 =	sadd.s32 s22, s15;
	s22 =	sadd.s32 $0x4, s22;
	[tilespmem:s20+$0xFFFFFFE0] =	vst v9;
	v7 =	vmul.f32 v7, v1;
	v9 =	vld [tilespmem:s20+$0x50]  }
0x1d7: {  	s24 =	sadd.s32 $0x7C, s23;
	s25 =	sadd.s32 $0x7E, s23;
	p0 =	slt.u32 s22, $0x24;
	[tilespmem:s20+$0xFFFFFFF0] =	vst v8;
	v6 =	vmul.f32 v6, v1;
	v8 =	vld [tilespmem:s20+$0x60]  }
0x1d8: {  	v10 =	vmov s24;
	s24 =	sadd.s32 $0x7D, s23;
	v11 =	vmov s25;
	s23 =	sadd.s32 $0x7F, s23;
	[tilespmem:s20+$0x0] =	vst v7;
	v5 =	vmul.f32 v5, v1;
	v7 =	vld [tilespmem:s20+$0x80]  }
0x1d9: {  	v10 =	vand.u32 $0xFFFFFFFC, v10;
	v12 =	vmov s24;
	v11 =	vand.u32 $0xFFFFFFFE, v11;
	[tilespmem:s20+$0x10] =	vst v6;
	v6 =	vld [tilespmem:s20+$0x90]  }
0x1da: {  	v10 =	vbroadcast v10, $0x0;
	v12 =	vand.u32 $0xFFFFFFFD, v12;
	v11 =	vbroadcast v11, $0x0;
	[tilespmem:s20+$0x20] =	vst v5;
	v5 =	vld [tilespmem:s20+$0xA0]  }
0x1db: {  	v13 =	vmov s23;
	v3 =	vmul.f32 v3, v1;
	v12 =	vbroadcast v12, $0x0;
	v14 =	vld [tilespmem:s20+$0xB0]  }
0x1dc: {  	v4 =	vmul.f32 v4, v1;
	v9 =	vmul.f32 v9, v1;
	v15 =	vld [tilespmem:s20+$0xC0]  }
0x1dd: {  	[tilespmem:s20+$0x30] =	vst v3;
	v3 =	vmul.f32 v8, v1;
	v7 =	vmul.f32 v7, v2;
	v8 =	vld [tilespmem:s20+$0xD0]  }
0x1de: {  	[tilespmem:s20+$0x40] =	vst v4;
	v4 =	vmul.f32 v6, v2;
	v6 =	vld [tilespmem:s20+$0xE0]  }
0x1df: {  	[tilespmem:s20+$0x50] =	vst v9;
	v5 =	vmul.f32 v5, v2;
	v9 =	vld [tilespmem:s20+$0xF0]  }
0x1e0: {  	s20 =	sadd.s32 $0x200, s20;
	v1 =	vld.idx.msk [tilespmem:v11+s30+$0x0], $0xffff;
	[tilespmem:s21+$0x60] =	vst v3;
	v3 =	vmul.f32 v14, v2  }
0x1e1: {  	v11 =	vld [tilespmem:s20+$0x70];
	[tilespmem:s21+$0x80] =	vst v7;
	v7 =	vmul.f32 v15, v2  }
0x1e2: {  	v10 =	vld.idx.msk [tilespmem:v10+s30+$0x0], $0xffff;
	[tilespmem:s21+$0x90] =	vst v4;
	v4 =	vmul.f32 v8, v2  }
0x1e3: {  	v8 =	vld.idx.msk [tilespmem:v12+s30+$0x0], $0xffff;
	[tilespmem:s21+$0xA0] =	vst v5;
	v5 =	vmul.f32 v6, v2  }
0x1e4: {  	[tilespmem:s21+$0xB0] =	vst v3;
	v3 =	vmul.f32 v9, v2;
	v2 =	vld.idx.msk [tilespmem:v13+s30+$0x0], $0xffff  }
0x1e5: {  	v6 =	vld [tilespmem:s20+$0xFFFFFF00];
	[tilespmem:s21+$0xC0] =	vst v7  }
0x1e6: {  	v7 =	vld [tilespmem:s20+$0xFFFFFF10];
	v9 =	vmul.f32 v11, v1;
	[tilespmem:s21+$0xD0] =	vst v4  }
0x1e7: {  	v4 =	vld [tilespmem:s20+$0xFFFFFF20];
	[tilespmem:s21+$0xE0] =	vst v5  }
0x1e8: {  	v5 =	vld [tilespmem:s20+$0xFFFFFF30];
	[tilespmem:s20+$0x70] =	vst v9  }
0x1e9: {  	v9 =	vld [tilespmem:s20+$0xFFFFFF40];
	[tilespmem:s21+$0xF0] =	vst v3;
	s21 =	smov.u32 s20  }
0x1ea: {  	v3 =	vmul.f32 v6, v10;
	v6 =	vld [tilespmem:s20+$0xFFFFFF50]  }
0x1eb: {  	v7 =	vmul.f32 v7, v10;
	v11 =	vld [tilespmem:s20+$0xFFFFFF60]  }
0x1ec: {  	[tilespmem:s20+$0xFFFFFF00] =	vst v3;
	v3 =	vmul.f32 v4, v10;
	v4 =	vld [tilespmem:s20+$0xFFFFFF70]  }
0x1ed: {  	[tilespmem:s20+$0xFFFFFF10] =	vst v7;
	v5 =	vmul.f32 v5, v10;
	v7 =	vld [tilespmem:s20+$0xFFFFFF80]  }
0x1ee: {  	[tilespmem:s20+$0xFFFFFF20] =	vst v3;
	v3 =	vmul.f32 v9, v10;
	v9 =	vld [tilespmem:s20+$0xFFFFFF90]  }
0x1ef: {  	[tilespmem:s20+$0xFFFFFF30] =	vst v5;
	v5 =	vmul.f32 v6, v10;
	v6 =	vld [tilespmem:s20+$0xFFFFFFA0]  }
0x1f0: {  	[tilespmem:s20+$0xFFFFFF40] =	vst v3;
	v3 =	vmul.f32 v11, v10;
	v11 =	vld [tilespmem:s20+$0xFFFFFFB0]  }
0x1f1: {  	[tilespmem:s20+$0xFFFFFF50] =	vst v5;
	v4 =	vmul.f32 v4, v10;
	v5 =	vld [tilespmem:s20+$0xFFFFFFC0]  }
0x1f2: {  	[tilespmem:s20+$0xFFFFFF60] =	vst v3;
	v3 =	vmul.f32 v7, v8;
	v10 =	vld [tilespmem:s20+$0xFFFFFFD0]  }
0x1f3: {  	[tilespmem:s20+$0xFFFFFF70] =	vst v4;
	v4 =	vmul.f32 v9, v8;
	v9 =	vld [tilespmem:s20+$0xFFFFFFE0]  }
0x1f4: {  	[tilespmem:s20+$0xFFFFFF80] =	vst v3;
	v3 =	vmul.f32 v6, v8;
	v12 =	vld [tilespmem:s20+$0xFFFFFFF0]  }
.Ltmp4:
0x1f5: {  	[tilespmem:s20+$0xFFFFFF90] =	vst v4;
	v4 =	vmul.f32 v11, v8;
	v7 =	vld [tilespmem:s20+$0x0];
	(pc) =	sbr.rel @p0 .LBB2_11-.Ltmp4, $4  }
0x1f6: {  	[tilespmem:s20+$0xFFFFFFA0] =	vst v3;
	v3 =	vmul.f32 v5, v8;
	v6 =	vld [tilespmem:s20+$0x10]  }
0x1f7: {  	[tilespmem:s20+$0xFFFFFFB0] =	vst v4;
	v4 =	vmul.f32 v10, v8;
	v5 =	vld [tilespmem:s20+$0x20]  }
0x1f8: {  	[tilespmem:s20+$0xFFFFFFC0] =	vst v3;
	v9 =	vmul.f32 v9, v8;
	v3 =	vld [tilespmem:s20+$0x30]  }
0x1f9: {  	[tilespmem:s20+$0xFFFFFFD0] =	vst v4;
	v8 =	vmul.f32 v12, v8;
	v4 =	vld [tilespmem:s20+$0x40]  }
0x1fa: {  	v10 =	vld [tilespmem:s20+$0x50];
	[tilespmem:s20+$0xFFFFFFE0] =	vst v9;
	v7 =	vmul.f32 v7, v1  }
0x1fb: {  	v9 =	vld [tilespmem:s20+$0x60];
	[tilespmem:s20+$0xFFFFFFF0] =	vst v8;
	v6 =	vmul.f32 v6, v1  }
0x1fc: {  	v8 =	vld [tilespmem:s20+$0x80];
	[tilespmem:s20+$0x0] =	vst v7;
	v5 =	vmul.f32 v5, v1  }
0x1fd: {  	v7 =	vld [tilespmem:s20+$0x90];
	[tilespmem:s20+$0x10] =	vst v6;
	v3 =	vmul.f32 v3, v1  }
0x1fe: {  	v6 =	vld [tilespmem:s20+$0xA0];
	[tilespmem:s20+$0x20] =	vst v5;
	v4 =	vmul.f32 v4, v1  }
0x1ff: {  	v5 =	vld [tilespmem:s20+$0xB0];
	v10 =	vmul.f32 v10, v1;
	[tilespmem:s20+$0x30] =	vst v3  }
0x200: {  	v11 =	vld [tilespmem:s20+$0xC0];
	v1 =	vmul.f32 v9, v1;
	[tilespmem:s20+$0x40] =	vst v4  }
0x201: {  	v3 =	vld [tilespmem:s20+$0xD0];
	v4 =	vmul.f32 v8, v2;
	[tilespmem:s20+$0x50] =	vst v10  }
0x202: {  	v8 =	vld [tilespmem:s20+$0xE0];
	v7 =	vmul.f32 v7, v2;
	[tilespmem:s21+$0x60] =	vst v1  }
0x203: {  	v9 =	vld [tilespmem:s20+$0xF0];
	v1 =	vmul.f32 v6, v2;
	[tilespmem:s21+$0x80] =	vst v4  }
0x204: {  	v4 =	vmul.f32 v5, v2;
	[tilespmem:s21+$0x90] =	vst v7  }
0x205: {  	v5 =	vmul.f32 v11, v2;
	[tilespmem:s21+$0xA0] =	vst v1  }
0x206: {  	v1 =	vmul.f32 v3, v2;
	[tilespmem:s21+$0xB0] =	vst v4  }
0x207: {  	s19 =	smul.u32 $0xA0, s19;
	v3 =	vmul.f32 v8, v2;
	[tilespmem:s21+$0xC0] =	vst v5  }
0x208: {  	v2 =	vmul.f32 v9, v2;
	[tilespmem:s21+$0xD0] =	vst v1  }
0x209: {  	p0 =	seq.s32 s16, $0x3D;
	s19 =	sshra.s32 s19, $0x2;
	[tilespmem:s21+$0xE0] =	vst v3  }
0x20a: {  	s19 =	sadd.s32 $0x15F90, s19;
	s20 =	smul.u32 @!p0 $0x280, s16;
	[tilespmem:s21+$0xF0] =	vst v2;
	s21 =	sadd.s32 $0xFFFFFFFC, s15  }
0x20b: {  	[spmem:s3] =	stream.indirect.scatter.add.f32 [tilespmem:s10], [sflag:$0x8], $0x80, s19, s5, $0xb8;
	[tilespmem:$0x1FDB0] =	vst v63  }
0x20c: {  	s23 =	simm.s32 @!p0 $0x1D5B0;
	s24 =	sadd.s32 $0xA6, s21;
	_ =	swait.ge [sflag:s26], $0x1400  }
0x20d: {  	s22 =	sadd.s32 $0xA4, s21;
	s19 =	sshra.s32 @!p0 s20, $0x2;
	[sflag:s26] =	ssyncset.done $0x0  }
0x20e: {  	v2 =	vmov s22;
	s20 =	sadd.s32 @!p0 $0x13970, s19;
	s22 =	simm.s32 @!p0 $0x28;
	[sflag:s26] =	ssyncadd.s32 $0xFFFFEC00  }
0x20f: {  	[tilespmem:s23], [sflag:$0x3] =	stream.indirect.gather @!p0 [hbm4b:s1+s22], $0x80, s20, s22, $0xb8;
	[tilespmem:$0x1FDB0] =	vst v63  }
0x210: {  	v1 =	vmov s24;
	v2 =	vand.u32 $0xFFFFFFFC, v2;
	_ =	swait.ge [sflag:s9], $0x1400  }
0x211: {  	v1 =	vand.u32 $0xFFFFFFFE, v1;
	v2 =	vbroadcast v2, $0x0;
	[sflag:s9] =	ssyncset.done $0x0  }
0x212: {  	v1 =	vbroadcast v1, $0x0;
	s20 =	simm.s32 $0x1AEB0;
	[sflag:s9] =	ssyncadd.s32 $0xFFFFEC00  }
0x213: {  	v3 =	vld [tilespmem:s20+$0x70]  }
0x214: {  	v5 =	vld [tilespmem:s20+$0xFFFFFF00]  }
0x215: {  	s25 =	sadd.s32 $0xA5, s21;
	v6 =	vld [tilespmem:s20+$0xFFFFFF10]  }
0x216: {  	v4 =	vmov s25;
	v7 =	vld [tilespmem:s20+$0xFFFFFF20]  }
0x217: {  	v4 =	vand.u32 $0xFFFFFFFD, v4;
	v2 =	vld.idx.msk [tilespmem:v2+s30+$0x0], $0xffff  }
0x218: {  	v4 =	vbroadcast v4, $0x0;
	v1 =	vld.idx.msk [tilespmem:v1+s30+$0x0], $0xffff  }
0x219: {  	v8 =	vld [tilespmem:s20+$0xFFFFFF30]  }
0x21a: {  	v9 =	vld [tilespmem:s20+$0xFFFFFF40]  }
0x21b: {  	v10 =	vld [tilespmem:s20+$0xFFFFFF50]  }
0x21c: {  	v11 =	vld [tilespmem:s20+$0xFFFFFF60];
	v5 =	vmul.f32 v5, v2  }
0x21d: {  	v13 =	vld [tilespmem:s20+$0xFFFFFFD0];
	v3 =	vmul.f32 v3, v1  }
0x21e: {  	v4 =	vld.idx.msk [tilespmem:v4+s30+$0x0], $0xffff;
	[tilespmem:s20+$0xFFFFFF00] =	vst v5;
	v5 =	vmul.f32 v6, v2  }
0x21f: {  	v6 =	vld [tilespmem:s20+$0xFFFFFF70];
	[tilespmem:s20+$0x70] =	vst v3;
	v3 =	vmul.f32 v7, v2  }
0x220: {  	s21 =	sadd.s32 $0xA7, s21;
	v7 =	vld [tilespmem:s20+$0xFFFFFF80];
	[tilespmem:s20+$0xFFFFFF10] =	vst v5;
	v5 =	vmul.f32 v8, v2  }
0x221: {  	v12 =	vmov s21;
	v8 =	vld [tilespmem:s20+$0xFFFFFF90];
	[tilespmem:s20+$0xFFFFFF20] =	vst v3;
	v3 =	vmul.f32 v9, v2  }
0x222: {  	v9 =	vld [tilespmem:s20+$0xFFFFFFA0];
	[tilespmem:s20+$0xFFFFFF30] =	vst v5;
	v5 =	vmul.f32 v10, v2  }
0x223: {  	v10 =	vld [tilespmem:s20+$0xFFFFFFB0];
	[tilespmem:s20+$0xFFFFFF40] =	vst v3;
	v3 =	vmul.f32 v11, v2  }
0x224: {  	v11 =	vld [tilespmem:s20+$0xFFFFFFC0];
	v6 =	vmul.f32 v6, v2;
	[tilespmem:s20+$0xFFFFFF50] =	vst v5  }
0x225: {  	v14 =	vld [tilespmem:s20+$0xFFFFFFE0];
	v5 =	vmul.f32 v7, v4;
	[tilespmem:s20+$0xFFFFFF60] =	vst v3  }
0x226: {  	v2 =	vld.idx.msk [tilespmem:v12+s30+$0x0], $0xffff;
	v3 =	vmul.f32 v8, v4;
	[tilespmem:s20+$0xFFFFFF70] =	vst v6  }
0x227: {  	v8 =	vld [tilespmem:s20+$0xFFFFFFF0];
	[tilespmem:s20+$0xFFFFFF80] =	vst v5;
	v5 =	vmul.f32 v9, v4  }
0x228: {  	v7 =	vld [tilespmem:s20+$0x0];
	[tilespmem:s20+$0xFFFFFF90] =	vst v3;
	v3 =	vmul.f32 v10, v4  }
0x229: {  	v6 =	vld [tilespmem:s20+$0x10];
	v9 =	vmul.f32 v11, v4;
	[tilespmem:s20+$0xFFFFFFA0] =	vst v5  }
0x22a: {  	v10 =	vmul.f32 v13, v4;
	v5 =	vld [tilespmem:s20+$0x20];
	[tilespmem:s20+$0xFFFFFFB0] =	vst v3  }
0x22b: {  	[tilespmem:s20+$0xFFFFFFC0] =	vst v9;
	v3 =	vld [tilespmem:s20+$0x30];
	v9 =	vmul.f32 v14, v4  }
0x22c: {  	s21 =	simm.s32 $0x1AEB0;
	s22 =	simm.s32 $0x0;
	[tilespmem:s20+$0xFFFFFFD0] =	vst v10;
	v8 =	vmul.f32 v8, v4;
	v4 =	vld [tilespmem:s20+$0x40]  }
.LBB2_13:
0x22d: {  	s23 =	sadd.s32 s22, s15;
	s22 =	sadd.s32 $0x4, s22;
	[tilespmem:s20+$0xFFFFFFE0] =	vst v9;
	v7 =	vmul.f32 v7, v1;
	v9 =	vld [tilespmem:s20+$0x50]  }
0x22e: {  	s24 =	sadd.s32 $0xA4, s23;
	s25 =	sadd.s32 $0xA6, s23;
	p1 =	slt.u32 s22, $0x24;
	[tilespmem:s20+$0xFFFFFFF0] =	vst v8;
	v6 =	vmul.f32 v6, v1;
	v8 =	vld [tilespmem:s20+$0x60]  }
0x22f: {  	v10 =	vmov s24;
	s24 =	sadd.s32 $0xA5, s23;
	v11 =	vmov s25;
	s23 =	sadd.s32 $0xA7, s23;
	[tilespmem:s20+$0x0] =	vst v7;
	v5 =	vmul.f32 v5, v1;
	v7 =	vld [tilespmem:s20+$0x80]  }
0x230: {  	v10 =	vand.u32 $0xFFFFFFFC, v10;
	v12 =	vmov s24;
	v11 =	vand.u32 $0xFFFFFFFE, v11;
	[tilespmem:s20+$0x10] =	vst v6;
	v6 =	vld [tilespmem:s20+$0x90]  }
0x231: {  	v10 =	vbroadcast v10, $0x0;
	v12 =	vand.u32 $0xFFFFFFFD, v12;
	v11 =	vbroadcast v11, $0x0;
	[tilespmem:s20+$0x20] =	vst v5;
	v5 =	vld [tilespmem:s20+$0xA0]  }
0x232: {  	v13 =	vmov s23;
	v3 =	vmul.f32 v3, v1;
	v12 =	vbroadcast v12, $0x0;
	v14 =	vld [tilespmem:s20+$0xB0]  }
0x233: {  	v4 =	vmul.f32 v4, v1;
	v9 =	vmul.f32 v9, v1;
	v15 =	vld [tilespmem:s20+$0xC0]  }
0x234: {  	[tilespmem:s20+$0x30] =	vst v3;
	v3 =	vmul.f32 v8, v1;
	v7 =	vmul.f32 v7, v2;
	v8 =	vld [tilespmem:s20+$0xD0]  }
0x235: {  	[tilespmem:s20+$0x40] =	vst v4;
	v4 =	vmul.f32 v6, v2;
	v6 =	vld [tilespmem:s20+$0xE0]  }
0x236: {  	[tilespmem:s20+$0x50] =	vst v9;
	v5 =	vmul.f32 v5, v2;
	v9 =	vld [tilespmem:s20+$0xF0]  }
0x237: {  	s20 =	sadd.s32 $0x200, s20;
	v1 =	vld.idx.msk [tilespmem:v11+s30+$0x0], $0xffff;
	[tilespmem:s21+$0x60] =	vst v3;
	v3 =	vmul.f32 v14, v2  }
0x238: {  	v11 =	vld [tilespmem:s20+$0x70];
	[tilespmem:s21+$0x80] =	vst v7;
	v7 =	vmul.f32 v15, v2  }
0x239: {  	v10 =	vld.idx.msk [tilespmem:v10+s30+$0x0], $0xffff;
	[tilespmem:s21+$0x90] =	vst v4;
	v4 =	vmul.f32 v8, v2  }
0x23a: {  	v8 =	vld.idx.msk [tilespmem:v12+s30+$0x0], $0xffff;
	[tilespmem:s21+$0xA0] =	vst v5;
	v5 =	vmul.f32 v6, v2  }
0x23b: {  	[tilespmem:s21+$0xB0] =	vst v3;
	v3 =	vmul.f32 v9, v2;
	v2 =	vld.idx.msk [tilespmem:v13+s30+$0x0], $0xffff  }
0x23c: {  	v6 =	vld [tilespmem:s20+$0xFFFFFF00];
	[tilespmem:s21+$0xC0] =	vst v7  }
0x23d: {  	v7 =	vld [tilespmem:s20+$0xFFFFFF10];
	v9 =	vmul.f32 v11, v1;
	[tilespmem:s21+$0xD0] =	vst v4  }
0x23e: {  	v4 =	vld [tilespmem:s20+$0xFFFFFF20];
	[tilespmem:s21+$0xE0] =	vst v5  }
0x23f: {  	v5 =	vld [tilespmem:s20+$0xFFFFFF30];
	[tilespmem:s20+$0x70] =	vst v9  }
0x240: {  	v9 =	vld [tilespmem:s20+$0xFFFFFF40];
	[tilespmem:s21+$0xF0] =	vst v3;
	s21 =	smov.u32 s20  }
0x241: {  	v3 =	vmul.f32 v6, v10;
	v6 =	vld [tilespmem:s20+$0xFFFFFF50]  }
0x242: {  	v7 =	vmul.f32 v7, v10;
	v11 =	vld [tilespmem:s20+$0xFFFFFF60]  }
0x243: {  	[tilespmem:s20+$0xFFFFFF00] =	vst v3;
	v3 =	vmul.f32 v4, v10;
	v4 =	vld [tilespmem:s20+$0xFFFFFF70]  }
0x244: {  	[tilespmem:s20+$0xFFFFFF10] =	vst v7;
	v5 =	vmul.f32 v5, v10;
	v7 =	vld [tilespmem:s20+$0xFFFFFF80]  }
0x245: {  	[tilespmem:s20+$0xFFFFFF20] =	vst v3;
	v3 =	vmul.f32 v9, v10;
	v9 =	vld [tilespmem:s20+$0xFFFFFF90]  }
0x246: {  	[tilespmem:s20+$0xFFFFFF30] =	vst v5;
	v5 =	vmul.f32 v6, v10;
	v6 =	vld [tilespmem:s20+$0xFFFFFFA0]  }
0x247: {  	[tilespmem:s20+$0xFFFFFF40] =	vst v3;
	v3 =	vmul.f32 v11, v10;
	v11 =	vld [tilespmem:s20+$0xFFFFFFB0]  }
0x248: {  	[tilespmem:s20+$0xFFFFFF50] =	vst v5;
	v4 =	vmul.f32 v4, v10;
	v5 =	vld [tilespmem:s20+$0xFFFFFFC0]  }
0x249: {  	[tilespmem:s20+$0xFFFFFF60] =	vst v3;
	v3 =	vmul.f32 v7, v8;
	v10 =	vld [tilespmem:s20+$0xFFFFFFD0]  }
0x24a: {  	[tilespmem:s20+$0xFFFFFF70] =	vst v4;
	v4 =	vmul.f32 v9, v8;
	v9 =	vld [tilespmem:s20+$0xFFFFFFE0]  }
0x24b: {  	[tilespmem:s20+$0xFFFFFF80] =	vst v3;
	v3 =	vmul.f32 v6, v8;
	v12 =	vld [tilespmem:s20+$0xFFFFFFF0]  }
.Ltmp5:
0x24c: {  	[tilespmem:s20+$0xFFFFFF90] =	vst v4;
	v4 =	vmul.f32 v11, v8;
	v7 =	vld [tilespmem:s20+$0x0];
	(pc) =	sbr.rel @p1 .LBB2_13-.Ltmp5, $4  }
0x24d: {  	[tilespmem:s20+$0xFFFFFFA0] =	vst v3;
	v3 =	vmul.f32 v5, v8;
	v6 =	vld [tilespmem:s20+$0x10]  }
0x24e: {  	[tilespmem:s20+$0xFFFFFFB0] =	vst v4;
	v4 =	vmul.f32 v10, v8;
	v5 =	vld [tilespmem:s20+$0x20]  }
0x24f: {  	[tilespmem:s20+$0xFFFFFFC0] =	vst v3;
	v9 =	vmul.f32 v9, v8;
	v3 =	vld [tilespmem:s20+$0x30]  }
0x250: {  	[tilespmem:s20+$0xFFFFFFD0] =	vst v4;
	v8 =	vmul.f32 v12, v8;
	v4 =	vld [tilespmem:s20+$0x40]  }
0x251: {  	v10 =	vld [tilespmem:s20+$0x50];
	[tilespmem:s20+$0xFFFFFFE0] =	vst v9;
	v7 =	vmul.f32 v7, v1  }
0x252: {  	v9 =	vld [tilespmem:s20+$0x60];
	[tilespmem:s20+$0xFFFFFFF0] =	vst v8;
	v6 =	vmul.f32 v6, v1  }
0x253: {  	v8 =	vld [tilespmem:s20+$0x80];
	[tilespmem:s20+$0x0] =	vst v7;
	v5 =	vmul.f32 v5, v1  }
0x254: {  	v7 =	vld [tilespmem:s20+$0x90];
	[tilespmem:s20+$0x10] =	vst v6;
	v3 =	vmul.f32 v3, v1  }
0x255: {  	v6 =	vld [tilespmem:s20+$0xA0];
	[tilespmem:s20+$0x20] =	vst v5;
	v4 =	vmul.f32 v4, v1  }
0x256: {  	v5 =	vld [tilespmem:s20+$0xB0];
	v10 =	vmul.f32 v10, v1;
	[tilespmem:s20+$0x30] =	vst v3  }
0x257: {  	v11 =	vld [tilespmem:s20+$0xC0];
	v1 =	vmul.f32 v9, v1;
	[tilespmem:s20+$0x40] =	vst v4  }
0x258: {  	v3 =	vld [tilespmem:s20+$0xD0];
	v4 =	vmul.f32 v8, v2;
	[tilespmem:s20+$0x50] =	vst v10  }
0x259: {  	v8 =	vld [tilespmem:s20+$0xE0];
	v7 =	vmul.f32 v7, v2;
	[tilespmem:s21+$0x60] =	vst v1  }
0x25a: {  	v9 =	vld [tilespmem:s20+$0xF0];
	v1 =	vmul.f32 v6, v2;
	[tilespmem:s21+$0x80] =	vst v4  }
0x25b: {  	v4 =	vmul.f32 v5, v2;
	[tilespmem:s21+$0x90] =	vst v7  }
0x25c: {  	v5 =	vmul.f32 v11, v2;
	[tilespmem:s21+$0xA0] =	vst v1  }
0x25d: {  	v1 =	vmul.f32 v3, v2;
	[tilespmem:s21+$0xB0] =	vst v4  }
0x25e: {  	v3 =	vmul.f32 v8, v2;
	[tilespmem:s21+$0xC0] =	vst v5  }
0x25f: {  	v2 =	vmul.f32 v9, v2;
	[tilespmem:s21+$0xD0] =	vst v1  }
0x260: {  	s25 =	sadd.s32 $0xFFFFFFFC, s15;
	[tilespmem:s21+$0xE0] =	vst v3  }
0x261: {  	s17 =	sadd.s32 $0x15F90, s17;
	s22 =	sadd.s32 $0xCE, s25;
	[tilespmem:s21+$0xF0] =	vst v2  }
0x262: {  	v1 =	vmov s22;
	[spmem:s3] =	stream.indirect.scatter.add.f32 [tilespmem:s31], [sflag:$0x5], $0x80, s17, s5, $0xb8;
	[tilespmem:$0x1FDB0] =	vst v63  }
0x263: {  	s23 =	sadd.s32 $0xCC, s25;
	v1 =	vand.u32 $0xFFFFFFFE, v1;
	_ =	swait.ge [sflag:s29], $0x1400  }
0x264: {  	v2 =	vmov s23;
	s21 =	simm.s32 @!p0 $0x1E9B0;
	v1 =	vbroadcast v1, $0x0;
	[sflag:s29] =	ssyncset.done $0x0  }
0x265: {  	s17 =	sadd.s32 @!p0 $0x13998, s19;
	s19 =	simm.s32 @!p0 $0x28;
	v2 =	vand.u32 $0xFFFFFFFC, v2;
	[sflag:s29] =	ssyncadd.s32 $0xFFFFEC00  }
0x266: {  	v2 =	vbroadcast v2, $0x0;
	[tilespmem:s21], [sflag:$0x4] =	stream.indirect.gather @!p0 [hbm4b:s1+s19], $0x80, s17, s19, $0xb8;
	[tilespmem:$0x1FDB0] =	vst v63  }
0x267: {  	_ =	swait.ge [sflag:s11], $0x1400  }
0x268: {  	[sflag:s11] =	ssyncset.done $0x0  }
0x269: {  	[sflag:s11] =	ssyncadd.s32 $0xFFFFEC00  }
0x26a: {  	s17 =	simm.s32 $0x1C2B0;
	v1 =	vld.idx.msk [tilespmem:v1+s30+$0x0], $0xffff  }
0x26b: {  	s24 =	sadd.s32 $0xCD, s25;
	v3 =	vld [tilespmem:s17+$0x70]  }
0x26c: {  	v4 =	vmov s24;
	v2 =	vld.idx.msk [tilespmem:v2+s30+$0x0], $0xffff  }
0x26d: {  	v4 =	vand.u32 $0xFFFFFFFD, v4;
	v5 =	vld [tilespmem:s17+$0xFFFFFF00]  }
0x26e: {  	v4 =	vbroadcast v4, $0x0;
	v6 =	vld [tilespmem:s17+$0xFFFFFF10]  }
0x26f: {  	v7 =	vld [tilespmem:s17+$0xFFFFFF20]  }
0x270: {  	v8 =	vld [tilespmem:s17+$0xFFFFFF30]  }
0x271: {  	v9 =	vld [tilespmem:s17+$0xFFFFFF40]  }
0x272: {  	v10 =	vld [tilespmem:s17+$0xFFFFFF50]  }
0x273: {  	v11 =	vld [tilespmem:s17+$0xFFFFFF60];
	v5 =	vmul.f32 v5, v2  }
0x274: {  	v4 =	vld.idx.msk [tilespmem:v4+s30+$0x0], $0xffff;
	v3 =	vmul.f32 v3, v1  }
0x275: {  	v13 =	vld [tilespmem:s17+$0xFFFFFFD0];
	[tilespmem:s17+$0xFFFFFF00] =	vst v5;
	v5 =	vmul.f32 v6, v2  }
0x276: {  	v6 =	vld [tilespmem:s17+$0xFFFFFF70];
	[tilespmem:s17+$0x70] =	vst v3;
	v3 =	vmul.f32 v7, v2  }
0x277: {  	s25 =	sadd.s32 $0xCF, s25;
	v7 =	vld [tilespmem:s17+$0xFFFFFF80];
	[tilespmem:s17+$0xFFFFFF10] =	vst v5;
	v5 =	vmul.f32 v8, v2  }
0x278: {  	v12 =	vmov s25;
	v8 =	vld [tilespmem:s17+$0xFFFFFF90];
	[tilespmem:s17+$0xFFFFFF20] =	vst v3;
	v3 =	vmul.f32 v9, v2  }
0x279: {  	v9 =	vld [tilespmem:s17+$0xFFFFFFA0];
	[tilespmem:s17+$0xFFFFFF30] =	vst v5;
	v5 =	vmul.f32 v10, v2  }
0x27a: {  	v10 =	vld [tilespmem:s17+$0xFFFFFFB0];
	[tilespmem:s17+$0xFFFFFF40] =	vst v3;
	v3 =	vmul.f32 v11, v2  }
0x27b: {  	v11 =	vld [tilespmem:s17+$0xFFFFFFC0];
	v6 =	vmul.f32 v6, v2;
	[tilespmem:s17+$0xFFFFFF50] =	vst v5  }
0x27c: {  	v14 =	vld [tilespmem:s17+$0xFFFFFFE0];
	v5 =	vmul.f32 v7, v4;
	[tilespmem:s17+$0xFFFFFF60] =	vst v3  }
0x27d: {  	v2 =	vld.idx.msk [tilespmem:v12+s30+$0x0], $0xffff;
	v3 =	vmul.f32 v8, v4;
	[tilespmem:s17+$0xFFFFFF70] =	vst v6  }
0x27e: {  	v8 =	vld [tilespmem:s17+$0xFFFFFFF0];
	[tilespmem:s17+$0xFFFFFF80] =	vst v5;
	v5 =	vmul.f32 v9, v4  }
0x27f: {  	v7 =	vld [tilespmem:s17+$0x0];
	[tilespmem:s17+$0xFFFFFF90] =	vst v3;
	v3 =	vmul.f32 v10, v4  }
0x280: {  	v6 =	vld [tilespmem:s17+$0x10];
	v9 =	vmul.f32 v11, v4;
	[tilespmem:s17+$0xFFFFFFA0] =	vst v5  }
0x281: {  	v10 =	vmul.f32 v13, v4;
	v5 =	vld [tilespmem:s17+$0x20];
	[tilespmem:s17+$0xFFFFFFB0] =	vst v3  }
0x282: {  	[tilespmem:s17+$0xFFFFFFC0] =	vst v9;
	v3 =	vld [tilespmem:s17+$0x30];
	v9 =	vmul.f32 v14, v4  }
0x283: {  	s20 =	simm.s32 $0x0;
	s19 =	simm.s32 $0x1C2B0;
	[tilespmem:s17+$0xFFFFFFD0] =	vst v10;
	v8 =	vmul.f32 v8, v4;
	v4 =	vld [tilespmem:s17+$0x40]  }
.LBB2_15:
0x284: {  	s21 =	sadd.s32 s20, s15;
	s20 =	sadd.s32 $0x4, s20;
	[tilespmem:s17+$0xFFFFFFE0] =	vst v9;
	v7 =	vmul.f32 v7, v1;
	v9 =	vld [tilespmem:s17+$0x50]  }
0x285: {  	s22 =	sadd.s32 $0xCC, s21;
	s23 =	sadd.s32 $0xCE, s21;
	p0 =	slt.u32 s20, $0x24;
	[tilespmem:s17+$0xFFFFFFF0] =	vst v8;
	v6 =	vmul.f32 v6, v1;
	v8 =	vld [tilespmem:s17+$0x60]  }
0x286: {  	v10 =	vmov s22;
	s22 =	sadd.s32 $0xCD, s21;
	v11 =	vmov s23;
	s21 =	sadd.s32 $0xCF, s21;
	[tilespmem:s17+$0x0] =	vst v7;
	v5 =	vmul.f32 v5, v1;
	v7 =	vld [tilespmem:s17+$0x80]  }
0x287: {  	v10 =	vand.u32 $0xFFFFFFFC, v10;
	v12 =	vmov s22;
	v11 =	vand.u32 $0xFFFFFFFE, v11;
	[tilespmem:s17+$0x10] =	vst v6;
	v6 =	vld [tilespmem:s17+$0x90]  }
0x288: {  	v10 =	vbroadcast v10, $0x0;
	v12 =	vand.u32 $0xFFFFFFFD, v12;
	v11 =	vbroadcast v11, $0x0;
	[tilespmem:s17+$0x20] =	vst v5;
	v5 =	vld [tilespmem:s17+$0xA0]  }
0x289: {  	v13 =	vmov s21;
	v3 =	vmul.f32 v3, v1;
	v12 =	vbroadcast v12, $0x0;
	v14 =	vld [tilespmem:s17+$0xB0]  }
0x28a: {  	v4 =	vmul.f32 v4, v1;
	v9 =	vmul.f32 v9, v1;
	v15 =	vld [tilespmem:s17+$0xC0]  }
0x28b: {  	[tilespmem:s17+$0x30] =	vst v3;
	v3 =	vmul.f32 v8, v1;
	v7 =	vmul.f32 v7, v2;
	v8 =	vld [tilespmem:s17+$0xD0]  }
0x28c: {  	[tilespmem:s17+$0x40] =	vst v4;
	v4 =	vmul.f32 v6, v2;
	v6 =	vld [tilespmem:s17+$0xE0]  }
0x28d: {  	[tilespmem:s17+$0x50] =	vst v9;
	v5 =	vmul.f32 v5, v2;
	v9 =	vld [tilespmem:s17+$0xF0]  }
0x28e: {  	s17 =	sadd.s32 $0x200, s17;
	v1 =	vld.idx.msk [tilespmem:v11+s30+$0x0], $0xffff;
	[tilespmem:s19+$0x60] =	vst v3;
	v3 =	vmul.f32 v14, v2  }
0x28f: {  	v11 =	vld [tilespmem:s17+$0x70];
	[tilespmem:s19+$0x80] =	vst v7;
	v7 =	vmul.f32 v15, v2  }
0x290: {  	v10 =	vld.idx.msk [tilespmem:v10+s30+$0x0], $0xffff;
	[tilespmem:s19+$0x90] =	vst v4;
	v4 =	vmul.f32 v8, v2  }
0x291: {  	v8 =	vld.idx.msk [tilespmem:v12+s30+$0x0], $0xffff;
	[tilespmem:s19+$0xA0] =	vst v5;
	v5 =	vmul.f32 v6, v2  }
0x292: {  	[tilespmem:s19+$0xB0] =	vst v3;
	v3 =	vmul.f32 v9, v2;
	v2 =	vld.idx.msk [tilespmem:v13+s30+$0x0], $0xffff  }
0x293: {  	v6 =	vld [tilespmem:s17+$0xFFFFFF00];
	[tilespmem:s19+$0xC0] =	vst v7  }
0x294: {  	v7 =	vld [tilespmem:s17+$0xFFFFFF10];
	v9 =	vmul.f32 v11, v1;
	[tilespmem:s19+$0xD0] =	vst v4  }
0x295: {  	v4 =	vld [tilespmem:s17+$0xFFFFFF20];
	[tilespmem:s19+$0xE0] =	vst v5  }
0x296: {  	v5 =	vld [tilespmem:s17+$0xFFFFFF30];
	[tilespmem:s17+$0x70] =	vst v9  }
0x297: {  	v9 =	vld [tilespmem:s17+$0xFFFFFF40];
	[tilespmem:s19+$0xF0] =	vst v3;
	s19 =	smov.u32 s17  }
0x298: {  	v3 =	vmul.f32 v6, v10;
	v6 =	vld [tilespmem:s17+$0xFFFFFF50]  }
0x299: {  	v7 =	vmul.f32 v7, v10;
	v11 =	vld [tilespmem:s17+$0xFFFFFF60]  }
0x29a: {  	[tilespmem:s17+$0xFFFFFF00] =	vst v3;
	v3 =	vmul.f32 v4, v10;
	v4 =	vld [tilespmem:s17+$0xFFFFFF70]  }
0x29b: {  	[tilespmem:s17+$0xFFFFFF10] =	vst v7;
	v5 =	vmul.f32 v5, v10;
	v7 =	vld [tilespmem:s17+$0xFFFFFF80]  }
0x29c: {  	[tilespmem:s17+$0xFFFFFF20] =	vst v3;
	v3 =	vmul.f32 v9, v10;
	v9 =	vld [tilespmem:s17+$0xFFFFFF90]  }
0x29d: {  	[tilespmem:s17+$0xFFFFFF30] =	vst v5;
	v5 =	vmul.f32 v6, v10;
	v6 =	vld [tilespmem:s17+$0xFFFFFFA0]  }
0x29e: {  	[tilespmem:s17+$0xFFFFFF40] =	vst v3;
	v3 =	vmul.f32 v11, v10;
	v11 =	vld [tilespmem:s17+$0xFFFFFFB0]  }
0x29f: {  	[tilespmem:s17+$0xFFFFFF50] =	vst v5;
	v4 =	vmul.f32 v4, v10;
	v5 =	vld [tilespmem:s17+$0xFFFFFFC0]  }
0x2a0: {  	[tilespmem:s17+$0xFFFFFF60] =	vst v3;
	v3 =	vmul.f32 v7, v8;
	v10 =	vld [tilespmem:s17+$0xFFFFFFD0]  }
0x2a1: {  	[tilespmem:s17+$0xFFFFFF70] =	vst v4;
	v4 =	vmul.f32 v9, v8;
	v9 =	vld [tilespmem:s17+$0xFFFFFFE0]  }
0x2a2: {  	[tilespmem:s17+$0xFFFFFF80] =	vst v3;
	v3 =	vmul.f32 v6, v8;
	v12 =	vld [tilespmem:s17+$0xFFFFFFF0]  }
.Ltmp6:
0x2a3: {  	[tilespmem:s17+$0xFFFFFF90] =	vst v4;
	v4 =	vmul.f32 v11, v8;
	v7 =	vld [tilespmem:s17+$0x0];
	(pc) =	sbr.rel @p0 .LBB2_15-.Ltmp6, $4  }
0x2a4: {  	[tilespmem:s17+$0xFFFFFFA0] =	vst v3;
	v3 =	vmul.f32 v5, v8;
	v6 =	vld [tilespmem:s17+$0x10]  }
0x2a5: {  	[tilespmem:s17+$0xFFFFFFB0] =	vst v4;
	v4 =	vmul.f32 v10, v8;
	v5 =	vld [tilespmem:s17+$0x20]  }
0x2a6: {  	[tilespmem:s17+$0xFFFFFFC0] =	vst v3;
	v9 =	vmul.f32 v9, v8;
	v3 =	vld [tilespmem:s17+$0x30]  }
0x2a7: {  	[tilespmem:s17+$0xFFFFFFD0] =	vst v4;
	v8 =	vmul.f32 v12, v8;
	v4 =	vld [tilespmem:s17+$0x40]  }
0x2a8: {  	v10 =	vld [tilespmem:s17+$0x50]  }
0x2a9: {  	[tilespmem:s17+$0xFFFFFFE0] =	vst v9;
	v7 =	vmul.f32 v7, v1;
	v54 =	vld [tilespmem:s17+$0x60]  }
0x2aa: {  	v55 =	vld [tilespmem:s17+$0x80];
	[tilespmem:s17+$0xFFFFFFF0] =	vst v8;
	v6 =	vmul.f32 v6, v1  }
0x2ab: {  	v56 =	vld [tilespmem:s17+$0x90];
	[tilespmem:s17+$0x0] =	vst v7;
	v5 =	vmul.f32 v5, v1  }
0x2ac: {  	v57 =	vld [tilespmem:s17+$0xA0];
	[tilespmem:s17+$0x10] =	vst v6;
	v3 =	vmul.f32 v3, v1  }
0x2ad: {  	v58 =	vld [tilespmem:s17+$0xB0];
	[tilespmem:s17+$0x20] =	vst v5;
	v4 =	vmul.f32 v4, v1  }
0x2ae: {  	v11 =	vld [tilespmem:s17+$0xC0];
	v10 =	vmul.f32 v10, v1;
	[tilespmem:s17+$0x30] =	vst v3  }
0x2af: {  	v60 =	vld [tilespmem:s17+$0xE0];
	v59 =	vmul.f32 v55, v2;
	[tilespmem:s17+$0x40] =	vst v4  }
0x2b0: {  	v3 =	vld [tilespmem:s17+$0xD0];
	v7 =	vmul.f32 v56, v2;
	[tilespmem:s17+$0x50] =	vst v10  }
0x2b1: {  	v61 =	vld [tilespmem:s17+$0xF0];
	v1 =	vmul.f32 v54, v1;
	[tilespmem:s19+$0x80] =	vst v59  }
0x2b2: {  	v62 =	vmul.f32 v58, v2;
	[tilespmem:s19+$0x90] =	vst v7  }
0x2b3: {  	[tilespmem:s19+$0x60] =	vst v1;
	v1 =	vmul.f32 v57, v2  }
0x2b4: {  	s16 =	sadd.s32 $0x1, s16;
	v63 =	vmul.f32 v11, v2;
	[tilespmem:s19+$0xB0] =	vst v62  }
0x2b5: {  	p0 =	sne.s32 s16, $0x3E;
	[tilespmem:s19+$0xA0] =	vst v1;
	v1 =	vmul.f32 v3, v2  }
.Ltmp7:
0x2b6: {  	[tilespmem:s19+$0xC0] =	vst v63;
	v3 =	vmul.f32 v60, v2;
	(pc) =	sbr.rel @p0 .LBB2_8-.Ltmp7, $4  }
0x2b7: {  	v2 =	vmul.f32 v61, v2;
	[tilespmem:s19+$0xD0] =	vst v1  }
0x2b8: {  	[tilespmem:s19+$0xE0] =	vst v3  }
0x2b9: {  	s25 =	sadd.s32 $0x15F90, s18;
	s15 =	sadd.s32 $0xA0, s15;
	[tilespmem:s19+$0xF0] =	vst v2  }
0x2ba: {  	[spmem:s3] =	stream.indirect.scatter.add.f32 [tilespmem:s6], [sflag:$0x6], $0x80, s25, s5, $0xb8;
	[tilespmem:$0x1FDB0] =	vst v63  }
0x2bb: {  	_ =	swait.ge [sflag:s0], $0x1400  }
0x2bc: {  	[sflag:s0] =	ssyncset.done $0x0  }
0x2bd: {  	[sflag:s0] =	ssyncadd.s32 $0xFFFFEC00  }
0x2be: {  	_ =	swait.ge [sflag:s2], $0x1400  }
0x2bf: {  	[sflag:s2] =	ssyncset.done $0x0  }
0x2c0: {  	s15 =	stileid.u32;
	[sflag:s2] =	ssyncadd.s32 $0xFFFFEC00  }
0x2c1: {  	s15 =	sshll.u32 s15, $0x6;
	[bflag:$0x0] =	sbarrier.arrive $0xFFFF  }
0x2c2: {  	s16 =	sshrl.u32 s8, $0x3;
	s15 =	sor.u32 $0x1C09, s15;
	s17 =	rddreg [dreg:$0x17]  }
0x2c3: {  	[hbm:s17], [sflag:s15] =	dma.local [spmem:s16], $0x2710  }
0x2c4: {  	_ =	swait.ge [sflag:s28], $0x2710  }
0x2c5: {  	s14 =	sadd.s32 $0x1, s14;
	s25 =	rddreg [dreg:$0x18]  }
0x2c6: {  	p0 =	sne.s32 s14, s25  }
.Ltmp8:
0x2c7: {  	_ = 	snop;
	(pc) =	sbr.rel @p0 .LBB2_1-.Ltmp8, $3  }
0x2c8: {  	_ =	sdelay $0x1  }
0x2c9: {  	[sflag:s28] =	ssyncset.done $0x0  }
0x2ca: {  	s20 =	simm.s32 $0x15F90;
	s17 =	simm.s32 $0x13880;
	[sflag:s28] =	ssyncadd.s32 $0xFFFFD8F0  }
0x2cb: {  	_ =	sfence.sel $0x180000  }
0x2cc: {  	[bflag:$0x0] =	sbarrier.arrive $0xFFFF  }
0x2cd: {  	_ =	strace $0x9000004A  }
0x2ce: {  	s0 =	stileid.u32;
	[bflag:$0x2] =	sbarrier.arrive $0xFFFF  }
0x2cf: {  	p0 =	sne.s32 s0, $0x0;
	s0 =	rddreg [dreg:$0x4]  }
0x2d0: {  	s0 =	sadd.s32 @!p0 $0x100000, s0  }
0x2d1: {  	[sflag:s0] =	ssyncadd.tile.s32 @!p0 $0x1;
	_ =	shalt  }
.Lfunc_end2:
_tile_overlayer_lowered:
.L_overlay_start_2:
0x2d2: {  	(tag) =	ssettag $0x2  }
0x2d3: {  	s0 =	rddreg [dreg:$0x0];
	s2 =	stileid.u32  }
0x2d4: {  	s1 =	rddreg [dreg:$0x1];
	p0 =	sne.s32 s2, $0x0  }
0x2d5: {  	s3 =	rddreg [dreg:$0x2];
	[bflag:$0x3] =	sbarrier.arrive $0xFFFF;
	s2 =	simm.s32 @!p0 $0x1C09  }
0x2d6: {  	[timem:s3], [sflag:s2] =	dma.local @!p0 [hbm:s0], s1  }
0x2d7: {  	s0 =	simm.s32 @!p0 $0x9  }
0x2d8: {  	_ =	swait.ge @!p0 [sflag:s0], s1  }
0x2d9: {  	s1 =	ssub.s32 @!p0 $0x0, s1;
	[sflag:s0] =	ssyncset.done @!p0 $0x0  }
0x2da: {  	[sflag:s0] =	ssyncadd.s32 @!p0 s1  }
0x2db: {  	[bflag:$0x3] =	sbarrier.arrive $0xFFFF  }
0x2dc: {  	_ =	shalt  }

</sc_bundles>
